<compile_context>
chip_gen: v7x
topology: tpu7x:2x2x1
jax: 0.10.2.dev20260603
libtpu: 0.0.44.dev20260713+nightly
codegen_flags: <defaults>
</compile_context>

<pallas_src>
import jax
import jax.numpy as jnp
from jax import lax
from jax.experimental import pallas as pl
from jax.experimental.pallas import tpu as pltpu
from jax.experimental.pallas import tpu_sc as plsc

_BATCH = 16384
_K = 32
_NC = 2
_NS = 16
_NW = _NC * _NS
_BPW = _BATCH // _NW
_CHUNK = 128
_NCHUNK = _BPW // _CHUNK
_LANES = 16


def _mf_body(user_hbm, movie_hbm, wg_hbm, ug_hbm, b_hbm, c_hbm, out_hbm,
             idx_u, idx_m, gid_u, gid_m, w_v, u_v, b_v, c_v, out_v, sem):
    wid = lax.axis_index("s") * _NC + lax.axis_index("c")
    base = wid * _BPW

    for j in range(_NCHUNK):
        pltpu.sync_copy(user_hbm.at[pl.ds(base + j * _CHUNK, _CHUNK)],
                        idx_u.at[j])
        pltpu.sync_copy(movie_hbm.at[pl.ds(base + j * _CHUNK, _CHUNK)],
                        idx_m.at[j])

    for j in range(_NCHUNK):
        for g in range(_CHUNK // _LANES):
            s = pl.ds(g * _LANES, _LANES)
            gid_u[j, s] = jnp.right_shift(idx_u[j, s], 3)
            gid_m[j, s] = jnp.right_shift(idx_m[j, s], 3)

    bias = []
    for j in range(_NCHUNK):
        bias.append(pltpu.async_copy(b_hbm.at[idx_u.at[j]], b_v.at[j], sem))
        bias.append(pltpu.async_copy(c_hbm.at[idx_m.at[j]], c_v.at[j], sem))
    for c in bias:
        c.wait()

    iota = lax.iota(jnp.int32, _LANES)

    for p in range(_NCHUNK):
        rw = pltpu.async_copy(wg_hbm.at[gid_u.at[p]], w_v, sem)
        ru = pltpu.async_copy(ug_hbm.at[gid_m.at[p]], u_v, sem)
        rw.wait()
        ru.wait()

        def group_body(g, _, p=p):
            e = p * _CHUNK + g * _LANES
            rows = g * _LANES + iota
            pv = jnp.full((_LANES,), p, jnp.int32)
            iu = plsc.load_gather(idx_u, [pv, rows])
            im = plsc.load_gather(idx_m, [pv, rows])
            offu = jnp.bitwise_and(iu, 7) * _K
            offm = jnp.bitwise_and(im, 7) * _K
            acc = (plsc.load_gather(b_v, [pv, rows])
                   + plsc.load_gather(c_v, [pv, rows]))
            for k in range(_K):
                wv = plsc.load_gather(w_v, [rows, offu + k])
                uv = plsc.load_gather(u_v, [rows, offm + k])
                acc = acc + wv * uv
            out_v[pl.ds(e, _LANES)] = acc
            return 0

        lax.fori_loop(0, _CHUNK // _LANES, group_body, 0)

    pltpu.sync_copy(out_v, out_hbm.at[pl.ds(base, _BPW)])


_mf_call = pl.kernel(
    _mf_body,
    out_type=jax.ShapeDtypeStruct((_BATCH,), jnp.float32),
    mesh=plsc.VectorSubcoreMesh(core_axis_name="c", subcore_axis_name="s"),
    compiler_params=pltpu.CompilerParams(needs_layout_passes=False),
    scratch_types=[
        pltpu.VMEM((_NCHUNK, _CHUNK), jnp.int32),
        pltpu.VMEM((_NCHUNK, _CHUNK), jnp.int32),
        pltpu.VMEM((_NCHUNK, _CHUNK), jnp.int32),
        pltpu.VMEM((_NCHUNK, _CHUNK), jnp.int32),
        pltpu.VMEM((_CHUNK, 8 * _K), jnp.float32),
        pltpu.VMEM((_CHUNK, 8 * _K), jnp.float32),
        pltpu.VMEM((_NCHUNK, _CHUNK), jnp.float32),
        pltpu.VMEM((_NCHUNK, _CHUNK), jnp.float32),
        pltpu.VMEM((_BPW,), jnp.float32),
        pltpu.SemaphoreType.DMA,
    ],
)


@jax.jit
def kernel(user, movie, W, U, B, C):
    return _mf_call(user.astype(jnp.int32), movie.astype(jnp.int32),
                    W.reshape(125000, 256), U.reshape(12500, 256),
                    B.reshape(-1), C.reshape(-1))

# --- scband reference (transcript-rebuilt; emitter-appended) ---
"""Pipeline reference for scband-matrix-factorization-34626026340924 (READ-ONLY COPY).

The authoritative reference and input builder live on the scoring server;
editing this copy changes nothing except your own understanding.
"""

import jax, jax.numpy as jnp
import numpy as np

N_USERS = 1000000
N_MOVIES = 100000
K = 32
BATCH = 16384

def setup_inputs(seed: int = 0) -> dict:
    key = jax.random.key(seed)
    k_user, k_movie, k_w, k_u, k_b, k_c = jax.random.split(key, 6)
    user = jax.random.randint(k_user, (BATCH,), 0, N_USERS, dtype=jnp.int64 if jax.config.jax_enable_x64 else jnp.int32)
    movie = jax.random.randint(k_movie, (BATCH,), 0, N_MOVIES, dtype=jnp.int64 if jax.config.jax_enable_x64 else jnp.int32)
    W = jax.random.normal(k_w, (N_USERS, K), dtype=jnp.float32)
    U = jax.random.normal(k_u, (N_MOVIES, K), dtype=jnp.float32)
    B = jax.random.normal(k_b, (N_USERS, 1), dtype=jnp.float32)
    C = jax.random.normal(k_c, (N_MOVIES, 1), dtype=jnp.float32)
    return {"user": user, "movie": movie, "W": W, "U": U, "B": B, "C": C}

def reference(user, movie, W, U, B, C):
    # pred = b(user) + c(movie)
    pred = jnp.take(B, user, axis=0) + jnp.take(C, movie, axis=0)  # [B, 1]
    # pred += (w(user) * u(movie)).sum(dim=1, keepdim=True)
    wu = jnp.take(W, user, axis=0)   # [B, K]
    um = jnp.take(U, movie, axis=0)  # [B, K]
    pred = pred + jnp.sum(wu * um, axis=1, keepdims=True)  # [B, 1]
    return jnp.squeeze(pred)  # [B]

if __name__ == "__main__":
    import jax
    _d = setup_inputs()
    print(jax.jit(kernel)(*tuple(_d.values())))

</pallas_src>

<mosaic_0001>
#map = affine_map<(d0, d1) -> (0)>
#map1 = affine_map<(d0, d1) -> (0, 0)>
module attributes {stable_mosaic.version = 14 : i64} {
  func.func @_mf_body(%arg0: i32, %arg1: i32, %arg2: memref<16384xi32, #tpu.memory_space<hbm>>, %arg3: memref<16384xi32, #tpu.memory_space<hbm>>, %arg4: memref<125000x256xf32, #tpu.memory_space<hbm>>, %arg5: memref<12500x256xf32, #tpu.memory_space<hbm>>, %arg6: memref<1000000xf32, #tpu.memory_space<hbm>>, %arg7: memref<100000xf32, #tpu.memory_space<hbm>>, %arg8: memref<16384xf32, #tpu.memory_space<hbm>>, %arg9: memref<4x128xi32, #tpu.memory_space<vmem>>, %arg10: memref<4x128xi32, #tpu.memory_space<vmem>>, %arg11: memref<4x128xi32, #tpu.memory_space<vmem>>, %arg12: memref<4x128xi32, #tpu.memory_space<vmem>>, %arg13: memref<128x256xf32, #tpu.memory_space<vmem>>, %arg14: memref<128x256xf32, #tpu.memory_space<vmem>>, %arg15: memref<4x128xf32, #tpu.memory_space<vmem>>, %arg16: memref<4x128xf32, #tpu.memory_space<vmem>>, %arg17: memref<512xf32, #tpu.memory_space<vmem>>, %arg18: memref<!tpu.dma_semaphore, #tpu.memory_space<semaphore_mem>>) attributes {dimension_semantics = [#tpu.dimension_semantics<core_parallel>, #tpu.dimension_semantics<subcore_parallel>], iteration_bounds = array<i64: 2, 16>, scalar_prefetch = 0 : i64, scratch_operands = 10 : i64, tpu.core_type = #tpu.core_type<sc_vector_subcore>, window_params = [{transform_indices = #map}, {transform_indices = #map}, {transform_indices = #map1}, {transform_indices = #map1}, {transform_indices = #map}, {transform_indices = #map}, {transform_indices = #map}]} {
    %mul3A = arith.constant 2 : i32
    %mul3A_0 = arith.muli %arg1, %mul3A : i32
    %add3A = arith.addi %mul3A_0, %arg0 : i32
    %mul3A_1 = arith.constant 512 : i32
    %mul3A_2 = arith.muli %add3A, %mul3A_1 : i32
    %add3A_3 = arith.constant 0 : i32
    %add3A_4 = arith.addi %mul3A_2, %add3A_3 : i32
    %run_scoped3A = arith.constant 0 : i32
    "tpu.region"() ({
      %run_scoped3A_1024 = tpu.sem_alloc : memref<!tpu.dma_semaphore, #tpu.memory_space<semaphore_mem>>
      %dma_start3A_1025 = arith.constant 0 : i32
      %dma_start3A_1026 = tpu.memref_slice %arg9[%run_scoped3A, %dma_start3A_1025] : memref<4x128xi32, #tpu.memory_space<vmem>> -> memref<1x128xi32, #tpu.memory_space<vmem>>
      %dma_start3A_1027 = tpu.memref_squeeze %dma_start3A_1026 : memref<1x128xi32, #tpu.memory_space<vmem>> -> memref<128xi32, #tpu.memory_space<vmem>>
      %dma_start3A_1028 = tpu.memref_slice %arg2[%add3A_4] : memref<16384xi32, #tpu.memory_space<hbm>> -> memref<128xi32, #tpu.memory_space<hbm>>
      %dma_start3A_1029 = arith.constant 0 : i32
      %dma_start3A_1030 = tpu.memref_slice %arg9[%run_scoped3A, %dma_start3A_1029] : memref<4x128xi32, #tpu.memory_space<vmem>> -> memref<1x128xi32, #tpu.memory_space<vmem>>
      %dma_start3A_1031 = tpu.memref_squeeze %dma_start3A_1030 : memref<1x128xi32, #tpu.memory_space<vmem>> -> memref<128xi32, #tpu.memory_space<vmem>>
      %dma_start3A_1032 = tpu.memref_slice %arg2[%add3A_4] : memref<16384xi32, #tpu.memory_space<hbm>> -> memref<128xi32, #tpu.memory_space<hbm>>
      tpu.enqueue_dma source(%dma_start3A_1032 : memref<128xi32, #tpu.memory_space<hbm>>) target(%dma_start3A_1031 : memref<128xi32, #tpu.memory_space<vmem>>) target_semaphore(%run_scoped3A_1024 : memref<!tpu.dma_semaphore, #tpu.memory_space<semaphore_mem>>)
      %dma_wait3A_1033 = arith.constant 0 : i32
      %dma_wait3A_1034 = tpu.memref_slice %arg9[%run_scoped3A, %dma_wait3A_1033] : memref<4x128xi32, #tpu.memory_space<vmem>> -> memref<1x128xi32, #tpu.memory_space<vmem>>
      %dma_wait3A_1035 = tpu.memref_squeeze %dma_wait3A_1034 : memref<1x128xi32, #tpu.memory_space<vmem>> -> memref<128xi32, #tpu.memory_space<vmem>>
      %dma_wait3A_1036 = tpu.memref_slice %arg2[%add3A_4] : memref<16384xi32, #tpu.memory_space<hbm>> -> memref<128xi32, #tpu.memory_space<hbm>>
      %dma_wait3A_1037 = arith.constant 0 : i32
      %dma_wait3A_1038 = tpu.memref_slice %arg9[%run_scoped3A, %dma_wait3A_1037] : memref<4x128xi32, #tpu.memory_space<vmem>> -> memref<1x128xi32, #tpu.memory_space<vmem>>
      %dma_wait3A_1039 = tpu.memref_squeeze %dma_wait3A_1038 : memref<1x128xi32, #tpu.memory_space<vmem>> -> memref<128xi32, #tpu.memory_space<vmem>>
      %dma_wait3A_1040 = tpu.memref_slice %arg2[%add3A_4] : memref<16384xi32, #tpu.memory_space<hbm>> -> memref<128xi32, #tpu.memory_space<hbm>>
      tpu.wait_dma2 semaphore(%run_scoped3A_1024 : memref<!tpu.dma_semaphore, #tpu.memory_space<semaphore_mem>>) src(%dma_wait3A_1040 : memref<128xi32, #tpu.memory_space<hbm>>) dst(%dma_wait3A_1039 : memref<128xi32, #tpu.memory_space<vmem>>)
      tpu.yield
    }) : () -> ()
    %add3A_5 = arith.constant 0 : i32
    %add3A_6 = arith.addi %mul3A_2, %add3A_5 : i32
    %run_scoped3A_7 = arith.constant 0 : i32
    "tpu.region"() ({
      %run_scoped3A_1024 = tpu.sem_alloc : memref<!tpu.dma_semaphore, #tpu.memory_space<semaphore_mem>>
      %dma_start3A_1025 = arith.constant 0 : i32
      %dma_start3A_1026 = tpu.memref_slice %arg10[%run_scoped3A_7, %dma_start3A_1025] : memref<4x128xi32, #tpu.memory_space<vmem>> -> memref<1x128xi32, #tpu.memory_space<vmem>>
      %dma_start3A_1027 = tpu.memref_squeeze %dma_start3A_1026 : memref<1x128xi32, #tpu.memory_space<vmem>> -> memref<128xi32, #tpu.memory_space<vmem>>
      %dma_start3A_1028 = tpu.memref_slice %arg3[%add3A_6] : memref<16384xi32, #tpu.memory_space<hbm>> -> memref<128xi32, #tpu.memory_space<hbm>>
      %dma_start3A_1029 = arith.constant 0 : i32
      %dma_start3A_1030 = tpu.memref_slice %arg10[%run_scoped3A_7, %dma_start3A_1029] : memref<4x128xi32, #tpu.memory_space<vmem>> -> memref<1x128xi32, #tpu.memory_space<vmem>>
      %dma_start3A_1031 = tpu.memref_squeeze %dma_start3A_1030 : memref<1x128xi32, #tpu.memory_space<vmem>> -> memref<128xi32, #tpu.memory_space<vmem>>
      %dma_start3A_1032 = tpu.memref_slice %arg3[%add3A_6] : memref<16384xi32, #tpu.memory_space<hbm>> -> memref<128xi32, #tpu.memory_space<hbm>>
      tpu.enqueue_dma source(%dma_start3A_1032 : memref<128xi32, #tpu.memory_space<hbm>>) target(%dma_start3A_1031 : memref<128xi32, #tpu.memory_space<vmem>>) target_semaphore(%run_scoped3A_1024 : memref<!tpu.dma_semaphore, #tpu.memory_space<semaphore_mem>>)
      %dma_wait3A_1033 = arith.constant 0 : i32
      %dma_wait3A_1034 = tpu.memref_slice %arg10[%run_scoped3A_7, %dma_wait3A_1033] : memref<4x128xi32, #tpu.memory_space<vmem>> -> memref<1x128xi32, #tpu.memory_space<vmem>>
      %dma_wait3A_1035 = tpu.memref_squeeze %dma_wait3A_1034 : memref<1x128xi32, #tpu.memory_space<vmem>> -> memref<128xi32, #tpu.memory_space<vmem>>
      %dma_wait3A_1036 = tpu.memref_slice %arg3[%add3A_6] : memref<16384xi32, #tpu.memory_space<hbm>> -> memref<128xi32, #tpu.memory_space<hbm>>
      %dma_wait3A_1037 = arith.constant 0 : i32
      %dma_wait3A_1038 = tpu.memref_slice %arg10[%run_scoped3A_7, %dma_wait3A_1037] : memref<4x128xi32, #tpu.memory_space<vmem>> -> memref<1x128xi32, #tpu.memory_space<vmem>>
      %dma_wait3A_1039 = tpu.memref_squeeze %dma_wait3A_1038 : memref<1x128xi32, #tpu.memory_space<vmem>> -> memref<128xi32, #tpu.memory_space<vmem>>
      %dma_wait3A_1040 = tpu.memref_slice %arg3[%add3A_6] : memref<16384xi32, #tpu.memory_space<hbm>> -> memref<128xi32, #tpu.memory_space<hbm>>
      tpu.wait_dma2 semaphore(%run_scoped3A_1024 : memref<!tpu.dma_semaphore, #tpu.memory_space<semaphore_mem>>) src(%dma_wait3A_1040 : memref<128xi32, #tpu.memory_space<hbm>>) dst(%dma_wait3A_1039 : memref<128xi32, #tpu.memory_space<vmem>>)
      tpu.yield
    }) : () -> ()
    %add3A_8 = arith.constant 128 : i32
    %add3A_9 = arith.addi %mul3A_2, %add3A_8 : i32
    %run_scoped3A_10 = arith.constant 1 : i32
    "tpu.region"() ({
      %run_scoped3A_1024 = tpu.sem_alloc : memref<!tpu.dma_semaphore, #tpu.memory_space<semaphore_mem>>
      %dma_start3A_1025 = arith.constant 0 : i32
      %dma_start3A_1026 = tpu.memref_slice %arg9[%run_scoped3A_10, %dma_start3A_1025] : memref<4x128xi32, #tpu.memory_space<vmem>> -> memref<1x128xi32, #tpu.memory_space<vmem>>
      %dma_start3A_1027 = tpu.memref_squeeze %dma_start3A_1026 : memref<1x128xi32, #tpu.memory_space<vmem>> -> memref<128xi32, #tpu.memory_space<vmem>>
      %dma_start3A_1028 = tpu.memref_slice %arg2[%add3A_9] : memref<16384xi32, #tpu.memory_space<hbm>> -> memref<128xi32, #tpu.memory_space<hbm>>
      %dma_start3A_1029 = arith.constant 0 : i32
      %dma_start3A_1030 = tpu.memref_slice %arg9[%run_scoped3A_10, %dma_start3A_1029] : memref<4x128xi32, #tpu.memory_space<vmem>> -> memref<1x128xi32, #tpu.memory_space<vmem>>
      %dma_start3A_1031 = tpu.memref_squeeze %dma_start3A_1030 : memref<1x128xi32, #tpu.memory_space<vmem>> -> memref<128xi32, #tpu.memory_space<vmem>>
      %dma_start3A_1032 = tpu.memref_slice %arg2[%add3A_9] : memref<16384xi32, #tpu.memory_space<hbm>> -> memref<128xi32, #tpu.memory_space<hbm>>
      tpu.enqueue_dma source(%dma_start3A_1032 : memref<128xi32, #tpu.memory_space<hbm>>) target(%dma_start3A_1031 : memref<128xi32, #tpu.memory_space<vmem>>) target_semaphore(%run_scoped3A_1024 : memref<!tpu.dma_semaphore, #tpu.memory_space<semaphore_mem>>)
      %dma_wait3A_1033 = arith.constant 0 : i32
      %dma_wait3A_1034 = tpu.memref_slice %arg9[%run_scoped3A_10, %dma_wait3A_1033] : memref<4x128xi32, #tpu.memory_space<vmem>> -> memref<1x128xi32, #tpu.memory_space<vmem>>
      %dma_wait3A_1035 = tpu.memref_squeeze %dma_wait3A_1034 : memref<1x128xi32, #tpu.memory_space<vmem>> -> memref<128xi32, #tpu.memory_space<vmem>>
      %dma_wait3A_1036 = tpu.memref_slice %arg2[%add3A_9] : memref<16384xi32, #tpu.memory_space<hbm>> -> memref<128xi32, #tpu.memory_space<hbm>>
      %dma_wait3A_1037 = arith.constant 0 : i32
      %dma_wait3A_1038 = tpu.memref_slice %arg9[%run_scoped3A_10, %dma_wait3A_1037] : memref<4x128xi32, #tpu.memory_space<vmem>> -> memref<1x128xi32, #tpu.memory_space<vmem>>
      %dma_wait3A_1039 = tpu.memref_squeeze %dma_wait3A_1038 : memref<1x128xi32, #tpu.memory_space<vmem>> -> memref<128xi32, #tpu.memory_space<vmem>>
      %dma_wait3A_1040 = tpu.memref_slice %arg2[%add3A_9] : memref<16384xi32, #tpu.memory_space<hbm>> -> memref<128xi32, #tpu.memory_space<hbm>>
      tpu.wait_dma2 semaphore(%run_scoped3A_1024 : memref<!tpu.dma_semaphore, #tpu.memory_space<semaphore_mem>>) src(%dma_wait3A_1040 : memref<128xi32, #tpu.memory_space<hbm>>) dst(%dma_wait3A_1039 : memref<128xi32, #tpu.memory_space<vmem>>)
      tpu.yield
    }) : () -> ()
    %add3A_11 = arith.constant 128 : i32
    %add3A_12 = arith.addi %mul3A_2, %add3A_11 : i32
    %run_scoped3A_13 = arith.constant 1 : i32
    "tpu.region"() ({
      %run_scoped3A_1024 = tpu.sem_alloc : memref<!tpu.dma_semaphore, #tpu.memory_space<semaphore_mem>>
      %dma_start3A_1025 = arith.constant 0 : i32
      %dma_start3A_1026 = tpu.memref_slice %arg10[%run_scoped3A_13, %dma_start3A_1025] : memref<4x128xi32, #tpu.memory_space<vmem>> -> memref<1x128xi32, #tpu.memory_space<vmem>>
      %dma_start3A_1027 = tpu.memref_squeeze %dma_start3A_1026 : memref<1x128xi32, #tpu.memory_space<vmem>> -> memref<128xi32, #tpu.memory_space<vmem>>
      %dma_start3A_1028 = tpu.memref_slice %arg3[%add3A_12] : memref<16384xi32, #tpu.memory_space<hbm>> -> memref<128xi32, #tpu.memory_space<hbm>>
      %dma_start3A_1029 = arith.constant 0 : i32
      %dma_start3A_1030 = tpu.memref_slice %arg10[%run_scoped3A_13, %dma_start3A_1029] : memref<4x128xi32, #tpu.memory_space<vmem>> -> memref<1x128xi32, #tpu.memory_space<vmem>>
      %dma_start3A_1031 = tpu.memref_squeeze %dma_start3A_1030 : memref<1x128xi32, #tpu.memory_space<vmem>> -> memref<128xi32, #tpu.memory_space<vmem>>
      %dma_start3A_1032 = tpu.memref_slice %arg3[%add3A_12] : memref<16384xi32, #tpu.memory_space<hbm>> -> memref<128xi32, #tpu.memory_space<hbm>>
      tpu.enqueue_dma source(%dma_start3A_1032 : memref<128xi32, #tpu.memory_space<hbm>>) target(%dma_start3A_1031 : memref<128xi32, #tpu.memory_space<vmem>>) target_semaphore(%run_scoped3A_1024 : memref<!tpu.dma_semaphore, #tpu.memory_space<semaphore_mem>>)
      %dma_wait3A_1033 = arith.constant 0 : i32
      %dma_wait3A_1034 = tpu.memref_slice %arg10[%run_scoped3A_13, %dma_wait3A_1033] : memref<4x128xi32, #tpu.memory_space<vmem>> -> memref<1x128xi32, #tpu.memory_space<vmem>>
      %dma_wait3A_1035 = tpu.memref_squeeze %dma_wait3A_1034 : memref<1x128xi32, #tpu.memory_space<vmem>> -> memref<128xi32, #tpu.memory_space<vmem>>
      %dma_wait3A_1036 = tpu.memref_slice %arg3[%add3A_12] : memref<16384xi32, #tpu.memory_space<hbm>> -> memref<128xi32, #tpu.memory_space<hbm>>
      %dma_wait3A_1037 = arith.constant 0 : i32
      %dma_wait3A_1038 = tpu.memref_slice %arg10[%run_scoped3A_13, %dma_wait3A_1037] : memref<4x128xi32, #tpu.memory_space<vmem>> -> memref<1x128xi32, #tpu.memory_space<vmem>>
      %dma_wait3A_1039 = tpu.memref_squeeze %dma_wait3A_1038 : memref<1x128xi32, #tpu.memory_space<vmem>> -> memref<128xi32, #tpu.memory_space<vmem>>
      %dma_wait3A_1040 = tpu.memref_slice %arg3[%add3A_12] : memref<16384xi32, #tpu.memory_space<hbm>> -> memref<128xi32, #tpu.memory_space<hbm>>
      tpu.wait_dma2 semaphore(%run_scoped3A_1024 : memref<!tpu.dma_semaphore, #tpu.memory_space<semaphore_mem>>) src(%dma_wait3A_1040 : memref<128xi32, #tpu.memory_space<hbm>>) dst(%dma_wait3A_1039 : memref<128xi32, #tpu.memory_space<vmem>>)
      tpu.yield
    }) : () -> ()
    %add3A_14 = arith.constant 256 : i32
    %add3A_15 = arith.addi %mul3A_2, %add3A_14 : i32
    %run_scoped3A_16 = arith.constant 2 : i32
    "tpu.region"() ({
      %run_scoped3A_1024 = tpu.sem_alloc : memref<!tpu.dma_semaphore, #tpu.memory_space<semaphore_mem>>
      %dma_start3A_1025 = arith.constant 0 : i32
      %dma_start3A_1026 = tpu.memref_slice %arg9[%run_scoped3A_16, %dma_start3A_1025] : memref<4x128xi32, #tpu.memory_space<vmem>> -> memref<1x128xi32, #tpu.memory_space<vmem>>
      %dma_start3A_1027 = tpu.memref_squeeze %dma_start3A_1026 : memref<1x128xi32, #tpu.memory_space<vmem>> -> memref<128xi32, #tpu.memory_space<vmem>>
      %dma_start3A_1028 = tpu.memref_slice %arg2[%add3A_15] : memref<16384xi32, #tpu.memory_space<hbm>> -> memref<128xi32, #tpu.memory_space<hbm>>
      %dma_start3A_1029 = arith.constant 0 : i32
      %dma_start3A_1030 = tpu.memref_slice %arg9[%run_scoped3A_16, %dma_start3A_1029] : memref<4x128xi32, #tpu.memory_space<vmem>> -> memref<1x128xi32, #tpu.memory_space<vmem>>
      %dma_start3A_1031 = tpu.memref_squeeze %dma_start3A_1030 : memref<1x128xi32, #tpu.memory_space<vmem>> -> memref<128xi32, #tpu.memory_space<vmem>>
      %dma_start3A_1032 = tpu.memref_slice %arg2[%add3A_15] : memref<16384xi32, #tpu.memory_space<hbm>> -> memref<128xi32, #tpu.memory_space<hbm>>
      tpu.enqueue_dma source(%dma_start3A_1032 : memref<128xi32, #tpu.memory_space<hbm>>) target(%dma_start3A_1031 : memref<128xi32, #tpu.memory_space<vmem>>) target_semaphore(%run_scoped3A_1024 : memref<!tpu.dma_semaphore, #tpu.memory_space<semaphore_mem>>)
      %dma_wait3A_1033 = arith.constant 0 : i32
      %dma_wait3A_1034 = tpu.memref_slice %arg9[%run_scoped3A_16, %dma_wait3A_1033] : memref<4x128xi32, #tpu.memory_space<vmem>> -> memref<1x128xi32, #tpu.memory_space<vmem>>
      %dma_wait3A_1035 = tpu.memref_squeeze %dma_wait3A_1034 : memref<1x128xi32, #tpu.memory_space<vmem>> -> memref<128xi32, #tpu.memory_space<vmem>>
      %dma_wait3A_1036 = tpu.memref_slice %arg2[%add3A_15] : memref<16384xi32, #tpu.memory_space<hbm>> -> memref<128xi32, #tpu.memory_space<hbm>>
      %dma_wait3A_1037 = arith.constant 0 : i32
      %dma_wait3A_1038 = tpu.memref_slice %arg9[%run_scoped3A_16, %dma_wait3A_1037] : memref<4x128xi32, #tpu.memory_space<vmem>> -> memref<1x128xi32, #tpu.memory_space<vmem>>
      %dma_wait3A_1039 = tpu.memref_squeeze %dma_wait3A_1038 : memref<1x128xi32, #tpu.memory_space<vmem>> -> memref<128xi32, #tpu.memory_space<vmem>>
      %dma_wait3A_1040 = tpu.memref_slice %arg2[%add3A_15] : memref<16384xi32, #tpu.memory_space<hbm>> -> memref<128xi32, #tpu.memory_space<hbm>>
      tpu.wait_dma2 semaphore(%run_scoped3A_1024 : memref<!tpu.dma_semaphore, #tpu.memory_space<semaphore_mem>>) src(%dma_wait3A_1040 : memref<128xi32, #tpu.memory_space<hbm>>) dst(%dma_wait3A_1039 : memref<128xi32, #tpu.memory_space<vmem>>)
      tpu.yield
    }) : () -> ()
    %add3A_17 = arith.constant 256 : i32
    %add3A_18 = arith.addi %mul3A_2, %add3A_17 : i32
    %run_scoped3A_19 = arith.constant 2 : i32
    "tpu.region"() ({
      %run_scoped3A_1024 = tpu.sem_alloc : memref<!tpu.dma_semaphore, #tpu.memory_space<semaphore_mem>>
      %dma_start3A_1025 = arith.constant 0 : i32
      %dma_start3A_1026 = tpu.memref_slice %arg10[%run_scoped3A_19, %dma_start3A_1025] : memref<4x128xi32, #tpu.memory_space<vmem>> -> memref<1x128xi32, #tpu.memory_space<vmem>>
      %dma_start3A_1027 = tpu.memref_squeeze %dma_start3A_1026 : memref<1x128xi32, #tpu.memory_space<vmem>> -> memref<128xi32, #tpu.memory_space<vmem>>
      %dma_start3A_1028 = tpu.memref_slice %arg3[%add3A_18] : memref<16384xi32, #tpu.memory_space<hbm>> -> memref<128xi32, #tpu.memory_space<hbm>>
      %dma_start3A_1029 = arith.constant 0 : i32
      %dma_start3A_1030 = tpu.memref_slice %arg10[%run_scoped3A_19, %dma_start3A_1029] : memref<4x128xi32, #tpu.memory_space<vmem>> -> memref<1x128xi32, #tpu.memory_space<vmem>>
      %dma_start3A_1031 = tpu.memref_squeeze %dma_start3A_1030 : memref<1x128xi32, #tpu.memory_space<vmem>> -> memref<128xi32, #tpu.memory_space<vmem>>
      %dma_start3A_1032 = tpu.memref_slice %arg3[%add3A_18] : memref<16384xi32, #tpu.memory_space<hbm>> -> memref<128xi32, #tpu.memory_space<hbm>>
      tpu.enqueue_dma source(%dma_start3A_1032 : memref<128xi32, #tpu.memory_space<hbm>>) target(%dma_start3A_1031 : memref<128xi32, #tpu.memory_space<vmem>>) target_semaphore(%run_scoped3A_1024 : memref<!tpu.dma_semaphore, #tpu.memory_space<semaphore_mem>>)
      %dma_wait3A_1033 = arith.constant 0 : i32
      %dma_wait3A_1034 = tpu.memref_slice %arg10[%run_scoped3A_19, %dma_wait3A_1033] : memref<4x128xi32, #tpu.memory_space<vmem>> -> memref<1x128xi32, #tpu.memory_space<vmem>>
      %dma_wait3A_1035 = tpu.memref_squeeze %dma_wait3A_1034 : memref<1x128xi32, #tpu.memory_space<vmem>> -> memref<128xi32, #tpu.memory_space<vmem>>
      %dma_wait3A_1036 = tpu.memref_slice %arg3[%add3A_18] : memref<16384xi32, #tpu.memory_space<hbm>> -> memref<128xi32, #tpu.memory_space<hbm>>
      %dma_wait3A_1037 = arith.constant 0 : i32
      %dma_wait3A_1038 = tpu.memref_slice %arg10[%run_scoped3A_19, %dma_wait3A_1037] : memref<4x128xi32, #tpu.memory_space<vmem>> -> memref<1x128xi32, #tpu.memory_space<vmem>>
      %dma_wait3A_1039 = tpu.memref_squeeze %dma_wait3A_1038 : memref<1x128xi32, #tpu.memory_space<vmem>> -> memref<128xi32, #tpu.memory_space<vmem>>
      %dma_wait3A_1040 = tpu.memref_slice %arg3[%add3A_18] : memref<16384xi32, #tpu.memory_space<hbm>> -> memref<128xi32, #tpu.memory_space<hbm>>
      tpu.wait_dma2 semaphore(%run_scoped3A_1024 : memref<!tpu.dma_semaphore, #tpu.memory_space<semaphore_mem>>) src(%dma_wait3A_1040 : memref<128xi32, #tpu.memory_space<hbm>>) dst(%dma_wait3A_1039 : memref<128xi32, #tpu.memory_space<vmem>>)
      tpu.yield
    }) : () -> ()
    %add3A_20 = arith.constant 384 : i32
    %add3A_21 = arith.addi %mul3A_2, %add3A_20 : i32
    %run_scoped3A_22 = arith.constant 3 : i32
    "tpu.region"() ({
      %run_scoped3A_1024 = tpu.sem_alloc : memref<!tpu.dma_semaphore, #tpu.memory_space<semaphore_mem>>
      %dma_start3A_1025 = arith.constant 0 : i32
      %dma_start3A_1026 = tpu.memref_slice %arg9[%run_scoped3A_22, %dma_start3A_1025] : memref<4x128xi32, #tpu.memory_space<vmem>> -> memref<1x128xi32, #tpu.memory_space<vmem>>
      %dma_start3A_1027 = tpu.memref_squeeze %dma_start3A_1026 : memref<1x128xi32, #tpu.memory_space<vmem>> -> memref<128xi32, #tpu.memory_space<vmem>>
      %dma_start3A_1028 = tpu.memref_slice %arg2[%add3A_21] : memref<16384xi32, #tpu.memory_space<hbm>> -> memref<128xi32, #tpu.memory_space<hbm>>
      %dma_start3A_1029 = arith.constant 0 : i32
      %dma_start3A_1030 = tpu.memref_slice %arg9[%run_scoped3A_22, %dma_start3A_1029] : memref<4x128xi32, #tpu.memory_space<vmem>> -> memref<1x128xi32, #tpu.memory_space<vmem>>
      %dma_start3A_1031 = tpu.memref_squeeze %dma_start3A_1030 : memref<1x128xi32, #tpu.memory_space<vmem>> -> memref<128xi32, #tpu.memory_space<vmem>>
      %dma_start3A_1032 = tpu.memref_slice %arg2[%add3A_21] : memref<16384xi32, #tpu.memory_space<hbm>> -> memref<128xi32, #tpu.memory_space<hbm>>
      tpu.enqueue_dma source(%dma_start3A_1032 : memref<128xi32, #tpu.memory_space<hbm>>) target(%dma_start3A_1031 : memref<128xi32, #tpu.memory_space<vmem>>) target_semaphore(%run_scoped3A_1024 : memref<!tpu.dma_semaphore, #tpu.memory_space<semaphore_mem>>)
      %dma_wait3A_1033 = arith.constant 0 : i32
      %dma_wait3A_1034 = tpu.memref_slice %arg9[%run_scoped3A_22, %dma_wait3A_1033] : memref<4x128xi32, #tpu.memory_space<vmem>> -> memref<1x128xi32, #tpu.memory_space<vmem>>
      %dma_wait3A_1035 = tpu.memref_squeeze %dma_wait3A_1034 : memref<1x128xi32, #tpu.memory_space<vmem>> -> memref<128xi32, #tpu.memory_space<vmem>>
      %dma_wait3A_1036 = tpu.memref_slice %arg2[%add3A_21] : memref<16384xi32, #tpu.memory_space<hbm>> -> memref<128xi32, #tpu.memory_space<hbm>>
      %dma_wait3A_1037 = arith.constant 0 : i32
      %dma_wait3A_1038 = tpu.memref_slice %arg9[%run_scoped3A_22, %dma_wait3A_1037] : memref<4x128xi32, #tpu.memory_space<vmem>> -> memref<1x128xi32, #tpu.memory_space<vmem>>
      %dma_wait3A_1039 = tpu.memref_squeeze %dma_wait3A_1038 : memref<1x128xi32, #tpu.memory_space<vmem>> -> memref<128xi32, #tpu.memory_space<vmem>>
      %dma_wait3A_1040 = tpu.memref_slice %arg2[%add3A_21] : memref<16384xi32, #tpu.memory_space<hbm>> -> memref<128xi32, #tpu.memory_space<hbm>>
      tpu.wait_dma2 semaphore(%run_scoped3A_1024 : memref<!tpu.dma_semaphore, #tpu.memory_space<semaphore_mem>>) src(%dma_wait3A_1040 : memref<128xi32, #tpu.memory_space<hbm>>) dst(%dma_wait3A_1039 : memref<128xi32, #tpu.memory_space<vmem>>)
      tpu.yield
    }) : () -> ()
    %add3A_23 = arith.constant 384 : i32
    %add3A_24 = arith.addi %mul3A_2, %add3A_23 : i32
    %run_scoped3A_25 = arith.constant 3 : i32
    "tpu.region"() ({
      %run_scoped3A_1024 = tpu.sem_alloc : memref<!tpu.dma_semaphore, #tpu.memory_space<semaphore_mem>>
      %dma_start3A_1025 = arith.constant 0 : i32
      %dma_start3A_1026 = tpu.memref_slice %arg10[%run_scoped3A_25, %dma_start3A_1025] : memref<4x128xi32, #tpu.memory_space<vmem>> -> memref<1x128xi32, #tpu.memory_space<vmem>>
      %dma_start3A_1027 = tpu.memref_squeeze %dma_start3A_1026 : memref<1x128xi32, #tpu.memory_space<vmem>> -> memref<128xi32, #tpu.memory_space<vmem>>
      %dma_start3A_1028 = tpu.memref_slice %arg3[%add3A_24] : memref<16384xi32, #tpu.memory_space<hbm>> -> memref<128xi32, #tpu.memory_space<hbm>>
      %dma_start3A_1029 = arith.constant 0 : i32
      %dma_start3A_1030 = tpu.memref_slice %arg10[%run_scoped3A_25, %dma_start3A_1029] : memref<4x128xi32, #tpu.memory_space<vmem>> -> memref<1x128xi32, #tpu.memory_space<vmem>>
      %dma_start3A_1031 = tpu.memref_squeeze %dma_start3A_1030 : memref<1x128xi32, #tpu.memory_space<vmem>> -> memref<128xi32, #tpu.memory_space<vmem>>
      %dma_start3A_1032 = tpu.memref_slice %arg3[%add3A_24] : memref<16384xi32, #tpu.memory_space<hbm>> -> memref<128xi32, #tpu.memory_space<hbm>>
      tpu.enqueue_dma source(%dma_start3A_1032 : memref<128xi32, #tpu.memory_space<hbm>>) target(%dma_start3A_1031 : memref<128xi32, #tpu.memory_space<vmem>>) target_semaphore(%run_scoped3A_1024 : memref<!tpu.dma_semaphore, #tpu.memory_space<semaphore_mem>>)
      %dma_wait3A_1033 = arith.constant 0 : i32
      %dma_wait3A_1034 = tpu.memref_slice %arg10[%run_scoped3A_25, %dma_wait3A_1033] : memref<4x128xi32, #tpu.memory_space<vmem>> -> memref<1x128xi32, #tpu.memory_space<vmem>>
      %dma_wait3A_1035 = tpu.memref_squeeze %dma_wait3A_1034 : memref<1x128xi32, #tpu.memory_space<vmem>> -> memref<128xi32, #tpu.memory_space<vmem>>
      %dma_wait3A_1036 = tpu.memref_slice %arg3[%add3A_24] : memref<16384xi32, #tpu.memory_space<hbm>> -> memref<128xi32, #tpu.memory_space<hbm>>
      %dma_wait3A_1037 = arith.constant 0 : i32
      %dma_wait3A_1038 = tpu.memref_slice %arg10[%run_scoped3A_25, %dma_wait3A_1037] : memref<4x128xi32, #tpu.memory_space<vmem>> -> memref<1x128xi32, #tpu.memory_space<vmem>>
      %dma_wait3A_1039 = tpu.memref_squeeze %dma_wait3A_1038 : memref<1x128xi32, #tpu.memory_space<vmem>> -> memref<128xi32, #tpu.memory_space<vmem>>
      %dma_wait3A_1040 = tpu.memref_slice %arg3[%add3A_24] : memref<16384xi32, #tpu.memory_space<hbm>> -> memref<128xi32, #tpu.memory_space<hbm>>
      tpu.wait_dma2 semaphore(%run_scoped3A_1024 : memref<!tpu.dma_semaphore, #tpu.memory_space<semaphore_mem>>) src(%dma_wait3A_1040 : memref<128xi32, #tpu.memory_space<hbm>>) dst(%dma_wait3A_1039 : memref<128xi32, #tpu.memory_space<vmem>>)
      tpu.yield
    }) : () -> ()
    %get3A = arith.constant 0 : i32
    %get3A_26 = arith.index_cast %get3A : i32 to index
    %get3A_27 = arith.constant 0 : index
    %get3A_28 = tpu.vector_load %arg9[%get3A_26, %get3A_27] {strides = array<i32>} : memref<4x128xi32, #tpu.memory_space<vmem>>, vector<16xi32>,
    %shift_right_arithmetic3A = arith.constant 3 : i32
    %shift_right_arithmetic3A_29 = vector.broadcast %shift_right_arithmetic3A : i32 to vector<16xi32>
    %shift_right_arithmetic3A_30 = arith.shrsi %get3A_28, %shift_right_arithmetic3A_29 : vector<16xi32>
    %swap3A = arith.constant 0 : i32
    %swap3A_31 = arith.index_cast %swap3A : i32 to index
    %swap3A_32 = arith.constant 0 : index
    %swap3A_33 = tpu.vector_load %arg11[%swap3A_31, %swap3A_32] {strides = array<i32>} : memref<4x128xi32, #tpu.memory_space<vmem>>, vector<16xi32>,
    tpu.vector_store %arg11[%swap3A_31, %swap3A_32], %shift_right_arithmetic3A_30 {strides = array<i32>} : memref<4x128xi32, #tpu.memory_space<vmem>>, vector<16xi32>,
    %get3A_34 = arith.constant 0 : i32
    %get3A_35 = arith.index_cast %get3A_34 : i32 to index
    %get3A_36 = arith.constant 0 : index
    %get3A_37 = tpu.vector_load %arg10[%get3A_35, %get3A_36] {strides = array<i32>} : memref<4x128xi32, #tpu.memory_space<vmem>>, vector<16xi32>,
    %shift_right_arithmetic3A_38 = arith.constant 3 : i32
    %shift_right_arithmetic3A_39 = vector.broadcast %shift_right_arithmetic3A_38 : i32 to vector<16xi32>
    %shift_right_arithmetic3A_40 = arith.shrsi %get3A_37, %shift_right_arithmetic3A_39 : vector<16xi32>
    %swap3A_41 = arith.constant 0 : i32
    %swap3A_42 = arith.index_cast %swap3A_41 : i32 to index
    %swap3A_43 = arith.constant 0 : index
    %swap3A_44 = tpu.vector_load %arg12[%swap3A_42, %swap3A_43] {strides = array<i32>} : memref<4x128xi32, #tpu.memory_space<vmem>>, vector<16xi32>,
    tpu.vector_store %arg12[%swap3A_42, %swap3A_43], %shift_right_arithmetic3A_40 {strides = array<i32>} : memref<4x128xi32, #tpu.memory_space<vmem>>, vector<16xi32>,
    %get3A_45 = arith.constant 0 : i32
    %get3A_46 = arith.index_cast %get3A_45 : i32 to index
    %get3A_47 = arith.constant 16 : index
    %get3A_48 = tpu.vector_load %arg9[%get3A_46, %get3A_47] {strides = array<i32>} : memref<4x128xi32, #tpu.memory_space<vmem>>, vector<16xi32>,
    %shift_right_arithmetic3A_49 = arith.constant 3 : i32
    %shift_right_arithmetic3A_50 = vector.broadcast %shift_right_arithmetic3A_49 : i32 to vector<16xi32>
    %shift_right_arithmetic3A_51 = arith.shrsi %get3A_48, %shift_right_arithmetic3A_50 : vector<16xi32>
    %swap3A_52 = arith.constant 0 : i32
    %swap3A_53 = arith.index_cast %swap3A_52 : i32 to index
    %swap3A_54 = arith.constant 16 : index
    %swap3A_55 = tpu.vector_load %arg11[%swap3A_53, %swap3A_54] {strides = array<i32>} : memref<4x128xi32, #tpu.memory_space<vmem>>, vector<16xi32>,
    tpu.vector_store %arg11[%swap3A_53, %swap3A_54], %shift_right_arithmetic3A_51 {strides = array<i32>} : memref<4x128xi32, #tpu.memory_space<vmem>>, vector<16xi32>,
    %get3A_56 = arith.constant 0 : i32
    %get3A_57 = arith.index_cast %get3A_56 : i32 to index
    %get3A_58 = arith.constant 16 : index
    %get3A_59 = tpu.vector_load %arg10[%get3A_57, %get3A_58] {strides = array<i32>} : memref<4x128xi32, #tpu.memory_space<vmem>>, vector<16xi32>,
    %shift_right_arithmetic3A_60 = arith.constant 3 : i32
    %shift_right_arithmetic3A_61 = vector.broadcast %shift_right_arithmetic3A_60 : i32 to vector<16xi32>
    %shift_right_arithmetic3A_62 = arith.shrsi %get3A_59, %shift_right_arithmetic3A_61 : vector<16xi32>
    %swap3A_63 = arith.constant 0 : i32
    %swap3A_64 = arith.index_cast %swap3A_63 : i32 to index
    %swap3A_65 = arith.constant 16 : index
    %swap3A_66 = tpu.vector_load %arg12[%swap3A_64, %swap3A_65] {strides = array<i32>} : memref<4x128xi32, #tpu.memory_space<vmem>>, vector<16xi32>,
    tpu.vector_store %arg12[%swap3A_64, %swap3A_65], %shift_right_arithmetic3A_62 {strides = array<i32>} : memref<4x128xi32, #tpu.memory_space<vmem>>, vector<16xi32>,
    %get3A_67 = arith.constant 0 : i32
    %get3A_68 = arith.index_cast %get3A_67 : i32 to index
    %get3A_69 = arith.constant 32 : index
    %get3A_70 = tpu.vector_load %arg9[%get3A_68, %get3A_69] {strides = array<i32>} : memref<4x128xi32, #tpu.memory_space<vmem>>, vector<16xi32>,
    %shift_right_arithmetic3A_71 = arith.constant 3 : i32
    %shift_right_arithmetic3A_72 = vector.broadcast %shift_right_arithmetic3A_71 : i32 to vector<16xi32>
    %shift_right_arithmetic3A_73 = arith.shrsi %get3A_70, %shift_right_arithmetic3A_72 : vector<16xi32>
    %swap3A_74 = arith.constant 0 : i32
    %swap3A_75 = arith.index_cast %swap3A_74 : i32 to index
    %swap3A_76 = arith.constant 32 : index
    %swap3A_77 = tpu.vector_load %arg11[%swap3A_75, %swap3A_76] {strides = array<i32>} : memref<4x128xi32, #tpu.memory_space<vmem>>, vector<16xi32>,
    tpu.vector_store %arg11[%swap3A_75, %swap3A_76], %shift_right_arithmetic3A_73 {strides = array<i32>} : memref<4x128xi32, #tpu.memory_space<vmem>>, vector<16xi32>,
    %get3A_78 = arith.constant 0 : i32
    %get3A_79 = arith.index_cast %get3A_78 : i32 to index
    %get3A_80 = arith.constant 32 : index
    %get3A_81 = tpu.vector_load %arg10[%get3A_79, %get3A_80] {strides = array<i32>} : memref<4x128xi32, #tpu.memory_space<vmem>>, vector<16xi32>,
    %shift_right_arithmetic3A_82 = arith.constant 3 : i32
    %shift_right_arithmetic3A_83 = vector.broadcast %shift_right_arithmetic3A_82 : i32 to vector<16xi32>
    %shift_right_arithmetic3A_84 = arith.shrsi %get3A_81, %shift_right_arithmetic3A_83 : vector<16xi32>
    %swap3A_85 = arith.constant 0 : i32
    %swap3A_86 = arith.index_cast %swap3A_85 : i32 to index
    %swap3A_87 = arith.constant 32 : index
    %swap3A_88 = tpu.vector_load %arg12[%swap3A_86, %swap3A_87] {strides = array<i32>} : memref<4x128xi32, #tpu.memory_space<vmem>>, vector<16xi32>,
    tpu.vector_store %arg12[%swap3A_86, %swap3A_87], %shift_right_arithmetic3A_84 {strides = array<i32>} : memref<4x128xi32, #tpu.memory_space<vmem>>, vector<16xi32>,
    %get3A_89 = arith.constant 0 : i32
    %get3A_90 = arith.index_cast %get3A_89 : i32 to index
    %get3A_91 = arith.constant 48 : index
    %get3A_92 = tpu.vector_load %arg9[%get3A_90, %get3A_91] {strides = array<i32>} : memref<4x128xi32, #tpu.memory_space<vmem>>, vector<16xi32>,
    %shift_right_arithmetic3A_93 = arith.constant 3 : i32
    %shift_right_arithmetic3A_94 = vector.broadcast %shift_right_arithmetic3A_93 : i32 to vector<16xi32>
    %shift_right_arithmetic3A_95 = arith.shrsi %get3A_92, %shift_right_arithmetic3A_94 : vector<16xi32>
    %swap3A_96 = arith.constant 0 : i32
    %swap3A_97 = arith.index_cast %swap3A_96 : i32 to index
    %swap3A_98 = arith.constant 48 : index
    %swap3A_99 = tpu.vector_load %arg11[%swap3A_97, %swap3A_98] {strides = array<i32>} : memref<4x128xi32, #tpu.memory_space<vmem>>, vector<16xi32>,
    tpu.vector_store %arg11[%swap3A_97, %swap3A_98], %shift_right_arithmetic3A_95 {strides = array<i32>} : memref<4x128xi32, #tpu.memory_space<vmem>>, vector<16xi32>,
    %get3A_100 = arith.constant 0 : i32
    %get3A_101 = arith.index_cast %get3A_100 : i32 to index
    %get3A_102 = arith.constant 48 : index
    %get3A_103 = tpu.vector_load %arg10[%get3A_101, %get3A_102] {strides = array<i32>} : memref<4x128xi32, #tpu.memory_space<vmem>>, vector<16xi32>,
    %shift_right_arithmetic3A_104 = arith.constant 3 : i32
    %shift_right_arithmetic3A_105 = vector.broadcast %shift_right_arithmetic3A_104 : i32 to vector<16xi32>
    %shift_right_arithmetic3A_106 = arith.shrsi %get3A_103, %shift_right_arithmetic3A_105 : vector<16xi32>
    %swap3A_107 = arith.constant 0 : i32
    %swap3A_108 = arith.index_cast %swap3A_107 : i32 to index
    %swap3A_109 = arith.constant 48 : index
    %swap3A_110 = tpu.vector_load %arg12[%swap3A_108, %swap3A_109] {strides = array<i32>} : memref<4x128xi32, #tpu.memory_space<vmem>>, vector<16xi32>,
    tpu.vector_store %arg12[%swap3A_108, %swap3A_109], %shift_right_arithmetic3A_106 {strides = array<i32>} : memref<4x128xi32, #tpu.memory_space<vmem>>, vector<16xi32>,
    %get3A_111 = arith.constant 0 : i32
    %get3A_112 = arith.index_cast %get3A_111 : i32 to index
    %get3A_113 = arith.constant 64 : index
    %get3A_114 = tpu.vector_load %arg9[%get3A_112, %get3A_113] {strides = array<i32>} : memref<4x128xi32, #tpu.memory_space<vmem>>, vector<16xi32>,
    %shift_right_arithmetic3A_115 = arith.constant 3 : i32
    %shift_right_arithmetic3A_116 = vector.broadcast %shift_right_arithmetic3A_115 : i32 to vector<16xi32>
    %shift_right_arithmetic3A_117 = arith.shrsi %get3A_114, %shift_right_arithmetic3A_116 : vector<16xi32>
    %swap3A_118 = arith.constant 0 : i32
    %swap3A_119 = arith.index_cast %swap3A_118 : i32 to index
    %swap3A_120 = arith.constant 64 : index
    %swap3A_121 = tpu.vector_load %arg11[%swap3A_119, %swap3A_120] {strides = array<i32>} : memref<4x128xi32, #tpu.memory_space<vmem>>, vector<16xi32>,
    tpu.vector_store %arg11[%swap3A_119, %swap3A_120], %shift_right_arithmetic3A_117 {strides = array<i32>} : memref<4x128xi32, #tpu.memory_space<vmem>>, vector<16xi32>,
    %get3A_122 = arith.constant 0 : i32
    %get3A_123 = arith.index_cast %get3A_122 : i32 to index
    %get3A_124 = arith.constant 64 : index
    %get3A_125 = tpu.vector_load %arg10[%get3A_123, %get3A_124] {strides = array<i32>} : memref<4x128xi32, #tpu.memory_space<vmem>>, vector<16xi32>,
    %shift_right_arithmetic3A_126 = arith.constant 3 : i32
    %shift_right_arithmetic3A_127 = vector.broadcast %shift_right_arithmetic3A_126 : i32 to vector<16xi32>
    %shift_right_arithmetic3A_128 = arith.shrsi %get3A_125, %shift_right_arithmetic3A_127 : vector<16xi32>
    %swap3A_129 = arith.constant 0 : i32
    %swap3A_130 = arith.index_cast %swap3A_129 : i32 to index
    %swap3A_131 = arith.constant 64 : index
    %swap3A_132 = tpu.vector_load %arg12[%swap3A_130, %swap3A_131] {strides = array<i32>} : memref<4x128xi32, #tpu.memory_space<vmem>>, vector<16xi32>,
    tpu.vector_store %arg12[%swap3A_130, %swap3A_131], %shift_right_arithmetic3A_128 {strides = array<i32>} : memref<4x128xi32, #tpu.memory_space<vmem>>, vector<16xi32>,
    %get3A_133 = arith.constant 0 : i32
    %get3A_134 = arith.index_cast %get3A_133 : i32 to index
    %get3A_135 = arith.constant 80 : index
    %get3A_136 = tpu.vector_load %arg9[%get3A_134, %get3A_135] {strides = array<i32>} : memref<4x128xi32, #tpu.memory_space<vmem>>, vector<16xi32>,
    %shift_right_arithmetic3A_137 = arith.constant 3 : i32
    %shift_right_arithmetic3A_138 = vector.broadcast %shift_right_arithmetic3A_137 : i32 to vector<16xi32>
    %shift_right_arithmetic3A_139 = arith.shrsi %get3A_136, %shift_right_arithmetic3A_138 : vector<16xi32>
    %swap3A_140 = arith.constant 0 : i32
    %swap3A_141 = arith.index_cast %swap3A_140 : i32 to index
    %swap3A_142 = arith.constant 80 : index
    %swap3A_143 = tpu.vector_load %arg11[%swap3A_141, %swap3A_142] {strides = array<i32>} : memref<4x128xi32, #tpu.memory_space<vmem>>, vector<16xi32>,
    tpu.vector_store %arg11[%swap3A_141, %swap3A_142], %shift_right_arithmetic3A_139 {strides = array<i32>} : memref<4x128xi32, #tpu.memory_space<vmem>>, vector<16xi32>,
    %get3A_144 = arith.constant 0 : i32
    %get3A_145 = arith.index_cast %get3A_144 : i32 to index
    %get3A_146 = arith.constant 80 : index
    %get3A_147 = tpu.vector_load %arg10[%get3A_145, %get3A_146] {strides = array<i32>} : memref<4x128xi32, #tpu.memory_space<vmem>>, vector<16xi32>,
    %shift_right_arithmetic3A_148 = arith.constant 3 : i32
    %shift_right_arithmetic3A_149 = vector.broadcast %shift_right_arithmetic3A_148 : i32 to vector<16xi32>
    %shift_right_arithmetic3A_150 = arith.shrsi %get3A_147, %shift_right_arithmetic3A_149 : vector<16xi32>
    %swap3A_151 = arith.constant 0 : i32
    %swap3A_152 = arith.index_cast %swap3A_151 : i32 to index
    %swap3A_153 = arith.constant 80 : index
    %swap3A_154 = tpu.vector_load %arg12[%swap3A_152, %swap3A_153] {strides = array<i32>} : memref<4x128xi32, #tpu.memory_space<vmem>>, vector<16xi32>,
    tpu.vector_store %arg12[%swap3A_152, %swap3A_153], %shift_right_arithmetic3A_150 {strides = array<i32>} : memref<4x128xi32, #tpu.memory_space<vmem>>, vector<16xi32>,
    %get3A_155 = arith.constant 0 : i32
    %get3A_156 = arith.index_cast %get3A_155 : i32 to index
    %get3A_157 = arith.constant 96 : index
    %get3A_158 = tpu.vector_load %arg9[%get3A_156, %get3A_157] {strides = array<i32>} : memref<4x128xi32, #tpu.memory_space<vmem>>, vector<16xi32>,
    %shift_right_arithmetic3A_159 = arith.constant 3 : i32
    %shift_right_arithmetic3A_160 = vector.broadcast %shift_right_arithmetic3A_159 : i32 to vector<16xi32>
    %shift_right_arithmetic3A_161 = arith.shrsi %get3A_158, %shift_right_arithmetic3A_160 : vector<16xi32>
    %swap3A_162 = arith.constant 0 : i32
    %swap3A_163 = arith.index_cast %swap3A_162 : i32 to index
    %swap3A_164 = arith.constant 96 : index
    %swap3A_165 = tpu.vector_load %arg11[%swap3A_163, %swap3A_164] {strides = array<i32>} : memref<4x128xi32, #tpu.memory_space<vmem>>, vector<16xi32>,
    tpu.vector_store %arg11[%swap3A_163, %swap3A_164], %shift_right_arithmetic3A_161 {strides = array<i32>} : memref<4x128xi32, #tpu.memory_space<vmem>>, vector<16xi32>,
    %get3A_166 = arith.constant 0 : i32
    %get3A_167 = arith.index_cast %get3A_166 : i32 to index
    %get3A_168 = arith.constant 96 : index
    %get3A_169 = tpu.vector_load %arg10[%get3A_167, %get3A_168] {strides = array<i32>} : memref<4x128xi32, #tpu.memory_space<vmem>>, vector<16xi32>,
    %shift_right_arithmetic3A_170 = arith.constant 3 : i32
    %shift_right_arithmetic3A_171 = vector.broadcast %shift_right_arithmetic3A_170 : i32 to vector<16xi32>
    %shift_right_arithmetic3A_172 = arith.shrsi %get3A_169, %shift_right_arithmetic3A_171 : vector<16xi32>
    %swap3A_173 = arith.constant 0 : i32
    %swap3A_174 = arith.index_cast %swap3A_173 : i32 to index
    %swap3A_175 = arith.constant 96 : index
    %swap3A_176 = tpu.vector_load %arg12[%swap3A_174, %swap3A_175] {strides = array<i32>} : memref<4x128xi32, #tpu.memory_space<vmem>>, vector<16xi32>,
    tpu.vector_store %arg12[%swap3A_174, %swap3A_175], %shift_right_arithmetic3A_172 {strides = array<i32>} : memref<4x128xi32, #tpu.memory_space<vmem>>, vector<16xi32>,
    %get3A_177 = arith.constant 0 : i32
    %get3A_178 = arith.index_cast %get3A_177 : i32 to index
    %get3A_179 = arith.constant 112 : index
    %get3A_180 = tpu.vector_load %arg9[%get3A_178, %get3A_179] {strides = array<i32>} : memref<4x128xi32, #tpu.memory_space<vmem>>, vector<16xi32>,
    %shift_right_arithmetic3A_181 = arith.constant 3 : i32
    %shift_right_arithmetic3A_182 = vector.broadcast %shift_right_arithmetic3A_181 : i32 to vector<16xi32>
    %shift_right_arithmetic3A_183 = arith.shrsi %get3A_180, %shift_right_arithmetic3A_182 : vector<16xi32>
    %swap3A_184 = arith.constant 0 : i32
    %swap3A_185 = arith.index_cast %swap3A_184 : i32 to index
    %swap3A_186 = arith.constant 112 : index
    %swap3A_187 = tpu.vector_load %arg11[%swap3A_185, %swap3A_186] {strides = array<i32>} : memref<4x128xi32, #tpu.memory_space<vmem>>, vector<16xi32>,
    tpu.vector_store %arg11[%swap3A_185, %swap3A_186], %shift_right_arithmetic3A_183 {strides = array<i32>} : memref<4x128xi32, #tpu.memory_space<vmem>>, vector<16xi32>,
    %get3A_188 = arith.constant 0 : i32
    %get3A_189 = arith.index_cast %get3A_188 : i32 to index
    %get3A_190 = arith.constant 112 : index
    %get3A_191 = tpu.vector_load %arg10[%get3A_189, %get3A_190] {strides = array<i32>} : memref<4x128xi32, #tpu.memory_space<vmem>>, vector<16xi32>,
    %shift_right_arithmetic3A_192 = arith.constant 3 : i32
    %shift_right_arithmetic3A_193 = vector.broadcast %shift_right_arithmetic3A_192 : i32 to vector<16xi32>
    %shift_right_arithmetic3A_194 = arith.shrsi %get3A_191, %shift_right_arithmetic3A_193 : vector<16xi32>
    %swap3A_195 = arith.constant 0 : i32
    %swap3A_196 = arith.index_cast %swap3A_195 : i32 to index
    %swap3A_197 = arith.constant 112 : index
    %swap3A_198 = tpu.vector_load %arg12[%swap3A_196, %swap3A_197] {strides = array<i32>} : memref<4x128xi32, #tpu.memory_space<vmem>>, vector<16xi32>,
    tpu.vector_store %arg12[%swap3A_196, %swap3A_197], %shift_right_arithmetic3A_194 {strides = array<i32>} : memref<4x128xi32, #tpu.memory_space<vmem>>, vector<16xi32>,
    %get3A_199 = arith.constant 1 : i32
    %get3A_200 = arith.index_cast %get3A_199 : i32 to index
    %get3A_201 = arith.constant 0 : index
    %get3A_202 = tpu.vector_load %arg9[%get3A_200, %get3A_201] {strides = array<i32>} : memref<4x128xi32, #tpu.memory_space<vmem>>, vector<16xi32>,
    %shift_right_arithmetic3A_203 = arith.constant 3 : i32
    %shift_right_arithmetic3A_204 = vector.broadcast %shift_right_arithmetic3A_203 : i32 to vector<16xi32>
    %shift_right_arithmetic3A_205 = arith.shrsi %get3A_202, %shift_right_arithmetic3A_204 : vector<16xi32>
    %swap3A_206 = arith.constant 1 : i32
    %swap3A_207 = arith.index_cast %swap3A_206 : i32 to index
    %swap3A_208 = arith.constant 0 : index
    %swap3A_209 = tpu.vector_load %arg11[%swap3A_207, %swap3A_208] {strides = array<i32>} : memref<4x128xi32, #tpu.memory_space<vmem>>, vector<16xi32>,
    tpu.vector_store %arg11[%swap3A_207, %swap3A_208], %shift_right_arithmetic3A_205 {strides = array<i32>} : memref<4x128xi32, #tpu.memory_space<vmem>>, vector<16xi32>,
    %get3A_210 = arith.constant 1 : i32
    %get3A_211 = arith.index_cast %get3A_210 : i32 to index
    %get3A_212 = arith.constant 0 : index
    %get3A_213 = tpu.vector_load %arg10[%get3A_211, %get3A_212] {strides = array<i32>} : memref<4x128xi32, #tpu.memory_space<vmem>>, vector<16xi32>,
    %shift_right_arithmetic3A_214 = arith.constant 3 : i32
    %shift_right_arithmetic3A_215 = vector.broadcast %shift_right_arithmetic3A_214 : i32 to vector<16xi32>
    %shift_right_arithmetic3A_216 = arith.shrsi %get3A_213, %shift_right_arithmetic3A_215 : vector<16xi32>
    %swap3A_217 = arith.constant 1 : i32
    %swap3A_218 = arith.index_cast %swap3A_217 : i32 to index
    %swap3A_219 = arith.constant 0 : index
    %swap3A_220 = tpu.vector_load %arg12[%swap3A_218, %swap3A_219] {strides = array<i32>} : memref<4x128xi32, #tpu.memory_space<vmem>>, vector<16xi32>,
    tpu.vector_store %arg12[%swap3A_218, %swap3A_219], %shift_right_arithmetic3A_216 {strides = array<i32>} : memref<4x128xi32, #tpu.memory_space<vmem>>, vector<16xi32>,
    %get3A_221 = arith.constant 1 : i32
    %get3A_222 = arith.index_cast %get3A_221 : i32 to index
    %get3A_223 = arith.constant 16 : index
    %get3A_224 = tpu.vector_load %arg9[%get3A_222, %get3A_223] {strides = array<i32>} : memref<4x128xi32, #tpu.memory_space<vmem>>, vector<16xi32>,
    %shift_right_arithmetic3A_225 = arith.constant 3 : i32
    %shift_right_arithmetic3A_226 = vector.broadcast %shift_right_arithmetic3A_225 : i32 to vector<16xi32>
    %shift_right_arithmetic3A_227 = arith.shrsi %get3A_224, %shift_right_arithmetic3A_226 : vector<16xi32>
    %swap3A_228 = arith.constant 1 : i32
    %swap3A_229 = arith.index_cast %swap3A_228 : i32 to index
    %swap3A_230 = arith.constant 16 : index
    %swap3A_231 = tpu.vector_load %arg11[%swap3A_229, %swap3A_230] {strides = array<i32>} : memref<4x128xi32, #tpu.memory_space<vmem>>, vector<16xi32>,
    tpu.vector_store %arg11[%swap3A_229, %swap3A_230], %shift_right_arithmetic3A_227 {strides = array<i32>} : memref<4x128xi32, #tpu.memory_space<vmem>>, vector<16xi32>,
    %get3A_232 = arith.constant 1 : i32
    %get3A_233 = arith.index_cast %get3A_232 : i32 to index
    %get3A_234 = arith.constant 16 : index
    %get3A_235 = tpu.vector_load %arg10[%get3A_233, %get3A_234] {strides = array<i32>} : memref<4x128xi32, #tpu.memory_space<vmem>>, vector<16xi32>,
    %shift_right_arithmetic3A_236 = arith.constant 3 : i32
    %shift_right_arithmetic3A_237 = vector.broadcast %shift_right_arithmetic3A_236 : i32 to vector<16xi32>
    %shift_right_arithmetic3A_238 = arith.shrsi %get3A_235, %shift_right_arithmetic3A_237 : vector<16xi32>
    %swap3A_239 = arith.constant 1 : i32
    %swap3A_240 = arith.index_cast %swap3A_239 : i32 to index
    %swap3A_241 = arith.constant 16 : index
    %swap3A_242 = tpu.vector_load %arg12[%swap3A_240, %swap3A_241] {strides = array<i32>} : memref<4x128xi32, #tpu.memory_space<vmem>>, vector<16xi32>,
    tpu.vector_store %arg12[%swap3A_240, %swap3A_241], %shift_right_arithmetic3A_238 {strides = array<i32>} : memref<4x128xi32, #tpu.memory_space<vmem>>, vector<16xi32>,
    %get3A_243 = arith.constant 1 : i32
    %get3A_244 = arith.index_cast %get3A_243 : i32 to index
    %get3A_245 = arith.constant 32 : index
    %get3A_246 = tpu.vector_load %arg9[%get3A_244, %get3A_245] {strides = array<i32>} : memref<4x128xi32, #tpu.memory_space<vmem>>, vector<16xi32>,
    %shift_right_arithmetic3A_247 = arith.constant 3 : i32
    %shift_right_arithmetic3A_248 = vector.broadcast %shift_right_arithmetic3A_247 : i32 to vector<16xi32>
    %shift_right_arithmetic3A_249 = arith.shrsi %get3A_246, %shift_right_arithmetic3A_248 : vector<16xi32>
    %swap3A_250 = arith.constant 1 : i32
    %swap3A_251 = arith.index_cast %swap3A_250 : i32 to index
    %swap3A_252 = arith.constant 32 : index
    %swap3A_253 = tpu.vector_load %arg11[%swap3A_251, %swap3A_252] {strides = array<i32>} : memref<4x128xi32, #tpu.memory_space<vmem>>, vector<16xi32>,
    tpu.vector_store %arg11[%swap3A_251, %swap3A_252], %shift_right_arithmetic3A_249 {strides = array<i32>} : memref<4x128xi32, #tpu.memory_space<vmem>>, vector<16xi32>,
    %get3A_254 = arith.constant 1 : i32
    %get3A_255 = arith.index_cast %get3A_254 : i32 to index
    %get3A_256 = arith.constant 32 : index
    %get3A_257 = tpu.vector_load %arg10[%get3A_255, %get3A_256] {strides = array<i32>} : memref<4x128xi32, #tpu.memory_space<vmem>>, vector<16xi32>,
    %shift_right_arithmetic3A_258 = arith.constant 3 : i32
    %shift_right_arithmetic3A_259 = vector.broadcast %shift_right_arithmetic3A_258 : i32 to vector<16xi32>
    %shift_right_arithmetic3A_260 = arith.shrsi %get3A_257, %shift_right_arithmetic3A_259 : vector<16xi32>
    %swap3A_261 = arith.constant 1 : i32
    %swap3A_262 = arith.index_cast %swap3A_261 : i32 to index
    %swap3A_263 = arith.constant 32 : index
    %swap3A_264 = tpu.vector_load %arg12[%swap3A_262, %swap3A_263] {strides = array<i32>} : memref<4x128xi32, #tpu.memory_space<vmem>>, vector<16xi32>,
    tpu.vector_store %arg12[%swap3A_262, %swap3A_263], %shift_right_arithmetic3A_260 {strides = array<i32>} : memref<4x128xi32, #tpu.memory_space<vmem>>, vector<16xi32>,
    %get3A_265 = arith.constant 1 : i32
    %get3A_266 = arith.index_cast %get3A_265 : i32 to index
    %get3A_267 = arith.constant 48 : index
    %get3A_268 = tpu.vector_load %arg9[%get3A_266, %get3A_267] {strides = array<i32>} : memref<4x128xi32, #tpu.memory_space<vmem>>, vector<16xi32>,
    %shift_right_arithmetic3A_269 = arith.constant 3 : i32
    %shift_right_arithmetic3A_270 = vector.broadcast %shift_right_arithmetic3A_269 : i32 to vector<16xi32>
    %shift_right_arithmetic3A_271 = arith.shrsi %get3A_268, %shift_right_arithmetic3A_270 : vector<16xi32>
    %swap3A_272 = arith.constant 1 : i32
    %swap3A_273 = arith.index_cast %swap3A_272 : i32 to index
    %swap3A_274 = arith.constant 48 : index
    %swap3A_275 = tpu.vector_load %arg11[%swap3A_273, %swap3A_274] {strides = array<i32>} : memref<4x128xi32, #tpu.memory_space<vmem>>, vector<16xi32>,
    tpu.vector_store %arg11[%swap3A_273, %swap3A_274], %shift_right_arithmetic3A_271 {strides = array<i32>} : memref<4x128xi32, #tpu.memory_space<vmem>>, vector<16xi32>,
    %get3A_276 = arith.constant 1 : i32
    %get3A_277 = arith.index_cast %get3A_276 : i32 to index
    %get3A_278 = arith.constant 48 : index
    %get3A_279 = tpu.vector_load %arg10[%get3A_277, %get3A_278] {strides = array<i32>} : memref<4x128xi32, #tpu.memory_space<vmem>>, vector<16xi32>,
    %shift_right_arithmetic3A_280 = arith.constant 3 : i32
    %shift_right_arithmetic3A_281 = vector.broadcast %shift_right_arithmetic3A_280 : i32 to vector<16xi32>
    %shift_right_arithmetic3A_282 = arith.shrsi %get3A_279, %shift_right_arithmetic3A_281 : vector<16xi32>
    %swap3A_283 = arith.constant 1 : i32
    %swap3A_284 = arith.index_cast %swap3A_283 : i32 to index
    %swap3A_285 = arith.constant 48 : index
    %swap3A_286 = tpu.vector_load %arg12[%swap3A_284, %swap3A_285] {strides = array<i32>} : memref<4x128xi32, #tpu.memory_space<vmem>>, vector<16xi32>,
    tpu.vector_store %arg12[%swap3A_284, %swap3A_285], %shift_right_arithmetic3A_282 {strides = array<i32>} : memref<4x128xi32, #tpu.memory_space<vmem>>, vector<16xi32>,
    %get3A_287 = arith.constant 1 : i32
    %get3A_288 = arith.index_cast %get3A_287 : i32 to index
    %get3A_289 = arith.constant 64 : index
    %get3A_290 = tpu.vector_load %arg9[%get3A_288, %get3A_289] {strides = array<i32>} : memref<4x128xi32, #tpu.memory_space<vmem>>, vector<16xi32>,
    %shift_right_arithmetic3A_291 = arith.constant 3 : i32
    %shift_right_arithmetic3A_292 = vector.broadcast %shift_right_arithmetic3A_291 : i32 to vector<16xi32>
    %shift_right_arithmetic3A_293 = arith.shrsi %get3A_290, %shift_right_arithmetic3A_292 : vector<16xi32>
    %swap3A_294 = arith.constant 1 : i32
    %swap3A_295 = arith.index_cast %swap3A_294 : i32 to index
    %swap3A_296 = arith.constant 64 : index
    %swap3A_297 = tpu.vector_load %arg11[%swap3A_295, %swap3A_296] {strides = array<i32>} : memref<4x128xi32, #tpu.memory_space<vmem>>, vector<16xi32>,
    tpu.vector_store %arg11[%swap3A_295, %swap3A_296], %shift_right_arithmetic3A_293 {strides = array<i32>} : memref<4x128xi32, #tpu.memory_space<vmem>>, vector<16xi32>,
    %get3A_298 = arith.constant 1 : i32
    %get3A_299 = arith.index_cast %get3A_298 : i32 to index
    %get3A_300 = arith.constant 64 : index
    %get3A_301 = tpu.vector_load %arg10[%get3A_299, %get3A_300] {strides = array<i32>} : memref<4x128xi32, #tpu.memory_space<vmem>>, vector<16xi32>,
    %shift_right_arithmetic3A_302 = arith.constant 3 : i32
    %shift_right_arithmetic3A_303 = vector.broadcast %shift_right_arithmetic3A_302 : i32 to vector<16xi32>
    %shift_right_arithmetic3A_304 = arith.shrsi %get3A_301, %shift_right_arithmetic3A_303 : vector<16xi32>
    %swap3A_305 = arith.constant 1 : i32
    %swap3A_306 = arith.index_cast %swap3A_305 : i32 to index
    %swap3A_307 = arith.constant 64 : index
    %swap3A_308 = tpu.vector_load %arg12[%swap3A_306, %swap3A_307] {strides = array<i32>} : memref<4x128xi32, #tpu.memory_space<vmem>>, vector<16xi32>,
    tpu.vector_store %arg12[%swap3A_306, %swap3A_307], %shift_right_arithmetic3A_304 {strides = array<i32>} : memref<4x128xi32, #tpu.memory_space<vmem>>, vector<16xi32>,
    %get3A_309 = arith.constant 1 : i32
    %get3A_310 = arith.index_cast %get3A_309 : i32 to index
    %get3A_311 = arith.constant 80 : index
    %get3A_312 = tpu.vector_load %arg9[%get3A_310, %get3A_311] {strides = array<i32>} : memref<4x128xi32, #tpu.memory_space<vmem>>, vector<16xi32>,
    %shift_right_arithmetic3A_313 = arith.constant 3 : i32
    %shift_right_arithmetic3A_314 = vector.broadcast %shift_right_arithmetic3A_313 : i32 to vector<16xi32>
    %shift_right_arithmetic3A_315 = arith.shrsi %get3A_312, %shift_right_arithmetic3A_314 : vector<16xi32>
    %swap3A_316 = arith.constant 1 : i32
    %swap3A_317 = arith.index_cast %swap3A_316 : i32 to index
    %swap3A_318 = arith.constant 80 : index
    %swap3A_319 = tpu.vector_load %arg11[%swap3A_317, %swap3A_318] {strides = array<i32>} : memref<4x128xi32, #tpu.memory_space<vmem>>, vector<16xi32>,
    tpu.vector_store %arg11[%swap3A_317, %swap3A_318], %shift_right_arithmetic3A_315 {strides = array<i32>} : memref<4x128xi32, #tpu.memory_space<vmem>>, vector<16xi32>,
    %get3A_320 = arith.constant 1 : i32
    %get3A_321 = arith.index_cast %get3A_320 : i32 to index
    %get3A_322 = arith.constant 80 : index
    %get3A_323 = tpu.vector_load %arg10[%get3A_321, %get3A_322] {strides = array<i32>} : memref<4x128xi32, #tpu.memory_space<vmem>>, vector<16xi32>,
    %shift_right_arithmetic3A_324 = arith.constant 3 : i32
    %shift_right_arithmetic3A_325 = vector.broadcast %shift_right_arithmetic3A_324 : i32 to vector<16xi32>
    %shift_right_arithmetic3A_326 = arith.shrsi %get3A_323, %shift_right_arithmetic3A_325 : vector<16xi32>
    %swap3A_327 = arith.constant 1 : i32
    %swap3A_328 = arith.index_cast %swap3A_327 : i32 to index
    %swap3A_329 = arith.constant 80 : index
    %swap3A_330 = tpu.vector_load %arg12[%swap3A_328, %swap3A_329] {strides = array<i32>} : memref<4x128xi32, #tpu.memory_space<vmem>>, vector<16xi32>,
    tpu.vector_store %arg12[%swap3A_328, %swap3A_329], %shift_right_arithmetic3A_326 {strides = array<i32>} : memref<4x128xi32, #tpu.memory_space<vmem>>, vector<16xi32>,
    %get3A_331 = arith.constant 1 : i32
    %get3A_332 = arith.index_cast %get3A_331 : i32 to index
    %get3A_333 = arith.constant 96 : index
    %get3A_334 = tpu.vector_load %arg9[%get3A_332, %get3A_333] {strides = array<i32>} : memref<4x128xi32, #tpu.memory_space<vmem>>, vector<16xi32>,
    %shift_right_arithmetic3A_335 = arith.constant 3 : i32
    %shift_right_arithmetic3A_336 = vector.broadcast %shift_right_arithmetic3A_335 : i32 to vector<16xi32>
    %shift_right_arithmetic3A_337 = arith.shrsi %get3A_334, %shift_right_arithmetic3A_336 : vector<16xi32>
    %swap3A_338 = arith.constant 1 : i32
    %swap3A_339 = arith.index_cast %swap3A_338 : i32 to index
    %swap3A_340 = arith.constant 96 : index
    %swap3A_341 = tpu.vector_load %arg11[%swap3A_339, %swap3A_340] {strides = array<i32>} : memref<4x128xi32, #tpu.memory_space<vmem>>, vector<16xi32>,
    tpu.vector_store %arg11[%swap3A_339, %swap3A_340], %shift_right_arithmetic3A_337 {strides = array<i32>} : memref<4x128xi32, #tpu.memory_space<vmem>>, vector<16xi32>,
    %get3A_342 = arith.constant 1 : i32
    %get3A_343 = arith.index_cast %get3A_342 : i32 to index
    %get3A_344 = arith.constant 96 : index
    %get3A_345 = tpu.vector_load %arg10[%get3A_343, %get3A_344] {strides = array<i32>} : memref<4x128xi32, #tpu.memory_space<vmem>>, vector<16xi32>,
    %shift_right_arithmetic3A_346 = arith.constant 3 : i32
    %shift_right_arithmetic3A_347 = vector.broadcast %shift_right_arithmetic3A_346 : i32 to vector<16xi32>
    %shift_right_arithmetic3A_348 = arith.shrsi %get3A_345, %shift_right_arithmetic3A_347 : vector<16xi32>
    %swap3A_349 = arith.constant 1 : i32
    %swap3A_350 = arith.index_cast %swap3A_349 : i32 to index
    %swap3A_351 = arith.constant 96 : index
    %swap3A_352 = tpu.vector_load %arg12[%swap3A_350, %swap3A_351] {strides = array<i32>} : memref<4x128xi32, #tpu.memory_space<vmem>>, vector<16xi32>,
    tpu.vector_store %arg12[%swap3A_350, %swap3A_351], %shift_right_arithmetic3A_348 {strides = array<i32>} : memref<4x128xi32, #tpu.memory_space<vmem>>, vector<16xi32>,
    %get3A_353 = arith.constant 1 : i32
    %get3A_354 = arith.index_cast %get3A_353 : i32 to index
    %get3A_355 = arith.constant 112 : index
    %get3A_356 = tpu.vector_load %arg9[%get3A_354, %get3A_355] {strides = array<i32>} : memref<4x128xi32, #tpu.memory_space<vmem>>, vector<16xi32>,
    %shift_right_arithmetic3A_357 = arith.constant 3 : i32
    %shift_right_arithmetic3A_358 = vector.broadcast %shift_right_arithmetic3A_357 : i32 to vector<16xi32>
    %shift_right_arithmetic3A_359 = arith.shrsi %get3A_356, %shift_right_arithmetic3A_358 : vector<16xi32>
    %swap3A_360 = arith.constant 1 : i32
    %swap3A_361 = arith.index_cast %swap3A_360 : i32 to index
    %swap3A_362 = arith.constant 112 : index
    %swap3A_363 = tpu.vector_load %arg11[%swap3A_361, %swap3A_362] {strides = array<i32>} : memref<4x128xi32, #tpu.memory_space<vmem>>, vector<16xi32>,
    tpu.vector_store %arg11[%swap3A_361, %swap3A_362], %shift_right_arithmetic3A_359 {strides = array<i32>} : memref<4x128xi32, #tpu.memory_space<vmem>>, vector<16xi32>,
    %get3A_364 = arith.constant 1 : i32
    %get3A_365 = arith.index_cast %get3A_364 : i32 to index
    %get3A_366 = arith.constant 112 : index
    %get3A_367 = tpu.vector_load %arg10[%get3A_365, %get3A_366] {strides = array<i32>} : memref<4x128xi32, #tpu.memory_space<vmem>>, vector<16xi32>,
    %shift_right_arithmetic3A_368 = arith.constant 3 : i32
    %shift_right_arithmetic3A_369 = vector.broadcast %shift_right_arithmetic3A_368 : i32 to vector<16xi32>
    %shift_right_arithmetic3A_370 = arith.shrsi %get3A_367, %shift_right_arithmetic3A_369 : vector<16xi32>
    %swap3A_371 = arith.constant 1 : i32
    %swap3A_372 = arith.index_cast %swap3A_371 : i32 to index
    %swap3A_373 = arith.constant 112 : index
    %swap3A_374 = tpu.vector_load %arg12[%swap3A_372, %swap3A_373] {strides = array<i32>} : memref<4x128xi32, #tpu.memory_space<vmem>>, vector<16xi32>,
    tpu.vector_store %arg12[%swap3A_372, %swap3A_373], %shift_right_arithmetic3A_370 {strides = array<i32>} : memref<4x128xi32, #tpu.memory_space<vmem>>, vector<16xi32>,
    %get3A_375 = arith.constant 2 : i32
    %get3A_376 = arith.index_cast %get3A_375 : i32 to index
    %get3A_377 = arith.constant 0 : index
    %get3A_378 = tpu.vector_load %arg9[%get3A_376, %get3A_377] {strides = array<i32>} : memref<4x128xi32, #tpu.memory_space<vmem>>, vector<16xi32>,
    %shift_right_arithmetic3A_379 = arith.constant 3 : i32
    %shift_right_arithmetic3A_380 = vector.broadcast %shift_right_arithmetic3A_379 : i32 to vector<16xi32>
    %shift_right_arithmetic3A_381 = arith.shrsi %get3A_378, %shift_right_arithmetic3A_380 : vector<16xi32>
    %swap3A_382 = arith.constant 2 : i32
    %swap3A_383 = arith.index_cast %swap3A_382 : i32 to index
    %swap3A_384 = arith.constant 0 : index
    %swap3A_385 = tpu.vector_load %arg11[%swap3A_383, %swap3A_384] {strides = array<i32>} : memref<4x128xi32, #tpu.memory_space<vmem>>, vector<16xi32>,
    tpu.vector_store %arg11[%swap3A_383, %swap3A_384], %shift_right_arithmetic3A_381 {strides = array<i32>} : memref<4x128xi32, #tpu.memory_space<vmem>>, vector<16xi32>,
    %get3A_386 = arith.constant 2 : i32
    %get3A_387 = arith.index_cast %get3A_386 : i32 to index
    %get3A_388 = arith.constant 0 : index
    %get3A_389 = tpu.vector_load %arg10[%get3A_387, %get3A_388] {strides = array<i32>} : memref<4x128xi32, #tpu.memory_space<vmem>>, vector<16xi32>,
    %shift_right_arithmetic3A_390 = arith.constant 3 : i32
    %shift_right_arithmetic3A_391 = vector.broadcast %shift_right_arithmetic3A_390 : i32 to vector<16xi32>
    %shift_right_arithmetic3A_392 = arith.shrsi %get3A_389, %shift_right_arithmetic3A_391 : vector<16xi32>
    %swap3A_393 = arith.constant 2 : i32
    %swap3A_394 = arith.index_cast %swap3A_393 : i32 to index
    %swap3A_395 = arith.constant 0 : index
    %swap3A_396 = tpu.vector_load %arg12[%swap3A_394, %swap3A_395] {strides = array<i32>} : memref<4x128xi32, #tpu.memory_space<vmem>>, vector<16xi32>,
    tpu.vector_store %arg12[%swap3A_394, %swap3A_395], %shift_right_arithmetic3A_392 {strides = array<i32>} : memref<4x128xi32, #tpu.memory_space<vmem>>, vector<16xi32>,
    %get3A_397 = arith.constant 2 : i32
    %get3A_398 = arith.index_cast %get3A_397 : i32 to index
    %get3A_399 = arith.constant 16 : index
    %get3A_400 = tpu.vector_load %arg9[%get3A_398, %get3A_399] {strides = array<i32>} : memref<4x128xi32, #tpu.memory_space<vmem>>, vector<16xi32>,
    %shift_right_arithmetic3A_401 = arith.constant 3 : i32
    %shift_right_arithmetic3A_402 = vector.broadcast %shift_right_arithmetic3A_401 : i32 to vector<16xi32>
    %shift_right_arithmetic3A_403 = arith.shrsi %get3A_400, %shift_right_arithmetic3A_402 : vector<16xi32>
    %swap3A_404 = arith.constant 2 : i32
    %swap3A_405 = arith.index_cast %swap3A_404 : i32 to index
    %swap3A_406 = arith.constant 16 : index
    %swap3A_407 = tpu.vector_load %arg11[%swap3A_405, %swap3A_406] {strides = array<i32>} : memref<4x128xi32, #tpu.memory_space<vmem>>, vector<16xi32>,
    tpu.vector_store %arg11[%swap3A_405, %swap3A_406], %shift_right_arithmetic3A_403 {strides = array<i32>} : memref<4x128xi32, #tpu.memory_space<vmem>>, vector<16xi32>,
    %get3A_408 = arith.constant 2 : i32
    %get3A_409 = arith.index_cast %get3A_408 : i32 to index
    %get3A_410 = arith.constant 16 : index
    %get3A_411 = tpu.vector_load %arg10[%get3A_409, %get3A_410] {strides = array<i32>} : memref<4x128xi32, #tpu.memory_space<vmem>>, vector<16xi32>,
    %shift_right_arithmetic3A_412 = arith.constant 3 : i32
    %shift_right_arithmetic3A_413 = vector.broadcast %shift_right_arithmetic3A_412 : i32 to vector<16xi32>
    %shift_right_arithmetic3A_414 = arith.shrsi %get3A_411, %shift_right_arithmetic3A_413 : vector<16xi32>
    %swap3A_415 = arith.constant 2 : i32
    %swap3A_416 = arith.index_cast %swap3A_415 : i32 to index
    %swap3A_417 = arith.constant 16 : index
    %swap3A_418 = tpu.vector_load %arg12[%swap3A_416, %swap3A_417] {strides = array<i32>} : memref<4x128xi32, #tpu.memory_space<vmem>>, vector<16xi32>,
    tpu.vector_store %arg12[%swap3A_416, %swap3A_417], %shift_right_arithmetic3A_414 {strides = array<i32>} : memref<4x128xi32, #tpu.memory_space<vmem>>, vector<16xi32>,
    %get3A_419 = arith.constant 2 : i32
    %get3A_420 = arith.index_cast %get3A_419 : i32 to index
    %get3A_421 = arith.constant 32 : index
    %get3A_422 = tpu.vector_load %arg9[%get3A_420, %get3A_421] {strides = array<i32>} : memref<4x128xi32, #tpu.memory_space<vmem>>, vector<16xi32>,
    %shift_right_arithmetic3A_423 = arith.constant 3 : i32
    %shift_right_arithmetic3A_424 = vector.broadcast %shift_right_arithmetic3A_423 : i32 to vector<16xi32>
    %shift_right_arithmetic3A_425 = arith.shrsi %get3A_422, %shift_right_arithmetic3A_424 : vector<16xi32>
    %swap3A_426 = arith.constant 2 : i32
    %swap3A_427 = arith.index_cast %swap3A_426 : i32 to index
    %swap3A_428 = arith.constant 32 : index
    %swap3A_429 = tpu.vector_load %arg11[%swap3A_427, %swap3A_428] {strides = array<i32>} : memref<4x128xi32, #tpu.memory_space<vmem>>, vector<16xi32>,
    tpu.vector_store %arg11[%swap3A_427, %swap3A_428], %shift_right_arithmetic3A_425 {strides = array<i32>} : memref<4x128xi32, #tpu.memory_space<vmem>>, vector<16xi32>,
    %get3A_430 = arith.constant 2 : i32
    %get3A_431 = arith.index_cast %get3A_430 : i32 to index
    %get3A_432 = arith.constant 32 : index
    %get3A_433 = tpu.vector_load %arg10[%get3A_431, %get3A_432] {strides = array<i32>} : memref<4x128xi32, #tpu.memory_space<vmem>>, vector<16xi32>,
    %shift_right_arithmetic3A_434 = arith.constant 3 : i32
    %shift_right_arithmetic3A_435 = vector.broadcast %shift_right_arithmetic3A_434 : i32 to vector<16xi32>
    %shift_right_arithmetic3A_436 = arith.shrsi %get3A_433, %shift_right_arithmetic3A_435 : vector<16xi32>
    %swap3A_437 = arith.constant 2 : i32
    %swap3A_438 = arith.index_cast %swap3A_437 : i32 to index
    %swap3A_439 = arith.constant 32 : index
    %swap3A_440 = tpu.vector_load %arg12[%swap3A_438, %swap3A_439] {strides = array<i32>} : memref<4x128xi32, #tpu.memory_space<vmem>>, vector<16xi32>,
    tpu.vector_store %arg12[%swap3A_438, %swap3A_439], %shift_right_arithmetic3A_436 {strides = array<i32>} : memref<4x128xi32, #tpu.memory_space<vmem>>, vector<16xi32>,
    %get3A_441 = arith.constant 2 : i32
    %get3A_442 = arith.index_cast %get3A_441 : i32 to index
    %get3A_443 = arith.constant 48 : index
    %get3A_444 = tpu.vector_load %arg9[%get3A_442, %get3A_443] {strides = array<i32>} : memref<4x128xi32, #tpu.memory_space<vmem>>, vector<16xi32>,
    %shift_right_arithmetic3A_445 = arith.constant 3 : i32
    %shift_right_arithmetic3A_446 = vector.broadcast %shift_right_arithmetic3A_445 : i32 to vector<16xi32>
    %shift_right_arithmetic3A_447 = arith.shrsi %get3A_444, %shift_right_arithmetic3A_446 : vector<16xi32>
    %swap3A_448 = arith.constant 2 : i32
    %swap3A_449 = arith.index_cast %swap3A_448 : i32 to index
    %swap3A_450 = arith.constant 48 : index
    %swap3A_451 = tpu.vector_load %arg11[%swap3A_449, %swap3A_450] {strides = array<i32>} : memref<4x128xi32, #tpu.memory_space<vmem>>, vector<16xi32>,
    tpu.vector_store %arg11[%swap3A_449, %swap3A_450], %shift_right_arithmetic3A_447 {strides = array<i32>} : memref<4x128xi32, #tpu.memory_space<vmem>>, vector<16xi32>,
    %get3A_452 = arith.constant 2 : i32
    %get3A_453 = arith.index_cast %get3A_452 : i32 to index
    %get3A_454 = arith.constant 48 : index
    %get3A_455 = tpu.vector_load %arg10[%get3A_453, %get3A_454] {strides = array<i32>} : memref<4x128xi32, #tpu.memory_space<vmem>>, vector<16xi32>,
    %shift_right_arithmetic3A_456 = arith.constant 3 : i32
    %shift_right_arithmetic3A_457 = vector.broadcast %shift_right_arithmetic3A_456 : i32 to vector<16xi32>
    %shift_right_arithmetic3A_458 = arith.shrsi %get3A_455, %shift_right_arithmetic3A_457 : vector<16xi32>
    %swap3A_459 = arith.constant 2 : i32
    %swap3A_460 = arith.index_cast %swap3A_459 : i32 to index
    %swap3A_461 = arith.constant 48 : index
    %swap3A_462 = tpu.vector_load %arg12[%swap3A_460, %swap3A_461] {strides = array<i32>} : memref<4x128xi32, #tpu.memory_space<vmem>>, vector<16xi32>,
    tpu.vector_store %arg12[%swap3A_460, %swap3A_461], %shift_right_arithmetic3A_458 {strides = array<i32>} : memref<4x128xi32, #tpu.memory_space<vmem>>, vector<16xi32>,
    %get3A_463 = arith.constant 2 : i32
    %get3A_464 = arith.index_cast %get3A_463 : i32 to index
    %get3A_465 = arith.constant 64 : index
    %get3A_466 = tpu.vector_load %arg9[%get3A_464, %get3A_465] {strides = array<i32>} : memref<4x128xi32, #tpu.memory_space<vmem>>, vector<16xi32>,
    %shift_right_arithmetic3A_467 = arith.constant 3 : i32
    %shift_right_arithmetic3A_468 = vector.broadcast %shift_right_arithmetic3A_467 : i32 to vector<16xi32>
    %shift_right_arithmetic3A_469 = arith.shrsi %get3A_466, %shift_right_arithmetic3A_468 : vector<16xi32>
    %swap3A_470 = arith.constant 2 : i32
    %swap3A_471 = arith.index_cast %swap3A_470 : i32 to index
    %swap3A_472 = arith.constant 64 : index
    %swap3A_473 = tpu.vector_load %arg11[%swap3A_471, %swap3A_472] {strides = array<i32>} : memref<4x128xi32, #tpu.memory_space<vmem>>, vector<16xi32>,
    tpu.vector_store %arg11[%swap3A_471, %swap3A_472], %shift_right_arithmetic3A_469 {strides = array<i32>} : memref<4x128xi32, #tpu.memory_space<vmem>>, vector<16xi32>,
    %get3A_474 = arith.constant 2 : i32
    %get3A_475 = arith.index_cast %get3A_474 : i32 to index
    %get3A_476 = arith.constant 64 : index
    %get3A_477 = tpu.vector_load %arg10[%get3A_475, %get3A_476] {strides = array<i32>} : memref<4x128xi32, #tpu.memory_space<vmem>>, vector<16xi32>,
    %shift_right_arithmetic3A_478 = arith.constant 3 : i32
    %shift_right_arithmetic3A_479 = vector.broadcast %shift_right_arithmetic3A_478 : i32 to vector<16xi32>
    %shift_right_arithmetic3A_480 = arith.shrsi %get3A_477, %shift_right_arithmetic3A_479 : vector<16xi32>
    %swap3A_481 = arith.constant 2 : i32
    %swap3A_482 = arith.index_cast %swap3A_481 : i32 to index
    %swap3A_483 = arith.constant 64 : index
    %swap3A_484 = tpu.vector_load %arg12[%swap3A_482, %swap3A_483] {strides = array<i32>} : memref<4x128xi32, #tpu.memory_space<vmem>>, vector<16xi32>,
    tpu.vector_store %arg12[%swap3A_482, %swap3A_483], %shift_right_arithmetic3A_480 {strides = array<i32>} : memref<4x128xi32, #tpu.memory_space<vmem>>, vector<16xi32>,
    %get3A_485 = arith.constant 2 : i32
    %get3A_486 = arith.index_cast %get3A_485 : i32 to index
    %get3A_487 = arith.constant 80 : index
    %get3A_488 = tpu.vector_load %arg9[%get3A_486, %get3A_487] {strides = array<i32>} : memref<4x128xi32, #tpu.memory_space<vmem>>, vector<16xi32>,
    %shift_right_arithmetic3A_489 = arith.constant 3 : i32
    %shift_right_arithmetic3A_490 = vector.broadcast %shift_right_arithmetic3A_489 : i32 to vector<16xi32>
    %shift_right_arithmetic3A_491 = arith.shrsi %get3A_488, %shift_right_arithmetic3A_490 : vector<16xi32>
    %swap3A_492 = arith.constant 2 : i32
    %swap3A_493 = arith.index_cast %swap3A_492 : i32 to index
    %swap3A_494 = arith.constant 80 : index
    %swap3A_495 = tpu.vector_load %arg11[%swap3A_493, %swap3A_494] {strides = array<i32>} : memref<4x128xi32, #tpu.memory_space<vmem>>, vector<16xi32>,
    tpu.vector_store %arg11[%swap3A_493, %swap3A_494], %shift_right_arithmetic3A_491 {strides = array<i32>} : memref<4x128xi32, #tpu.memory_space<vmem>>, vector<16xi32>,
    %get3A_496 = arith.constant 2 : i32
    %get3A_497 = arith.index_cast %get3A_496 : i32 to index
    %get3A_498 = arith.constant 80 : index
    %get3A_499 = tpu.vector_load %arg10[%get3A_497, %get3A_498] {strides = array<i32>} : memref<4x128xi32, #tpu.memory_space<vmem>>, vector<16xi32>,
    %shift_right_arithmetic3A_500 = arith.constant 3 : i32
    %shift_right_arithmetic3A_501 = vector.broadcast %shift_right_arithmetic3A_500 : i32 to vector<16xi32>
    %shift_right_arithmetic3A_502 = arith.shrsi %get3A_499, %shift_right_arithmetic3A_501 : vector<16xi32>
    %swap3A_503 = arith.constant 2 : i32
    %swap3A_504 = arith.index_cast %swap3A_503 : i32 to index
    %swap3A_505 = arith.constant 80 : index
    %swap3A_506 = tpu.vector_load %arg12[%swap3A_504, %swap3A_505] {strides = array<i32>} : memref<4x128xi32, #tpu.memory_space<vmem>>, vector<16xi32>,
    tpu.vector_store %arg12[%swap3A_504, %swap3A_505], %shift_right_arithmetic3A_502 {strides = array<i32>} : memref<4x128xi32, #tpu.memory_space<vmem>>, vector<16xi32>,
    %get3A_507 = arith.constant 2 : i32
    %get3A_508 = arith.index_cast %get3A_507 : i32 to index
    %get3A_509 = arith.constant 96 : index
    %get3A_510 = tpu.vector_load %arg9[%get3A_508, %get3A_509] {strides = array<i32>} : memref<4x128xi32, #tpu.memory_space<vmem>>, vector<16xi32>,
    %shift_right_arithmetic3A_511 = arith.constant 3 : i32
    %shift_right_arithmetic3A_512 = vector.broadcast %shift_right_arithmetic3A_511 : i32 to vector<16xi32>
    %shift_right_arithmetic3A_513 = arith.shrsi %get3A_510, %shift_right_arithmetic3A_512 : vector<16xi32>
    %swap3A_514 = arith.constant 2 : i32
    %swap3A_515 = arith.index_cast %swap3A_514 : i32 to index
    %swap3A_516 = arith.constant 96 : index
    %swap3A_517 = tpu.vector_load %arg11[%swap3A_515, %swap3A_516] {strides = array<i32>} : memref<4x128xi32, #tpu.memory_space<vmem>>, vector<16xi32>,
    tpu.vector_store %arg11[%swap3A_515, %swap3A_516], %shift_right_arithmetic3A_513 {strides = array<i32>} : memref<4x128xi32, #tpu.memory_space<vmem>>, vector<16xi32>,
    %get3A_518 = arith.constant 2 : i32
    %get3A_519 = arith.index_cast %get3A_518 : i32 to index
    %get3A_520 = arith.constant 96 : index
    %get3A_521 = tpu.vector_load %arg10[%get3A_519, %get3A_520] {strides = array<i32>} : memref<4x128xi32, #tpu.memory_space<vmem>>, vector<16xi32>,
    %shift_right_arithmetic3A_522 = arith.constant 3 : i32
    %shift_right_arithmetic3A_523 = vector.broadcast %shift_right_arithmetic3A_522 : i32 to vector<16xi32>
    %shift_right_arithmetic3A_524 = arith.shrsi %get3A_521, %shift_right_arithmetic3A_523 : vector<16xi32>
    %swap3A_525 = arith.constant 2 : i32
    %swap3A_526 = arith.index_cast %swap3A_525 : i32 to index
    %swap3A_527 = arith.constant 96 : index
    %swap3A_528 = tpu.vector_load %arg12[%swap3A_526, %swap3A_527] {strides = array<i32>} : memref<4x128xi32, #tpu.memory_space<vmem>>, vector<16xi32>,
    tpu.vector_store %arg12[%swap3A_526, %swap3A_527], %shift_right_arithmetic3A_524 {strides = array<i32>} : memref<4x128xi32, #tpu.memory_space<vmem>>, vector<16xi32>,
    %get3A_529 = arith.constant 2 : i32
    %get3A_530 = arith.index_cast %get3A_529 : i32 to index
    %get3A_531 = arith.constant 112 : index
    %get3A_532 = tpu.vector_load %arg9[%get3A_530, %get3A_531] {strides = array<i32>} : memref<4x128xi32, #tpu.memory_space<vmem>>, vector<16xi32>,
    %shift_right_arithmetic3A_533 = arith.constant 3 : i32
    %shift_right_arithmetic3A_534 = vector.broadcast %shift_right_arithmetic3A_533 : i32 to vector<16xi32>
    %shift_right_arithmetic3A_535 = arith.shrsi %get3A_532, %shift_right_arithmetic3A_534 : vector<16xi32>
    %swap3A_536 = arith.constant 2 : i32
    %swap3A_537 = arith.index_cast %swap3A_536 : i32 to index
    %swap3A_538 = arith.constant 112 : index
    %swap3A_539 = tpu.vector_load %arg11[%swap3A_537, %swap3A_538] {strides = array<i32>} : memref<4x128xi32, #tpu.memory_space<vmem>>, vector<16xi32>,
    tpu.vector_store %arg11[%swap3A_537, %swap3A_538], %shift_right_arithmetic3A_535 {strides = array<i32>} : memref<4x128xi32, #tpu.memory_space<vmem>>, vector<16xi32>,
    %get3A_540 = arith.constant 2 : i32
    %get3A_541 = arith.index_cast %get3A_540 : i32 to index
    %get3A_542 = arith.constant 112 : index
    %get3A_543 = tpu.vector_load %arg10[%get3A_541, %get3A_542] {strides = array<i32>} : memref<4x128xi32, #tpu.memory_space<vmem>>, vector<16xi32>,
    %shift_right_arithmetic3A_544 = arith.constant 3 : i32
    %shift_right_arithmetic3A_545 = vector.broadcast %shift_right_arithmetic3A_544 : i32 to vector<16xi32>
    %shift_right_arithmetic3A_546 = arith.shrsi %get3A_543, %shift_right_arithmetic3A_545 : vector<16xi32>
    %swap3A_547 = arith.constant 2 : i32
    %swap3A_548 = arith.index_cast %swap3A_547 : i32 to index
    %swap3A_549 = arith.constant 112 : index
    %swap3A_550 = tpu.vector_load %arg12[%swap3A_548, %swap3A_549] {strides = array<i32>} : memref<4x128xi32, #tpu.memory_space<vmem>>, vector<16xi32>,
    tpu.vector_store %arg12[%swap3A_548, %swap3A_549], %shift_right_arithmetic3A_546 {strides = array<i32>} : memref<4x128xi32, #tpu.memory_space<vmem>>, vector<16xi32>,
    %get3A_551 = arith.constant 3 : i32
    %get3A_552 = arith.index_cast %get3A_551 : i32 to index
    %get3A_553 = arith.constant 0 : index
    %get3A_554 = tpu.vector_load %arg9[%get3A_552, %get3A_553] {strides = array<i32>} : memref<4x128xi32, #tpu.memory_space<vmem>>, vector<16xi32>,
    %shift_right_arithmetic3A_555 = arith.constant 3 : i32
    %shift_right_arithmetic3A_556 = vector.broadcast %shift_right_arithmetic3A_555 : i32 to vector<16xi32>
    %shift_right_arithmetic3A_557 = arith.shrsi %get3A_554, %shift_right_arithmetic3A_556 : vector<16xi32>
    %swap3A_558 = arith.constant 3 : i32
    %swap3A_559 = arith.index_cast %swap3A_558 : i32 to index
    %swap3A_560 = arith.constant 0 : index
    %swap3A_561 = tpu.vector_load %arg11[%swap3A_559, %swap3A_560] {strides = array<i32>} : memref<4x128xi32, #tpu.memory_space<vmem>>, vector<16xi32>,
    tpu.vector_store %arg11[%swap3A_559, %swap3A_560], %shift_right_arithmetic3A_557 {strides = array<i32>} : memref<4x128xi32, #tpu.memory_space<vmem>>, vector<16xi32>,
    %get3A_562 = arith.constant 3 : i32
    %get3A_563 = arith.index_cast %get3A_562 : i32 to index
    %get3A_564 = arith.constant 0 : index
    %get3A_565 = tpu.vector_load %arg10[%get3A_563, %get3A_564] {strides = array<i32>} : memref<4x128xi32, #tpu.memory_space<vmem>>, vector<16xi32>,
    %shift_right_arithmetic3A_566 = arith.constant 3 : i32
    %shift_right_arithmetic3A_567 = vector.broadcast %shift_right_arithmetic3A_566 : i32 to vector<16xi32>
    %shift_right_arithmetic3A_568 = arith.shrsi %get3A_565, %shift_right_arithmetic3A_567 : vector<16xi32>
    %swap3A_569 = arith.constant 3 : i32
    %swap3A_570 = arith.index_cast %swap3A_569 : i32 to index
    %swap3A_571 = arith.constant 0 : index
    %swap3A_572 = tpu.vector_load %arg12[%swap3A_570, %swap3A_571] {strides = array<i32>} : memref<4x128xi32, #tpu.memory_space<vmem>>, vector<16xi32>,
    tpu.vector_store %arg12[%swap3A_570, %swap3A_571], %shift_right_arithmetic3A_568 {strides = array<i32>} : memref<4x128xi32, #tpu.memory_space<vmem>>, vector<16xi32>,
    %get3A_573 = arith.constant 3 : i32
    %get3A_574 = arith.index_cast %get3A_573 : i32 to index
    %get3A_575 = arith.constant 16 : index
    %get3A_576 = tpu.vector_load %arg9[%get3A_574, %get3A_575] {strides = array<i32>} : memref<4x128xi32, #tpu.memory_space<vmem>>, vector<16xi32>,
    %shift_right_arithmetic3A_577 = arith.constant 3 : i32
    %shift_right_arithmetic3A_578 = vector.broadcast %shift_right_arithmetic3A_577 : i32 to vector<16xi32>
    %shift_right_arithmetic3A_579 = arith.shrsi %get3A_576, %shift_right_arithmetic3A_578 : vector<16xi32>
    %swap3A_580 = arith.constant 3 : i32
    %swap3A_581 = arith.index_cast %swap3A_580 : i32 to index
    %swap3A_582 = arith.constant 16 : index
    %swap3A_583 = tpu.vector_load %arg11[%swap3A_581, %swap3A_582] {strides = array<i32>} : memref<4x128xi32, #tpu.memory_space<vmem>>, vector<16xi32>,
    tpu.vector_store %arg11[%swap3A_581, %swap3A_582], %shift_right_arithmetic3A_579 {strides = array<i32>} : memref<4x128xi32, #tpu.memory_space<vmem>>, vector<16xi32>,
    %get3A_584 = arith.constant 3 : i32
    %get3A_585 = arith.index_cast %get3A_584 : i32 to index
    %get3A_586 = arith.constant 16 : index
    %get3A_587 = tpu.vector_load %arg10[%get3A_585, %get3A_586] {strides = array<i32>} : memref<4x128xi32, #tpu.memory_space<vmem>>, vector<16xi32>,
    %shift_right_arithmetic3A_588 = arith.constant 3 : i32
    %shift_right_arithmetic3A_589 = vector.broadcast %shift_right_arithmetic3A_588 : i32 to vector<16xi32>
    %shift_right_arithmetic3A_590 = arith.shrsi %get3A_587, %shift_right_arithmetic3A_589 : vector<16xi32>
    %swap3A_591 = arith.constant 3 : i32
    %swap3A_592 = arith.index_cast %swap3A_591 : i32 to index
    %swap3A_593 = arith.constant 16 : index
    %swap3A_594 = tpu.vector_load %arg12[%swap3A_592, %swap3A_593] {strides = array<i32>} : memref<4x128xi32, #tpu.memory_space<vmem>>, vector<16xi32>,
    tpu.vector_store %arg12[%swap3A_592, %swap3A_593], %shift_right_arithmetic3A_590 {strides = array<i32>} : memref<4x128xi32, #tpu.memory_space<vmem>>, vector<16xi32>,
    %get3A_595 = arith.constant 3 : i32
    %get3A_596 = arith.index_cast %get3A_595 : i32 to index
    %get3A_597 = arith.constant 32 : index
    %get3A_598 = tpu.vector_load %arg9[%get3A_596, %get3A_597] {strides = array<i32>} : memref<4x128xi32, #tpu.memory_space<vmem>>, vector<16xi32>,
    %shift_right_arithmetic3A_599 = arith.constant 3 : i32
    %shift_right_arithmetic3A_600 = vector.broadcast %shift_right_arithmetic3A_599 : i32 to vector<16xi32>
    %shift_right_arithmetic3A_601 = arith.shrsi %get3A_598, %shift_right_arithmetic3A_600 : vector<16xi32>
    %swap3A_602 = arith.constant 3 : i32
    %swap3A_603 = arith.index_cast %swap3A_602 : i32 to index
    %swap3A_604 = arith.constant 32 : index
    %swap3A_605 = tpu.vector_load %arg11[%swap3A_603, %swap3A_604] {strides = array<i32>} : memref<4x128xi32, #tpu.memory_space<vmem>>, vector<16xi32>,
    tpu.vector_store %arg11[%swap3A_603, %swap3A_604], %shift_right_arithmetic3A_601 {strides = array<i32>} : memref<4x128xi32, #tpu.memory_space<vmem>>, vector<16xi32>,
    %get3A_606 = arith.constant 3 : i32
    %get3A_607 = arith.index_cast %get3A_606 : i32 to index
    %get3A_608 = arith.constant 32 : index
    %get3A_609 = tpu.vector_load %arg10[%get3A_607, %get3A_608] {strides = array<i32>} : memref<4x128xi32, #tpu.memory_space<vmem>>, vector<16xi32>,
    %shift_right_arithmetic3A_610 = arith.constant 3 : i32
    %shift_right_arithmetic3A_611 = vector.broadcast %shift_right_arithmetic3A_610 : i32 to vector<16xi32>
    %shift_right_arithmetic3A_612 = arith.shrsi %get3A_609, %shift_right_arithmetic3A_611 : vector<16xi32>
    %swap3A_613 = arith.constant 3 : i32
    %swap3A_614 = arith.index_cast %swap3A_613 : i32 to index
    %swap3A_615 = arith.constant 32 : index
    %swap3A_616 = tpu.vector_load %arg12[%swap3A_614, %swap3A_615] {strides = array<i32>} : memref<4x128xi32, #tpu.memory_space<vmem>>, vector<16xi32>,
    tpu.vector_store %arg12[%swap3A_614, %swap3A_615], %shift_right_arithmetic3A_612 {strides = array<i32>} : memref<4x128xi32, #tpu.memory_space<vmem>>, vector<16xi32>,
    %get3A_617 = arith.constant 3 : i32
    %get3A_618 = arith.index_cast %get3A_617 : i32 to index
    %get3A_619 = arith.constant 48 : index
    %get3A_620 = tpu.vector_load %arg9[%get3A_618, %get3A_619] {strides = array<i32>} : memref<4x128xi32, #tpu.memory_space<vmem>>, vector<16xi32>,
    %shift_right_arithmetic3A_621 = arith.constant 3 : i32
    %shift_right_arithmetic3A_622 = vector.broadcast %shift_right_arithmetic3A_621 : i32 to vector<16xi32>
    %shift_right_arithmetic3A_623 = arith.shrsi %get3A_620, %shift_right_arithmetic3A_622 : vector<16xi32>
    %swap3A_624 = arith.constant 3 : i32
    %swap3A_625 = arith.index_cast %swap3A_624 : i32 to index
    %swap3A_626 = arith.constant 48 : index
    %swap3A_627 = tpu.vector_load %arg11[%swap3A_625, %swap3A_626] {strides = array<i32>} : memref<4x128xi32, #tpu.memory_space<vmem>>, vector<16xi32>,
    tpu.vector_store %arg11[%swap3A_625, %swap3A_626], %shift_right_arithmetic3A_623 {strides = array<i32>} : memref<4x128xi32, #tpu.memory_space<vmem>>, vector<16xi32>,
    %get3A_628 = arith.constant 3 : i32
    %get3A_629 = arith.index_cast %get3A_628 : i32 to index
    %get3A_630 = arith.constant 48 : index
    %get3A_631 = tpu.vector_load %arg10[%get3A_629, %get3A_630] {strides = array<i32>} : memref<4x128xi32, #tpu.memory_space<vmem>>, vector<16xi32>,
    %shift_right_arithmetic3A_632 = arith.constant 3 : i32
    %shift_right_arithmetic3A_633 = vector.broadcast %shift_right_arithmetic3A_632 : i32 to vector<16xi32>
    %shift_right_arithmetic3A_634 = arith.shrsi %get3A_631, %shift_right_arithmetic3A_633 : vector<16xi32>
    %swap3A_635 = arith.constant 3 : i32
    %swap3A_636 = arith.index_cast %swap3A_635 : i32 to index
    %swap3A_637 = arith.constant 48 : index
    %swap3A_638 = tpu.vector_load %arg12[%swap3A_636, %swap3A_637] {strides = array<i32>} : memref<4x128xi32, #tpu.memory_space<vmem>>, vector<16xi32>,
    tpu.vector_store %arg12[%swap3A_636, %swap3A_637], %shift_right_arithmetic3A_634 {strides = array<i32>} : memref<4x128xi32, #tpu.memory_space<vmem>>, vector<16xi32>,
    %get3A_639 = arith.constant 3 : i32
    %get3A_640 = arith.index_cast %get3A_639 : i32 to index
    %get3A_641 = arith.constant 64 : index
    %get3A_642 = tpu.vector_load %arg9[%get3A_640, %get3A_641] {strides = array<i32>} : memref<4x128xi32, #tpu.memory_space<vmem>>, vector<16xi32>,
    %shift_right_arithmetic3A_643 = arith.constant 3 : i32
    %shift_right_arithmetic3A_644 = vector.broadcast %shift_right_arithmetic3A_643 : i32 to vector<16xi32>
    %shift_right_arithmetic3A_645 = arith.shrsi %get3A_642, %shift_right_arithmetic3A_644 : vector<16xi32>
    %swap3A_646 = arith.constant 3 : i32
    %swap3A_647 = arith.index_cast %swap3A_646 : i32 to index
    %swap3A_648 = arith.constant 64 : index
    %swap3A_649 = tpu.vector_load %arg11[%swap3A_647, %swap3A_648] {strides = array<i32>} : memref<4x128xi32, #tpu.memory_space<vmem>>, vector<16xi32>,
    tpu.vector_store %arg11[%swap3A_647, %swap3A_648], %shift_right_arithmetic3A_645 {strides = array<i32>} : memref<4x128xi32, #tpu.memory_space<vmem>>, vector<16xi32>,
    %get3A_650 = arith.constant 3 : i32
    %get3A_651 = arith.index_cast %get3A_650 : i32 to index
    %get3A_652 = arith.constant 64 : index
    %get3A_653 = tpu.vector_load %arg10[%get3A_651, %get3A_652] {strides = array<i32>} : memref<4x128xi32, #tpu.memory_space<vmem>>, vector<16xi32>,
    %shift_right_arithmetic3A_654 = arith.constant 3 : i32
    %shift_right_arithmetic3A_655 = vector.broadcast %shift_right_arithmetic3A_654 : i32 to vector<16xi32>
    %shift_right_arithmetic3A_656 = arith.shrsi %get3A_653, %shift_right_arithmetic3A_655 : vector<16xi32>
    %swap3A_657 = arith.constant 3 : i32
    %swap3A_658 = arith.index_cast %swap3A_657 : i32 to index
    %swap3A_659 = arith.constant 64 : index
    %swap3A_660 = tpu.vector_load %arg12[%swap3A_658, %swap3A_659] {strides = array<i32>} : memref<4x128xi32, #tpu.memory_space<vmem>>, vector<16xi32>,
    tpu.vector_store %arg12[%swap3A_658, %swap3A_659], %shift_right_arithmetic3A_656 {strides = array<i32>} : memref<4x128xi32, #tpu.memory_space<vmem>>, vector<16xi32>,
    %get3A_661 = arith.constant 3 : i32
    %get3A_662 = arith.index_cast %get3A_661 : i32 to index
    %get3A_663 = arith.constant 80 : index
    %get3A_664 = tpu.vector_load %arg9[%get3A_662, %get3A_663] {strides = array<i32>} : memref<4x128xi32, #tpu.memory_space<vmem>>, vector<16xi32>,
    %shift_right_arithmetic3A_665 = arith.constant 3 : i32
    %shift_right_arithmetic3A_666 = vector.broadcast %shift_right_arithmetic3A_665 : i32 to vector<16xi32>
    %shift_right_arithmetic3A_667 = arith.shrsi %get3A_664, %shift_right_arithmetic3A_666 : vector<16xi32>
    %swap3A_668 = arith.constant 3 : i32
    %swap3A_669 = arith.index_cast %swap3A_668 : i32 to index
    %swap3A_670 = arith.constant 80 : index
    %swap3A_671 = tpu.vector_load %arg11[%swap3A_669, %swap3A_670] {strides = array<i32>} : memref<4x128xi32, #tpu.memory_space<vmem>>, vector<16xi32>,
    tpu.vector_store %arg11[%swap3A_669, %swap3A_670], %shift_right_arithmetic3A_667 {strides = array<i32>} : memref<4x128xi32, #tpu.memory_space<vmem>>, vector<16xi32>,
    %get3A_672 = arith.constant 3 : i32
    %get3A_673 = arith.index_cast %get3A_672 : i32 to index
    %get3A_674 = arith.constant 80 : index
    %get3A_675 = tpu.vector_load %arg10[%get3A_673, %get3A_674] {strides = array<i32>} : memref<4x128xi32, #tpu.memory_space<vmem>>, vector<16xi32>,
    %shift_right_arithmetic3A_676 = arith.constant 3 : i32
    %shift_right_arithmetic3A_677 = vector.broadcast %shift_right_arithmetic3A_676 : i32 to vector<16xi32>
    %shift_right_arithmetic3A_678 = arith.shrsi %get3A_675, %shift_right_arithmetic3A_677 : vector<16xi32>
    %swap3A_679 = arith.constant 3 : i32
    %swap3A_680 = arith.index_cast %swap3A_679 : i32 to index
    %swap3A_681 = arith.constant 80 : index
    %swap3A_682 = tpu.vector_load %arg12[%swap3A_680, %swap3A_681] {strides = array<i32>} : memref<4x128xi32, #tpu.memory_space<vmem>>, vector<16xi32>,
    tpu.vector_store %arg12[%swap3A_680, %swap3A_681], %shift_right_arithmetic3A_678 {strides = array<i32>} : memref<4x128xi32, #tpu.memory_space<vmem>>, vector<16xi32>,
    %get3A_683 = arith.constant 3 : i32
    %get3A_684 = arith.index_cast %get3A_683 : i32 to index
    %get3A_685 = arith.constant 96 : index
    %get3A_686 = tpu.vector_load %arg9[%get3A_684, %get3A_685] {strides = array<i32>} : memref<4x128xi32, #tpu.memory_space<vmem>>, vector<16xi32>,
    %shift_right_arithmetic3A_687 = arith.constant 3 : i32
    %shift_right_arithmetic3A_688 = vector.broadcast %shift_right_arithmetic3A_687 : i32 to vector<16xi32>
    %shift_right_arithmetic3A_689 = arith.shrsi %get3A_686, %shift_right_arithmetic3A_688 : vector<16xi32>
    %swap3A_690 = arith.constant 3 : i32
    %swap3A_691 = arith.index_cast %swap3A_690 : i32 to index
    %swap3A_692 = arith.constant 96 : index
    %swap3A_693 = tpu.vector_load %arg11[%swap3A_691, %swap3A_692] {strides = array<i32>} : memref<4x128xi32, #tpu.memory_space<vmem>>, vector<16xi32>,
    tpu.vector_store %arg11[%swap3A_691, %swap3A_692], %shift_right_arithmetic3A_689 {strides = array<i32>} : memref<4x128xi32, #tpu.memory_space<vmem>>, vector<16xi32>,
    %get3A_694 = arith.constant 3 : i32
    %get3A_695 = arith.index_cast %get3A_694 : i32 to index
    %get3A_696 = arith.constant 96 : index
    %get3A_697 = tpu.vector_load %arg10[%get3A_695, %get3A_696] {strides = array<i32>} : memref<4x128xi32, #tpu.memory_space<vmem>>, vector<16xi32>,
    %shift_right_arithmetic3A_698 = arith.constant 3 : i32
    %shift_right_arithmetic3A_699 = vector.broadcast %shift_right_arithmetic3A_698 : i32 to vector<16xi32>
    %shift_right_arithmetic3A_700 = arith.shrsi %get3A_697, %shift_right_arithmetic3A_699 : vector<16xi32>
    %swap3A_701 = arith.constant 3 : i32
    %swap3A_702 = arith.index_cast %swap3A_701 : i32 to index
    %swap3A_703 = arith.constant 96 : index
    %swap3A_704 = tpu.vector_load %arg12[%swap3A_702, %swap3A_703] {strides = array<i32>} : memref<4x128xi32, #tpu.memory_space<vmem>>, vector<16xi32>,
    tpu.vector_store %arg12[%swap3A_702, %swap3A_703], %shift_right_arithmetic3A_700 {strides = array<i32>} : memref<4x128xi32, #tpu.memory_space<vmem>>, vector<16xi32>,
    %get3A_705 = arith.constant 3 : i32
    %get3A_706 = arith.index_cast %get3A_705 : i32 to index
    %get3A_707 = arith.constant 112 : index
    %get3A_708 = tpu.vector_load %arg9[%get3A_706, %get3A_707] {strides = array<i32>} : memref<4x128xi32, #tpu.memory_space<vmem>>, vector<16xi32>,
    %shift_right_arithmetic3A_709 = arith.constant 3 : i32
    %shift_right_arithmetic3A_710 = vector.broadcast %shift_right_arithmetic3A_709 : i32 to vector<16xi32>
    %shift_right_arithmetic3A_711 = arith.shrsi %get3A_708, %shift_right_arithmetic3A_710 : vector<16xi32>
    %swap3A_712 = arith.constant 3 : i32
    %swap3A_713 = arith.index_cast %swap3A_712 : i32 to index
    %swap3A_714 = arith.constant 112 : index
    %swap3A_715 = tpu.vector_load %arg11[%swap3A_713, %swap3A_714] {strides = array<i32>} : memref<4x128xi32, #tpu.memory_space<vmem>>, vector<16xi32>,
    tpu.vector_store %arg11[%swap3A_713, %swap3A_714], %shift_right_arithmetic3A_711 {strides = array<i32>} : memref<4x128xi32, #tpu.memory_space<vmem>>, vector<16xi32>,
    %get3A_716 = arith.constant 3 : i32
    %get3A_717 = arith.index_cast %get3A_716 : i32 to index
    %get3A_718 = arith.constant 112 : index
    %get3A_719 = tpu.vector_load %arg10[%get3A_717, %get3A_718] {strides = array<i32>} : memref<4x128xi32, #tpu.memory_space<vmem>>, vector<16xi32>,
    %shift_right_arithmetic3A_720 = arith.constant 3 : i32
    %shift_right_arithmetic3A_721 = vector.broadcast %shift_right_arithmetic3A_720 : i32 to vector<16xi32>
    %shift_right_arithmetic3A_722 = arith.shrsi %get3A_719, %shift_right_arithmetic3A_721 : vector<16xi32>
    %swap3A_723 = arith.constant 3 : i32
    %swap3A_724 = arith.index_cast %swap3A_723 : i32 to index
    %swap3A_725 = arith.constant 112 : index
    %swap3A_726 = tpu.vector_load %arg12[%swap3A_724, %swap3A_725] {strides = array<i32>} : memref<4x128xi32, #tpu.memory_space<vmem>>, vector<16xi32>,
    tpu.vector_store %arg12[%swap3A_724, %swap3A_725], %shift_right_arithmetic3A_722 {strides = array<i32>} : memref<4x128xi32, #tpu.memory_space<vmem>>, vector<16xi32>,
    %dma_start3A = arith.constant 0 : i32
    %dma_start3A_727 = arith.constant 0 : i32
    %dma_start3A_728 = arith.constant 0 : i32
    %dma_start3A_729 = tpu.memref_slice %arg15[%dma_start3A_727, %dma_start3A_728] : memref<4x128xf32, #tpu.memory_space<vmem>> -> memref<1x128xf32, #tpu.memory_space<vmem>>
    %dma_start3A_730 = tpu.memref_squeeze %dma_start3A_729 : memref<1x128xf32, #tpu.memory_space<vmem>> -> memref<128xf32, #tpu.memory_space<vmem>>
    %dma_start3A_731 = arith.constant 0 : i32
    %dma_start3A_732 = tpu.memref_slice %arg9[%dma_start3A, %dma_start3A_731] : memref<4x128xi32, #tpu.memory_space<vmem>> -> memref<1x128xi32, #tpu.memory_space<vmem>>
    %dma_start3A_733 = tpu.memref_squeeze %dma_start3A_732 : memref<1x128xi32, #tpu.memory_space<vmem>> -> memref<128xi32, #tpu.memory_space<vmem>>
    %dma_start3A_734 = arith.constant 0 : i32
    %dma_start3A_735 = tpu.memref_slice %arg6[%dma_start3A_734] : memref<1000000xf32, #tpu.memory_space<hbm>> -> memref<1000000xf32, #tpu.memory_space<hbm>>
    tpu.enqueue_indirect_dma source(%dma_start3A_735 : memref<1000000xf32, #tpu.memory_space<hbm>>) target(%dma_start3A_730 : memref<128xf32, #tpu.memory_space<vmem>>) offsets(%dma_start3A_733 : memref<128xi32, #tpu.memory_space<vmem>>) semaphore(%arg18 : memref<!tpu.dma_semaphore, #tpu.memory_space<semaphore_mem>>)
    %dma_start3A_736 = arith.constant 0 : i32
    %dma_start3A_737 = arith.constant 0 : i32
    %dma_start3A_738 = arith.constant 0 : i32
    %dma_start3A_739 = tpu.memref_slice %arg16[%dma_start3A_737, %dma_start3A_738] : memref<4x128xf32, #tpu.memory_space<vmem>> -> memref<1x128xf32, #tpu.memory_space<vmem>>
    %dma_start3A_740 = tpu.memref_squeeze %dma_start3A_739 : memref<1x128xf32, #tpu.memory_space<vmem>> -> memref<128xf32, #tpu.memory_space<vmem>>
    %dma_start3A_741 = arith.constant 0 : i32
    %dma_start3A_742 = tpu.memref_slice %arg10[%dma_start3A_736, %dma_start3A_741] : memref<4x128xi32, #tpu.memory_space<vmem>> -> memref<1x128xi32, #tpu.memory_space<vmem>>
    %dma_start3A_743 = tpu.memref_squeeze %dma_start3A_742 : memref<1x128xi32, #tpu.memory_space<vmem>> -> memref<128xi32, #tpu.memory_space<vmem>>
    %dma_start3A_744 = arith.constant 0 : i32
    %dma_start3A_745 = tpu.memref_slice %arg7[%dma_start3A_744] : memref<100000xf32, #tpu.memory_space<hbm>> -> memref<100000xf32, #tpu.memory_space<hbm>>
    tpu.enqueue_indirect_dma source(%dma_start3A_745 : memref<100000xf32, #tpu.memory_space<hbm>>) target(%dma_start3A_740 : memref<128xf32, #tpu.memory_space<vmem>>) offsets(%dma_start3A_743 : memref<128xi32, #tpu.memory_space<vmem>>) semaphore(%arg18 : memref<!tpu.dma_semaphore, #tpu.memory_space<semaphore_mem>>)
    %dma_start3A_746 = arith.constant 1 : i32
    %dma_start3A_747 = arith.constant 1 : i32
    %dma_start3A_748 = arith.constant 0 : i32
    %dma_start3A_749 = tpu.memref_slice %arg15[%dma_start3A_747, %dma_start3A_748] : memref<4x128xf32, #tpu.memory_space<vmem>> -> memref<1x128xf32, #tpu.memory_space<vmem>>
    %dma_start3A_750 = tpu.memref_squeeze %dma_start3A_749 : memref<1x128xf32, #tpu.memory_space<vmem>> -> memref<128xf32, #tpu.memory_space<vmem>>
    %dma_start3A_751 = arith.constant 0 : i32
    %dma_start3A_752 = tpu.memref_slice %arg9[%dma_start3A_746, %dma_start3A_751] : memref<4x128xi32, #tpu.memory_space<vmem>> -> memref<1x128xi32, #tpu.memory_space<vmem>>
    %dma_start3A_753 = tpu.memref_squeeze %dma_start3A_752 : memref<1x128xi32, #tpu.memory_space<vmem>> -> memref<128xi32, #tpu.memory_space<vmem>>
    %dma_start3A_754 = arith.constant 0 : i32
    %dma_start3A_755 = tpu.memref_slice %arg6[%dma_start3A_754] : memref<1000000xf32, #tpu.memory_space<hbm>> -> memref<1000000xf32, #tpu.memory_space<hbm>>
    tpu.enqueue_indirect_dma source(%dma_start3A_755 : memref<1000000xf32, #tpu.memory_space<hbm>>) target(%dma_start3A_750 : memref<128xf32, #tpu.memory_space<vmem>>) offsets(%dma_start3A_753 : memref<128xi32, #tpu.memory_space<vmem>>) semaphore(%arg18 : memref<!tpu.dma_semaphore, #tpu.memory_space<semaphore_mem>>)
    %dma_start3A_756 = arith.constant 1 : i32
    %dma_start3A_757 = arith.constant 1 : i32
    %dma_start3A_758 = arith.constant 0 : i32
    %dma_start3A_759 = tpu.memref_slice %arg16[%dma_start3A_757, %dma_start3A_758] : memref<4x128xf32, #tpu.memory_space<vmem>> -> memref<1x128xf32, #tpu.memory_space<vmem>>
    %dma_start3A_760 = tpu.memref_squeeze %dma_start3A_759 : memref<1x128xf32, #tpu.memory_space<vmem>> -> memref<128xf32, #tpu.memory_space<vmem>>
    %dma_start3A_761 = arith.constant 0 : i32
    %dma_start3A_762 = tpu.memref_slice %arg10[%dma_start3A_756, %dma_start3A_761] : memref<4x128xi32, #tpu.memory_space<vmem>> -> memref<1x128xi32, #tpu.memory_space<vmem>>
    %dma_start3A_763 = tpu.memref_squeeze %dma_start3A_762 : memref<1x128xi32, #tpu.memory_space<vmem>> -> memref<128xi32, #tpu.memory_space<vmem>>
    %dma_start3A_764 = arith.constant 0 : i32
    %dma_start3A_765 = tpu.memref_slice %arg7[%dma_start3A_764] : memref<100000xf32, #tpu.memory_space<hbm>> -> memref<100000xf32, #tpu.memory_space<hbm>>
    tpu.enqueue_indirect_dma source(%dma_start3A_765 : memref<100000xf32, #tpu.memory_space<hbm>>) target(%dma_start3A_760 : memref<128xf32, #tpu.memory_space<vmem>>) offsets(%dma_start3A_763 : memref<128xi32, #tpu.memory_space<vmem>>) semaphore(%arg18 : memref<!tpu.dma_semaphore, #tpu.memory_space<semaphore_mem>>)
    %dma_start3A_766 = arith.constant 2 : i32
    %dma_start3A_767 = arith.constant 2 : i32
    %dma_start3A_768 = arith.constant 0 : i32
    %dma_start3A_769 = tpu.memref_slice %arg15[%dma_start3A_767, %dma_start3A_768] : memref<4x128xf32, #tpu.memory_space<vmem>> -> memref<1x128xf32, #tpu.memory_space<vmem>>
    %dma_start3A_770 = tpu.memref_squeeze %dma_start3A_769 : memref<1x128xf32, #tpu.memory_space<vmem>> -> memref<128xf32, #tpu.memory_space<vmem>>
    %dma_start3A_771 = arith.constant 0 : i32
    %dma_start3A_772 = tpu.memref_slice %arg9[%dma_start3A_766, %dma_start3A_771] : memref<4x128xi32, #tpu.memory_space<vmem>> -> memref<1x128xi32, #tpu.memory_space<vmem>>
    %dma_start3A_773 = tpu.memref_squeeze %dma_start3A_772 : memref<1x128xi32, #tpu.memory_space<vmem>> -> memref<128xi32, #tpu.memory_space<vmem>>
    %dma_start3A_774 = arith.constant 0 : i32
    %dma_start3A_775 = tpu.memref_slice %arg6[%dma_start3A_774] : memref<1000000xf32, #tpu.memory_space<hbm>> -> memref<1000000xf32, #tpu.memory_space<hbm>>
    tpu.enqueue_indirect_dma source(%dma_start3A_775 : memref<1000000xf32, #tpu.memory_space<hbm>>) target(%dma_start3A_770 : memref<128xf32, #tpu.memory_space<vmem>>) offsets(%dma_start3A_773 : memref<128xi32, #tpu.memory_space<vmem>>) semaphore(%arg18 : memref<!tpu.dma_semaphore, #tpu.memory_space<semaphore_mem>>)
    %dma_start3A_776 = arith.constant 2 : i32
    %dma_start3A_777 = arith.constant 2 : i32
    %dma_start3A_778 = arith.constant 0 : i32
    %dma_start3A_779 = tpu.memref_slice %arg16[%dma_start3A_777, %dma_start3A_778] : memref<4x128xf32, #tpu.memory_space<vmem>> -> memref<1x128xf32, #tpu.memory_space<vmem>>
    %dma_start3A_780 = tpu.memref_squeeze %dma_start3A_779 : memref<1x128xf32, #tpu.memory_space<vmem>> -> memref<128xf32, #tpu.memory_space<vmem>>
    %dma_start3A_781 = arith.constant 0 : i32
    %dma_start3A_782 = tpu.memref_slice %arg10[%dma_start3A_776, %dma_start3A_781] : memref<4x128xi32, #tpu.memory_space<vmem>> -> memref<1x128xi32, #tpu.memory_space<vmem>>
    %dma_start3A_783 = tpu.memref_squeeze %dma_start3A_782 : memref<1x128xi32, #tpu.memory_space<vmem>> -> memref<128xi32, #tpu.memory_space<vmem>>
    %dma_start3A_784 = arith.constant 0 : i32
    %dma_start3A_785 = tpu.memref_slice %arg7[%dma_start3A_784] : memref<100000xf32, #tpu.memory_space<hbm>> -> memref<100000xf32, #tpu.memory_space<hbm>>
    tpu.enqueue_indirect_dma source(%dma_start3A_785 : memref<100000xf32, #tpu.memory_space<hbm>>) target(%dma_start3A_780 : memref<128xf32, #tpu.memory_space<vmem>>) offsets(%dma_start3A_783 : memref<128xi32, #tpu.memory_space<vmem>>) semaphore(%arg18 : memref<!tpu.dma_semaphore, #tpu.memory_space<semaphore_mem>>)
    %dma_start3A_786 = arith.constant 3 : i32
    %dma_start3A_787 = arith.constant 3 : i32
    %dma_start3A_788 = arith.constant 0 : i32
    %dma_start3A_789 = tpu.memref_slice %arg15[%dma_start3A_787, %dma_start3A_788] : memref<4x128xf32, #tpu.memory_space<vmem>> -> memref<1x128xf32, #tpu.memory_space<vmem>>
    %dma_start3A_790 = tpu.memref_squeeze %dma_start3A_789 : memref<1x128xf32, #tpu.memory_space<vmem>> -> memref<128xf32, #tpu.memory_space<vmem>>
    %dma_start3A_791 = arith.constant 0 : i32
    %dma_start3A_792 = tpu.memref_slice %arg9[%dma_start3A_786, %dma_start3A_791] : memref<4x128xi32, #tpu.memory_space<vmem>> -> memref<1x128xi32, #tpu.memory_space<vmem>>
    %dma_start3A_793 = tpu.memref_squeeze %dma_start3A_792 : memref<1x128xi32, #tpu.memory_space<vmem>> -> memref<128xi32, #tpu.memory_space<vmem>>
    %dma_start3A_794 = arith.constant 0 : i32
    %dma_start3A_795 = tpu.memref_slice %arg6[%dma_start3A_794] : memref<1000000xf32, #tpu.memory_space<hbm>> -> memref<1000000xf32, #tpu.memory_space<hbm>>
    tpu.enqueue_indirect_dma source(%dma_start3A_795 : memref<1000000xf32, #tpu.memory_space<hbm>>) target(%dma_start3A_790 : memref<128xf32, #tpu.memory_space<vmem>>) offsets(%dma_start3A_793 : memref<128xi32, #tpu.memory_space<vmem>>) semaphore(%arg18 : memref<!tpu.dma_semaphore, #tpu.memory_space<semaphore_mem>>)
    %dma_start3A_796 = arith.constant 3 : i32
    %dma_start3A_797 = arith.constant 3 : i32
    %dma_start3A_798 = arith.constant 0 : i32
    %dma_start3A_799 = tpu.memref_slice %arg16[%dma_start3A_797, %dma_start3A_798] : memref<4x128xf32, #tpu.memory_space<vmem>> -> memref<1x128xf32, #tpu.memory_space<vmem>>
    %dma_start3A_800 = tpu.memref_squeeze %dma_start3A_799 : memref<1x128xf32, #tpu.memory_space<vmem>> -> memref<128xf32, #tpu.memory_space<vmem>>
    %dma_start3A_801 = arith.constant 0 : i32
    %dma_start3A_802 = tpu.memref_slice %arg10[%dma_start3A_796, %dma_start3A_801] : memref<4x128xi32, #tpu.memory_space<vmem>> -> memref<1x128xi32, #tpu.memory_space<vmem>>
    %dma_start3A_803 = tpu.memref_squeeze %dma_start3A_802 : memref<1x128xi32, #tpu.memory_space<vmem>> -> memref<128xi32, #tpu.memory_space<vmem>>
    %dma_start3A_804 = arith.constant 0 : i32
    %dma_start3A_805 = tpu.memref_slice %arg7[%dma_start3A_804] : memref<100000xf32, #tpu.memory_space<hbm>> -> memref<100000xf32, #tpu.memory_space<hbm>>
    tpu.enqueue_indirect_dma source(%dma_start3A_805 : memref<100000xf32, #tpu.memory_space<hbm>>) target(%dma_start3A_800 : memref<128xf32, #tpu.memory_space<vmem>>) offsets(%dma_start3A_803 : memref<128xi32, #tpu.memory_space<vmem>>) semaphore(%arg18 : memref<!tpu.dma_semaphore, #tpu.memory_space<semaphore_mem>>)
    %dma_wait3A = arith.constant 0 : i32
    %dma_wait3A_806 = arith.constant 0 : i32
    %dma_wait3A_807 = arith.constant 0 : i32
    %dma_wait3A_808 = tpu.memref_slice %arg15[%dma_wait3A_806, %dma_wait3A_807] : memref<4x128xf32, #tpu.memory_space<vmem>> -> memref<1x128xf32, #tpu.memory_space<vmem>>
    %dma_wait3A_809 = tpu.memref_squeeze %dma_wait3A_808 : memref<1x128xf32, #tpu.memory_space<vmem>> -> memref<128xf32, #tpu.memory_space<vmem>>
    %dma_wait3A_810 = arith.constant 0 : i32
    %dma_wait3A_811 = tpu.memref_slice %arg9[%dma_wait3A, %dma_wait3A_810] : memref<4x128xi32, #tpu.memory_space<vmem>> -> memref<1x128xi32, #tpu.memory_space<vmem>>
    %dma_wait3A_812 = tpu.memref_squeeze %dma_wait3A_811 : memref<1x128xi32, #tpu.memory_space<vmem>> -> memref<128xi32, #tpu.memory_space<vmem>>
    %dma_wait3A_813 = arith.constant 0 : i32
    %dma_wait3A_814 = tpu.memref_slice %arg6[%dma_wait3A_813] : memref<1000000xf32, #tpu.memory_space<hbm>> -> memref<1000000xf32, #tpu.memory_space<hbm>>
    tpu.wait_indirect_dma semaphore(%arg18 : memref<!tpu.dma_semaphore, #tpu.memory_space<semaphore_mem>>) src(%dma_wait3A_814 : memref<1000000xf32, #tpu.memory_space<hbm>>) dst(%dma_wait3A_809 : memref<128xf32, #tpu.memory_space<vmem>>)
    %dma_wait3A_815 = arith.constant 0 : i32
    %dma_wait3A_816 = arith.constant 0 : i32
    %dma_wait3A_817 = arith.constant 0 : i32
    %dma_wait3A_818 = tpu.memref_slice %arg16[%dma_wait3A_816, %dma_wait3A_817] : memref<4x128xf32, #tpu.memory_space<vmem>> -> memref<1x128xf32, #tpu.memory_space<vmem>>
    %dma_wait3A_819 = tpu.memref_squeeze %dma_wait3A_818 : memref<1x128xf32, #tpu.memory_space<vmem>> -> memref<128xf32, #tpu.memory_space<vmem>>
    %dma_wait3A_820 = arith.constant 0 : i32
    %dma_wait3A_821 = tpu.memref_slice %arg10[%dma_wait3A_815, %dma_wait3A_820] : memref<4x128xi32, #tpu.memory_space<vmem>> -> memref<1x128xi32, #tpu.memory_space<vmem>>
    %dma_wait3A_822 = tpu.memref_squeeze %dma_wait3A_821 : memref<1x128xi32, #tpu.memory_space<vmem>> -> memref<128xi32, #tpu.memory_space<vmem>>
    %dma_wait3A_823 = arith.constant 0 : i32
    %dma_wait3A_824 = tpu.memref_slice %arg7[%dma_wait3A_823] : memref<100000xf32, #tpu.memory_space<hbm>> -> memref<100000xf32, #tpu.memory_space<hbm>>
    tpu.wait_indirect_dma semaphore(%arg18 : memref<!tpu.dma_semaphore, #tpu.memory_space<semaphore_mem>>) src(%dma_wait3A_824 : memref<100000xf32, #tpu.memory_space<hbm>>) dst(%dma_wait3A_819 : memref<128xf32, #tpu.memory_space<vmem>>)
    %dma_wait3A_825 = arith.constant 1 : i32
    %dma_wait3A_826 = arith.constant 1 : i32
    %dma_wait3A_827 = arith.constant 0 : i32
    %dma_wait3A_828 = tpu.memref_slice %arg15[%dma_wait3A_826, %dma_wait3A_827] : memref<4x128xf32, #tpu.memory_space<vmem>> -> memref<1x128xf32, #tpu.memory_space<vmem>>
    %dma_wait3A_829 = tpu.memref_squeeze %dma_wait3A_828 : memref<1x128xf32, #tpu.memory_space<vmem>> -> memref<128xf32, #tpu.memory_space<vmem>>
    %dma_wait3A_830 = arith.constant 0 : i32
    %dma_wait3A_831 = tpu.memref_slice %arg9[%dma_wait3A_825, %dma_wait3A_830] : memref<4x128xi32, #tpu.memory_space<vmem>> -> memref<1x128xi32, #tpu.memory_space<vmem>>
    %dma_wait3A_832 = tpu.memref_squeeze %dma_wait3A_831 : memref<1x128xi32, #tpu.memory_space<vmem>> -> memref<128xi32, #tpu.memory_space<vmem>>
    %dma_wait3A_833 = arith.constant 0 : i32
    %dma_wait3A_834 = tpu.memref_slice %arg6[%dma_wait3A_833] : memref<1000000xf32, #tpu.memory_space<hbm>> -> memref<1000000xf32, #tpu.memory_space<hbm>>
    tpu.wait_indirect_dma semaphore(%arg18 : memref<!tpu.dma_semaphore, #tpu.memory_space<semaphore_mem>>) src(%dma_wait3A_834 : memref<1000000xf32, #tpu.memory_space<hbm>>) dst(%dma_wait3A_829 : memref<128xf32, #tpu.memory_space<vmem>>)
    %dma_wait3A_835 = arith.constant 1 : i32
    %dma_wait3A_836 = arith.constant 1 : i32
    %dma_wait3A_837 = arith.constant 0 : i32
    %dma_wait3A_838 = tpu.memref_slice %arg16[%dma_wait3A_836, %dma_wait3A_837] : memref<4x128xf32, #tpu.memory_space<vmem>> -> memref<1x128xf32, #tpu.memory_space<vmem>>
    %dma_wait3A_839 = tpu.memref_squeeze %dma_wait3A_838 : memref<1x128xf32, #tpu.memory_space<vmem>> -> memref<128xf32, #tpu.memory_space<vmem>>
    %dma_wait3A_840 = arith.constant 0 : i32
    %dma_wait3A_841 = tpu.memref_slice %arg10[%dma_wait3A_835, %dma_wait3A_840] : memref<4x128xi32, #tpu.memory_space<vmem>> -> memref<1x128xi32, #tpu.memory_space<vmem>>
    %dma_wait3A_842 = tpu.memref_squeeze %dma_wait3A_841 : memref<1x128xi32, #tpu.memory_space<vmem>> -> memref<128xi32, #tpu.memory_space<vmem>>
    %dma_wait3A_843 = arith.constant 0 : i32
    %dma_wait3A_844 = tpu.memref_slice %arg7[%dma_wait3A_843] : memref<100000xf32, #tpu.memory_space<hbm>> -> memref<100000xf32, #tpu.memory_space<hbm>>
    tpu.wait_indirect_dma semaphore(%arg18 : memref<!tpu.dma_semaphore, #tpu.memory_space<semaphore_mem>>) src(%dma_wait3A_844 : memref<100000xf32, #tpu.memory_space<hbm>>) dst(%dma_wait3A_839 : memref<128xf32, #tpu.memory_space<vmem>>)
    %dma_wait3A_845 = arith.constant 2 : i32
    %dma_wait3A_846 = arith.constant 2 : i32
    %dma_wait3A_847 = arith.constant 0 : i32
    %dma_wait3A_848 = tpu.memref_slice %arg15[%dma_wait3A_846, %dma_wait3A_847] : memref<4x128xf32, #tpu.memory_space<vmem>> -> memref<1x128xf32, #tpu.memory_space<vmem>>
    %dma_wait3A_849 = tpu.memref_squeeze %dma_wait3A_848 : memref<1x128xf32, #tpu.memory_space<vmem>> -> memref<128xf32, #tpu.memory_space<vmem>>
    %dma_wait3A_850 = arith.constant 0 : i32
    %dma_wait3A_851 = tpu.memref_slice %arg9[%dma_wait3A_845, %dma_wait3A_850] : memref<4x128xi32, #tpu.memory_space<vmem>> -> memref<1x128xi32, #tpu.memory_space<vmem>>
    %dma_wait3A_852 = tpu.memref_squeeze %dma_wait3A_851 : memref<1x128xi32, #tpu.memory_space<vmem>> -> memref<128xi32, #tpu.memory_space<vmem>>
    %dma_wait3A_853 = arith.constant 0 : i32
    %dma_wait3A_854 = tpu.memref_slice %arg6[%dma_wait3A_853] : memref<1000000xf32, #tpu.memory_space<hbm>> -> memref<1000000xf32, #tpu.memory_space<hbm>>
    tpu.wait_indirect_dma semaphore(%arg18 : memref<!tpu.dma_semaphore, #tpu.memory_space<semaphore_mem>>) src(%dma_wait3A_854 : memref<1000000xf32, #tpu.memory_space<hbm>>) dst(%dma_wait3A_849 : memref<128xf32, #tpu.memory_space<vmem>>)
    %dma_wait3A_855 = arith.constant 2 : i32
    %dma_wait3A_856 = arith.constant 2 : i32
    %dma_wait3A_857 = arith.constant 0 : i32
    %dma_wait3A_858 = tpu.memref_slice %arg16[%dma_wait3A_856, %dma_wait3A_857] : memref<4x128xf32, #tpu.memory_space<vmem>> -> memref<1x128xf32, #tpu.memory_space<vmem>>
    %dma_wait3A_859 = tpu.memref_squeeze %dma_wait3A_858 : memref<1x128xf32, #tpu.memory_space<vmem>> -> memref<128xf32, #tpu.memory_space<vmem>>
    %dma_wait3A_860 = arith.constant 0 : i32
    %dma_wait3A_861 = tpu.memref_slice %arg10[%dma_wait3A_855, %dma_wait3A_860] : memref<4x128xi32, #tpu.memory_space<vmem>> -> memref<1x128xi32, #tpu.memory_space<vmem>>
    %dma_wait3A_862 = tpu.memref_squeeze %dma_wait3A_861 : memref<1x128xi32, #tpu.memory_space<vmem>> -> memref<128xi32, #tpu.memory_space<vmem>>
    %dma_wait3A_863 = arith.constant 0 : i32
    %dma_wait3A_864 = tpu.memref_slice %arg7[%dma_wait3A_863] : memref<100000xf32, #tpu.memory_space<hbm>> -> memref<100000xf32, #tpu.memory_space<hbm>>
    tpu.wait_indirect_dma semaphore(%arg18 : memref<!tpu.dma_semaphore, #tpu.memory_space<semaphore_mem>>) src(%dma_wait3A_864 : memref<100000xf32, #tpu.memory_space<hbm>>) dst(%dma_wait3A_859 : memref<128xf32, #tpu.memory_space<vmem>>)
    %dma_wait3A_865 = arith.constant 3 : i32
    %dma_wait3A_866 = arith.constant 3 : i32
    %dma_wait3A_867 = arith.constant 0 : i32
    %dma_wait3A_868 = tpu.memref_slice %arg15[%dma_wait3A_866, %dma_wait3A_867] : memref<4x128xf32, #tpu.memory_space<vmem>> -> memref<1x128xf32, #tpu.memory_space<vmem>>
    %dma_wait3A_869 = tpu.memref_squeeze %dma_wait3A_868 : memref<1x128xf32, #tpu.memory_space<vmem>> -> memref<128xf32, #tpu.memory_space<vmem>>
    %dma_wait3A_870 = arith.constant 0 : i32
    %dma_wait3A_871 = tpu.memref_slice %arg9[%dma_wait3A_865, %dma_wait3A_870] : memref<4x128xi32, #tpu.memory_space<vmem>> -> memref<1x128xi32, #tpu.memory_space<vmem>>
    %dma_wait3A_872 = tpu.memref_squeeze %dma_wait3A_871 : memref<1x128xi32, #tpu.memory_space<vmem>> -> memref<128xi32, #tpu.memory_space<vmem>>
    %dma_wait3A_873 = arith.constant 0 : i32
    %dma_wait3A_874 = tpu.memref_slice %arg6[%dma_wait3A_873] : memref<1000000xf32, #tpu.memory_space<hbm>> -> memref<1000000xf32, #tpu.memory_space<hbm>>
    tpu.wait_indirect_dma semaphore(%arg18 : memref<!tpu.dma_semaphore, #tpu.memory_space<semaphore_mem>>) src(%dma_wait3A_874 : memref<1000000xf32, #tpu.memory_space<hbm>>) dst(%dma_wait3A_869 : memref<128xf32, #tpu.memory_space<vmem>>)
    %dma_wait3A_875 = arith.constant 3 : i32
    %dma_wait3A_876 = arith.constant 3 : i32
    %dma_wait3A_877 = arith.constant 0 : i32
    %dma_wait3A_878 = tpu.memref_slice %arg16[%dma_wait3A_876, %dma_wait3A_877] : memref<4x128xf32, #tpu.memory_space<vmem>> -> memref<1x128xf32, #tpu.memory_space<vmem>>
    %dma_wait3A_879 = tpu.memref_squeeze %dma_wait3A_878 : memref<1x128xf32, #tpu.memory_space<vmem>> -> memref<128xf32, #tpu.memory_space<vmem>>
    %dma_wait3A_880 = arith.constant 0 : i32
    %dma_wait3A_881 = tpu.memref_slice %arg10[%dma_wait3A_875, %dma_wait3A_880] : memref<4x128xi32, #tpu.memory_space<vmem>> -> memref<1x128xi32, #tpu.memory_space<vmem>>
    %dma_wait3A_882 = tpu.memref_squeeze %dma_wait3A_881 : memref<1x128xi32, #tpu.memory_space<vmem>> -> memref<128xi32, #tpu.memory_space<vmem>>
    %dma_wait3A_883 = arith.constant 0 : i32
    %dma_wait3A_884 = tpu.memref_slice %arg7[%dma_wait3A_883] : memref<100000xf32, #tpu.memory_space<hbm>> -> memref<100000xf32, #tpu.memory_space<hbm>>
    tpu.wait_indirect_dma semaphore(%arg18 : memref<!tpu.dma_semaphore, #tpu.memory_space<semaphore_mem>>) src(%dma_wait3A_884 : memref<100000xf32, #tpu.memory_space<hbm>>) dst(%dma_wait3A_879 : memref<128xf32, #tpu.memory_space<vmem>>)
    %iota3A = tpu.iota {dimensions = array<i32: 0>} : vector<16xi32>
    %dma_start3A_885 = arith.constant 0 : i32
    %dma_start3A_886 = arith.constant 0 : i32
    %dma_start3A_887 = tpu.memref_slice %arg11[%dma_start3A_885, %dma_start3A_886] : memref<4x128xi32, #tpu.memory_space<vmem>> -> memref<1x128xi32, #tpu.memory_space<vmem>>
    %dma_start3A_888 = tpu.memref_squeeze %dma_start3A_887 : memref<1x128xi32, #tpu.memory_space<vmem>> -> memref<128xi32, #tpu.memory_space<vmem>>
    %dma_start3A_889 = arith.constant 0 : i32
    %dma_start3A_890 = arith.constant 0 : i32
    %dma_start3A_891 = tpu.memref_slice %arg4[%dma_start3A_889, %dma_start3A_890] : memref<125000x256xf32, #tpu.memory_space<hbm>> -> memref<125000x256xf32, #tpu.memory_space<hbm>>
    tpu.enqueue_indirect_dma source(%dma_start3A_891 : memref<125000x256xf32, #tpu.memory_space<hbm>>) target(%arg13 : memref<128x256xf32, #tpu.memory_space<vmem>>) offsets(%dma_start3A_888 : memref<128xi32, #tpu.memory_space<vmem>>) semaphore(%arg18 : memref<!tpu.dma_semaphore, #tpu.memory_space<semaphore_mem>>)
    %dma_start3A_892 = arith.constant 0 : i32
    %dma_start3A_893 = arith.constant 0 : i32
    %dma_start3A_894 = tpu.memref_slice %arg12[%dma_start3A_892, %dma_start3A_893] : memref<4x128xi32, #tpu.memory_space<vmem>> -> memref<1x128xi32, #tpu.memory_space<vmem>>
    %dma_start3A_895 = tpu.memref_squeeze %dma_start3A_894 : memref<1x128xi32, #tpu.memory_space<vmem>> -> memref<128xi32, #tpu.memory_space<vmem>>
    %dma_start3A_896 = arith.constant 0 : i32
    %dma_start3A_897 = arith.constant 0 : i32
    %dma_start3A_898 = tpu.memref_slice %arg5[%dma_start3A_896, %dma_start3A_897] : memref<12500x256xf32, #tpu.memory_space<hbm>> -> memref<12500x256xf32, #tpu.memory_space<hbm>>
    tpu.enqueue_indirect_dma source(%dma_start3A_898 : memref<12500x256xf32, #tpu.memory_space<hbm>>) target(%arg14 : memref<128x256xf32, #tpu.memory_space<vmem>>) offsets(%dma_start3A_895 : memref<128xi32, #tpu.memory_space<vmem>>) semaphore(%arg18 : memref<!tpu.dma_semaphore, #tpu.memory_space<semaphore_mem>>)
    %dma_wait3A_899 = arith.constant 0 : i32
    %dma_wait3A_900 = arith.constant 0 : i32
    %dma_wait3A_901 = tpu.memref_slice %arg11[%dma_wait3A_899, %dma_wait3A_900] : memref<4x128xi32, #tpu.memory_space<vmem>> -> memref<1x128xi32, #tpu.memory_space<vmem>>
    %dma_wait3A_902 = tpu.memref_squeeze %dma_wait3A_901 : memref<1x128xi32, #tpu.memory_space<vmem>> -> memref<128xi32, #tpu.memory_space<vmem>>
    %dma_wait3A_903 = arith.constant 0 : i32
    %dma_wait3A_904 = arith.constant 0 : i32
    %dma_wait3A_905 = tpu.memref_slice %arg4[%dma_wait3A_903, %dma_wait3A_904] : memref<125000x256xf32, #tpu.memory_space<hbm>> -> memref<125000x256xf32, #tpu.memory_space<hbm>>
    tpu.wait_indirect_dma semaphore(%arg18 : memref<!tpu.dma_semaphore, #tpu.memory_space<semaphore_mem>>) src(%dma_wait3A_905 : memref<125000x256xf32, #tpu.memory_space<hbm>>) dst(%arg13 : memref<128x256xf32, #tpu.memory_space<vmem>>)
    %dma_wait3A_906 = arith.constant 0 : i32
    %dma_wait3A_907 = arith.constant 0 : i32
    %dma_wait3A_908 = tpu.memref_slice %arg12[%dma_wait3A_906, %dma_wait3A_907] : memref<4x128xi32, #tpu.memory_space<vmem>> -> memref<1x128xi32, #tpu.memory_space<vmem>>
    %dma_wait3A_909 = tpu.memref_squeeze %dma_wait3A_908 : memref<1x128xi32, #tpu.memory_space<vmem>> -> memref<128xi32, #tpu.memory_space<vmem>>
    %dma_wait3A_910 = arith.constant 0 : i32
    %dma_wait3A_911 = arith.constant 0 : i32
    %dma_wait3A_912 = tpu.memref_slice %arg5[%dma_wait3A_910, %dma_wait3A_911] : memref<12500x256xf32, #tpu.memory_space<hbm>> -> memref<12500x256xf32, #tpu.memory_space<hbm>>
    tpu.wait_indirect_dma semaphore(%arg18 : memref<!tpu.dma_semaphore, #tpu.memory_space<semaphore_mem>>) src(%dma_wait3A_912 : memref<12500x256xf32, #tpu.memory_space<hbm>>) dst(%arg14 : memref<128x256xf32, #tpu.memory_space<vmem>>)
    %scan3A = arith.constant 0 : i32
    %scan3A_913 = arith.constant 0 : i32
    %scan3A_914 = arith.constant 8 : i32
    %scan3A_915 = arith.addi %scan3A_913, %scan3A_914 : i32
    %scan3A_916 = arith.constant 1 : i32
    %scan3A_917 = scf.for %scan3A_1024 = %scan3A_913 to %scan3A_915 step %scan3A_916 iter_args(%scan3A_1025 = %scan3A) -> (i32)  : i32 {
      %mul3A_1026 = arith.constant 16 : i32
      %mul3A_1027 = arith.muli %scan3A_1024, %mul3A_1026 : i32
      %add3A_1028 = arith.constant 0 : i32
      %add3A_1029 = arith.addi %add3A_1028, %mul3A_1027 : i32
      %mul3A_1030 = arith.constant 16 : i32
      %mul3A_1031 = arith.muli %scan3A_1024, %mul3A_1030 : i32
      %add3A_1032 = vector.broadcast %mul3A_1031 : i32 to vector<16xi32>
      %add3A_1033 = arith.addi %add3A_1032, %iota3A : vector<16xi32>
      %broadcast_in_dim3A = arith.constant 0 : i32
      %broadcast_in_dim3A_1034 = vector.broadcast %broadcast_in_dim3A : i32 to vector<16xi32>
      %gather3A = tpu.vector_load_idx %arg9[%broadcast_in_dim3A_1034, %add3A_1033] : memref<4x128xi32, #tpu.memory_space<vmem>>[vector<16xi32>, vector<16xi32>], vector<16xi32>,
      %gather3A_1035 = tpu.vector_load_idx %arg10[%broadcast_in_dim3A_1034, %add3A_1033] : memref<4x128xi32, #tpu.memory_space<vmem>>[vector<16xi32>, vector<16xi32>], vector<16xi32>,
      %and3A = arith.constant 7 : i32
      %and3A_1036 = vector.broadcast %and3A : i32 to vector<16xi32>
      %and3A_1037 = arith.andi %gather3A, %and3A_1036 : vector<16xi32>
      %mul3A_1038 = arith.constant 32 : i32
      %mul3A_1039 = vector.broadcast %mul3A_1038 : i32 to vector<16xi32>
      %mul3A_1040 = arith.muli %and3A_1037, %mul3A_1039 : vector<16xi32>
      %and3A_1041 = arith.constant 7 : i32
      %and3A_1042 = vector.broadcast %and3A_1041 : i32 to vector<16xi32>
      %and3A_1043 = arith.andi %gather3A_1035, %and3A_1042 : vector<16xi32>
      %mul3A_1044 = arith.constant 32 : i32
      %mul3A_1045 = vector.broadcast %mul3A_1044 : i32 to vector<16xi32>
      %mul3A_1046 = arith.muli %and3A_1043, %mul3A_1045 : vector<16xi32>
      %gather3A_1047 = tpu.vector_load_idx %arg15[%broadcast_in_dim3A_1034, %add3A_1033] : memref<4x128xf32, #tpu.memory_space<vmem>>[vector<16xi32>, vector<16xi32>], vector<16xf32>,
      %gather3A_1048 = tpu.vector_load_idx %arg16[%broadcast_in_dim3A_1034, %add3A_1033] : memref<4x128xf32, #tpu.memory_space<vmem>>[vector<16xi32>, vector<16xi32>], vector<16xf32>,
      %add3A_1049 = arith.addf %gather3A_1047, %gather3A_1048 : vector<16xf32>
      %add3A_1050 = arith.constant 0 : i32
      %add3A_1051 = vector.broadcast %add3A_1050 : i32 to vector<16xi32>
      %add3A_1052 = arith.addi %mul3A_1040, %add3A_1051 : vector<16xi32>
      %gather3A_1053 = tpu.vector_load_idx %arg13[%add3A_1033, %add3A_1052] : memref<128x256xf32, #tpu.memory_space<vmem>>[vector<16xi32>, vector<16xi32>], vector<16xf32>,
      %add3A_1054 = arith.constant 0 : i32
      %add3A_1055 = vector.broadcast %add3A_1054 : i32 to vector<16xi32>
      %add3A_1056 = arith.addi %mul3A_1046, %add3A_1055 : vector<16xi32>
      %gather3A_1057 = tpu.vector_load_idx %arg14[%add3A_1033, %add3A_1056] : memref<128x256xf32, #tpu.memory_space<vmem>>[vector<16xi32>, vector<16xi32>], vector<16xf32>,
      %mul3A_1058 = arith.mulf %gather3A_1053, %gather3A_1057 : vector<16xf32>
      %add3A_1059 = arith.addf %add3A_1049, %mul3A_1058 : vector<16xf32>
      %add3A_1060 = arith.constant 1 : i32
      %add3A_1061 = vector.broadcast %add3A_1060 : i32 to vector<16xi32>
      %add3A_1062 = arith.addi %mul3A_1040, %add3A_1061 : vector<16xi32>
      %gather3A_1063 = tpu.vector_load_idx %arg13[%add3A_1033, %add3A_1062] : memref<128x256xf32, #tpu.memory_space<vmem>>[vector<16xi32>, vector<16xi32>], vector<16xf32>,
      %add3A_1064 = arith.constant 1 : i32
      %add3A_1065 = vector.broadcast %add3A_1064 : i32 to vector<16xi32>
      %add3A_1066 = arith.addi %mul3A_1046, %add3A_1065 : vector<16xi32>
      %gather3A_1067 = tpu.vector_load_idx %arg14[%add3A_1033, %add3A_1066] : memref<128x256xf32, #tpu.memory_space<vmem>>[vector<16xi32>, vector<16xi32>], vector<16xf32>,
      %mul3A_1068 = arith.mulf %gather3A_1063, %gather3A_1067 : vector<16xf32>
      %add3A_1069 = arith.addf %add3A_1059, %mul3A_1068 : vector<16xf32>
      %add3A_1070 = arith.constant 2 : i32
      %add3A_1071 = vector.broadcast %add3A_1070 : i32 to vector<16xi32>
      %add3A_1072 = arith.addi %mul3A_1040, %add3A_1071 : vector<16xi32>
      %gather3A_1073 = tpu.vector_load_idx %arg13[%add3A_1033, %add3A_1072] : memref<128x256xf32, #tpu.memory_space<vmem>>[vector<16xi32>, vector<16xi32>], vector<16xf32>,
      %add3A_1074 = arith.constant 2 : i32
      %add3A_1075 = vector.broadcast %add3A_1074 : i32 to vector<16xi32>
      %add3A_1076 = arith.addi %mul3A_1046, %add3A_1075 : vector<16xi32>
      %gather3A_1077 = tpu.vector_load_idx %arg14[%add3A_1033, %add3A_1076] : memref<128x256xf32, #tpu.memory_space<vmem>>[vector<16xi32>, vector<16xi32>], vector<16xf32>,
      %mul3A_1078 = arith.mulf %gather3A_1073, %gather3A_1077 : vector<16xf32>
      %add3A_1079 = arith.addf %add3A_1069, %mul3A_1078 : vector<16xf32>
      %add3A_1080 = arith.constant 3 : i32
      %add3A_1081 = vector.broadcast %add3A_1080 : i32 to vector<16xi32>
      %add3A_1082 = arith.addi %mul3A_1040, %add3A_1081 : vector<16xi32>
      %gather3A_1083 = tpu.vector_load_idx %arg13[%add3A_1033, %add3A_1082] : memref<128x256xf32, #tpu.memory_space<vmem>>[vector<16xi32>, vector<16xi32>], vector<16xf32>,
      %add3A_1084 = arith.constant 3 : i32
      %add3A_1085 = vector.broadcast %add3A_1084 : i32 to vector<16xi32>
      %add3A_1086 = arith.addi %mul3A_1046, %add3A_1085 : vector<16xi32>
      %gather3A_1087 = tpu.vector_load_idx %arg14[%add3A_1033, %add3A_1086] : memref<128x256xf32, #tpu.memory_space<vmem>>[vector<16xi32>, vector<16xi32>], vector<16xf32>,
      %mul3A_1088 = arith.mulf %gather3A_1083, %gather3A_1087 : vector<16xf32>
      %add3A_1089 = arith.addf %add3A_1079, %mul3A_1088 : vector<16xf32>
      %add3A_1090 = arith.constant 4 : i32
      %add3A_1091 = vector.broadcast %add3A_1090 : i32 to vector<16xi32>
      %add3A_1092 = arith.addi %mul3A_1040, %add3A_1091 : vector<16xi32>
      %gather3A_1093 = tpu.vector_load_idx %arg13[%add3A_1033, %add3A_1092] : memref<128x256xf32, #tpu.memory_space<vmem>>[vector<16xi32>, vector<16xi32>], vector<16xf32>,
      %add3A_1094 = arith.constant 4 : i32
      %add3A_1095 = vector.broadcast %add3A_1094 : i32 to vector<16xi32>
      %add3A_1096 = arith.addi %mul3A_1046, %add3A_1095 : vector<16xi32>
      %gather3A_1097 = tpu.vector_load_idx %arg14[%add3A_1033, %add3A_1096] : memref<128x256xf32, #tpu.memory_space<vmem>>[vector<16xi32>, vector<16xi32>], vector<16xf32>,
      %mul3A_1098 = arith.mulf %gather3A_1093, %gather3A_1097 : vector<16xf32>
      %add3A_1099 = arith.addf %add3A_1089, %mul3A_1098 : vector<16xf32>
      %add3A_1100 = arith.constant 5 : i32
      %add3A_1101 = vector.broadcast %add3A_1100 : i32 to vector<16xi32>
      %add3A_1102 = arith.addi %mul3A_1040, %add3A_1101 : vector<16xi32>
      %gather3A_1103 = tpu.vector_load_idx %arg13[%add3A_1033, %add3A_1102] : memref<128x256xf32, #tpu.memory_space<vmem>>[vector<16xi32>, vector<16xi32>], vector<16xf32>,
      %add3A_1104 = arith.constant 5 : i32
      %add3A_1105 = vector.broadcast %add3A_1104 : i32 to vector<16xi32>
      %add3A_1106 = arith.addi %mul3A_1046, %add3A_1105 : vector<16xi32>
      %gather3A_1107 = tpu.vector_load_idx %arg14[%add3A_1033, %add3A_1106] : memref<128x256xf32, #tpu.memory_space<vmem>>[vector<16xi32>, vector<16xi32>], vector<16xf32>,
      %mul3A_1108 = arith.mulf %gather3A_1103, %gather3A_1107 : vector<16xf32>
      %add3A_1109 = arith.addf %add3A_1099, %mul3A_1108 : vector<16xf32>
      %add3A_1110 = arith.constant 6 : i32
      %add3A_1111 = vector.broadcast %add3A_1110 : i32 to vector<16xi32>
      %add3A_1112 = arith.addi %mul3A_1040, %add3A_1111 : vector<16xi32>
      %gather3A_1113 = tpu.vector_load_idx %arg13[%add3A_1033, %add3A_1112] : memref<128x256xf32, #tpu.memory_space<vmem>>[vector<16xi32>, vector<16xi32>], vector<16xf32>,
      %add3A_1114 = arith.constant 6 : i32
      %add3A_1115 = vector.broadcast %add3A_1114 : i32 to vector<16xi32>
      %add3A_1116 = arith.addi %mul3A_1046, %add3A_1115 : vector<16xi32>
      %gather3A_1117 = tpu.vector_load_idx %arg14[%add3A_1033, %add3A_1116] : memref<128x256xf32, #tpu.memory_space<vmem>>[vector<16xi32>, vector<16xi32>], vector<16xf32>,
      %mul3A_1118 = arith.mulf %gather3A_1113, %gather3A_1117 : vector<16xf32>
      %add3A_1119 = arith.addf %add3A_1109, %mul3A_1118 : vector<16xf32>
      %add3A_1120 = arith.constant 7 : i32
      %add3A_1121 = vector.broadcast %add3A_1120 : i32 to vector<16xi32>
      %add3A_1122 = arith.addi %mul3A_1040, %add3A_1121 : vector<16xi32>
      %gather3A_1123 = tpu.vector_load_idx %arg13[%add3A_1033, %add3A_1122] : memref<128x256xf32, #tpu.memory_space<vmem>>[vector<16xi32>, vector<16xi32>], vector<16xf32>,
      %add3A_1124 = arith.constant 7 : i32
      %add3A_1125 = vector.broadcast %add3A_1124 : i32 to vector<16xi32>
      %add3A_1126 = arith.addi %mul3A_1046, %add3A_1125 : vector<16xi32>
      %gather3A_1127 = tpu.vector_load_idx %arg14[%add3A_1033, %add3A_1126] : memref<128x256xf32, #tpu.memory_space<vmem>>[vector<16xi32>, vector<16xi32>], vector<16xf32>,
      %mul3A_1128 = arith.mulf %gather3A_1123, %gather3A_1127 : vector<16xf32>
      %add3A_1129 = arith.addf %add3A_1119, %mul3A_1128 : vector<16xf32>
      %add3A_1130 = arith.constant 8 : i32
      %add3A_1131 = vector.broadcast %add3A_1130 : i32 to vector<16xi32>
      %add3A_1132 = arith.addi %mul3A_1040, %add3A_1131 : vector<16xi32>
      %gather3A_1133 = tpu.vector_load_idx %arg13[%add3A_1033, %add3A_1132] : memref<128x256xf32, #tpu.memory_space<vmem>>[vector<16xi32>, vector<16xi32>], vector<16xf32>,
      %add3A_1134 = arith.constant 8 : i32
      %add3A_1135 = vector.broadcast %add3A_1134 : i32 to vector<16xi32>
      %add3A_1136 = arith.addi %mul3A_1046, %add3A_1135 : vector<16xi32>
      %gather3A_1137 = tpu.vector_load_idx %arg14[%add3A_1033, %add3A_1136] : memref<128x256xf32, #tpu.memory_space<vmem>>[vector<16xi32>, vector<16xi32>], vector<16xf32>,
      %mul3A_1138 = arith.mulf %gather3A_1133, %gather3A_1137 : vector<16xf32>
      %add3A_1139 = arith.addf %add3A_1129, %mul3A_1138 : vector<16xf32>
      %add3A_1140 = arith.constant 9 : i32
      %add3A_1141 = vector.broadcast %add3A_1140 : i32 to vector<16xi32>
      %add3A_1142 = arith.addi %mul3A_1040, %add3A_1141 : vector<16xi32>
      %gather3A_1143 = tpu.vector_load_idx %arg13[%add3A_1033, %add3A_1142] : memref<128x256xf32, #tpu.memory_space<vmem>>[vector<16xi32>, vector<16xi32>], vector<16xf32>,
      %add3A_1144 = arith.constant 9 : i32
      %add3A_1145 = vector.broadcast %add3A_1144 : i32 to vector<16xi32>
      %add3A_1146 = arith.addi %mul3A_1046, %add3A_1145 : vector<16xi32>
      %gather3A_1147 = tpu.vector_load_idx %arg14[%add3A_1033, %add3A_1146] : memref<128x256xf32, #tpu.memory_space<vmem>>[vector<16xi32>, vector<16xi32>], vector<16xf32>,
      %mul3A_1148 = arith.mulf %gather3A_1143, %gather3A_1147 : vector<16xf32>
      %add3A_1149 = arith.addf %add3A_1139, %mul3A_1148 : vector<16xf32>
      %add3A_1150 = arith.constant 10 : i32
      %add3A_1151 = vector.broadcast %add3A_1150 : i32 to vector<16xi32>
      %add3A_1152 = arith.addi %mul3A_1040, %add3A_1151 : vector<16xi32>
      %gather3A_1153 = tpu.vector_load_idx %arg13[%add3A_1033, %add3A_1152] : memref<128x256xf32, #tpu.memory_space<vmem>>[vector<16xi32>, vector<16xi32>], vector<16xf32>,
      %add3A_1154 = arith.constant 10 : i32
      %add3A_1155 = vector.broadcast %add3A_1154 : i32 to vector<16xi32>
      %add3A_1156 = arith.addi %mul3A_1046, %add3A_1155 : vector<16xi32>
      %gather3A_1157 = tpu.vector_load_idx %arg14[%add3A_1033, %add3A_1156] : memref<128x256xf32, #tpu.memory_space<vmem>>[vector<16xi32>, vector<16xi32>], vector<16xf32>,
      %mul3A_1158 = arith.mulf %gather3A_1153, %gather3A_1157 : vector<16xf32>
      %add3A_1159 = arith.addf %add3A_1149, %mul3A_1158 : vector<16xf32>
      %add3A_1160 = arith.constant 11 : i32
      %add3A_1161 = vector.broadcast %add3A_1160 : i32 to vector<16xi32>
      %add3A_1162 = arith.addi %mul3A_1040, %add3A_1161 : vector<16xi32>
      %gather3A_1163 = tpu.vector_load_idx %arg13[%add3A_1033, %add3A_1162] : memref<128x256xf32, #tpu.memory_space<vmem>>[vector<16xi32>, vector<16xi32>], vector<16xf32>,
      %add3A_1164 = arith.constant 11 : i32
      %add3A_1165 = vector.broadcast %add3A_1164 : i32 to vector<16xi32>
      %add3A_1166 = arith.addi %mul3A_1046, %add3A_1165 : vector<16xi32>
      %gather3A_1167 = tpu.vector_load_idx %arg14[%add3A_1033, %add3A_1166] : memref<128x256xf32, #tpu.memory_space<vmem>>[vector<16xi32>, vector<16xi32>], vector<16xf32>,
      %mul3A_1168 = arith.mulf %gather3A_1163, %gather3A_1167 : vector<16xf32>
      %add3A_1169 = arith.addf %add3A_1159, %mul3A_1168 : vector<16xf32>
      %add3A_1170 = arith.constant 12 : i32
      %add3A_1171 = vector.broadcast %add3A_1170 : i32 to vector<16xi32>
      %add3A_1172 = arith.addi %mul3A_1040, %add3A_1171 : vector<16xi32>
      %gather3A_1173 = tpu.vector_load_idx %arg13[%add3A_1033, %add3A_1172] : memref<128x256xf32, #tpu.memory_space<vmem>>[vector<16xi32>, vector<16xi32>], vector<16xf32>,
      %add3A_1174 = arith.constant 12 : i32
      %add3A_1175 = vector.broadcast %add3A_1174 : i32 to vector<16xi32>
      %add3A_1176 = arith.addi %mul3A_1046, %add3A_1175 : vector<16xi32>
      %gather3A_1177 = tpu.vector_load_idx %arg14[%add3A_1033, %add3A_1176] : memref<128x256xf32, #tpu.memory_space<vmem>>[vector<16xi32>, vector<16xi32>], vector<16xf32>,
      %mul3A_1178 = arith.mulf %gather3A_1173, %gather3A_1177 : vector<16xf32>
      %add3A_1179 = arith.addf %add3A_1169, %mul3A_1178 : vector<16xf32>
      %add3A_1180 = arith.constant 13 : i32
      %add3A_1181 = vector.broadcast %add3A_1180 : i32 to vector<16xi32>
      %add3A_1182 = arith.addi %mul3A_1040, %add3A_1181 : vector<16xi32>
      %gather3A_1183 = tpu.vector_load_idx %arg13[%add3A_1033, %add3A_1182] : memref<128x256xf32, #tpu.memory_space<vmem>>[vector<16xi32>, vector<16xi32>], vector<16xf32>,
      %add3A_1184 = arith.constant 13 : i32
      %add3A_1185 = vector.broadcast %add3A_1184 : i32 to vector<16xi32>
      %add3A_1186 = arith.addi %mul3A_1046, %add3A_1185 : vector<16xi32>
      %gather3A_1187 = tpu.vector_load_idx %arg14[%add3A_1033, %add3A_1186] : memref<128x256xf32, #tpu.memory_space<vmem>>[vector<16xi32>, vector<16xi32>], vector<16xf32>,
      %mul3A_1188 = arith.mulf %gather3A_1183, %gather3A_1187 : vector<16xf32>
      %add3A_1189 = arith.addf %add3A_1179, %mul3A_1188 : vector<16xf32>
      %add3A_1190 = arith.constant 14 : i32
      %add3A_1191 = vector.broadcast %add3A_1190 : i32 to vector<16xi32>
      %add3A_1192 = arith.addi %mul3A_1040, %add3A_1191 : vector<16xi32>
      %gather3A_1193 = tpu.vector_load_idx %arg13[%add3A_1033, %add3A_1192] : memref<128x256xf32, #tpu.memory_space<vmem>>[vector<16xi32>, vector<16xi32>], vector<16xf32>,
      %add3A_1194 = arith.constant 14 : i32
      %add3A_1195 = vector.broadcast %add3A_1194 : i32 to vector<16xi32>
      %add3A_1196 = arith.addi %mul3A_1046, %add3A_1195 : vector<16xi32>
      %gather3A_1197 = tpu.vector_load_idx %arg14[%add3A_1033, %add3A_1196] : memref<128x256xf32, #tpu.memory_space<vmem>>[vector<16xi32>, vector<16xi32>], vector<16xf32>,
      %mul3A_1198 = arith.mulf %gather3A_1193, %gather3A_1197 : vector<16xf32>
      %add3A_1199 = arith.addf %add3A_1189, %mul3A_1198 : vector<16xf32>
      %add3A_1200 = arith.constant 15 : i32
      %add3A_1201 = vector.broadcast %add3A_1200 : i32 to vector<16xi32>
      %add3A_1202 = arith.addi %mul3A_1040, %add3A_1201 : vector<16xi32>
      %gather3A_1203 = tpu.vector_load_idx %arg13[%add3A_1033, %add3A_1202] : memref<128x256xf32, #tpu.memory_space<vmem>>[vector<16xi32>, vector<16xi32>], vector<16xf32>,
      %add3A_1204 = arith.constant 15 : i32
      %add3A_1205 = vector.broadcast %add3A_1204 : i32 to vector<16xi32>
      %add3A_1206 = arith.addi %mul3A_1046, %add3A_1205 : vector<16xi32>
      %gather3A_1207 = tpu.vector_load_idx %arg14[%add3A_1033, %add3A_1206] : memref<128x256xf32, #tpu.memory_space<vmem>>[vector<16xi32>, vector<16xi32>], vector<16xf32>,
      %mul3A_1208 = arith.mulf %gather3A_1203, %gather3A_1207 : vector<16xf32>
      %add3A_1209 = arith.addf %add3A_1199, %mul3A_1208 : vector<16xf32>
      %add3A_1210 = arith.constant 16 : i32
      %add3A_1211 = vector.broadcast %add3A_1210 : i32 to vector<16xi32>
      %add3A_1212 = arith.addi %mul3A_1040, %add3A_1211 : vector<16xi32>
      %gather3A_1213 = tpu.vector_load_idx %arg13[%add3A_1033, %add3A_1212] : memref<128x256xf32, #tpu.memory_space<vmem>>[vector<16xi32>, vector<16xi32>], vector<16xf32>,
      %add3A_1214 = arith.constant 16 : i32
      %add3A_1215 = vector.broadcast %add3A_1214 : i32 to vector<16xi32>
      %add3A_1216 = arith.addi %mul3A_1046, %add3A_1215 : vector<16xi32>
      %gather3A_1217 = tpu.vector_load_idx %arg14[%add3A_1033, %add3A_1216] : memref<128x256xf32, #tpu.memory_space<vmem>>[vector<16xi32>, vector<16xi32>], vector<16xf32>,
      %mul3A_1218 = arith.mulf %gather3A_1213, %gather3A_1217 : vector<16xf32>
      %add3A_1219 = arith.addf %add3A_1209, %mul3A_1218 : vector<16xf32>
      %add3A_1220 = arith.constant 17 : i32
      %add3A_1221 = vector.broadcast %add3A_1220 : i32 to vector<16xi32>
      %add3A_1222 = arith.addi %mul3A_1040, %add3A_1221 : vector<16xi32>
      %gather3A_1223 = tpu.vector_load_idx %arg13[%add3A_1033, %add3A_1222] : memref<128x256xf32, #tpu.memory_space<vmem>>[vector<16xi32>, vector<16xi32>], vector<16xf32>,
      %add3A_1224 = arith.constant 17 : i32
      %add3A_1225 = vector.broadcast %add3A_1224 : i32 to vector<16xi32>
      %add3A_1226 = arith.addi %mul3A_1046, %add3A_1225 : vector<16xi32>
      %gather3A_1227 = tpu.vector_load_idx %arg14[%add3A_1033, %add3A_1226] : memref<128x256xf32, #tpu.memory_space<vmem>>[vector<16xi32>, vector<16xi32>], vector<16xf32>,
      %mul3A_1228 = arith.mulf %gather3A_1223, %gather3A_1227 : vector<16xf32>
      %add3A_1229 = arith.addf %add3A_1219, %mul3A_1228 : vector<16xf32>
      %add3A_1230 = arith.constant 18 : i32
      %add3A_1231 = vector.broadcast %add3A_1230 : i32 to vector<16xi32>
      %add3A_1232 = arith.addi %mul3A_1040, %add3A_1231 : vector<16xi32>
      %gather3A_1233 = tpu.vector_load_idx %arg13[%add3A_1033, %add3A_1232] : memref<128x256xf32, #tpu.memory_space<vmem>>[vector<16xi32>, vector<16xi32>], vector<16xf32>,
      %add3A_1234 = arith.constant 18 : i32
      %add3A_1235 = vector.broadcast %add3A_1234 : i32 to vector<16xi32>
      %add3A_1236 = arith.addi %mul3A_1046, %add3A_1235 : vector<16xi32>
      %gather3A_1237 = tpu.vector_load_idx %arg14[%add3A_1033, %add3A_1236] : memref<128x256xf32, #tpu.memory_space<vmem>>[vector<16xi32>, vector<16xi32>], vector<16xf32>,
      %mul3A_1238 = arith.mulf %gather3A_1233, %gather3A_1237 : vector<16xf32>
      %add3A_1239 = arith.addf %add3A_1229, %mul3A_1238 : vector<16xf32>
      %add3A_1240 = arith.constant 19 : i32
      %add3A_1241 = vector.broadcast %add3A_1240 : i32 to vector<16xi32>
      %add3A_1242 = arith.addi %mul3A_1040, %add3A_1241 : vector<16xi32>
      %gather3A_1243 = tpu.vector_load_idx %arg13[%add3A_1033, %add3A_1242] : memref<128x256xf32, #tpu.memory_space<vmem>>[vector<16xi32>, vector<16xi32>], vector<16xf32>,
      %add3A_1244 = arith.constant 19 : i32
      %add3A_1245 = vector.broadcast %add3A_1244 : i32 to vector<16xi32>
      %add3A_1246 = arith.addi %mul3A_1046, %add3A_1245 : vector<16xi32>
      %gather3A_1247 = tpu.vector_load_idx %arg14[%add3A_1033, %add3A_1246] : memref<128x256xf32, #tpu.memory_space<vmem>>[vector<16xi32>, vector<16xi32>], vector<16xf32>,
      %mul3A_1248 = arith.mulf %gather3A_1243, %gather3A_1247 : vector<16xf32>
      %add3A_1249 = arith.addf %add3A_1239, %mul3A_1248 : vector<16xf32>
      %add3A_1250 = arith.constant 20 : i32
      %add3A_1251 = vector.broadcast %add3A_1250 : i32 to vector<16xi32>
      %add3A_1252 = arith.addi %mul3A_1040, %add3A_1251 : vector<16xi32>
      %gather3A_1253 = tpu.vector_load_idx %arg13[%add3A_1033, %add3A_1252] : memref<128x256xf32, #tpu.memory_space<vmem>>[vector<16xi32>, vector<16xi32>], vector<16xf32>,
      %add3A_1254 = arith.constant 20 : i32
      %add3A_1255 = vector.broadcast %add3A_1254 : i32 to vector<16xi32>
      %add3A_1256 = arith.addi %mul3A_1046, %add3A_1255 : vector<16xi32>
      %gather3A_1257 = tpu.vector_load_idx %arg14[%add3A_1033, %add3A_1256] : memref<128x256xf32, #tpu.memory_space<vmem>>[vector<16xi32>, vector<16xi32>], vector<16xf32>,
      %mul3A_1258 = arith.mulf %gather3A_1253, %gather3A_1257 : vector<16xf32>
      %add3A_1259 = arith.addf %add3A_1249, %mul3A_1258 : vector<16xf32>
      %add3A_1260 = arith.constant 21 : i32
      %add3A_1261 = vector.broadcast %add3A_1260 : i32 to vector<16xi32>
      %add3A_1262 = arith.addi %mul3A_1040, %add3A_1261 : vector<16xi32>
      %gather3A_1263 = tpu.vector_load_idx %arg13[%add3A_1033, %add3A_1262] : memref<128x256xf32, #tpu.memory_space<vmem>>[vector<16xi32>, vector<16xi32>], vector<16xf32>,
      %add3A_1264 = arith.constant 21 : i32
      %add3A_1265 = vector.broadcast %add3A_1264 : i32 to vector<16xi32>
      %add3A_1266 = arith.addi %mul3A_1046, %add3A_1265 : vector<16xi32>
      %gather3A_1267 = tpu.vector_load_idx %arg14[%add3A_1033, %add3A_1266] : memref<128x256xf32, #tpu.memory_space<vmem>>[vector<16xi32>, vector<16xi32>], vector<16xf32>,
      %mul3A_1268 = arith.mulf %gather3A_1263, %gather3A_1267 : vector<16xf32>
      %add3A_1269 = arith.addf %add3A_1259, %mul3A_1268 : vector<16xf32>
      %add3A_1270 = arith.constant 22 : i32
      %add3A_1271 = vector.broadcast %add3A_1270 : i32 to vector<16xi32>
      %add3A_1272 = arith.addi %mul3A_1040, %add3A_1271 : vector<16xi32>
      %gather3A_1273 = tpu.vector_load_idx %arg13[%add3A_1033, %add3A_1272] : memref<128x256xf32, #tpu.memory_space<vmem>>[vector<16xi32>, vector<16xi32>], vector<16xf32>,
      %add3A_1274 = arith.constant 22 : i32
      %add3A_1275 = vector.broadcast %add3A_1274 : i32 to vector<16xi32>
      %add3A_1276 = arith.addi %mul3A_1046, %add3A_1275 : vector<16xi32>
      %gather3A_1277 = tpu.vector_load_idx %arg14[%add3A_1033, %add3A_1276] : memref<128x256xf32, #tpu.memory_space<vmem>>[vector<16xi32>, vector<16xi32>], vector<16xf32>,
      %mul3A_1278 = arith.mulf %gather3A_1273, %gather3A_1277 : vector<16xf32>
      %add3A_1279 = arith.addf %add3A_1269, %mul3A_1278 : vector<16xf32>
      %add3A_1280 = arith.constant 23 : i32
      %add3A_1281 = vector.broadcast %add3A_1280 : i32 to vector<16xi32>
      %add3A_1282 = arith.addi %mul3A_1040, %add3A_1281 : vector<16xi32>
      %gather3A_1283 = tpu.vector_load_idx %arg13[%add3A_1033, %add3A_1282] : memref<128x256xf32, #tpu.memory_space<vmem>>[vector<16xi32>, vector<16xi32>], vector<16xf32>,
      %add3A_1284 = arith.constant 23 : i32
      %add3A_1285 = vector.broadcast %add3A_1284 : i32 to vector<16xi32>
      %add3A_1286 = arith.addi %mul3A_1046, %add3A_1285 : vector<16xi32>
      %gather3A_1287 = tpu.vector_load_idx %arg14[%add3A_1033, %add3A_1286] : memref<128x256xf32, #tpu.memory_space<vmem>>[vector<16xi32>, vector<16xi32>], vector<16xf32>,
      %mul3A_1288 = arith.mulf %gather3A_1283, %gather3A_1287 : vector<16xf32>
      %add3A_1289 = arith.addf %add3A_1279, %mul3A_1288 : vector<16xf32>
      %add3A_1290 = arith.constant 24 : i32
      %add3A_1291 = vector.broadcast %add3A_1290 : i32 to vector<16xi32>
      %add3A_1292 = arith.addi %mul3A_1040, %add3A_1291 : vector<16xi32>
      %gather3A_1293 = tpu.vector_load_idx %arg13[%add3A_1033, %add3A_1292] : memref<128x256xf32, #tpu.memory_space<vmem>>[vector<16xi32>, vector<16xi32>], vector<16xf32>,
      %add3A_1294 = arith.constant 24 : i32
      %add3A_1295 = vector.broadcast %add3A_1294 : i32 to vector<16xi32>
      %add3A_1296 = arith.addi %mul3A_1046, %add3A_1295 : vector<16xi32>
      %gather3A_1297 = tpu.vector_load_idx %arg14[%add3A_1033, %add3A_1296] : memref<128x256xf32, #tpu.memory_space<vmem>>[vector<16xi32>, vector<16xi32>], vector<16xf32>,
      %mul3A_1298 = arith.mulf %gather3A_1293, %gather3A_1297 : vector<16xf32>
      %add3A_1299 = arith.addf %add3A_1289, %mul3A_1298 : vector<16xf32>
      %add3A_1300 = arith.constant 25 : i32
      %add3A_1301 = vector.broadcast %add3A_1300 : i32 to vector<16xi32>
      %add3A_1302 = arith.addi %mul3A_1040, %add3A_1301 : vector<16xi32>
      %gather3A_1303 = tpu.vector_load_idx %arg13[%add3A_1033, %add3A_1302] : memref<128x256xf32, #tpu.memory_space<vmem>>[vector<16xi32>, vector<16xi32>], vector<16xf32>,
      %add3A_1304 = arith.constant 25 : i32
      %add3A_1305 = vector.broadcast %add3A_1304 : i32 to vector<16xi32>
      %add3A_1306 = arith.addi %mul3A_1046, %add3A_1305 : vector<16xi32>
      %gather3A_1307 = tpu.vector_load_idx %arg14[%add3A_1033, %add3A_1306] : memref<128x256xf32, #tpu.memory_space<vmem>>[vector<16xi32>, vector<16xi32>], vector<16xf32>,
      %mul3A_1308 = arith.mulf %gather3A_1303, %gather3A_1307 : vector<16xf32>
      %add3A_1309 = arith.addf %add3A_1299, %mul3A_1308 : vector<16xf32>
      %add3A_1310 = arith.constant 26 : i32
      %add3A_1311 = vector.broadcast %add3A_1310 : i32 to vector<16xi32>
      %add3A_1312 = arith.addi %mul3A_1040, %add3A_1311 : vector<16xi32>
      %gather3A_1313 = tpu.vector_load_idx %arg13[%add3A_1033, %add3A_1312] : memref<128x256xf32, #tpu.memory_space<vmem>>[vector<16xi32>, vector<16xi32>], vector<16xf32>,
      %add3A_1314 = arith.constant 26 : i32
      %add3A_1315 = vector.broadcast %add3A_1314 : i32 to vector<16xi32>
      %add3A_1316 = arith.addi %mul3A_1046, %add3A_1315 : vector<16xi32>
      %gather3A_1317 = tpu.vector_load_idx %arg14[%add3A_1033, %add3A_1316] : memref<128x256xf32, #tpu.memory_space<vmem>>[vector<16xi32>, vector<16xi32>], vector<16xf32>,
      %mul3A_1318 = arith.mulf %gather3A_1313, %gather3A_1317 : vector<16xf32>
      %add3A_1319 = arith.addf %add3A_1309, %mul3A_1318 : vector<16xf32>
      %add3A_1320 = arith.constant 27 : i32
      %add3A_1321 = vector.broadcast %add3A_1320 : i32 to vector<16xi32>
      %add3A_1322 = arith.addi %mul3A_1040, %add3A_1321 : vector<16xi32>
      %gather3A_1323 = tpu.vector_load_idx %arg13[%add3A_1033, %add3A_1322] : memref<128x256xf32, #tpu.memory_space<vmem>>[vector<16xi32>, vector<16xi32>], vector<16xf32>,
      %add3A_1324 = arith.constant 27 : i32
      %add3A_1325 = vector.broadcast %add3A_1324 : i32 to vector<16xi32>
      %add3A_1326 = arith.addi %mul3A_1046, %add3A_1325 : vector<16xi32>
      %gather3A_1327 = tpu.vector_load_idx %arg14[%add3A_1033, %add3A_1326] : memref<128x256xf32, #tpu.memory_space<vmem>>[vector<16xi32>, vector<16xi32>], vector<16xf32>,
      %mul3A_1328 = arith.mulf %gather3A_1323, %gather3A_1327 : vector<16xf32>
      %add3A_1329 = arith.addf %add3A_1319, %mul3A_1328 : vector<16xf32>
      %add3A_1330 = arith.constant 28 : i32
      %add3A_1331 = vector.broadcast %add3A_1330 : i32 to vector<16xi32>
      %add3A_1332 = arith.addi %mul3A_1040, %add3A_1331 : vector<16xi32>
      %gather3A_1333 = tpu.vector_load_idx %arg13[%add3A_1033, %add3A_1332] : memref<128x256xf32, #tpu.memory_space<vmem>>[vector<16xi32>, vector<16xi32>], vector<16xf32>,
      %add3A_1334 = arith.constant 28 : i32
      %add3A_1335 = vector.broadcast %add3A_1334 : i32 to vector<16xi32>
      %add3A_1336 = arith.addi %mul3A_1046, %add3A_1335 : vector<16xi32>
      %gather3A_1337 = tpu.vector_load_idx %arg14[%add3A_1033, %add3A_1336] : memref<128x256xf32, #tpu.memory_space<vmem>>[vector<16xi32>, vector<16xi32>], vector<16xf32>,
      %mul3A_1338 = arith.mulf %gather3A_1333, %gather3A_1337 : vector<16xf32>
      %add3A_1339 = arith.addf %add3A_1329, %mul3A_1338 : vector<16xf32>
      %add3A_1340 = arith.constant 29 : i32
      %add3A_1341 = vector.broadcast %add3A_1340 : i32 to vector<16xi32>
      %add3A_1342 = arith.addi %mul3A_1040, %add3A_1341 : vector<16xi32>
      %gather3A_1343 = tpu.vector_load_idx %arg13[%add3A_1033, %add3A_1342] : memref<128x256xf32, #tpu.memory_space<vmem>>[vector<16xi32>, vector<16xi32>], vector<16xf32>,
      %add3A_1344 = arith.constant 29 : i32
      %add3A_1345 = vector.broadcast %add3A_1344 : i32 to vector<16xi32>
      %add3A_1346 = arith.addi %mul3A_1046, %add3A_1345 : vector<16xi32>
      %gather3A_1347 = tpu.vector_load_idx %arg14[%add3A_1033, %add3A_1346] : memref<128x256xf32, #tpu.memory_space<vmem>>[vector<16xi32>, vector<16xi32>], vector<16xf32>,
      %mul3A_1348 = arith.mulf %gather3A_1343, %gather3A_1347 : vector<16xf32>
      %add3A_1349 = arith.addf %add3A_1339, %mul3A_1348 : vector<16xf32>
      %add3A_1350 = arith.constant 30 : i32
      %add3A_1351 = vector.broadcast %add3A_1350 : i32 to vector<16xi32>
      %add3A_1352 = arith.addi %mul3A_1040, %add3A_1351 : vector<16xi32>
      %gather3A_1353 = tpu.vector_load_idx %arg13[%add3A_1033, %add3A_1352] : memref<128x256xf32, #tpu.memory_space<vmem>>[vector<16xi32>, vector<16xi32>], vector<16xf32>,
      %add3A_1354 = arith.constant 30 : i32
      %add3A_1355 = vector.broadcast %add3A_1354 : i32 to vector<16xi32>
      %add3A_1356 = arith.addi %mul3A_1046, %add3A_1355 : vector<16xi32>
      %gather3A_1357 = tpu.vector_load_idx %arg14[%add3A_1033, %add3A_1356] : memref<128x256xf32, #tpu.memory_space<vmem>>[vector<16xi32>, vector<16xi32>], vector<16xf32>,
      %mul3A_1358 = arith.mulf %gather3A_1353, %gather3A_1357 : vector<16xf32>
      %add3A_1359 = arith.addf %add3A_1349, %mul3A_1358 : vector<16xf32>
      %add3A_1360 = arith.constant 31 : i32
      %add3A_1361 = vector.broadcast %add3A_1360 : i32 to vector<16xi32>
      %add3A_1362 = arith.addi %mul3A_1040, %add3A_1361 : vector<16xi32>
      %gather3A_1363 = tpu.vector_load_idx %arg13[%add3A_1033, %add3A_1362] : memref<128x256xf32, #tpu.memory_space<vmem>>[vector<16xi32>, vector<16xi32>], vector<16xf32>,
      %add3A_1364 = arith.constant 31 : i32
      %add3A_1365 = vector.broadcast %add3A_1364 : i32 to vector<16xi32>
      %add3A_1366 = arith.addi %mul3A_1046, %add3A_1365 : vector<16xi32>
      %gather3A_1367 = tpu.vector_load_idx %arg14[%add3A_1033, %add3A_1366] : memref<128x256xf32, #tpu.memory_space<vmem>>[vector<16xi32>, vector<16xi32>], vector<16xf32>,
      %mul3A_1368 = arith.mulf %gather3A_1363, %gather3A_1367 : vector<16xf32>
      %add3A_1369 = arith.addf %add3A_1359, %mul3A_1368 : vector<16xf32>
      %swap3A_1370 = arith.index_cast %add3A_1029 : i32 to index
      %swap3A_1371 = tpu.vector_load %arg17[%swap3A_1370] {strides = array<i32>} : memref<512xf32, #tpu.memory_space<vmem>>, vector<16xf32>,
      tpu.vector_store %arg17[%swap3A_1370], %add3A_1369 {strides = array<i32>} : memref<512xf32, #tpu.memory_space<vmem>>, vector<16xf32>,
      %scan3A_1372 = arith.constant 0 : i32
      scf.yield %scan3A_1372 : i32
    }
    %scan3A_918 = arith.constant 8 : i32
    %dma_start3A_919 = arith.constant 1 : i32
    %dma_start3A_920 = arith.constant 0 : i32
    %dma_start3A_921 = tpu.memref_slice %arg11[%dma_start3A_919, %dma_start3A_920] : memref<4x128xi32, #tpu.memory_space<vmem>> -> memref<1x128xi32, #tpu.memory_space<vmem>>
    %dma_start3A_922 = tpu.memref_squeeze %dma_start3A_921 : memref<1x128xi32, #tpu.memory_space<vmem>> -> memref<128xi32, #tpu.memory_space<vmem>>
    %dma_start3A_923 = arith.constant 0 : i32
    %dma_start3A_924 = arith.constant 0 : i32
    %dma_start3A_925 = tpu.memref_slice %arg4[%dma_start3A_923, %dma_start3A_924] : memref<125000x256xf32, #tpu.memory_space<hbm>> -> memref<125000x256xf32, #tpu.memory_space<hbm>>
    tpu.enqueue_indirect_dma source(%dma_start3A_925 : memref<125000x256xf32, #tpu.memory_space<hbm>>) target(%arg13 : memref<128x256xf32, #tpu.memory_space<vmem>>) offsets(%dma_start3A_922 : memref<128xi32, #tpu.memory_space<vmem>>) semaphore(%arg18 : memref<!tpu.dma_semaphore, #tpu.memory_space<semaphore_mem>>)
    %dma_start3A_926 = arith.constant 1 : i32
    %dma_start3A_927 = arith.constant 0 : i32
    %dma_start3A_928 = tpu.memref_slice %arg12[%dma_start3A_926, %dma_start3A_927] : memref<4x128xi32, #tpu.memory_space<vmem>> -> memref<1x128xi32, #tpu.memory_space<vmem>>
    %dma_start3A_929 = tpu.memref_squeeze %dma_start3A_928 : memref<1x128xi32, #tpu.memory_space<vmem>> -> memref<128xi32, #tpu.memory_space<vmem>>
    %dma_start3A_930 = arith.constant 0 : i32
    %dma_start3A_931 = arith.constant 0 : i32
    %dma_start3A_932 = tpu.memref_slice %arg5[%dma_start3A_930, %dma_start3A_931] : memref<12500x256xf32, #tpu.memory_space<hbm>> -> memref<12500x256xf32, #tpu.memory_space<hbm>>
    tpu.enqueue_indirect_dma source(%dma_start3A_932 : memref<12500x256xf32, #tpu.memory_space<hbm>>) target(%arg14 : memref<128x256xf32, #tpu.memory_space<vmem>>) offsets(%dma_start3A_929 : memref<128xi32, #tpu.memory_space<vmem>>) semaphore(%arg18 : memref<!tpu.dma_semaphore, #tpu.memory_space<semaphore_mem>>)
    %dma_wait3A_933 = arith.constant 1 : i32
    %dma_wait3A_934 = arith.constant 0 : i32
    %dma_wait3A_935 = tpu.memref_slice %arg11[%dma_wait3A_933, %dma_wait3A_934] : memref<4x128xi32, #tpu.memory_space<vmem>> -> memref<1x128xi32, #tpu.memory_space<vmem>>
    %dma_wait3A_936 = tpu.memref_squeeze %dma_wait3A_935 : memref<1x128xi32, #tpu.memory_space<vmem>> -> memref<128xi32, #tpu.memory_space<vmem>>
    %dma_wait3A_937 = arith.constant 0 : i32
    %dma_wait3A_938 = arith.constant 0 : i32
    %dma_wait3A_939 = tpu.memref_slice %arg4[%dma_wait3A_937, %dma_wait3A_938] : memref<125000x256xf32, #tpu.memory_space<hbm>> -> memref<125000x256xf32, #tpu.memory_space<hbm>>
    tpu.wait_indirect_dma semaphore(%arg18 : memref<!tpu.dma_semaphore, #tpu.memory_space<semaphore_mem>>) src(%dma_wait3A_939 : memref<125000x256xf32, #tpu.memory_space<hbm>>) dst(%arg13 : memref<128x256xf32, #tpu.memory_space<vmem>>)
    %dma_wait3A_940 = arith.constant 1 : i32
    %dma_wait3A_941 = arith.constant 0 : i32
    %dma_wait3A_942 = tpu.memref_slice %arg12[%dma_wait3A_940, %dma_wait3A_941] : memref<4x128xi32, #tpu.memory_space<vmem>> -> memref<1x128xi32, #tpu.memory_space<vmem>>
    %dma_wait3A_943 = tpu.memref_squeeze %dma_wait3A_942 : memref<1x128xi32, #tpu.memory_space<vmem>> -> memref<128xi32, #tpu.memory_space<vmem>>
    %dma_wait3A_944 = arith.constant 0 : i32
    %dma_wait3A_945 = arith.constant 0 : i32
    %dma_wait3A_946 = tpu.memref_slice %arg5[%dma_wait3A_944, %dma_wait3A_945] : memref<12500x256xf32, #tpu.memory_space<hbm>> -> memref<12500x256xf32, #tpu.memory_space<hbm>>
    tpu.wait_indirect_dma semaphore(%arg18 : memref<!tpu.dma_semaphore, #tpu.memory_space<semaphore_mem>>) src(%dma_wait3A_946 : memref<12500x256xf32, #tpu.memory_space<hbm>>) dst(%arg14 : memref<128x256xf32, #tpu.memory_space<vmem>>)
    %scan3A_947 = arith.constant 0 : i32
    %scan3A_948 = arith.constant 0 : i32
    %scan3A_949 = arith.constant 8 : i32
    %scan3A_950 = arith.addi %scan3A_948, %scan3A_949 : i32
    %scan3A_951 = arith.constant 1 : i32
    %scan3A_952 = scf.for %scan3A_1024 = %scan3A_948 to %scan3A_950 step %scan3A_951 iter_args(%scan3A_1025 = %scan3A_947) -> (i32)  : i32 {
      %mul3A_1026 = arith.constant 16 : i32
      %mul3A_1027 = arith.muli %scan3A_1024, %mul3A_1026 : i32
      %add3A_1028 = arith.constant 128 : i32
      %add3A_1029 = arith.addi %add3A_1028, %mul3A_1027 : i32
      %mul3A_1030 = arith.constant 16 : i32
      %mul3A_1031 = arith.muli %scan3A_1024, %mul3A_1030 : i32
      %add3A_1032 = vector.broadcast %mul3A_1031 : i32 to vector<16xi32>
      %add3A_1033 = arith.addi %add3A_1032, %iota3A : vector<16xi32>
      %broadcast_in_dim3A = arith.constant 1 : i32
      %broadcast_in_dim3A_1034 = vector.broadcast %broadcast_in_dim3A : i32 to vector<16xi32>
      %gather3A = tpu.vector_load_idx %arg9[%broadcast_in_dim3A_1034, %add3A_1033] : memref<4x128xi32, #tpu.memory_space<vmem>>[vector<16xi32>, vector<16xi32>], vector<16xi32>,
      %gather3A_1035 = tpu.vector_load_idx %arg10[%broadcast_in_dim3A_1034, %add3A_1033] : memref<4x128xi32, #tpu.memory_space<vmem>>[vector<16xi32>, vector<16xi32>], vector<16xi32>,
      %and3A = arith.constant 7 : i32
      %and3A_1036 = vector.broadcast %and3A : i32 to vector<16xi32>
      %and3A_1037 = arith.andi %gather3A, %and3A_1036 : vector<16xi32>
      %mul3A_1038 = arith.constant 32 : i32
      %mul3A_1039 = vector.broadcast %mul3A_1038 : i32 to vector<16xi32>
      %mul3A_1040 = arith.muli %and3A_1037, %mul3A_1039 : vector<16xi32>
      %and3A_1041 = arith.constant 7 : i32
      %and3A_1042 = vector.broadcast %and3A_1041 : i32 to vector<16xi32>
      %and3A_1043 = arith.andi %gather3A_1035, %and3A_1042 : vector<16xi32>
      %mul3A_1044 = arith.constant 32 : i32
      %mul3A_1045 = vector.broadcast %mul3A_1044 : i32 to vector<16xi32>
      %mul3A_1046 = arith.muli %and3A_1043, %mul3A_1045 : vector<16xi32>
      %gather3A_1047 = tpu.vector_load_idx %arg15[%broadcast_in_dim3A_1034, %add3A_1033] : memref<4x128xf32, #tpu.memory_space<vmem>>[vector<16xi32>, vector<16xi32>], vector<16xf32>,
      %gather3A_1048 = tpu.vector_load_idx %arg16[%broadcast_in_dim3A_1034, %add3A_1033] : memref<4x128xf32, #tpu.memory_space<vmem>>[vector<16xi32>, vector<16xi32>], vector<16xf32>,
      %add3A_1049 = arith.addf %gather3A_1047, %gather3A_1048 : vector<16xf32>
      %add3A_1050 = arith.constant 0 : i32
      %add3A_1051 = vector.broadcast %add3A_1050 : i32 to vector<16xi32>
      %add3A_1052 = arith.addi %mul3A_1040, %add3A_1051 : vector<16xi32>
      %gather3A_1053 = tpu.vector_load_idx %arg13[%add3A_1033, %add3A_1052] : memref<128x256xf32, #tpu.memory_space<vmem>>[vector<16xi32>, vector<16xi32>], vector<16xf32>,
      %add3A_1054 = arith.constant 0 : i32
      %add3A_1055 = vector.broadcast %add3A_1054 : i32 to vector<16xi32>
      %add3A_1056 = arith.addi %mul3A_1046, %add3A_1055 : vector<16xi32>
      %gather3A_1057 = tpu.vector_load_idx %arg14[%add3A_1033, %add3A_1056] : memref<128x256xf32, #tpu.memory_space<vmem>>[vector<16xi32>, vector<16xi32>], vector<16xf32>,
      %mul3A_1058 = arith.mulf %gather3A_1053, %gather3A_1057 : vector<16xf32>
      %add3A_1059 = arith.addf %add3A_1049, %mul3A_1058 : vector<16xf32>
      %add3A_1060 = arith.constant 1 : i32
      %add3A_1061 = vector.broadcast %add3A_1060 : i32 to vector<16xi32>
      %add3A_1062 = arith.addi %mul3A_1040, %add3A_1061 : vector<16xi32>
      %gather3A_1063 = tpu.vector_load_idx %arg13[%add3A_1033, %add3A_1062] : memref<128x256xf32, #tpu.memory_space<vmem>>[vector<16xi32>, vector<16xi32>], vector<16xf32>,
      %add3A_1064 = arith.constant 1 : i32
      %add3A_1065 = vector.broadcast %add3A_1064 : i32 to vector<16xi32>
      %add3A_1066 = arith.addi %mul3A_1046, %add3A_1065 : vector<16xi32>
      %gather3A_1067 = tpu.vector_load_idx %arg14[%add3A_1033, %add3A_1066] : memref<128x256xf32, #tpu.memory_space<vmem>>[vector<16xi32>, vector<16xi32>], vector<16xf32>,
      %mul3A_1068 = arith.mulf %gather3A_1063, %gather3A_1067 : vector<16xf32>
      %add3A_1069 = arith.addf %add3A_1059, %mul3A_1068 : vector<16xf32>
      %add3A_1070 = arith.constant 2 : i32
      %add3A_1071 = vector.broadcast %add3A_1070 : i32 to vector<16xi32>
      %add3A_1072 = arith.addi %mul3A_1040, %add3A_1071 : vector<16xi32>
      %gather3A_1073 = tpu.vector_load_idx %arg13[%add3A_1033, %add3A_1072] : memref<128x256xf32, #tpu.memory_space<vmem>>[vector<16xi32>, vector<16xi32>], vector<16xf32>,
      %add3A_1074 = arith.constant 2 : i32
      %add3A_1075 = vector.broadcast %add3A_1074 : i32 to vector<16xi32>
      %add3A_1076 = arith.addi %mul3A_1046, %add3A_1075 : vector<16xi32>
      %gather3A_1077 = tpu.vector_load_idx %arg14[%add3A_1033, %add3A_1076] : memref<128x256xf32, #tpu.memory_space<vmem>>[vector<16xi32>, vector<16xi32>], vector<16xf32>,
      %mul3A_1078 = arith.mulf %gather3A_1073, %gather3A_1077 : vector<16xf32>
      %add3A_1079 = arith.addf %add3A_1069, %mul3A_1078 : vector<16xf32>
      %add3A_1080 = arith.constant 3 : i32
      %add3A_1081 = vector.broadcast %add3A_1080 : i32 to vector<16xi32>
      %add3A_1082 = arith.addi %mul3A_1040, %add3A_1081 : vector<16xi32>
      %gather3A_1083 = tpu.vector_load_idx %arg13[%add3A_1033, %add3A_1082] : memref<128x256xf32, #tpu.memory_space<vmem>>[vector<16xi32>, vector<16xi32>], vector<16xf32>,
      %add3A_1084 = arith.constant 3 : i32
      %add3A_1085 = vector.broadcast %add3A_1084 : i32 to vector<16xi32>
      %add3A_1086 = arith.addi %mul3A_1046, %add3A_1085 : vector<16xi32>
      %gather3A_1087 = tpu.vector_load_idx %arg14[%add3A_1033, %add3A_1086] : memref<128x256xf32, #tpu.memory_space<vmem>>[vector<16xi32>, vector<16xi32>], vector<16xf32>,
      %mul3A_1088 = arith.mulf %gather3A_1083, %gather3A_1087 : vector<16xf32>
      %add3A_1089 = arith.addf %add3A_1079, %mul3A_1088 : vector<16xf32>
      %add3A_1090 = arith.constant 4 : i32
      %add3A_1091 = vector.broadcast %add3A_1090 : i32 to vector<16xi32>
      %add3A_1092 = arith.addi %mul3A_1040, %add3A_1091 : vector<16xi32>
      %gather3A_1093 = tpu.vector_load_idx %arg13[%add3A_1033, %add3A_1092] : memref<128x256xf32, #tpu.memory_space<vmem>>[vector<16xi32>, vector<16xi32>], vector<16xf32>,
      %add3A_1094 = arith.constant 4 : i32
      %add3A_1095 = vector.broadcast %add3A_1094 : i32 to vector<16xi32>
      %add3A_1096 = arith.addi %mul3A_1046, %add3A_1095 : vector<16xi32>
      %gather3A_1097 = tpu.vector_load_idx %arg14[%add3A_1033, %add3A_1096] : memref<128x256xf32, #tpu.memory_space<vmem>>[vector<16xi32>, vector<16xi32>], vector<16xf32>,
      %mul3A_1098 = arith.mulf %gather3A_1093, %gather3A_1097 : vector<16xf32>
      %add3A_1099 = arith.addf %add3A_1089, %mul3A_1098 : vector<16xf32>
      %add3A_1100 = arith.constant 5 : i32
      %add3A_1101 = vector.broadcast %add3A_1100 : i32 to vector<16xi32>
      %add3A_1102 = arith.addi %mul3A_1040, %add3A_1101 : vector<16xi32>
      %gather3A_1103 = tpu.vector_load_idx %arg13[%add3A_1033, %add3A_1102] : memref<128x256xf32, #tpu.memory_space<vmem>>[vector<16xi32>, vector<16xi32>], vector<16xf32>,
      %add3A_1104 = arith.constant 5 : i32
      %add3A_1105 = vector.broadcast %add3A_1104 : i32 to vector<16xi32>
      %add3A_1106 = arith.addi %mul3A_1046, %add3A_1105 : vector<16xi32>
      %gather3A_1107 = tpu.vector_load_idx %arg14[%add3A_1033, %add3A_1106] : memref<128x256xf32, #tpu.memory_space<vmem>>[vector<16xi32>, vector<16xi32>], vector<16xf32>,
      %mul3A_1108 = arith.mulf %gather3A_1103, %gather3A_1107 : vector<16xf32>
      %add3A_1109 = arith.addf %add3A_1099, %mul3A_1108 : vector<16xf32>
      %add3A_1110 = arith.constant 6 : i32
      %add3A_1111 = vector.broadcast %add3A_1110 : i32 to vector<16xi32>
      %add3A_1112 = arith.addi %mul3A_1040, %add3A_1111 : vector<16xi32>
      %gather3A_1113 = tpu.vector_load_idx %arg13[%add3A_1033, %add3A_1112] : memref<128x256xf32, #tpu.memory_space<vmem>>[vector<16xi32>, vector<16xi32>], vector<16xf32>,
      %add3A_1114 = arith.constant 6 : i32
      %add3A_1115 = vector.broadcast %add3A_1114 : i32 to vector<16xi32>
      %add3A_1116 = arith.addi %mul3A_1046, %add3A_1115 : vector<16xi32>
      %gather3A_1117 = tpu.vector_load_idx %arg14[%add3A_1033, %add3A_1116] : memref<128x256xf32, #tpu.memory_space<vmem>>[vector<16xi32>, vector<16xi32>], vector<16xf32>,
      %mul3A_1118 = arith.mulf %gather3A_1113, %gather3A_1117 : vector<16xf32>
      %add3A_1119 = arith.addf %add3A_1109, %mul3A_1118 : vector<16xf32>
      %add3A_1120 = arith.constant 7 : i32
      %add3A_1121 = vector.broadcast %add3A_1120 : i32 to vector<16xi32>
      %add3A_1122 = arith.addi %mul3A_1040, %add3A_1121 : vector<16xi32>
      %gather3A_1123 = tpu.vector_load_idx %arg13[%add3A_1033, %add3A_1122] : memref<128x256xf32, #tpu.memory_space<vmem>>[vector<16xi32>, vector<16xi32>], vector<16xf32>,
      %add3A_1124 = arith.constant 7 : i32
      %add3A_1125 = vector.broadcast %add3A_1124 : i32 to vector<16xi32>
      %add3A_1126 = arith.addi %mul3A_1046, %add3A_1125 : vector<16xi32>
      %gather3A_1127 = tpu.vector_load_idx %arg14[%add3A_1033, %add3A_1126] : memref<128x256xf32, #tpu.memory_space<vmem>>[vector<16xi32>, vector<16xi32>], vector<16xf32>,
      %mul3A_1128 = arith.mulf %gather3A_1123, %gather3A_1127 : vector<16xf32>
      %add3A_1129 = arith.addf %add3A_1119, %mul3A_1128 : vector<16xf32>
      %add3A_1130 = arith.constant 8 : i32
      %add3A_1131 = vector.broadcast %add3A_1130 : i32 to vector<16xi32>
      %add3A_1132 = arith.addi %mul3A_1040, %add3A_1131 : vector<16xi32>
      %gather3A_1133 = tpu.vector_load_idx %arg13[%add3A_1033, %add3A_1132] : memref<128x256xf32, #tpu.memory_space<vmem>>[vector<16xi32>, vector<16xi32>], vector<16xf32>,
      %add3A_1134 = arith.constant 8 : i32
      %add3A_1135 = vector.broadcast %add3A_1134 : i32 to vector<16xi32>
      %add3A_1136 = arith.addi %mul3A_1046, %add3A_1135 : vector<16xi32>
      %gather3A_1137 = tpu.vector_load_idx %arg14[%add3A_1033, %add3A_1136] : memref<128x256xf32, #tpu.memory_space<vmem>>[vector<16xi32>, vector<16xi32>], vector<16xf32>,
      %mul3A_1138 = arith.mulf %gather3A_1133, %gather3A_1137 : vector<16xf32>
      %add3A_1139 = arith.addf %add3A_1129, %mul3A_1138 : vector<16xf32>
      %add3A_1140 = arith.constant 9 : i32
      %add3A_1141 = vector.broadcast %add3A_1140 : i32 to vector<16xi32>
      %add3A_1142 = arith.addi %mul3A_1040, %add3A_1141 : vector<16xi32>
      %gather3A_1143 = tpu.vector_load_idx %arg13[%add3A_1033, %add3A_1142] : memref<128x256xf32, #tpu.memory_space<vmem>>[vector<16xi32>, vector<16xi32>], vector<16xf32>,
      %add3A_1144 = arith.constant 9 : i32
      %add3A_1145 = vector.broadcast %add3A_1144 : i32 to vector<16xi32>
      %add3A_1146 = arith.addi %mul3A_1046, %add3A_1145 : vector<16xi32>
      %gather3A_1147 = tpu.vector_load_idx %arg14[%add3A_1033, %add3A_1146] : memref<128x256xf32, #tpu.memory_space<vmem>>[vector<16xi32>, vector<16xi32>], vector<16xf32>,
      %mul3A_1148 = arith.mulf %gather3A_1143, %gather3A_1147 : vector<16xf32>
      %add3A_1149 = arith.addf %add3A_1139, %mul3A_1148 : vector<16xf32>
      %add3A_1150 = arith.constant 10 : i32
      %add3A_1151 = vector.broadcast %add3A_1150 : i32 to vector<16xi32>
      %add3A_1152 = arith.addi %mul3A_1040, %add3A_1151 : vector<16xi32>
      %gather3A_1153 = tpu.vector_load_idx %arg13[%add3A_1033, %add3A_1152] : memref<128x256xf32, #tpu.memory_space<vmem>>[vector<16xi32>, vector<16xi32>], vector<16xf32>,
      %add3A_1154 = arith.constant 10 : i32
      %add3A_1155 = vector.broadcast %add3A_1154 : i32 to vector<16xi32>
      %add3A_1156 = arith.addi %mul3A_1046, %add3A_1155 : vector<16xi32>
      %gather3A_1157 = tpu.vector_load_idx %arg14[%add3A_1033, %add3A_1156] : memref<128x256xf32, #tpu.memory_space<vmem>>[vector<16xi32>, vector<16xi32>], vector<16xf32>,
      %mul3A_1158 = arith.mulf %gather3A_1153, %gather3A_1157 : vector<16xf32>
      %add3A_1159 = arith.addf %add3A_1149, %mul3A_1158 : vector<16xf32>
      %add3A_1160 = arith.constant 11 : i32
      %add3A_1161 = vector.broadcast %add3A_1160 : i32 to vector<16xi32>
      %add3A_1162 = arith.addi %mul3A_1040, %add3A_1161 : vector<16xi32>
      %gather3A_1163 = tpu.vector_load_idx %arg13[%add3A_1033, %add3A_1162] : memref<128x256xf32, #tpu.memory_space<vmem>>[vector<16xi32>, vector<16xi32>], vector<16xf32>,
      %add3A_1164 = arith.constant 11 : i32
      %add3A_1165 = vector.broadcast %add3A_1164 : i32 to vector<16xi32>
      %add3A_1166 = arith.addi %mul3A_1046, %add3A_1165 : vector<16xi32>
      %gather3A_1167 = tpu.vector_load_idx %arg14[%add3A_1033, %add3A_1166] : memref<128x256xf32, #tpu.memory_space<vmem>>[vector<16xi32>, vector<16xi32>], vector<16xf32>,
      %mul3A_1168 = arith.mulf %gather3A_1163, %gather3A_1167 : vector<16xf32>
      %add3A_1169 = arith.addf %add3A_1159, %mul3A_1168 : vector<16xf32>
      %add3A_1170 = arith.constant 12 : i32
      %add3A_1171 = vector.broadcast %add3A_1170 : i32 to vector<16xi32>
      %add3A_1172 = arith.addi %mul3A_1040, %add3A_1171 : vector<16xi32>
      %gather3A_1173 = tpu.vector_load_idx %arg13[%add3A_1033, %add3A_1172] : memref<128x256xf32, #tpu.memory_space<vmem>>[vector<16xi32>, vector<16xi32>], vector<16xf32>,
      %add3A_1174 = arith.constant 12 : i32
      %add3A_1175 = vector.broadcast %add3A_1174 : i32 to vector<16xi32>
      %add3A_1176 = arith.addi %mul3A_1046, %add3A_1175 : vector<16xi32>
      %gather3A_1177 = tpu.vector_load_idx %arg14[%add3A_1033, %add3A_1176] : memref<128x256xf32, #tpu.memory_space<vmem>>[vector<16xi32>, vector<16xi32>], vector<16xf32>,
      %mul3A_1178 = arith.mulf %gather3A_1173, %gather3A_1177 : vector<16xf32>
      %add3A_1179 = arith.addf %add3A_1169, %mul3A_1178 : vector<16xf32>
      %add3A_1180 = arith.constant 13 : i32
      %add3A_1181 = vector.broadcast %add3A_1180 : i32 to vector<16xi32>
      %add3A_1182 = arith.addi %mul3A_1040, %add3A_1181 : vector<16xi32>
      %gather3A_1183 = tpu.vector_load_idx %arg13[%add3A_1033, %add3A_1182] : memref<128x256xf32, #tpu.memory_space<vmem>>[vector<16xi32>, vector<16xi32>], vector<16xf32>,
      %add3A_1184 = arith.constant 13 : i32
      %add3A_1185 = vector.broadcast %add3A_1184 : i32 to vector<16xi32>
      %add3A_1186 = arith.addi %mul3A_1046, %add3A_1185 : vector<16xi32>
      %gather3A_1187 = tpu.vector_load_idx %arg14[%add3A_1033, %add3A_1186] : memref<128x256xf32, #tpu.memory_space<vmem>>[vector<16xi32>, vector<16xi32>], vector<16xf32>,
      %mul3A_1188 = arith.mulf %gather3A_1183, %gather3A_1187 : vector<16xf32>
      %add3A_1189 = arith.addf %add3A_1179, %mul3A_1188 : vector<16xf32>
      %add3A_1190 = arith.constant 14 : i32
      %add3A_1191 = vector.broadcast %add3A_1190 : i32 to vector<16xi32>
      %add3A_1192 = arith.addi %mul3A_1040, %add3A_1191 : vector<16xi32>
      %gather3A_1193 = tpu.vector_load_idx %arg13[%add3A_1033, %add3A_1192] : memref<128x256xf32, #tpu.memory_space<vmem>>[vector<16xi32>, vector<16xi32>], vector<16xf32>,
      %add3A_1194 = arith.constant 14 : i32
      %add3A_1195 = vector.broadcast %add3A_1194 : i32 to vector<16xi32>
      %add3A_1196 = arith.addi %mul3A_1046, %add3A_1195 : vector<16xi32>
      %gather3A_1197 = tpu.vector_load_idx %arg14[%add3A_1033, %add3A_1196] : memref<128x256xf32, #tpu.memory_space<vmem>>[vector<16xi32>, vector<16xi32>], vector<16xf32>,
      %mul3A_1198 = arith.mulf %gather3A_1193, %gather3A_1197 : vector<16xf32>
      %add3A_1199 = arith.addf %add3A_1189, %mul3A_1198 : vector<16xf32>
      %add3A_1200 = arith.constant 15 : i32
      %add3A_1201 = vector.broadcast %add3A_1200 : i32 to vector<16xi32>
      %add3A_1202 = arith.addi %mul3A_1040, %add3A_1201 : vector<16xi32>
      %gather3A_1203 = tpu.vector_load_idx %arg13[%add3A_1033, %add3A_1202] : memref<128x256xf32, #tpu.memory_space<vmem>>[vector<16xi32>, vector<16xi32>], vector<16xf32>,
      %add3A_1204 = arith.constant 15 : i32
      %add3A_1205 = vector.broadcast %add3A_1204 : i32 to vector<16xi32>
      %add3A_1206 = arith.addi %mul3A_1046, %add3A_1205 : vector<16xi32>
      %gather3A_1207 = tpu.vector_load_idx %arg14[%add3A_1033, %add3A_1206] : memref<128x256xf32, #tpu.memory_space<vmem>>[vector<16xi32>, vector<16xi32>], vector<16xf32>,
      %mul3A_1208 = arith.mulf %gather3A_1203, %gather3A_1207 : vector<16xf32>
      %add3A_1209 = arith.addf %add3A_1199, %mul3A_1208 : vector<16xf32>
      %add3A_1210 = arith.constant 16 : i32
      %add3A_1211 = vector.broadcast %add3A_1210 : i32 to vector<16xi32>
      %add3A_1212 = arith.addi %mul3A_1040, %add3A_1211 : vector<16xi32>
      %gather3A_1213 = tpu.vector_load_idx %arg13[%add3A_1033, %add3A_1212] : memref<128x256xf32, #tpu.memory_space<vmem>>[vector<16xi32>, vector<16xi32>], vector<16xf32>,
      %add3A_1214 = arith.constant 16 : i32
      %add3A_1215 = vector.broadcast %add3A_1214 : i32 to vector<16xi32>
      %add3A_1216 = arith.addi %mul3A_1046, %add3A_1215 : vector<16xi32>
      %gather3A_1217 = tpu.vector_load_idx %arg14[%add3A_1033, %add3A_1216] : memref<128x256xf32, #tpu.memory_space<vmem>>[vector<16xi32>, vector<16xi32>], vector<16xf32>,
      %mul3A_1218 = arith.mulf %gather3A_1213, %gather3A_1217 : vector<16xf32>
      %add3A_1219 = arith.addf %add3A_1209, %mul3A_1218 : vector<16xf32>
      %add3A_1220 = arith.constant 17 : i32
      %add3A_1221 = vector.broadcast %add3A_1220 : i32 to vector<16xi32>
      %add3A_1222 = arith.addi %mul3A_1040, %add3A_1221 : vector<16xi32>
      %gather3A_1223 = tpu.vector_load_idx %arg13[%add3A_1033, %add3A_1222] : memref<128x256xf32, #tpu.memory_space<vmem>>[vector<16xi32>, vector<16xi32>], vector<16xf32>,
      %add3A_1224 = arith.constant 17 : i32
      %add3A_1225 = vector.broadcast %add3A_1224 : i32 to vector<16xi32>
      %add3A_1226 = arith.addi %mul3A_1046, %add3A_1225 : vector<16xi32>
      %gather3A_1227 = tpu.vector_load_idx %arg14[%add3A_1033, %add3A_1226] : memref<128x256xf32, #tpu.memory_space<vmem>>[vector<16xi32>, vector<16xi32>], vector<16xf32>,
      %mul3A_1228 = arith.mulf %gather3A_1223, %gather3A_1227 : vector<16xf32>
      %add3A_1229 = arith.addf %add3A_1219, %mul3A_1228 : vector<16xf32>
      %add3A_1230 = arith.constant 18 : i32
      %add3A_1231 = vector.broadcast %add3A_1230 : i32 to vector<16xi32>
      %add3A_1232 = arith.addi %mul3A_1040, %add3A_1231 : vector<16xi32>
      %gather3A_1233 = tpu.vector_load_idx %arg13[%add3A_1033, %add3A_1232] : memref<128x256xf32, #tpu.memory_space<vmem>>[vector<16xi32>, vector<16xi32>], vector<16xf32>,
      %add3A_1234 = arith.constant 18 : i32
      %add3A_1235 = vector.broadcast %add3A_1234 : i32 to vector<16xi32>
      %add3A_1236 = arith.addi %mul3A_1046, %add3A_1235 : vector<16xi32>
      %gather3A_1237 = tpu.vector_load_idx %arg14[%add3A_1033, %add3A_1236] : memref<128x256xf32, #tpu.memory_space<vmem>>[vector<16xi32>, vector<16xi32>], vector<16xf32>,
      %mul3A_1238 = arith.mulf %gather3A_1233, %gather3A_1237 : vector<16xf32>
      %add3A_1239 = arith.addf %add3A_1229, %mul3A_1238 : vector<16xf32>
      %add3A_1240 = arith.constant 19 : i32
      %add3A_1241 = vector.broadcast %add3A_1240 : i32 to vector<16xi32>
      %add3A_1242 = arith.addi %mul3A_1040, %add3A_1241 : vector<16xi32>
      %gather3A_1243 = tpu.vector_load_idx %arg13[%add3A_1033, %add3A_1242] : memref<128x256xf32, #tpu.memory_space<vmem>>[vector<16xi32>, vector<16xi32>], vector<16xf32>,
      %add3A_1244 = arith.constant 19 : i32
      %add3A_1245 = vector.broadcast %add3A_1244 : i32 to vector<16xi32>
      %add3A_1246 = arith.addi %mul3A_1046, %add3A_1245 : vector<16xi32>
      %gather3A_1247 = tpu.vector_load_idx %arg14[%add3A_1033, %add3A_1246] : memref<128x256xf32, #tpu.memory_space<vmem>>[vector<16xi32>, vector<16xi32>], vector<16xf32>,
      %mul3A_1248 = arith.mulf %gather3A_1243, %gather3A_1247 : vector<16xf32>
      %add3A_1249 = arith.addf %add3A_1239, %mul3A_1248 : vector<16xf32>
      %add3A_1250 = arith.constant 20 : i32
      %add3A_1251 = vector.broadcast %add3A_1250 : i32 to vector<16xi32>
      %add3A_1252 = arith.addi %mul3A_1040, %add3A_1251 : vector<16xi32>
      %gather3A_1253 = tpu.vector_load_idx %arg13[%add3A_1033, %add3A_1252] : memref<128x256xf32, #tpu.memory_space<vmem>>[vector<16xi32>, vector<16xi32>], vector<16xf32>,
      %add3A_1254 = arith.constant 20 : i32
      %add3A_1255 = vector.broadcast %add3A_1254 : i32 to vector<16xi32>
      %add3A_1256 = arith.addi %mul3A_1046, %add3A_1255 : vector<16xi32>
      %gather3A_1257 = tpu.vector_load_idx %arg14[%add3A_1033, %add3A_1256] : memref<128x256xf32, #tpu.memory_space<vmem>>[vector<16xi32>, vector<16xi32>], vector<16xf32>,
      %mul3A_1258 = arith.mulf %gather3A_1253, %gather3A_1257 : vector<16xf32>
      %add3A_1259 = arith.addf %add3A_1249, %mul3A_1258 : vector<16xf32>
      %add3A_1260 = arith.constant 21 : i32
      %add3A_1261 = vector.broadcast %add3A_1260 : i32 to vector<16xi32>
      %add3A_1262 = arith.addi %mul3A_1040, %add3A_1261 : vector<16xi32>
      %gather3A_1263 = tpu.vector_load_idx %arg13[%add3A_1033, %add3A_1262] : memref<128x256xf32, #tpu.memory_space<vmem>>[vector<16xi32>, vector<16xi32>], vector<16xf32>,
      %add3A_1264 = arith.constant 21 : i32
      %add3A_1265 = vector.broadcast %add3A_1264 : i32 to vector<16xi32>
      %add3A_1266 = arith.addi %mul3A_1046, %add3A_1265 : vector<16xi32>
      %gather3A_1267 = tpu.vector_load_idx %arg14[%add3A_1033, %add3A_1266] : memref<128x256xf32, #tpu.memory_space<vmem>>[vector<16xi32>, vector<16xi32>], vector<16xf32>,
      %mul3A_1268 = arith.mulf %gather3A_1263, %gather3A_1267 : vector<16xf32>
      %add3A_1269 = arith.addf %add3A_1259, %mul3A_1268 : vector<16xf32>
      %add3A_1270 = arith.constant 22 : i32
      %add3A_1271 = vector.broadcast %add3A_1270 : i32 to vector<16xi32>
      %add3A_1272 = arith.addi %mul3A_1040, %add3A_1271 : vector<16xi32>
      %gather3A_1273 = tpu.vector_load_idx %arg13[%add3A_1033, %add3A_1272] : memref<128x256xf32, #tpu.memory_space<vmem>>[vector<16xi32>, vector<16xi32>], vector<16xf32>,
      %add3A_1274 = arith.constant 22 : i32
      %add3A_1275 = vector.broadcast %add3A_1274 : i32 to vector<16xi32>
      %add3A_1276 = arith.addi %mul3A_1046, %add3A_1275 : vector<16xi32>
      %gather3A_1277 = tpu.vector_load_idx %arg14[%add3A_1033, %add3A_1276] : memref<128x256xf32, #tpu.memory_space<vmem>>[vector<16xi32>, vector<16xi32>], vector<16xf32>,
      %mul3A_1278 = arith.mulf %gather3A_1273, %gather3A_1277 : vector<16xf32>
      %add3A_1279 = arith.addf %add3A_1269, %mul3A_1278 : vector<16xf32>
      %add3A_1280 = arith.constant 23 : i32
      %add3A_1281 = vector.broadcast %add3A_1280 : i32 to vector<16xi32>
      %add3A_1282 = arith.addi %mul3A_1040, %add3A_1281 : vector<16xi32>
      %gather3A_1283 = tpu.vector_load_idx %arg13[%add3A_1033, %add3A_1282] : memref<128x256xf32, #tpu.memory_space<vmem>>[vector<16xi32>, vector<16xi32>], vector<16xf32>,
      %add3A_1284 = arith.constant 23 : i32
      %add3A_1285 = vector.broadcast %add3A_1284 : i32 to vector<16xi32>
      %add3A_1286 = arith.addi %mul3A_1046, %add3A_1285 : vector<16xi32>
      %gather3A_1287 = tpu.vector_load_idx %arg14[%add3A_1033, %add3A_1286] : memref<128x256xf32, #tpu.memory_space<vmem>>[vector<16xi32>, vector<16xi32>], vector<16xf32>,
      %mul3A_1288 = arith.mulf %gather3A_1283, %gather3A_1287 : vector<16xf32>
      %add3A_1289 = arith.addf %add3A_1279, %mul3A_1288 : vector<16xf32>
      %add3A_1290 = arith.constant 24 : i32
      %add3A_1291 = vector.broadcast %add3A_1290 : i32 to vector<16xi32>
      %add3A_1292 = arith.addi %mul3A_1040, %add3A_1291 : vector<16xi32>
      %gather3A_1293 = tpu.vector_load_idx %arg13[%add3A_1033, %add3A_1292] : memref<128x256xf32, #tpu.memory_space<vmem>>[vector<16xi32>, vector<16xi32>], vector<16xf32>,
      %add3A_1294 = arith.constant 24 : i32
      %add3A_1295 = vector.broadcast %add3A_1294 : i32 to vector<16xi32>
      %add3A_1296 = arith.addi %mul3A_1046, %add3A_1295 : vector<16xi32>
      %gather3A_1297 = tpu.vector_load_idx %arg14[%add3A_1033, %add3A_1296] : memref<128x256xf32, #tpu.memory_space<vmem>>[vector<16xi32>, vector<16xi32>], vector<16xf32>,
      %mul3A_1298 = arith.mulf %gather3A_1293, %gather3A_1297 : vector<16xf32>
      %add3A_1299 = arith.addf %add3A_1289, %mul3A_1298 : vector<16xf32>
      %add3A_1300 = arith.constant 25 : i32
      %add3A_1301 = vector.broadcast %add3A_1300 : i32 to vector<16xi32>
      %add3A_1302 = arith.addi %mul3A_1040, %add3A_1301 : vector<16xi32>
      %gather3A_1303 = tpu.vector_load_idx %arg13[%add3A_1033, %add3A_1302] : memref<128x256xf32, #tpu.memory_space<vmem>>[vector<16xi32>, vector<16xi32>], vector<16xf32>,
      %add3A_1304 = arith.constant 25 : i32
      %add3A_1305 = vector.broadcast %add3A_1304 : i32 to vector<16xi32>
      %add3A_1306 = arith.addi %mul3A_1046, %add3A_1305 : vector<16xi32>
      %gather3A_1307 = tpu.vector_load_idx %arg14[%add3A_1033, %add3A_1306] : memref<128x256xf32, #tpu.memory_space<vmem>>[vector<16xi32>, vector<16xi32>], vector<16xf32>,
      %mul3A_1308 = arith.mulf %gather3A_1303, %gather3A_1307 : vector<16xf32>
      %add3A_1309 = arith.addf %add3A_1299, %mul3A_1308 : vector<16xf32>
      %add3A_1310 = arith.constant 26 : i32
      %add3A_1311 = vector.broadcast %add3A_1310 : i32 to vector<16xi32>
      %add3A_1312 = arith.addi %mul3A_1040, %add3A_1311 : vector<16xi32>
      %gather3A_1313 = tpu.vector_load_idx %arg13[%add3A_1033, %add3A_1312] : memref<128x256xf32, #tpu.memory_space<vmem>>[vector<16xi32>, vector<16xi32>], vector<16xf32>,
      %add3A_1314 = arith.constant 26 : i32
      %add3A_1315 = vector.broadcast %add3A_1314 : i32 to vector<16xi32>
      %add3A_1316 = arith.addi %mul3A_1046, %add3A_1315 : vector<16xi32>
      %gather3A_1317 = tpu.vector_load_idx %arg14[%add3A_1033, %add3A_1316] : memref<128x256xf32, #tpu.memory_space<vmem>>[vector<16xi32>, vector<16xi32>], vector<16xf32>,
      %mul3A_1318 = arith.mulf %gather3A_1313, %gather3A_1317 : vector<16xf32>
      %add3A_1319 = arith.addf %add3A_1309, %mul3A_1318 : vector<16xf32>
      %add3A_1320 = arith.constant 27 : i32
      %add3A_1321 = vector.broadcast %add3A_1320 : i32 to vector<16xi32>
      %add3A_1322 = arith.addi %mul3A_1040, %add3A_1321 : vector<16xi32>
      %gather3A_1323 = tpu.vector_load_idx %arg13[%add3A_1033, %add3A_1322] : memref<128x256xf32, #tpu.memory_space<vmem>>[vector<16xi32>, vector<16xi32>], vector<16xf32>,
      %add3A_1324 = arith.constant 27 : i32
      %add3A_1325 = vector.broadcast %add3A_1324 : i32 to vector<16xi32>
      %add3A_1326 = arith.addi %mul3A_1046, %add3A_1325 : vector<16xi32>
      %gather3A_1327 = tpu.vector_load_idx %arg14[%add3A_1033, %add3A_1326] : memref<128x256xf32, #tpu.memory_space<vmem>>[vector<16xi32>, vector<16xi32>], vector<16xf32>,
      %mul3A_1328 = arith.mulf %gather3A_1323, %gather3A_1327 : vector<16xf32>
      %add3A_1329 = arith.addf %add3A_1319, %mul3A_1328 : vector<16xf32>
      %add3A_1330 = arith.constant 28 : i32
      %add3A_1331 = vector.broadcast %add3A_1330 : i32 to vector<16xi32>
      %add3A_1332 = arith.addi %mul3A_1040, %add3A_1331 : vector<16xi32>
      %gather3A_1333 = tpu.vector_load_idx %arg13[%add3A_1033, %add3A_1332] : memref<128x256xf32, #tpu.memory_space<vmem>>[vector<16xi32>, vector<16xi32>], vector<16xf32>,
      %add3A_1334 = arith.constant 28 : i32
      %add3A_1335 = vector.broadcast %add3A_1334 : i32 to vector<16xi32>
      %add3A_1336 = arith.addi %mul3A_1046, %add3A_1335 : vector<16xi32>
      %gather3A_1337 = tpu.vector_load_idx %arg14[%add3A_1033, %add3A_1336] : memref<128x256xf32, #tpu.memory_space<vmem>>[vector<16xi32>, vector<16xi32>], vector<16xf32>,
      %mul3A_1338 = arith.mulf %gather3A_1333, %gather3A_1337 : vector<16xf32>
      %add3A_1339 = arith.addf %add3A_1329, %mul3A_1338 : vector<16xf32>
      %add3A_1340 = arith.constant 29 : i32
      %add3A_1341 = vector.broadcast %add3A_1340 : i32 to vector<16xi32>
      %add3A_1342 = arith.addi %mul3A_1040, %add3A_1341 : vector<16xi32>
      %gather3A_1343 = tpu.vector_load_idx %arg13[%add3A_1033, %add3A_1342] : memref<128x256xf32, #tpu.memory_space<vmem>>[vector<16xi32>, vector<16xi32>], vector<16xf32>,
      %add3A_1344 = arith.constant 29 : i32
      %add3A_1345 = vector.broadcast %add3A_1344 : i32 to vector<16xi32>
      %add3A_1346 = arith.addi %mul3A_1046, %add3A_1345 : vector<16xi32>
      %gather3A_1347 = tpu.vector_load_idx %arg14[%add3A_1033, %add3A_1346] : memref<128x256xf32, #tpu.memory_space<vmem>>[vector<16xi32>, vector<16xi32>], vector<16xf32>,
      %mul3A_1348 = arith.mulf %gather3A_1343, %gather3A_1347 : vector<16xf32>
      %add3A_1349 = arith.addf %add3A_1339, %mul3A_1348 : vector<16xf32>
      %add3A_1350 = arith.constant 30 : i32
      %add3A_1351 = vector.broadcast %add3A_1350 : i32 to vector<16xi32>
      %add3A_1352 = arith.addi %mul3A_1040, %add3A_1351 : vector<16xi32>
      %gather3A_1353 = tpu.vector_load_idx %arg13[%add3A_1033, %add3A_1352] : memref<128x256xf32, #tpu.memory_space<vmem>>[vector<16xi32>, vector<16xi32>], vector<16xf32>,
      %add3A_1354 = arith.constant 30 : i32
      %add3A_1355 = vector.broadcast %add3A_1354 : i32 to vector<16xi32>
      %add3A_1356 = arith.addi %mul3A_1046, %add3A_1355 : vector<16xi32>
      %gather3A_1357 = tpu.vector_load_idx %arg14[%add3A_1033, %add3A_1356] : memref<128x256xf32, #tpu.memory_space<vmem>>[vector<16xi32>, vector<16xi32>], vector<16xf32>,
      %mul3A_1358 = arith.mulf %gather3A_1353, %gather3A_1357 : vector<16xf32>
      %add3A_1359 = arith.addf %add3A_1349, %mul3A_1358 : vector<16xf32>
      %add3A_1360 = arith.constant 31 : i32
      %add3A_1361 = vector.broadcast %add3A_1360 : i32 to vector<16xi32>
      %add3A_1362 = arith.addi %mul3A_1040, %add3A_1361 : vector<16xi32>
      %gather3A_1363 = tpu.vector_load_idx %arg13[%add3A_1033, %add3A_1362] : memref<128x256xf32, #tpu.memory_space<vmem>>[vector<16xi32>, vector<16xi32>], vector<16xf32>,
      %add3A_1364 = arith.constant 31 : i32
      %add3A_1365 = vector.broadcast %add3A_1364 : i32 to vector<16xi32>
      %add3A_1366 = arith.addi %mul3A_1046, %add3A_1365 : vector<16xi32>
      %gather3A_1367 = tpu.vector_load_idx %arg14[%add3A_1033, %add3A_1366] : memref<128x256xf32, #tpu.memory_space<vmem>>[vector<16xi32>, vector<16xi32>], vector<16xf32>,
      %mul3A_1368 = arith.mulf %gather3A_1363, %gather3A_1367 : vector<16xf32>
      %add3A_1369 = arith.addf %add3A_1359, %mul3A_1368 : vector<16xf32>
      %swap3A_1370 = arith.index_cast %add3A_1029 : i32 to index
      %swap3A_1371 = tpu.vector_load %arg17[%swap3A_1370] {strides = array<i32>} : memref<512xf32, #tpu.memory_space<vmem>>, vector<16xf32>,
      tpu.vector_store %arg17[%swap3A_1370], %add3A_1369 {strides = array<i32>} : memref<512xf32, #tpu.memory_space<vmem>>, vector<16xf32>,
      %scan3A_1372 = arith.constant 0 : i32
      scf.yield %scan3A_1372 : i32
    }
    %scan3A_953 = arith.constant 8 : i32
    %dma_start3A_954 = arith.constant 2 : i32
    %dma_start3A_955 = arith.constant 0 : i32
    %dma_start3A_956 = tpu.memref_slice %arg11[%dma_start3A_954, %dma_start3A_955] : memref<4x128xi32, #tpu.memory_space<vmem>> -> memref<1x128xi32, #tpu.memory_space<vmem>>
    %dma_start3A_957 = tpu.memref_squeeze %dma_start3A_956 : memref<1x128xi32, #tpu.memory_space<vmem>> -> memref<128xi32, #tpu.memory_space<vmem>>
    %dma_start3A_958 = arith.constant 0 : i32
    %dma_start3A_959 = arith.constant 0 : i32
    %dma_start3A_960 = tpu.memref_slice %arg4[%dma_start3A_958, %dma_start3A_959] : memref<125000x256xf32, #tpu.memory_space<hbm>> -> memref<125000x256xf32, #tpu.memory_space<hbm>>
    tpu.enqueue_indirect_dma source(%dma_start3A_960 : memref<125000x256xf32, #tpu.memory_space<hbm>>) target(%arg13 : memref<128x256xf32, #tpu.memory_space<vmem>>) offsets(%dma_start3A_957 : memref<128xi32, #tpu.memory_space<vmem>>) semaphore(%arg18 : memref<!tpu.dma_semaphore, #tpu.memory_space<semaphore_mem>>)
    %dma_start3A_961 = arith.constant 2 : i32
    %dma_start3A_962 = arith.constant 0 : i32
    %dma_start3A_963 = tpu.memref_slice %arg12[%dma_start3A_961, %dma_start3A_962] : memref<4x128xi32, #tpu.memory_space<vmem>> -> memref<1x128xi32, #tpu.memory_space<vmem>>
    %dma_start3A_964 = tpu.memref_squeeze %dma_start3A_963 : memref<1x128xi32, #tpu.memory_space<vmem>> -> memref<128xi32, #tpu.memory_space<vmem>>
    %dma_start3A_965 = arith.constant 0 : i32
    %dma_start3A_966 = arith.constant 0 : i32
    %dma_start3A_967 = tpu.memref_slice %arg5[%dma_start3A_965, %dma_start3A_966] : memref<12500x256xf32, #tpu.memory_space<hbm>> -> memref<12500x256xf32, #tpu.memory_space<hbm>>
    tpu.enqueue_indirect_dma source(%dma_start3A_967 : memref<12500x256xf32, #tpu.memory_space<hbm>>) target(%arg14 : memref<128x256xf32, #tpu.memory_space<vmem>>) offsets(%dma_start3A_964 : memref<128xi32, #tpu.memory_space<vmem>>) semaphore(%arg18 : memref<!tpu.dma_semaphore, #tpu.memory_space<semaphore_mem>>)
    %dma_wait3A_968 = arith.constant 2 : i32
    %dma_wait3A_969 = arith.constant 0 : i32
    %dma_wait3A_970 = tpu.memref_slice %arg11[%dma_wait3A_968, %dma_wait3A_969] : memref<4x128xi32, #tpu.memory_space<vmem>> -> memref<1x128xi32, #tpu.memory_space<vmem>>
    %dma_wait3A_971 = tpu.memref_squeeze %dma_wait3A_970 : memref<1x128xi32, #tpu.memory_space<vmem>> -> memref<128xi32, #tpu.memory_space<vmem>>
    %dma_wait3A_972 = arith.constant 0 : i32
    %dma_wait3A_973 = arith.constant 0 : i32
    %dma_wait3A_974 = tpu.memref_slice %arg4[%dma_wait3A_972, %dma_wait3A_973] : memref<125000x256xf32, #tpu.memory_space<hbm>> -> memref<125000x256xf32, #tpu.memory_space<hbm>>
    tpu.wait_indirect_dma semaphore(%arg18 : memref<!tpu.dma_semaphore, #tpu.memory_space<semaphore_mem>>) src(%dma_wait3A_974 : memref<125000x256xf32, #tpu.memory_space<hbm>>) dst(%arg13 : memref<128x256xf32, #tpu.memory_space<vmem>>)
    %dma_wait3A_975 = arith.constant 2 : i32
    %dma_wait3A_976 = arith.constant 0 : i32
    %dma_wait3A_977 = tpu.memref_slice %arg12[%dma_wait3A_975, %dma_wait3A_976] : memref<4x128xi32, #tpu.memory_space<vmem>> -> memref<1x128xi32, #tpu.memory_space<vmem>>
    %dma_wait3A_978 = tpu.memref_squeeze %dma_wait3A_977 : memref<1x128xi32, #tpu.memory_space<vmem>> -> memref<128xi32, #tpu.memory_space<vmem>>
    %dma_wait3A_979 = arith.constant 0 : i32
    %dma_wait3A_980 = arith.constant 0 : i32
    %dma_wait3A_981 = tpu.memref_slice %arg5[%dma_wait3A_979, %dma_wait3A_980] : memref<12500x256xf32, #tpu.memory_space<hbm>> -> memref<12500x256xf32, #tpu.memory_space<hbm>>
    tpu.wait_indirect_dma semaphore(%arg18 : memref<!tpu.dma_semaphore, #tpu.memory_space<semaphore_mem>>) src(%dma_wait3A_981 : memref<12500x256xf32, #tpu.memory_space<hbm>>) dst(%arg14 : memref<128x256xf32, #tpu.memory_space<vmem>>)
    %scan3A_982 = arith.constant 0 : i32
    %scan3A_983 = arith.constant 0 : i32
    %scan3A_984 = arith.constant 8 : i32
    %scan3A_985 = arith.addi %scan3A_983, %scan3A_984 : i32
    %scan3A_986 = arith.constant 1 : i32
    %scan3A_987 = scf.for %scan3A_1024 = %scan3A_983 to %scan3A_985 step %scan3A_986 iter_args(%scan3A_1025 = %scan3A_982) -> (i32)  : i32 {
      %mul3A_1026 = arith.constant 16 : i32
      %mul3A_1027 = arith.muli %scan3A_1024, %mul3A_1026 : i32
      %add3A_1028 = arith.constant 256 : i32
      %add3A_1029 = arith.addi %add3A_1028, %mul3A_1027 : i32
      %mul3A_1030 = arith.constant 16 : i32
      %mul3A_1031 = arith.muli %scan3A_1024, %mul3A_1030 : i32
      %add3A_1032 = vector.broadcast %mul3A_1031 : i32 to vector<16xi32>
      %add3A_1033 = arith.addi %add3A_1032, %iota3A : vector<16xi32>
      %broadcast_in_dim3A = arith.constant 2 : i32
      %broadcast_in_dim3A_1034 = vector.broadcast %broadcast_in_dim3A : i32 to vector<16xi32>
      %gather3A = tpu.vector_load_idx %arg9[%broadcast_in_dim3A_1034, %add3A_1033] : memref<4x128xi32, #tpu.memory_space<vmem>>[vector<16xi32>, vector<16xi32>], vector<16xi32>,
      %gather3A_1035 = tpu.vector_load_idx %arg10[%broadcast_in_dim3A_1034, %add3A_1033] : memref<4x128xi32, #tpu.memory_space<vmem>>[vector<16xi32>, vector<16xi32>], vector<16xi32>,
      %and3A = arith.constant 7 : i32
      %and3A_1036 = vector.broadcast %and3A : i32 to vector<16xi32>
      %and3A_1037 = arith.andi %gather3A, %and3A_1036 : vector<16xi32>
      %mul3A_1038 = arith.constant 32 : i32
      %mul3A_1039 = vector.broadcast %mul3A_1038 : i32 to vector<16xi32>
      %mul3A_1040 = arith.muli %and3A_1037, %mul3A_1039 : vector<16xi32>
      %and3A_1041 = arith.constant 7 : i32
      %and3A_1042 = vector.broadcast %and3A_1041 : i32 to vector<16xi32>
      %and3A_1043 = arith.andi %gather3A_1035, %and3A_1042 : vector<16xi32>
      %mul3A_1044 = arith.constant 32 : i32
      %mul3A_1045 = vector.broadcast %mul3A_1044 : i32 to vector<16xi32>
      %mul3A_1046 = arith.muli %and3A_1043, %mul3A_1045 : vector<16xi32>
      %gather3A_1047 = tpu.vector_load_idx %arg15[%broadcast_in_dim3A_1034, %add3A_1033] : memref<4x128xf32, #tpu.memory_space<vmem>>[vector<16xi32>, vector<16xi32>], vector<16xf32>,
      %gather3A_1048 = tpu.vector_load_idx %arg16[%broadcast_in_dim3A_1034, %add3A_1033] : memref<4x128xf32, #tpu.memory_space<vmem>>[vector<16xi32>, vector<16xi32>], vector<16xf32>,
      %add3A_1049 = arith.addf %gather3A_1047, %gather3A_1048 : vector<16xf32>
      %add3A_1050 = arith.constant 0 : i32
      %add3A_1051 = vector.broadcast %add3A_1050 : i32 to vector<16xi32>
      %add3A_1052 = arith.addi %mul3A_1040, %add3A_1051 : vector<16xi32>
      %gather3A_1053 = tpu.vector_load_idx %arg13[%add3A_1033, %add3A_1052] : memref<128x256xf32, #tpu.memory_space<vmem>>[vector<16xi32>, vector<16xi32>], vector<16xf32>,
      %add3A_1054 = arith.constant 0 : i32
      %add3A_1055 = vector.broadcast %add3A_1054 : i32 to vector<16xi32>
      %add3A_1056 = arith.addi %mul3A_1046, %add3A_1055 : vector<16xi32>
      %gather3A_1057 = tpu.vector_load_idx %arg14[%add3A_1033, %add3A_1056] : memref<128x256xf32, #tpu.memory_space<vmem>>[vector<16xi32>, vector<16xi32>], vector<16xf32>,
      %mul3A_1058 = arith.mulf %gather3A_1053, %gather3A_1057 : vector<16xf32>
      %add3A_1059 = arith.addf %add3A_1049, %mul3A_1058 : vector<16xf32>
      %add3A_1060 = arith.constant 1 : i32
      %add3A_1061 = vector.broadcast %add3A_1060 : i32 to vector<16xi32>
      %add3A_1062 = arith.addi %mul3A_1040, %add3A_1061 : vector<16xi32>
      %gather3A_1063 = tpu.vector_load_idx %arg13[%add3A_1033, %add3A_1062] : memref<128x256xf32, #tpu.memory_space<vmem>>[vector<16xi32>, vector<16xi32>], vector<16xf32>,
      %add3A_1064 = arith.constant 1 : i32
      %add3A_1065 = vector.broadcast %add3A_1064 : i32 to vector<16xi32>
      %add3A_1066 = arith.addi %mul3A_1046, %add3A_1065 : vector<16xi32>
      %gather3A_1067 = tpu.vector_load_idx %arg14[%add3A_1033, %add3A_1066] : memref<128x256xf32, #tpu.memory_space<vmem>>[vector<16xi32>, vector<16xi32>], vector<16xf32>,
      %mul3A_1068 = arith.mulf %gather3A_1063, %gather3A_1067 : vector<16xf32>
      %add3A_1069 = arith.addf %add3A_1059, %mul3A_1068 : vector<16xf32>
      %add3A_1070 = arith.constant 2 : i32
      %add3A_1071 = vector.broadcast %add3A_1070 : i32 to vector<16xi32>
      %add3A_1072 = arith.addi %mul3A_1040, %add3A_1071 : vector<16xi32>
      %gather3A_1073 = tpu.vector_load_idx %arg13[%add3A_1033, %add3A_1072] : memref<128x256xf32, #tpu.memory_space<vmem>>[vector<16xi32>, vector<16xi32>], vector<16xf32>,
      %add3A_1074 = arith.constant 2 : i32
      %add3A_1075 = vector.broadcast %add3A_1074 : i32 to vector<16xi32>
      %add3A_1076 = arith.addi %mul3A_1046, %add3A_1075 : vector<16xi32>
      %gather3A_1077 = tpu.vector_load_idx %arg14[%add3A_1033, %add3A_1076] : memref<128x256xf32, #tpu.memory_space<vmem>>[vector<16xi32>, vector<16xi32>], vector<16xf32>,
      %mul3A_1078 = arith.mulf %gather3A_1073, %gather3A_1077 : vector<16xf32>
      %add3A_1079 = arith.addf %add3A_1069, %mul3A_1078 : vector<16xf32>
      %add3A_1080 = arith.constant 3 : i32
      %add3A_1081 = vector.broadcast %add3A_1080 : i32 to vector<16xi32>
      %add3A_1082 = arith.addi %mul3A_1040, %add3A_1081 : vector<16xi32>
      %gather3A_1083 = tpu.vector_load_idx %arg13[%add3A_1033, %add3A_1082] : memref<128x256xf32, #tpu.memory_space<vmem>>[vector<16xi32>, vector<16xi32>], vector<16xf32>,
      %add3A_1084 = arith.constant 3 : i32
      %add3A_1085 = vector.broadcast %add3A_1084 : i32 to vector<16xi32>
      %add3A_1086 = arith.addi %mul3A_1046, %add3A_1085 : vector<16xi32>
      %gather3A_1087 = tpu.vector_load_idx %arg14[%add3A_1033, %add3A_1086] : memref<128x256xf32, #tpu.memory_space<vmem>>[vector<16xi32>, vector<16xi32>], vector<16xf32>,
      %mul3A_1088 = arith.mulf %gather3A_1083, %gather3A_1087 : vector<16xf32>
      %add3A_1089 = arith.addf %add3A_1079, %mul3A_1088 : vector<16xf32>
      %add3A_1090 = arith.constant 4 : i32
      %add3A_1091 = vector.broadcast %add3A_1090 : i32 to vector<16xi32>
      %add3A_1092 = arith.addi %mul3A_1040, %add3A_1091 : vector<16xi32>
      %gather3A_1093 = tpu.vector_load_idx %arg13[%add3A_1033, %add3A_1092] : memref<128x256xf32, #tpu.memory_space<vmem>>[vector<16xi32>, vector<16xi32>], vector<16xf32>,
      %add3A_1094 = arith.constant 4 : i32
      %add3A_1095 = vector.broadcast %add3A_1094 : i32 to vector<16xi32>
      %add3A_1096 = arith.addi %mul3A_1046, %add3A_1095 : vector<16xi32>
      %gather3A_1097 = tpu.vector_load_idx %arg14[%add3A_1033, %add3A_1096] : memref<128x256xf32, #tpu.memory_space<vmem>>[vector<16xi32>, vector<16xi32>], vector<16xf32>,
      %mul3A_1098 = arith.mulf %gather3A_1093, %gather3A_1097 : vector<16xf32>
      %add3A_1099 = arith.addf %add3A_1089, %mul3A_1098 : vector<16xf32>
      %add3A_1100 = arith.constant 5 : i32
      %add3A_1101 = vector.broadcast %add3A_1100 : i32 to vector<16xi32>
      %add3A_1102 = arith.addi %mul3A_1040, %add3A_1101 : vector<16xi32>
      %gather3A_1103 = tpu.vector_load_idx %arg13[%add3A_1033, %add3A_1102] : memref<128x256xf32, #tpu.memory_space<vmem>>[vector<16xi32>, vector<16xi32>], vector<16xf32>,
      %add3A_1104 = arith.constant 5 : i32
      %add3A_1105 = vector.broadcast %add3A_1104 : i32 to vector<16xi32>
      %add3A_1106 = arith.addi %mul3A_1046, %add3A_1105 : vector<16xi32>
      %gather3A_1107 = tpu.vector_load_idx %arg14[%add3A_1033, %add3A_1106] : memref<128x256xf32, #tpu.memory_space<vmem>>[vector<16xi32>, vector<16xi32>], vector<16xf32>,
      %mul3A_1108 = arith.mulf %gather3A_1103, %gather3A_1107 : vector<16xf32>
      %add3A_1109 = arith.addf %add3A_1099, %mul3A_1108 : vector<16xf32>
      %add3A_1110 = arith.constant 6 : i32
      %add3A_1111 = vector.broadcast %add3A_1110 : i32 to vector<16xi32>
      %add3A_1112 = arith.addi %mul3A_1040, %add3A_1111 : vector<16xi32>
      %gather3A_1113 = tpu.vector_load_idx %arg13[%add3A_1033, %add3A_1112] : memref<128x256xf32, #tpu.memory_space<vmem>>[vector<16xi32>, vector<16xi32>], vector<16xf32>,
      %add3A_1114 = arith.constant 6 : i32
      %add3A_1115 = vector.broadcast %add3A_1114 : i32 to vector<16xi32>
      %add3A_1116 = arith.addi %mul3A_1046, %add3A_1115 : vector<16xi32>
      %gather3A_1117 = tpu.vector_load_idx %arg14[%add3A_1033, %add3A_1116] : memref<128x256xf32, #tpu.memory_space<vmem>>[vector<16xi32>, vector<16xi32>], vector<16xf32>,
      %mul3A_1118 = arith.mulf %gather3A_1113, %gather3A_1117 : vector<16xf32>
      %add3A_1119 = arith.addf %add3A_1109, %mul3A_1118 : vector<16xf32>
      %add3A_1120 = arith.constant 7 : i32
      %add3A_1121 = vector.broadcast %add3A_1120 : i32 to vector<16xi32>
      %add3A_1122 = arith.addi %mul3A_1040, %add3A_1121 : vector<16xi32>
      %gather3A_1123 = tpu.vector_load_idx %arg13[%add3A_1033, %add3A_1122] : memref<128x256xf32, #tpu.memory_space<vmem>>[vector<16xi32>, vector<16xi32>], vector<16xf32>,
      %add3A_1124 = arith.constant 7 : i32
      %add3A_1125 = vector.broadcast %add3A_1124 : i32 to vector<16xi32>
      %add3A_1126 = arith.addi %mul3A_1046, %add3A_1125 : vector<16xi32>
      %gather3A_1127 = tpu.vector_load_idx %arg14[%add3A_1033, %add3A_1126] : memref<128x256xf32, #tpu.memory_space<vmem>>[vector<16xi32>, vector<16xi32>], vector<16xf32>,
      %mul3A_1128 = arith.mulf %gather3A_1123, %gather3A_1127 : vector<16xf32>
      %add3A_1129 = arith.addf %add3A_1119, %mul3A_1128 : vector<16xf32>
      %add3A_1130 = arith.constant 8 : i32
      %add3A_1131 = vector.broadcast %add3A_1130 : i32 to vector<16xi32>
      %add3A_1132 = arith.addi %mul3A_1040, %add3A_1131 : vector<16xi32>
      %gather3A_1133 = tpu.vector_load_idx %arg13[%add3A_1033, %add3A_1132] : memref<128x256xf32, #tpu.memory_space<vmem>>[vector<16xi32>, vector<16xi32>], vector<16xf32>,
      %add3A_1134 = arith.constant 8 : i32
      %add3A_1135 = vector.broadcast %add3A_1134 : i32 to vector<16xi32>
      %add3A_1136 = arith.addi %mul3A_1046, %add3A_1135 : vector<16xi32>
      %gather3A_1137 = tpu.vector_load_idx %arg14[%add3A_1033, %add3A_1136] : memref<128x256xf32, #tpu.memory_space<vmem>>[vector<16xi32>, vector<16xi32>], vector<16xf32>,
      %mul3A_1138 = arith.mulf %gather3A_1133, %gather3A_1137 : vector<16xf32>
      %add3A_1139 = arith.addf %add3A_1129, %mul3A_1138 : vector<16xf32>
      %add3A_1140 = arith.constant 9 : i32
      %add3A_1141 = vector.broadcast %add3A_1140 : i32 to vector<16xi32>
      %add3A_1142 = arith.addi %mul3A_1040, %add3A_1141 : vector<16xi32>
      %gather3A_1143 = tpu.vector_load_idx %arg13[%add3A_1033, %add3A_1142] : memref<128x256xf32, #tpu.memory_space<vmem>>[vector<16xi32>, vector<16xi32>], vector<16xf32>,
      %add3A_1144 = arith.constant 9 : i32
      %add3A_1145 = vector.broadcast %add3A_1144 : i32 to vector<16xi32>
      %add3A_1146 = arith.addi %mul3A_1046, %add3A_1145 : vector<16xi32>
      %gather3A_1147 = tpu.vector_load_idx %arg14[%add3A_1033, %add3A_1146] : memref<128x256xf32, #tpu.memory_space<vmem>>[vector<16xi32>, vector<16xi32>], vector<16xf32>,
      %mul3A_1148 = arith.mulf %gather3A_1143, %gather3A_1147 : vector<16xf32>
      %add3A_1149 = arith.addf %add3A_1139, %mul3A_1148 : vector<16xf32>
      %add3A_1150 = arith.constant 10 : i32
      %add3A_1151 = vector.broadcast %add3A_1150 : i32 to vector<16xi32>
      %add3A_1152 = arith.addi %mul3A_1040, %add3A_1151 : vector<16xi32>
      %gather3A_1153 = tpu.vector_load_idx %arg13[%add3A_1033, %add3A_1152] : memref<128x256xf32, #tpu.memory_space<vmem>>[vector<16xi32>, vector<16xi32>], vector<16xf32>,
      %add3A_1154 = arith.constant 10 : i32
      %add3A_1155 = vector.broadcast %add3A_1154 : i32 to vector<16xi32>
      %add3A_1156 = arith.addi %mul3A_1046, %add3A_1155 : vector<16xi32>
      %gather3A_1157 = tpu.vector_load_idx %arg14[%add3A_1033, %add3A_1156] : memref<128x256xf32, #tpu.memory_space<vmem>>[vector<16xi32>, vector<16xi32>], vector<16xf32>,
      %mul3A_1158 = arith.mulf %gather3A_1153, %gather3A_1157 : vector<16xf32>
      %add3A_1159 = arith.addf %add3A_1149, %mul3A_1158 : vector<16xf32>
      %add3A_1160 = arith.constant 11 : i32
      %add3A_1161 = vector.broadcast %add3A_1160 : i32 to vector<16xi32>
      %add3A_1162 = arith.addi %mul3A_1040, %add3A_1161 : vector<16xi32>
      %gather3A_1163 = tpu.vector_load_idx %arg13[%add3A_1033, %add3A_1162] : memref<128x256xf32, #tpu.memory_space<vmem>>[vector<16xi32>, vector<16xi32>], vector<16xf32>,
      %add3A_1164 = arith.constant 11 : i32
      %add3A_1165 = vector.broadcast %add3A_1164 : i32 to vector<16xi32>
      %add3A_1166 = arith.addi %mul3A_1046, %add3A_1165 : vector<16xi32>
      %gather3A_1167 = tpu.vector_load_idx %arg14[%add3A_1033, %add3A_1166] : memref<128x256xf32, #tpu.memory_space<vmem>>[vector<16xi32>, vector<16xi32>], vector<16xf32>,
      %mul3A_1168 = arith.mulf %gather3A_1163, %gather3A_1167 : vector<16xf32>
      %add3A_1169 = arith.addf %add3A_1159, %mul3A_1168 : vector<16xf32>
      %add3A_1170 = arith.constant 12 : i32
      %add3A_1171 = vector.broadcast %add3A_1170 : i32 to vector<16xi32>
      %add3A_1172 = arith.addi %mul3A_1040, %add3A_1171 : vector<16xi32>
      %gather3A_1173 = tpu.vector_load_idx %arg13[%add3A_1033, %add3A_1172] : memref<128x256xf32, #tpu.memory_space<vmem>>[vector<16xi32>, vector<16xi32>], vector<16xf32>,
      %add3A_1174 = arith.constant 12 : i32
      %add3A_1175 = vector.broadcast %add3A_1174 : i32 to vector<16xi32>
      %add3A_1176 = arith.addi %mul3A_1046, %add3A_1175 : vector<16xi32>
      %gather3A_1177 = tpu.vector_load_idx %arg14[%add3A_1033, %add3A_1176] : memref<128x256xf32, #tpu.memory_space<vmem>>[vector<16xi32>, vector<16xi32>], vector<16xf32>,
      %mul3A_1178 = arith.mulf %gather3A_1173, %gather3A_1177 : vector<16xf32>
      %add3A_1179 = arith.addf %add3A_1169, %mul3A_1178 : vector<16xf32>
      %add3A_1180 = arith.constant 13 : i32
      %add3A_1181 = vector.broadcast %add3A_1180 : i32 to vector<16xi32>
      %add3A_1182 = arith.addi %mul3A_1040, %add3A_1181 : vector<16xi32>
      %gather3A_1183 = tpu.vector_load_idx %arg13[%add3A_1033, %add3A_1182] : memref<128x256xf32, #tpu.memory_space<vmem>>[vector<16xi32>, vector<16xi32>], vector<16xf32>,
      %add3A_1184 = arith.constant 13 : i32
      %add3A_1185 = vector.broadcast %add3A_1184 : i32 to vector<16xi32>
      %add3A_1186 = arith.addi %mul3A_1046, %add3A_1185 : vector<16xi32>
      %gather3A_1187 = tpu.vector_load_idx %arg14[%add3A_1033, %add3A_1186] : memref<128x256xf32, #tpu.memory_space<vmem>>[vector<16xi32>, vector<16xi32>], vector<16xf32>,
      %mul3A_1188 = arith.mulf %gather3A_1183, %gather3A_1187 : vector<16xf32>
      %add3A_1189 = arith.addf %add3A_1179, %mul3A_1188 : vector<16xf32>
      %add3A_1190 = arith.constant 14 : i32
      %add3A_1191 = vector.broadcast %add3A_1190 : i32 to vector<16xi32>
      %add3A_1192 = arith.addi %mul3A_1040, %add3A_1191 : vector<16xi32>
      %gather3A_1193 = tpu.vector_load_idx %arg13[%add3A_1033, %add3A_1192] : memref<128x256xf32, #tpu.memory_space<vmem>>[vector<16xi32>, vector<16xi32>], vector<16xf32>,
      %add3A_1194 = arith.constant 14 : i32
      %add3A_1195 = vector.broadcast %add3A_1194 : i32 to vector<16xi32>
      %add3A_1196 = arith.addi %mul3A_1046, %add3A_1195 : vector<16xi32>
      %gather3A_1197 = tpu.vector_load_idx %arg14[%add3A_1033, %add3A_1196] : memref<128x256xf32, #tpu.memory_space<vmem>>[vector<16xi32>, vector<16xi32>], vector<16xf32>,
      %mul3A_1198 = arith.mulf %gather3A_1193, %gather3A_1197 : vector<16xf32>
      %add3A_1199 = arith.addf %add3A_1189, %mul3A_1198 : vector<16xf32>
      %add3A_1200 = arith.constant 15 : i32
      %add3A_1201 = vector.broadcast %add3A_1200 : i32 to vector<16xi32>
      %add3A_1202 = arith.addi %mul3A_1040, %add3A_1201 : vector<16xi32>
      %gather3A_1203 = tpu.vector_load_idx %arg13[%add3A_1033, %add3A_1202] : memref<128x256xf32, #tpu.memory_space<vmem>>[vector<16xi32>, vector<16xi32>], vector<16xf32>,
      %add3A_1204 = arith.constant 15 : i32
      %add3A_1205 = vector.broadcast %add3A_1204 : i32 to vector<16xi32>
      %add3A_1206 = arith.addi %mul3A_1046, %add3A_1205 : vector<16xi32>
      %gather3A_1207 = tpu.vector_load_idx %arg14[%add3A_1033, %add3A_1206] : memref<128x256xf32, #tpu.memory_space<vmem>>[vector<16xi32>, vector<16xi32>], vector<16xf32>,
      %mul3A_1208 = arith.mulf %gather3A_1203, %gather3A_1207 : vector<16xf32>
      %add3A_1209 = arith.addf %add3A_1199, %mul3A_1208 : vector<16xf32>
      %add3A_1210 = arith.constant 16 : i32
      %add3A_1211 = vector.broadcast %add3A_1210 : i32 to vector<16xi32>
      %add3A_1212 = arith.addi %mul3A_1040, %add3A_1211 : vector<16xi32>
      %gather3A_1213 = tpu.vector_load_idx %arg13[%add3A_1033, %add3A_1212] : memref<128x256xf32, #tpu.memory_space<vmem>>[vector<16xi32>, vector<16xi32>], vector<16xf32>,
      %add3A_1214 = arith.constant 16 : i32
      %add3A_1215 = vector.broadcast %add3A_1214 : i32 to vector<16xi32>
      %add3A_1216 = arith.addi %mul3A_1046, %add3A_1215 : vector<16xi32>
      %gather3A_1217 = tpu.vector_load_idx %arg14[%add3A_1033, %add3A_1216] : memref<128x256xf32, #tpu.memory_space<vmem>>[vector<16xi32>, vector<16xi32>], vector<16xf32>,
      %mul3A_1218 = arith.mulf %gather3A_1213, %gather3A_1217 : vector<16xf32>
      %add3A_1219 = arith.addf %add3A_1209, %mul3A_1218 : vector<16xf32>
      %add3A_1220 = arith.constant 17 : i32
      %add3A_1221 = vector.broadcast %add3A_1220 : i32 to vector<16xi32>
      %add3A_1222 = arith.addi %mul3A_1040, %add3A_1221 : vector<16xi32>
      %gather3A_1223 = tpu.vector_load_idx %arg13[%add3A_1033, %add3A_1222] : memref<128x256xf32, #tpu.memory_space<vmem>>[vector<16xi32>, vector<16xi32>], vector<16xf32>,
      %add3A_1224 = arith.constant 17 : i32
      %add3A_1225 = vector.broadcast %add3A_1224 : i32 to vector<16xi32>
      %add3A_1226 = arith.addi %mul3A_1046, %add3A_1225 : vector<16xi32>
      %gather3A_1227 = tpu.vector_load_idx %arg14[%add3A_1033, %add3A_1226] : memref<128x256xf32, #tpu.memory_space<vmem>>[vector<16xi32>, vector<16xi32>], vector<16xf32>,
      %mul3A_1228 = arith.mulf %gather3A_1223, %gather3A_1227 : vector<16xf32>
      %add3A_1229 = arith.addf %add3A_1219, %mul3A_1228 : vector<16xf32>
      %add3A_1230 = arith.constant 18 : i32
      %add3A_1231 = vector.broadcast %add3A_1230 : i32 to vector<16xi32>
      %add3A_1232 = arith.addi %mul3A_1040, %add3A_1231 : vector<16xi32>
      %gather3A_1233 = tpu.vector_load_idx %arg13[%add3A_1033, %add3A_1232] : memref<128x256xf32, #tpu.memory_space<vmem>>[vector<16xi32>, vector<16xi32>], vector<16xf32>,
      %add3A_1234 = arith.constant 18 : i32
      %add3A_1235 = vector.broadcast %add3A_1234 : i32 to vector<16xi32>
      %add3A_1236 = arith.addi %mul3A_1046, %add3A_1235 : vector<16xi32>
      %gather3A_1237 = tpu.vector_load_idx %arg14[%add3A_1033, %add3A_1236] : memref<128x256xf32, #tpu.memory_space<vmem>>[vector<16xi32>, vector<16xi32>], vector<16xf32>,
      %mul3A_1238 = arith.mulf %gather3A_1233, %gather3A_1237 : vector<16xf32>
      %add3A_1239 = arith.addf %add3A_1229, %mul3A_1238 : vector<16xf32>
      %add3A_1240 = arith.constant 19 : i32
      %add3A_1241 = vector.broadcast %add3A_1240 : i32 to vector<16xi32>
      %add3A_1242 = arith.addi %mul3A_1040, %add3A_1241 : vector<16xi32>
      %gather3A_1243 = tpu.vector_load_idx %arg13[%add3A_1033, %add3A_1242] : memref<128x256xf32, #tpu.memory_space<vmem>>[vector<16xi32>, vector<16xi32>], vector<16xf32>,
      %add3A_1244 = arith.constant 19 : i32
      %add3A_1245 = vector.broadcast %add3A_1244 : i32 to vector<16xi32>
      %add3A_1246 = arith.addi %mul3A_1046, %add3A_1245 : vector<16xi32>
      %gather3A_1247 = tpu.vector_load_idx %arg14[%add3A_1033, %add3A_1246] : memref<128x256xf32, #tpu.memory_space<vmem>>[vector<16xi32>, vector<16xi32>], vector<16xf32>,
      %mul3A_1248 = arith.mulf %gather3A_1243, %gather3A_1247 : vector<16xf32>
      %add3A_1249 = arith.addf %add3A_1239, %mul3A_1248 : vector<16xf32>
      %add3A_1250 = arith.constant 20 : i32
      %add3A_1251 = vector.broadcast %add3A_1250 : i32 to vector<16xi32>
      %add3A_1252 = arith.addi %mul3A_1040, %add3A_1251 : vector<16xi32>
      %gather3A_1253 = tpu.vector_load_idx %arg13[%add3A_1033, %add3A_1252] : memref<128x256xf32, #tpu.memory_space<vmem>>[vector<16xi32>, vector<16xi32>], vector<16xf32>,
      %add3A_1254 = arith.constant 20 : i32
      %add3A_1255 = vector.broadcast %add3A_1254 : i32 to vector<16xi32>
      %add3A_1256 = arith.addi %mul3A_1046, %add3A_1255 : vector<16xi32>
      %gather3A_1257 = tpu.vector_load_idx %arg14[%add3A_1033, %add3A_1256] : memref<128x256xf32, #tpu.memory_space<vmem>>[vector<16xi32>, vector<16xi32>], vector<16xf32>,
      %mul3A_1258 = arith.mulf %gather3A_1253, %gather3A_1257 : vector<16xf32>
      %add3A_1259 = arith.addf %add3A_1249, %mul3A_1258 : vector<16xf32>
      %add3A_1260 = arith.constant 21 : i32
      %add3A_1261 = vector.broadcast %add3A_1260 : i32 to vector<16xi32>
      %add3A_1262 = arith.addi %mul3A_1040, %add3A_1261 : vector<16xi32>
      %gather3A_1263 = tpu.vector_load_idx %arg13[%add3A_1033, %add3A_1262] : memref<128x256xf32, #tpu.memory_space<vmem>>[vector<16xi32>, vector<16xi32>], vector<16xf32>,
      %add3A_1264 = arith.constant 21 : i32
      %add3A_1265 = vector.broadcast %add3A_1264 : i32 to vector<16xi32>
      %add3A_1266 = arith.addi %mul3A_1046, %add3A_1265 : vector<16xi32>
      %gather3A_1267 = tpu.vector_load_idx %arg14[%add3A_1033, %add3A_1266] : memref<128x256xf32, #tpu.memory_space<vmem>>[vector<16xi32>, vector<16xi32>], vector<16xf32>,
      %mul3A_1268 = arith.mulf %gather3A_1263, %gather3A_1267 : vector<16xf32>
      %add3A_1269 = arith.addf %add3A_1259, %mul3A_1268 : vector<16xf32>
      %add3A_1270 = arith.constant 22 : i32
      %add3A_1271 = vector.broadcast %add3A_1270 : i32 to vector<16xi32>
      %add3A_1272 = arith.addi %mul3A_1040, %add3A_1271 : vector<16xi32>
      %gather3A_1273 = tpu.vector_load_idx %arg13[%add3A_1033, %add3A_1272] : memref<128x256xf32, #tpu.memory_space<vmem>>[vector<16xi32>, vector<16xi32>], vector<16xf32>,
      %add3A_1274 = arith.constant 22 : i32
      %add3A_1275 = vector.broadcast %add3A_1274 : i32 to vector<16xi32>
      %add3A_1276 = arith.addi %mul3A_1046, %add3A_1275 : vector<16xi32>
      %gather3A_1277 = tpu.vector_load_idx %arg14[%add3A_1033, %add3A_1276] : memref<128x256xf32, #tpu.memory_space<vmem>>[vector<16xi32>, vector<16xi32>], vector<16xf32>,
      %mul3A_1278 = arith.mulf %gather3A_1273, %gather3A_1277 : vector<16xf32>
      %add3A_1279 = arith.addf %add3A_1269, %mul3A_1278 : vector<16xf32>
      %add3A_1280 = arith.constant 23 : i32
      %add3A_1281 = vector.broadcast %add3A_1280 : i32 to vector<16xi32>
      %add3A_1282 = arith.addi %mul3A_1040, %add3A_1281 : vector<16xi32>
      %gather3A_1283 = tpu.vector_load_idx %arg13[%add3A_1033, %add3A_1282] : memref<128x256xf32, #tpu.memory_space<vmem>>[vector<16xi32>, vector<16xi32>], vector<16xf32>,
      %add3A_1284 = arith.constant 23 : i32
      %add3A_1285 = vector.broadcast %add3A_1284 : i32 to vector<16xi32>
      %add3A_1286 = arith.addi %mul3A_1046, %add3A_1285 : vector<16xi32>
      %gather3A_1287 = tpu.vector_load_idx %arg14[%add3A_1033, %add3A_1286] : memref<128x256xf32, #tpu.memory_space<vmem>>[vector<16xi32>, vector<16xi32>], vector<16xf32>,
      %mul3A_1288 = arith.mulf %gather3A_1283, %gather3A_1287 : vector<16xf32>
      %add3A_1289 = arith.addf %add3A_1279, %mul3A_1288 : vector<16xf32>
      %add3A_1290 = arith.constant 24 : i32
      %add3A_1291 = vector.broadcast %add3A_1290 : i32 to vector<16xi32>
      %add3A_1292 = arith.addi %mul3A_1040, %add3A_1291 : vector<16xi32>
      %gather3A_1293 = tpu.vector_load_idx %arg13[%add3A_1033, %add3A_1292] : memref<128x256xf32, #tpu.memory_space<vmem>>[vector<16xi32>, vector<16xi32>], vector<16xf32>,
      %add3A_1294 = arith.constant 24 : i32
      %add3A_1295 = vector.broadcast %add3A_1294 : i32 to vector<16xi32>
      %add3A_1296 = arith.addi %mul3A_1046, %add3A_1295 : vector<16xi32>
      %gather3A_1297 = tpu.vector_load_idx %arg14[%add3A_1033, %add3A_1296] : memref<128x256xf32, #tpu.memory_space<vmem>>[vector<16xi32>, vector<16xi32>], vector<16xf32>,
      %mul3A_1298 = arith.mulf %gather3A_1293, %gather3A_1297 : vector<16xf32>
      %add3A_1299 = arith.addf %add3A_1289, %mul3A_1298 : vector<16xf32>
      %add3A_1300 = arith.constant 25 : i32
      %add3A_1301 = vector.broadcast %add3A_1300 : i32 to vector<16xi32>
      %add3A_1302 = arith.addi %mul3A_1040, %add3A_1301 : vector<16xi32>
      %gather3A_1303 = tpu.vector_load_idx %arg13[%add3A_1033, %add3A_1302] : memref<128x256xf32, #tpu.memory_space<vmem>>[vector<16xi32>, vector<16xi32>], vector<16xf32>,
      %add3A_1304 = arith.constant 25 : i32
      %add3A_1305 = vector.broadcast %add3A_1304 : i32 to vector<16xi32>
      %add3A_1306 = arith.addi %mul3A_1046, %add3A_1305 : vector<16xi32>
      %gather3A_1307 = tpu.vector_load_idx %arg14[%add3A_1033, %add3A_1306] : memref<128x256xf32, #tpu.memory_space<vmem>>[vector<16xi32>, vector<16xi32>], vector<16xf32>,
      %mul3A_1308 = arith.mulf %gather3A_1303, %gather3A_1307 : vector<16xf32>
      %add3A_1309 = arith.addf %add3A_1299, %mul3A_1308 : vector<16xf32>
      %add3A_1310 = arith.constant 26 : i32
      %add3A_1311 = vector.broadcast %add3A_1310 : i32 to vector<16xi32>
      %add3A_1312 = arith.addi %mul3A_1040, %add3A_1311 : vector<16xi32>
      %gather3A_1313 = tpu.vector_load_idx %arg13[%add3A_1033, %add3A_1312] : memref<128x256xf32, #tpu.memory_space<vmem>>[vector<16xi32>, vector<16xi32>], vector<16xf32>,
      %add3A_1314 = arith.constant 26 : i32
      %add3A_1315 = vector.broadcast %add3A_1314 : i32 to vector<16xi32>
      %add3A_1316 = arith.addi %mul3A_1046, %add3A_1315 : vector<16xi32>
      %gather3A_1317 = tpu.vector_load_idx %arg14[%add3A_1033, %add3A_1316] : memref<128x256xf32, #tpu.memory_space<vmem>>[vector<16xi32>, vector<16xi32>], vector<16xf32>,
      %mul3A_1318 = arith.mulf %gather3A_1313, %gather3A_1317 : vector<16xf32>
      %add3A_1319 = arith.addf %add3A_1309, %mul3A_1318 : vector<16xf32>
      %add3A_1320 = arith.constant 27 : i32
      %add3A_1321 = vector.broadcast %add3A_1320 : i32 to vector<16xi32>
      %add3A_1322 = arith.addi %mul3A_1040, %add3A_1321 : vector<16xi32>
      %gather3A_1323 = tpu.vector_load_idx %arg13[%add3A_1033, %add3A_1322] : memref<128x256xf32, #tpu.memory_space<vmem>>[vector<16xi32>, vector<16xi32>], vector<16xf32>,
      %add3A_1324 = arith.constant 27 : i32
      %add3A_1325 = vector.broadcast %add3A_1324 : i32 to vector<16xi32>
      %add3A_1326 = arith.addi %mul3A_1046, %add3A_1325 : vector<16xi32>
      %gather3A_1327 = tpu.vector_load_idx %arg14[%add3A_1033, %add3A_1326] : memref<128x256xf32, #tpu.memory_space<vmem>>[vector<16xi32>, vector<16xi32>], vector<16xf32>,
      %mul3A_1328 = arith.mulf %gather3A_1323, %gather3A_1327 : vector<16xf32>
      %add3A_1329 = arith.addf %add3A_1319, %mul3A_1328 : vector<16xf32>
      %add3A_1330 = arith.constant 28 : i32
      %add3A_1331 = vector.broadcast %add3A_1330 : i32 to vector<16xi32>
      %add3A_1332 = arith.addi %mul3A_1040, %add3A_1331 : vector<16xi32>
      %gather3A_1333 = tpu.vector_load_idx %arg13[%add3A_1033, %add3A_1332] : memref<128x256xf32, #tpu.memory_space<vmem>>[vector<16xi32>, vector<16xi32>], vector<16xf32>,
      %add3A_1334 = arith.constant 28 : i32
      %add3A_1335 = vector.broadcast %add3A_1334 : i32 to vector<16xi32>
      %add3A_1336 = arith.addi %mul3A_1046, %add3A_1335 : vector<16xi32>
      %gather3A_1337 = tpu.vector_load_idx %arg14[%add3A_1033, %add3A_1336] : memref<128x256xf32, #tpu.memory_space<vmem>>[vector<16xi32>, vector<16xi32>], vector<16xf32>,
      %mul3A_1338 = arith.mulf %gather3A_1333, %gather3A_1337 : vector<16xf32>
      %add3A_1339 = arith.addf %add3A_1329, %mul3A_1338 : vector<16xf32>
      %add3A_1340 = arith.constant 29 : i32
      %add3A_1341 = vector.broadcast %add3A_1340 : i32 to vector<16xi32>
      %add3A_1342 = arith.addi %mul3A_1040, %add3A_1341 : vector<16xi32>
      %gather3A_1343 = tpu.vector_load_idx %arg13[%add3A_1033, %add3A_1342] : memref<128x256xf32, #tpu.memory_space<vmem>>[vector<16xi32>, vector<16xi32>], vector<16xf32>,
      %add3A_1344 = arith.constant 29 : i32
      %add3A_1345 = vector.broadcast %add3A_1344 : i32 to vector<16xi32>
      %add3A_1346 = arith.addi %mul3A_1046, %add3A_1345 : vector<16xi32>
      %gather3A_1347 = tpu.vector_load_idx %arg14[%add3A_1033, %add3A_1346] : memref<128x256xf32, #tpu.memory_space<vmem>>[vector<16xi32>, vector<16xi32>], vector<16xf32>,
      %mul3A_1348 = arith.mulf %gather3A_1343, %gather3A_1347 : vector<16xf32>
      %add3A_1349 = arith.addf %add3A_1339, %mul3A_1348 : vector<16xf32>
      %add3A_1350 = arith.constant 30 : i32
      %add3A_1351 = vector.broadcast %add3A_1350 : i32 to vector<16xi32>
      %add3A_1352 = arith.addi %mul3A_1040, %add3A_1351 : vector<16xi32>
      %gather3A_1353 = tpu.vector_load_idx %arg13[%add3A_1033, %add3A_1352] : memref<128x256xf32, #tpu.memory_space<vmem>>[vector<16xi32>, vector<16xi32>], vector<16xf32>,
      %add3A_1354 = arith.constant 30 : i32
      %add3A_1355 = vector.broadcast %add3A_1354 : i32 to vector<16xi32>
      %add3A_1356 = arith.addi %mul3A_1046, %add3A_1355 : vector<16xi32>
      %gather3A_1357 = tpu.vector_load_idx %arg14[%add3A_1033, %add3A_1356] : memref<128x256xf32, #tpu.memory_space<vmem>>[vector<16xi32>, vector<16xi32>], vector<16xf32>,
      %mul3A_1358 = arith.mulf %gather3A_1353, %gather3A_1357 : vector<16xf32>
      %add3A_1359 = arith.addf %add3A_1349, %mul3A_1358 : vector<16xf32>
      %add3A_1360 = arith.constant 31 : i32
      %add3A_1361 = vector.broadcast %add3A_1360 : i32 to vector<16xi32>
      %add3A_1362 = arith.addi %mul3A_1040, %add3A_1361 : vector<16xi32>
      %gather3A_1363 = tpu.vector_load_idx %arg13[%add3A_1033, %add3A_1362] : memref<128x256xf32, #tpu.memory_space<vmem>>[vector<16xi32>, vector<16xi32>], vector<16xf32>,
      %add3A_1364 = arith.constant 31 : i32
      %add3A_1365 = vector.broadcast %add3A_1364 : i32 to vector<16xi32>
      %add3A_1366 = arith.addi %mul3A_1046, %add3A_1365 : vector<16xi32>
      %gather3A_1367 = tpu.vector_load_idx %arg14[%add3A_1033, %add3A_1366] : memref<128x256xf32, #tpu.memory_space<vmem>>[vector<16xi32>, vector<16xi32>], vector<16xf32>,
      %mul3A_1368 = arith.mulf %gather3A_1363, %gather3A_1367 : vector<16xf32>
      %add3A_1369 = arith.addf %add3A_1359, %mul3A_1368 : vector<16xf32>
      %swap3A_1370 = arith.index_cast %add3A_1029 : i32 to index
      %swap3A_1371 = tpu.vector_load %arg17[%swap3A_1370] {strides = array<i32>} : memref<512xf32, #tpu.memory_space<vmem>>, vector<16xf32>,
      tpu.vector_store %arg17[%swap3A_1370], %add3A_1369 {strides = array<i32>} : memref<512xf32, #tpu.memory_space<vmem>>, vector<16xf32>,
      %scan3A_1372 = arith.constant 0 : i32
      scf.yield %scan3A_1372 : i32
    }
    %scan3A_988 = arith.constant 8 : i32
    %dma_start3A_989 = arith.constant 3 : i32
    %dma_start3A_990 = arith.constant 0 : i32
    %dma_start3A_991 = tpu.memref_slice %arg11[%dma_start3A_989, %dma_start3A_990] : memref<4x128xi32, #tpu.memory_space<vmem>> -> memref<1x128xi32, #tpu.memory_space<vmem>>
    %dma_start3A_992 = tpu.memref_squeeze %dma_start3A_991 : memref<1x128xi32, #tpu.memory_space<vmem>> -> memref<128xi32, #tpu.memory_space<vmem>>
    %dma_start3A_993 = arith.constant 0 : i32
    %dma_start3A_994 = arith.constant 0 : i32
    %dma_start3A_995 = tpu.memref_slice %arg4[%dma_start3A_993, %dma_start3A_994] : memref<125000x256xf32, #tpu.memory_space<hbm>> -> memref<125000x256xf32, #tpu.memory_space<hbm>>
    tpu.enqueue_indirect_dma source(%dma_start3A_995 : memref<125000x256xf32, #tpu.memory_space<hbm>>) target(%arg13 : memref<128x256xf32, #tpu.memory_space<vmem>>) offsets(%dma_start3A_992 : memref<128xi32, #tpu.memory_space<vmem>>) semaphore(%arg18 : memref<!tpu.dma_semaphore, #tpu.memory_space<semaphore_mem>>)
    %dma_start3A_996 = arith.constant 3 : i32
    %dma_start3A_997 = arith.constant 0 : i32
    %dma_start3A_998 = tpu.memref_slice %arg12[%dma_start3A_996, %dma_start3A_997] : memref<4x128xi32, #tpu.memory_space<vmem>> -> memref<1x128xi32, #tpu.memory_space<vmem>>
    %dma_start3A_999 = tpu.memref_squeeze %dma_start3A_998 : memref<1x128xi32, #tpu.memory_space<vmem>> -> memref<128xi32, #tpu.memory_space<vmem>>
    %dma_start3A_1000 = arith.constant 0 : i32
    %dma_start3A_1001 = arith.constant 0 : i32
    %dma_start3A_1002 = tpu.memref_slice %arg5[%dma_start3A_1000, %dma_start3A_1001] : memref<12500x256xf32, #tpu.memory_space<hbm>> -> memref<12500x256xf32, #tpu.memory_space<hbm>>
    tpu.enqueue_indirect_dma source(%dma_start3A_1002 : memref<12500x256xf32, #tpu.memory_space<hbm>>) target(%arg14 : memref<128x256xf32, #tpu.memory_space<vmem>>) offsets(%dma_start3A_999 : memref<128xi32, #tpu.memory_space<vmem>>) semaphore(%arg18 : memref<!tpu.dma_semaphore, #tpu.memory_space<semaphore_mem>>)
    %dma_wait3A_1003 = arith.constant 3 : i32
    %dma_wait3A_1004 = arith.constant 0 : i32
    %dma_wait3A_1005 = tpu.memref_slice %arg11[%dma_wait3A_1003, %dma_wait3A_1004] : memref<4x128xi32, #tpu.memory_space<vmem>> -> memref<1x128xi32, #tpu.memory_space<vmem>>
    %dma_wait3A_1006 = tpu.memref_squeeze %dma_wait3A_1005 : memref<1x128xi32, #tpu.memory_space<vmem>> -> memref<128xi32, #tpu.memory_space<vmem>>
    %dma_wait3A_1007 = arith.constant 0 : i32
    %dma_wait3A_1008 = arith.constant 0 : i32
    %dma_wait3A_1009 = tpu.memref_slice %arg4[%dma_wait3A_1007, %dma_wait3A_1008] : memref<125000x256xf32, #tpu.memory_space<hbm>> -> memref<125000x256xf32, #tpu.memory_space<hbm>>
    tpu.wait_indirect_dma semaphore(%arg18 : memref<!tpu.dma_semaphore, #tpu.memory_space<semaphore_mem>>) src(%dma_wait3A_1009 : memref<125000x256xf32, #tpu.memory_space<hbm>>) dst(%arg13 : memref<128x256xf32, #tpu.memory_space<vmem>>)
    %dma_wait3A_1010 = arith.constant 3 : i32
    %dma_wait3A_1011 = arith.constant 0 : i32
    %dma_wait3A_1012 = tpu.memref_slice %arg12[%dma_wait3A_1010, %dma_wait3A_1011] : memref<4x128xi32, #tpu.memory_space<vmem>> -> memref<1x128xi32, #tpu.memory_space<vmem>>
    %dma_wait3A_1013 = tpu.memref_squeeze %dma_wait3A_1012 : memref<1x128xi32, #tpu.memory_space<vmem>> -> memref<128xi32, #tpu.memory_space<vmem>>
    %dma_wait3A_1014 = arith.constant 0 : i32
    %dma_wait3A_1015 = arith.constant 0 : i32
    %dma_wait3A_1016 = tpu.memref_slice %arg5[%dma_wait3A_1014, %dma_wait3A_1015] : memref<12500x256xf32, #tpu.memory_space<hbm>> -> memref<12500x256xf32, #tpu.memory_space<hbm>>
    tpu.wait_indirect_dma semaphore(%arg18 : memref<!tpu.dma_semaphore, #tpu.memory_space<semaphore_mem>>) src(%dma_wait3A_1016 : memref<12500x256xf32, #tpu.memory_space<hbm>>) dst(%arg14 : memref<128x256xf32, #tpu.memory_space<vmem>>)
    %scan3A_1017 = arith.constant 0 : i32
    %scan3A_1018 = arith.constant 0 : i32
    %scan3A_1019 = arith.constant 8 : i32
    %scan3A_1020 = arith.addi %scan3A_1018, %scan3A_1019 : i32
    %scan3A_1021 = arith.constant 1 : i32
    %scan3A_1022 = scf.for %scan3A_1024 = %scan3A_1018 to %scan3A_1020 step %scan3A_1021 iter_args(%scan3A_1025 = %scan3A_1017) -> (i32)  : i32 {
      %mul3A_1026 = arith.constant 16 : i32
      %mul3A_1027 = arith.muli %scan3A_1024, %mul3A_1026 : i32
      %add3A_1028 = arith.constant 384 : i32
      %add3A_1029 = arith.addi %add3A_1028, %mul3A_1027 : i32
      %mul3A_1030 = arith.constant 16 : i32
      %mul3A_1031 = arith.muli %scan3A_1024, %mul3A_1030 : i32
      %add3A_1032 = vector.broadcast %mul3A_1031 : i32 to vector<16xi32>
      %add3A_1033 = arith.addi %add3A_1032, %iota3A : vector<16xi32>
      %broadcast_in_dim3A = arith.constant 3 : i32
      %broadcast_in_dim3A_1034 = vector.broadcast %broadcast_in_dim3A : i32 to vector<16xi32>
      %gather3A = tpu.vector_load_idx %arg9[%broadcast_in_dim3A_1034, %add3A_1033] : memref<4x128xi32, #tpu.memory_space<vmem>>[vector<16xi32>, vector<16xi32>], vector<16xi32>,
      %gather3A_1035 = tpu.vector_load_idx %arg10[%broadcast_in_dim3A_1034, %add3A_1033] : memref<4x128xi32, #tpu.memory_space<vmem>>[vector<16xi32>, vector<16xi32>], vector<16xi32>,
      %and3A = arith.constant 7 : i32
      %and3A_1036 = vector.broadcast %and3A : i32 to vector<16xi32>
      %and3A_1037 = arith.andi %gather3A, %and3A_1036 : vector<16xi32>
      %mul3A_1038 = arith.constant 32 : i32
      %mul3A_1039 = vector.broadcast %mul3A_1038 : i32 to vector<16xi32>
      %mul3A_1040 = arith.muli %and3A_1037, %mul3A_1039 : vector<16xi32>
      %and3A_1041 = arith.constant 7 : i32
      %and3A_1042 = vector.broadcast %and3A_1041 : i32 to vector<16xi32>
      %and3A_1043 = arith.andi %gather3A_1035, %and3A_1042 : vector<16xi32>
      %mul3A_1044 = arith.constant 32 : i32
      %mul3A_1045 = vector.broadcast %mul3A_1044 : i32 to vector<16xi32>
      %mul3A_1046 = arith.muli %and3A_1043, %mul3A_1045 : vector<16xi32>
      %gather3A_1047 = tpu.vector_load_idx %arg15[%broadcast_in_dim3A_1034, %add3A_1033] : memref<4x128xf32, #tpu.memory_space<vmem>>[vector<16xi32>, vector<16xi32>], vector<16xf32>,
      %gather3A_1048 = tpu.vector_load_idx %arg16[%broadcast_in_dim3A_1034, %add3A_1033] : memref<4x128xf32, #tpu.memory_space<vmem>>[vector<16xi32>, vector<16xi32>], vector<16xf32>,
      %add3A_1049 = arith.addf %gather3A_1047, %gather3A_1048 : vector<16xf32>
      %add3A_1050 = arith.constant 0 : i32
      %add3A_1051 = vector.broadcast %add3A_1050 : i32 to vector<16xi32>
      %add3A_1052 = arith.addi %mul3A_1040, %add3A_1051 : vector<16xi32>
      %gather3A_1053 = tpu.vector_load_idx %arg13[%add3A_1033, %add3A_1052] : memref<128x256xf32, #tpu.memory_space<vmem>>[vector<16xi32>, vector<16xi32>], vector<16xf32>,
      %add3A_1054 = arith.constant 0 : i32
      %add3A_1055 = vector.broadcast %add3A_1054 : i32 to vector<16xi32>
      %add3A_1056 = arith.addi %mul3A_1046, %add3A_1055 : vector<16xi32>
      %gather3A_1057 = tpu.vector_load_idx %arg14[%add3A_1033, %add3A_1056] : memref<128x256xf32, #tpu.memory_space<vmem>>[vector<16xi32>, vector<16xi32>], vector<16xf32>,
      %mul3A_1058 = arith.mulf %gather3A_1053, %gather3A_1057 : vector<16xf32>
      %add3A_1059 = arith.addf %add3A_1049, %mul3A_1058 : vector<16xf32>
      %add3A_1060 = arith.constant 1 : i32
      %add3A_1061 = vector.broadcast %add3A_1060 : i32 to vector<16xi32>
      %add3A_1062 = arith.addi %mul3A_1040, %add3A_1061 : vector<16xi32>
      %gather3A_1063 = tpu.vector_load_idx %arg13[%add3A_1033, %add3A_1062] : memref<128x256xf32, #tpu.memory_space<vmem>>[vector<16xi32>, vector<16xi32>], vector<16xf32>,
      %add3A_1064 = arith.constant 1 : i32
      %add3A_1065 = vector.broadcast %add3A_1064 : i32 to vector<16xi32>
      %add3A_1066 = arith.addi %mul3A_1046, %add3A_1065 : vector<16xi32>
      %gather3A_1067 = tpu.vector_load_idx %arg14[%add3A_1033, %add3A_1066] : memref<128x256xf32, #tpu.memory_space<vmem>>[vector<16xi32>, vector<16xi32>], vector<16xf32>,
      %mul3A_1068 = arith.mulf %gather3A_1063, %gather3A_1067 : vector<16xf32>
      %add3A_1069 = arith.addf %add3A_1059, %mul3A_1068 : vector<16xf32>
      %add3A_1070 = arith.constant 2 : i32
      %add3A_1071 = vector.broadcast %add3A_1070 : i32 to vector<16xi32>
      %add3A_1072 = arith.addi %mul3A_1040, %add3A_1071 : vector<16xi32>
      %gather3A_1073 = tpu.vector_load_idx %arg13[%add3A_1033, %add3A_1072] : memref<128x256xf32, #tpu.memory_space<vmem>>[vector<16xi32>, vector<16xi32>], vector<16xf32>,
      %add3A_1074 = arith.constant 2 : i32
      %add3A_1075 = vector.broadcast %add3A_1074 : i32 to vector<16xi32>
      %add3A_1076 = arith.addi %mul3A_1046, %add3A_1075 : vector<16xi32>
      %gather3A_1077 = tpu.vector_load_idx %arg14[%add3A_1033, %add3A_1076] : memref<128x256xf32, #tpu.memory_space<vmem>>[vector<16xi32>, vector<16xi32>], vector<16xf32>,
      %mul3A_1078 = arith.mulf %gather3A_1073, %gather3A_1077 : vector<16xf32>
      %add3A_1079 = arith.addf %add3A_1069, %mul3A_1078 : vector<16xf32>
      %add3A_1080 = arith.constant 3 : i32
      %add3A_1081 = vector.broadcast %add3A_1080 : i32 to vector<16xi32>
      %add3A_1082 = arith.addi %mul3A_1040, %add3A_1081 : vector<16xi32>
      %gather3A_1083 = tpu.vector_load_idx %arg13[%add3A_1033, %add3A_1082] : memref<128x256xf32, #tpu.memory_space<vmem>>[vector<16xi32>, vector<16xi32>], vector<16xf32>,
      %add3A_1084 = arith.constant 3 : i32
      %add3A_1085 = vector.broadcast %add3A_1084 : i32 to vector<16xi32>
      %add3A_1086 = arith.addi %mul3A_1046, %add3A_1085 : vector<16xi32>
      %gather3A_1087 = tpu.vector_load_idx %arg14[%add3A_1033, %add3A_1086] : memref<128x256xf32, #tpu.memory_space<vmem>>[vector<16xi32>, vector<16xi32>], vector<16xf32>,
      %mul3A_1088 = arith.mulf %gather3A_1083, %gather3A_1087 : vector<16xf32>
      %add3A_1089 = arith.addf %add3A_1079, %mul3A_1088 : vector<16xf32>
      %add3A_1090 = arith.constant 4 : i32
      %add3A_1091 = vector.broadcast %add3A_1090 : i32 to vector<16xi32>
      %add3A_1092 = arith.addi %mul3A_1040, %add3A_1091 : vector<16xi32>
      %gather3A_1093 = tpu.vector_load_idx %arg13[%add3A_1033, %add3A_1092] : memref<128x256xf32, #tpu.memory_space<vmem>>[vector<16xi32>, vector<16xi32>], vector<16xf32>,
      %add3A_1094 = arith.constant 4 : i32
      %add3A_1095 = vector.broadcast %add3A_1094 : i32 to vector<16xi32>
      %add3A_1096 = arith.addi %mul3A_1046, %add3A_1095 : vector<16xi32>
      %gather3A_1097 = tpu.vector_load_idx %arg14[%add3A_1033, %add3A_1096] : memref<128x256xf32, #tpu.memory_space<vmem>>[vector<16xi32>, vector<16xi32>], vector<16xf32>,
      %mul3A_1098 = arith.mulf %gather3A_1093, %gather3A_1097 : vector<16xf32>
      %add3A_1099 = arith.addf %add3A_1089, %mul3A_1098 : vector<16xf32>
      %add3A_1100 = arith.constant 5 : i32
      %add3A_1101 = vector.broadcast %add3A_1100 : i32 to vector<16xi32>
      %add3A_1102 = arith.addi %mul3A_1040, %add3A_1101 : vector<16xi32>
      %gather3A_1103 = tpu.vector_load_idx %arg13[%add3A_1033, %add3A_1102] : memref<128x256xf32, #tpu.memory_space<vmem>>[vector<16xi32>, vector<16xi32>], vector<16xf32>,
      %add3A_1104 = arith.constant 5 : i32
      %add3A_1105 = vector.broadcast %add3A_1104 : i32 to vector<16xi32>
      %add3A_1106 = arith.addi %mul3A_1046, %add3A_1105 : vector<16xi32>
      %gather3A_1107 = tpu.vector_load_idx %arg14[%add3A_1033, %add3A_1106] : memref<128x256xf32, #tpu.memory_space<vmem>>[vector<16xi32>, vector<16xi32>], vector<16xf32>,
      %mul3A_1108 = arith.mulf %gather3A_1103, %gather3A_1107 : vector<16xf32>
      %add3A_1109 = arith.addf %add3A_1099, %mul3A_1108 : vector<16xf32>
      %add3A_1110 = arith.constant 6 : i32
      %add3A_1111 = vector.broadcast %add3A_1110 : i32 to vector<16xi32>
      %add3A_1112 = arith.addi %mul3A_1040, %add3A_1111 : vector<16xi32>
      %gather3A_1113 = tpu.vector_load_idx %arg13[%add3A_1033, %add3A_1112] : memref<128x256xf32, #tpu.memory_space<vmem>>[vector<16xi32>, vector<16xi32>], vector<16xf32>,
      %add3A_1114 = arith.constant 6 : i32
      %add3A_1115 = vector.broadcast %add3A_1114 : i32 to vector<16xi32>
      %add3A_1116 = arith.addi %mul3A_1046, %add3A_1115 : vector<16xi32>
      %gather3A_1117 = tpu.vector_load_idx %arg14[%add3A_1033, %add3A_1116] : memref<128x256xf32, #tpu.memory_space<vmem>>[vector<16xi32>, vector<16xi32>], vector<16xf32>,
      %mul3A_1118 = arith.mulf %gather3A_1113, %gather3A_1117 : vector<16xf32>
      %add3A_1119 = arith.addf %add3A_1109, %mul3A_1118 : vector<16xf32>
      %add3A_1120 = arith.constant 7 : i32
      %add3A_1121 = vector.broadcast %add3A_1120 : i32 to vector<16xi32>
      %add3A_1122 = arith.addi %mul3A_1040, %add3A_1121 : vector<16xi32>
      %gather3A_1123 = tpu.vector_load_idx %arg13[%add3A_1033, %add3A_1122] : memref<128x256xf32, #tpu.memory_space<vmem>>[vector<16xi32>, vector<16xi32>], vector<16xf32>,
      %add3A_1124 = arith.constant 7 : i32
      %add3A_1125 = vector.broadcast %add3A_1124 : i32 to vector<16xi32>
      %add3A_1126 = arith.addi %mul3A_1046, %add3A_1125 : vector<16xi32>
      %gather3A_1127 = tpu.vector_load_idx %arg14[%add3A_1033, %add3A_1126] : memref<128x256xf32, #tpu.memory_space<vmem>>[vector<16xi32>, vector<16xi32>], vector<16xf32>,
      %mul3A_1128 = arith.mulf %gather3A_1123, %gather3A_1127 : vector<16xf32>
      %add3A_1129 = arith.addf %add3A_1119, %mul3A_1128 : vector<16xf32>
      %add3A_1130 = arith.constant 8 : i32
      %add3A_1131 = vector.broadcast %add3A_1130 : i32 to vector<16xi32>
      %add3A_1132 = arith.addi %mul3A_1040, %add3A_1131 : vector<16xi32>
      %gather3A_1133 = tpu.vector_load_idx %arg13[%add3A_1033, %add3A_1132] : memref<128x256xf32, #tpu.memory_space<vmem>>[vector<16xi32>, vector<16xi32>], vector<16xf32>,
      %add3A_1134 = arith.constant 8 : i32
      %add3A_1135 = vector.broadcast %add3A_1134 : i32 to vector<16xi32>
      %add3A_1136 = arith.addi %mul3A_1046, %add3A_1135 : vector<16xi32>
      %gather3A_1137 = tpu.vector_load_idx %arg14[%add3A_1033, %add3A_1136] : memref<128x256xf32, #tpu.memory_space<vmem>>[vector<16xi32>, vector<16xi32>], vector<16xf32>,
      %mul3A_1138 = arith.mulf %gather3A_1133, %gather3A_1137 : vector<16xf32>
      %add3A_1139 = arith.addf %add3A_1129, %mul3A_1138 : vector<16xf32>
      %add3A_1140 = arith.constant 9 : i32
      %add3A_1141 = vector.broadcast %add3A_1140 : i32 to vector<16xi32>
      %add3A_1142 = arith.addi %mul3A_1040, %add3A_1141 : vector<16xi32>
      %gather3A_1143 = tpu.vector_load_idx %arg13[%add3A_1033, %add3A_1142] : memref<128x256xf32, #tpu.memory_space<vmem>>[vector<16xi32>, vector<16xi32>], vector<16xf32>,
      %add3A_1144 = arith.constant 9 : i32
      %add3A_1145 = vector.broadcast %add3A_1144 : i32 to vector<16xi32>
      %add3A_1146 = arith.addi %mul3A_1046, %add3A_1145 : vector<16xi32>
      %gather3A_1147 = tpu.vector_load_idx %arg14[%add3A_1033, %add3A_1146] : memref<128x256xf32, #tpu.memory_space<vmem>>[vector<16xi32>, vector<16xi32>], vector<16xf32>,
      %mul3A_1148 = arith.mulf %gather3A_1143, %gather3A_1147 : vector<16xf32>
      %add3A_1149 = arith.addf %add3A_1139, %mul3A_1148 : vector<16xf32>
      %add3A_1150 = arith.constant 10 : i32
      %add3A_1151 = vector.broadcast %add3A_1150 : i32 to vector<16xi32>
      %add3A_1152 = arith.addi %mul3A_1040, %add3A_1151 : vector<16xi32>
      %gather3A_1153 = tpu.vector_load_idx %arg13[%add3A_1033, %add3A_1152] : memref<128x256xf32, #tpu.memory_space<vmem>>[vector<16xi32>, vector<16xi32>], vector<16xf32>,
      %add3A_1154 = arith.constant 10 : i32
      %add3A_1155 = vector.broadcast %add3A_1154 : i32 to vector<16xi32>
      %add3A_1156 = arith.addi %mul3A_1046, %add3A_1155 : vector<16xi32>
      %gather3A_1157 = tpu.vector_load_idx %arg14[%add3A_1033, %add3A_1156] : memref<128x256xf32, #tpu.memory_space<vmem>>[vector<16xi32>, vector<16xi32>], vector<16xf32>,
      %mul3A_1158 = arith.mulf %gather3A_1153, %gather3A_1157 : vector<16xf32>
      %add3A_1159 = arith.addf %add3A_1149, %mul3A_1158 : vector<16xf32>
      %add3A_1160 = arith.constant 11 : i32
      %add3A_1161 = vector.broadcast %add3A_1160 : i32 to vector<16xi32>
      %add3A_1162 = arith.addi %mul3A_1040, %add3A_1161 : vector<16xi32>
      %gather3A_1163 = tpu.vector_load_idx %arg13[%add3A_1033, %add3A_1162] : memref<128x256xf32, #tpu.memory_space<vmem>>[vector<16xi32>, vector<16xi32>], vector<16xf32>,
      %add3A_1164 = arith.constant 11 : i32
      %add3A_1165 = vector.broadcast %add3A_1164 : i32 to vector<16xi32>
      %add3A_1166 = arith.addi %mul3A_1046, %add3A_1165 : vector<16xi32>
      %gather3A_1167 = tpu.vector_load_idx %arg14[%add3A_1033, %add3A_1166] : memref<128x256xf32, #tpu.memory_space<vmem>>[vector<16xi32>, vector<16xi32>], vector<16xf32>,
      %mul3A_1168 = arith.mulf %gather3A_1163, %gather3A_1167 : vector<16xf32>
      %add3A_1169 = arith.addf %add3A_1159, %mul3A_1168 : vector<16xf32>
      %add3A_1170 = arith.constant 12 : i32
      %add3A_1171 = vector.broadcast %add3A_1170 : i32 to vector<16xi32>
      %add3A_1172 = arith.addi %mul3A_1040, %add3A_1171 : vector<16xi32>
      %gather3A_1173 = tpu.vector_load_idx %arg13[%add3A_1033, %add3A_1172] : memref<128x256xf32, #tpu.memory_space<vmem>>[vector<16xi32>, vector<16xi32>], vector<16xf32>,
      %add3A_1174 = arith.constant 12 : i32
      %add3A_1175 = vector.broadcast %add3A_1174 : i32 to vector<16xi32>
      %add3A_1176 = arith.addi %mul3A_1046, %add3A_1175 : vector<16xi32>
      %gather3A_1177 = tpu.vector_load_idx %arg14[%add3A_1033, %add3A_1176] : memref<128x256xf32, #tpu.memory_space<vmem>>[vector<16xi32>, vector<16xi32>], vector<16xf32>,
      %mul3A_1178 = arith.mulf %gather3A_1173, %gather3A_1177 : vector<16xf32>
      %add3A_1179 = arith.addf %add3A_1169, %mul3A_1178 : vector<16xf32>
      %add3A_1180 = arith.constant 13 : i32
      %add3A_1181 = vector.broadcast %add3A_1180 : i32 to vector<16xi32>
      %add3A_1182 = arith.addi %mul3A_1040, %add3A_1181 : vector<16xi32>
      %gather3A_1183 = tpu.vector_load_idx %arg13[%add3A_1033, %add3A_1182] : memref<128x256xf32, #tpu.memory_space<vmem>>[vector<16xi32>, vector<16xi32>], vector<16xf32>,
      %add3A_1184 = arith.constant 13 : i32
      %add3A_1185 = vector.broadcast %add3A_1184 : i32 to vector<16xi32>
      %add3A_1186 = arith.addi %mul3A_1046, %add3A_1185 : vector<16xi32>
      %gather3A_1187 = tpu.vector_load_idx %arg14[%add3A_1033, %add3A_1186] : memref<128x256xf32, #tpu.memory_space<vmem>>[vector<16xi32>, vector<16xi32>], vector<16xf32>,
      %mul3A_1188 = arith.mulf %gather3A_1183, %gather3A_1187 : vector<16xf32>
      %add3A_1189 = arith.addf %add3A_1179, %mul3A_1188 : vector<16xf32>
      %add3A_1190 = arith.constant 14 : i32
      %add3A_1191 = vector.broadcast %add3A_1190 : i32 to vector<16xi32>
      %add3A_1192 = arith.addi %mul3A_1040, %add3A_1191 : vector<16xi32>
      %gather3A_1193 = tpu.vector_load_idx %arg13[%add3A_1033, %add3A_1192] : memref<128x256xf32, #tpu.memory_space<vmem>>[vector<16xi32>, vector<16xi32>], vector<16xf32>,
      %add3A_1194 = arith.constant 14 : i32
      %add3A_1195 = vector.broadcast %add3A_1194 : i32 to vector<16xi32>
      %add3A_1196 = arith.addi %mul3A_1046, %add3A_1195 : vector<16xi32>
      %gather3A_1197 = tpu.vector_load_idx %arg14[%add3A_1033, %add3A_1196] : memref<128x256xf32, #tpu.memory_space<vmem>>[vector<16xi32>, vector<16xi32>], vector<16xf32>,
      %mul3A_1198 = arith.mulf %gather3A_1193, %gather3A_1197 : vector<16xf32>
      %add3A_1199 = arith.addf %add3A_1189, %mul3A_1198 : vector<16xf32>
      %add3A_1200 = arith.constant 15 : i32
      %add3A_1201 = vector.broadcast %add3A_1200 : i32 to vector<16xi32>
      %add3A_1202 = arith.addi %mul3A_1040, %add3A_1201 : vector<16xi32>
      %gather3A_1203 = tpu.vector_load_idx %arg13[%add3A_1033, %add3A_1202] : memref<128x256xf32, #tpu.memory_space<vmem>>[vector<16xi32>, vector<16xi32>], vector<16xf32>,
      %add3A_1204 = arith.constant 15 : i32
      %add3A_1205 = vector.broadcast %add3A_1204 : i32 to vector<16xi32>
      %add3A_1206 = arith.addi %mul3A_1046, %add3A_1205 : vector<16xi32>
      %gather3A_1207 = tpu.vector_load_idx %arg14[%add3A_1033, %add3A_1206] : memref<128x256xf32, #tpu.memory_space<vmem>>[vector<16xi32>, vector<16xi32>], vector<16xf32>,
      %mul3A_1208 = arith.mulf %gather3A_1203, %gather3A_1207 : vector<16xf32>
      %add3A_1209 = arith.addf %add3A_1199, %mul3A_1208 : vector<16xf32>
      %add3A_1210 = arith.constant 16 : i32
      %add3A_1211 = vector.broadcast %add3A_1210 : i32 to vector<16xi32>
      %add3A_1212 = arith.addi %mul3A_1040, %add3A_1211 : vector<16xi32>
      %gather3A_1213 = tpu.vector_load_idx %arg13[%add3A_1033, %add3A_1212] : memref<128x256xf32, #tpu.memory_space<vmem>>[vector<16xi32>, vector<16xi32>], vector<16xf32>,
      %add3A_1214 = arith.constant 16 : i32
      %add3A_1215 = vector.broadcast %add3A_1214 : i32 to vector<16xi32>
      %add3A_1216 = arith.addi %mul3A_1046, %add3A_1215 : vector<16xi32>
      %gather3A_1217 = tpu.vector_load_idx %arg14[%add3A_1033, %add3A_1216] : memref<128x256xf32, #tpu.memory_space<vmem>>[vector<16xi32>, vector<16xi32>], vector<16xf32>,
      %mul3A_1218 = arith.mulf %gather3A_1213, %gather3A_1217 : vector<16xf32>
      %add3A_1219 = arith.addf %add3A_1209, %mul3A_1218 : vector<16xf32>
      %add3A_1220 = arith.constant 17 : i32
      %add3A_1221 = vector.broadcast %add3A_1220 : i32 to vector<16xi32>
      %add3A_1222 = arith.addi %mul3A_1040, %add3A_1221 : vector<16xi32>
      %gather3A_1223 = tpu.vector_load_idx %arg13[%add3A_1033, %add3A_1222] : memref<128x256xf32, #tpu.memory_space<vmem>>[vector<16xi32>, vector<16xi32>], vector<16xf32>,
      %add3A_1224 = arith.constant 17 : i32
      %add3A_1225 = vector.broadcast %add3A_1224 : i32 to vector<16xi32>
      %add3A_1226 = arith.addi %mul3A_1046, %add3A_1225 : vector<16xi32>
      %gather3A_1227 = tpu.vector_load_idx %arg14[%add3A_1033, %add3A_1226] : memref<128x256xf32, #tpu.memory_space<vmem>>[vector<16xi32>, vector<16xi32>], vector<16xf32>,
      %mul3A_1228 = arith.mulf %gather3A_1223, %gather3A_1227 : vector<16xf32>
      %add3A_1229 = arith.addf %add3A_1219, %mul3A_1228 : vector<16xf32>
      %add3A_1230 = arith.constant 18 : i32
      %add3A_1231 = vector.broadcast %add3A_1230 : i32 to vector<16xi32>
      %add3A_1232 = arith.addi %mul3A_1040, %add3A_1231 : vector<16xi32>
      %gather3A_1233 = tpu.vector_load_idx %arg13[%add3A_1033, %add3A_1232] : memref<128x256xf32, #tpu.memory_space<vmem>>[vector<16xi32>, vector<16xi32>], vector<16xf32>,
      %add3A_1234 = arith.constant 18 : i32
      %add3A_1235 = vector.broadcast %add3A_1234 : i32 to vector<16xi32>
      %add3A_1236 = arith.addi %mul3A_1046, %add3A_1235 : vector<16xi32>
      %gather3A_1237 = tpu.vector_load_idx %arg14[%add3A_1033, %add3A_1236] : memref<128x256xf32, #tpu.memory_space<vmem>>[vector<16xi32>, vector<16xi32>], vector<16xf32>,
      %mul3A_1238 = arith.mulf %gather3A_1233, %gather3A_1237 : vector<16xf32>
      %add3A_1239 = arith.addf %add3A_1229, %mul3A_1238 : vector<16xf32>
      %add3A_1240 = arith.constant 19 : i32
      %add3A_1241 = vector.broadcast %add3A_1240 : i32 to vector<16xi32>
      %add3A_1242 = arith.addi %mul3A_1040, %add3A_1241 : vector<16xi32>
      %gather3A_1243 = tpu.vector_load_idx %arg13[%add3A_1033, %add3A_1242] : memref<128x256xf32, #tpu.memory_space<vmem>>[vector<16xi32>, vector<16xi32>], vector<16xf32>,
      %add3A_1244 = arith.constant 19 : i32
      %add3A_1245 = vector.broadcast %add3A_1244 : i32 to vector<16xi32>
      %add3A_1246 = arith.addi %mul3A_1046, %add3A_1245 : vector<16xi32>
      %gather3A_1247 = tpu.vector_load_idx %arg14[%add3A_1033, %add3A_1246] : memref<128x256xf32, #tpu.memory_space<vmem>>[vector<16xi32>, vector<16xi32>], vector<16xf32>,
      %mul3A_1248 = arith.mulf %gather3A_1243, %gather3A_1247 : vector<16xf32>
      %add3A_1249 = arith.addf %add3A_1239, %mul3A_1248 : vector<16xf32>
      %add3A_1250 = arith.constant 20 : i32
      %add3A_1251 = vector.broadcast %add3A_1250 : i32 to vector<16xi32>
      %add3A_1252 = arith.addi %mul3A_1040, %add3A_1251 : vector<16xi32>
      %gather3A_1253 = tpu.vector_load_idx %arg13[%add3A_1033, %add3A_1252] : memref<128x256xf32, #tpu.memory_space<vmem>>[vector<16xi32>, vector<16xi32>], vector<16xf32>,
      %add3A_1254 = arith.constant 20 : i32
      %add3A_1255 = vector.broadcast %add3A_1254 : i32 to vector<16xi32>
      %add3A_1256 = arith.addi %mul3A_1046, %add3A_1255 : vector<16xi32>
      %gather3A_1257 = tpu.vector_load_idx %arg14[%add3A_1033, %add3A_1256] : memref<128x256xf32, #tpu.memory_space<vmem>>[vector<16xi32>, vector<16xi32>], vector<16xf32>,
      %mul3A_1258 = arith.mulf %gather3A_1253, %gather3A_1257 : vector<16xf32>
      %add3A_1259 = arith.addf %add3A_1249, %mul3A_1258 : vector<16xf32>
      %add3A_1260 = arith.constant 21 : i32
      %add3A_1261 = vector.broadcast %add3A_1260 : i32 to vector<16xi32>
      %add3A_1262 = arith.addi %mul3A_1040, %add3A_1261 : vector<16xi32>
      %gather3A_1263 = tpu.vector_load_idx %arg13[%add3A_1033, %add3A_1262] : memref<128x256xf32, #tpu.memory_space<vmem>>[vector<16xi32>, vector<16xi32>], vector<16xf32>,
      %add3A_1264 = arith.constant 21 : i32
      %add3A_1265 = vector.broadcast %add3A_1264 : i32 to vector<16xi32>
      %add3A_1266 = arith.addi %mul3A_1046, %add3A_1265 : vector<16xi32>
      %gather3A_1267 = tpu.vector_load_idx %arg14[%add3A_1033, %add3A_1266] : memref<128x256xf32, #tpu.memory_space<vmem>>[vector<16xi32>, vector<16xi32>], vector<16xf32>,
      %mul3A_1268 = arith.mulf %gather3A_1263, %gather3A_1267 : vector<16xf32>
      %add3A_1269 = arith.addf %add3A_1259, %mul3A_1268 : vector<16xf32>
      %add3A_1270 = arith.constant 22 : i32
      %add3A_1271 = vector.broadcast %add3A_1270 : i32 to vector<16xi32>
      %add3A_1272 = arith.addi %mul3A_1040, %add3A_1271 : vector<16xi32>
      %gather3A_1273 = tpu.vector_load_idx %arg13[%add3A_1033, %add3A_1272] : memref<128x256xf32, #tpu.memory_space<vmem>>[vector<16xi32>, vector<16xi32>], vector<16xf32>,
      %add3A_1274 = arith.constant 22 : i32
      %add3A_1275 = vector.broadcast %add3A_1274 : i32 to vector<16xi32>
      %add3A_1276 = arith.addi %mul3A_1046, %add3A_1275 : vector<16xi32>
      %gather3A_1277 = tpu.vector_load_idx %arg14[%add3A_1033, %add3A_1276] : memref<128x256xf32, #tpu.memory_space<vmem>>[vector<16xi32>, vector<16xi32>], vector<16xf32>,
      %mul3A_1278 = arith.mulf %gather3A_1273, %gather3A_1277 : vector<16xf32>
      %add3A_1279 = arith.addf %add3A_1269, %mul3A_1278 : vector<16xf32>
      %add3A_1280 = arith.constant 23 : i32
      %add3A_1281 = vector.broadcast %add3A_1280 : i32 to vector<16xi32>
      %add3A_1282 = arith.addi %mul3A_1040, %add3A_1281 : vector<16xi32>
      %gather3A_1283 = tpu.vector_load_idx %arg13[%add3A_1033, %add3A_1282] : memref<128x256xf32, #tpu.memory_space<vmem>>[vector<16xi32>, vector<16xi32>], vector<16xf32>,
      %add3A_1284 = arith.constant 23 : i32
      %add3A_1285 = vector.broadcast %add3A_1284 : i32 to vector<16xi32>
      %add3A_1286 = arith.addi %mul3A_1046, %add3A_1285 : vector<16xi32>
      %gather3A_1287 = tpu.vector_load_idx %arg14[%add3A_1033, %add3A_1286] : memref<128x256xf32, #tpu.memory_space<vmem>>[vector<16xi32>, vector<16xi32>], vector<16xf32>,
      %mul3A_1288 = arith.mulf %gather3A_1283, %gather3A_1287 : vector<16xf32>
      %add3A_1289 = arith.addf %add3A_1279, %mul3A_1288 : vector<16xf32>
      %add3A_1290 = arith.constant 24 : i32
      %add3A_1291 = vector.broadcast %add3A_1290 : i32 to vector<16xi32>
      %add3A_1292 = arith.addi %mul3A_1040, %add3A_1291 : vector<16xi32>
      %gather3A_1293 = tpu.vector_load_idx %arg13[%add3A_1033, %add3A_1292] : memref<128x256xf32, #tpu.memory_space<vmem>>[vector<16xi32>, vector<16xi32>], vector<16xf32>,
      %add3A_1294 = arith.constant 24 : i32
      %add3A_1295 = vector.broadcast %add3A_1294 : i32 to vector<16xi32>
      %add3A_1296 = arith.addi %mul3A_1046, %add3A_1295 : vector<16xi32>
      %gather3A_1297 = tpu.vector_load_idx %arg14[%add3A_1033, %add3A_1296] : memref<128x256xf32, #tpu.memory_space<vmem>>[vector<16xi32>, vector<16xi32>], vector<16xf32>,
      %mul3A_1298 = arith.mulf %gather3A_1293, %gather3A_1297 : vector<16xf32>
      %add3A_1299 = arith.addf %add3A_1289, %mul3A_1298 : vector<16xf32>
      %add3A_1300 = arith.constant 25 : i32
      %add3A_1301 = vector.broadcast %add3A_1300 : i32 to vector<16xi32>
      %add3A_1302 = arith.addi %mul3A_1040, %add3A_1301 : vector<16xi32>
      %gather3A_1303 = tpu.vector_load_idx %arg13[%add3A_1033, %add3A_1302] : memref<128x256xf32, #tpu.memory_space<vmem>>[vector<16xi32>, vector<16xi32>], vector<16xf32>,
      %add3A_1304 = arith.constant 25 : i32
      %add3A_1305 = vector.broadcast %add3A_1304 : i32 to vector<16xi32>
      %add3A_1306 = arith.addi %mul3A_1046, %add3A_1305 : vector<16xi32>
      %gather3A_1307 = tpu.vector_load_idx %arg14[%add3A_1033, %add3A_1306] : memref<128x256xf32, #tpu.memory_space<vmem>>[vector<16xi32>, vector<16xi32>], vector<16xf32>,
      %mul3A_1308 = arith.mulf %gather3A_1303, %gather3A_1307 : vector<16xf32>
      %add3A_1309 = arith.addf %add3A_1299, %mul3A_1308 : vector<16xf32>
      %add3A_1310 = arith.constant 26 : i32
      %add3A_1311 = vector.broadcast %add3A_1310 : i32 to vector<16xi32>
      %add3A_1312 = arith.addi %mul3A_1040, %add3A_1311 : vector<16xi32>
      %gather3A_1313 = tpu.vector_load_idx %arg13[%add3A_1033, %add3A_1312] : memref<128x256xf32, #tpu.memory_space<vmem>>[vector<16xi32>, vector<16xi32>], vector<16xf32>,
      %add3A_1314 = arith.constant 26 : i32
      %add3A_1315 = vector.broadcast %add3A_1314 : i32 to vector<16xi32>
      %add3A_1316 = arith.addi %mul3A_1046, %add3A_1315 : vector<16xi32>
      %gather3A_1317 = tpu.vector_load_idx %arg14[%add3A_1033, %add3A_1316] : memref<128x256xf32, #tpu.memory_space<vmem>>[vector<16xi32>, vector<16xi32>], vector<16xf32>,
      %mul3A_1318 = arith.mulf %gather3A_1313, %gather3A_1317 : vector<16xf32>
      %add3A_1319 = arith.addf %add3A_1309, %mul3A_1318 : vector<16xf32>
      %add3A_1320 = arith.constant 27 : i32
      %add3A_1321 = vector.broadcast %add3A_1320 : i32 to vector<16xi32>
      %add3A_1322 = arith.addi %mul3A_1040, %add3A_1321 : vector<16xi32>
      %gather3A_1323 = tpu.vector_load_idx %arg13[%add3A_1033, %add3A_1322] : memref<128x256xf32, #tpu.memory_space<vmem>>[vector<16xi32>, vector<16xi32>], vector<16xf32>,
      %add3A_1324 = arith.constant 27 : i32
      %add3A_1325 = vector.broadcast %add3A_1324 : i32 to vector<16xi32>
      %add3A_1326 = arith.addi %mul3A_1046, %add3A_1325 : vector<16xi32>
      %gather3A_1327 = tpu.vector_load_idx %arg14[%add3A_1033, %add3A_1326] : memref<128x256xf32, #tpu.memory_space<vmem>>[vector<16xi32>, vector<16xi32>], vector<16xf32>,
      %mul3A_1328 = arith.mulf %gather3A_1323, %gather3A_1327 : vector<16xf32>
      %add3A_1329 = arith.addf %add3A_1319, %mul3A_1328 : vector<16xf32>
      %add3A_1330 = arith.constant 28 : i32
      %add3A_1331 = vector.broadcast %add3A_1330 : i32 to vector<16xi32>
      %add3A_1332 = arith.addi %mul3A_1040, %add3A_1331 : vector<16xi32>
      %gather3A_1333 = tpu.vector_load_idx %arg13[%add3A_1033, %add3A_1332] : memref<128x256xf32, #tpu.memory_space<vmem>>[vector<16xi32>, vector<16xi32>], vector<16xf32>,
      %add3A_1334 = arith.constant 28 : i32
      %add3A_1335 = vector.broadcast %add3A_1334 : i32 to vector<16xi32>
      %add3A_1336 = arith.addi %mul3A_1046, %add3A_1335 : vector<16xi32>
      %gather3A_1337 = tpu.vector_load_idx %arg14[%add3A_1033, %add3A_1336] : memref<128x256xf32, #tpu.memory_space<vmem>>[vector<16xi32>, vector<16xi32>], vector<16xf32>,
      %mul3A_1338 = arith.mulf %gather3A_1333, %gather3A_1337 : vector<16xf32>
      %add3A_1339 = arith.addf %add3A_1329, %mul3A_1338 : vector<16xf32>
      %add3A_1340 = arith.constant 29 : i32
      %add3A_1341 = vector.broadcast %add3A_1340 : i32 to vector<16xi32>
      %add3A_1342 = arith.addi %mul3A_1040, %add3A_1341 : vector<16xi32>
      %gather3A_1343 = tpu.vector_load_idx %arg13[%add3A_1033, %add3A_1342] : memref<128x256xf32, #tpu.memory_space<vmem>>[vector<16xi32>, vector<16xi32>], vector<16xf32>,
      %add3A_1344 = arith.constant 29 : i32
      %add3A_1345 = vector.broadcast %add3A_1344 : i32 to vector<16xi32>
      %add3A_1346 = arith.addi %mul3A_1046, %add3A_1345 : vector<16xi32>
      %gather3A_1347 = tpu.vector_load_idx %arg14[%add3A_1033, %add3A_1346] : memref<128x256xf32, #tpu.memory_space<vmem>>[vector<16xi32>, vector<16xi32>], vector<16xf32>,
      %mul3A_1348 = arith.mulf %gather3A_1343, %gather3A_1347 : vector<16xf32>
      %add3A_1349 = arith.addf %add3A_1339, %mul3A_1348 : vector<16xf32>
      %add3A_1350 = arith.constant 30 : i32
      %add3A_1351 = vector.broadcast %add3A_1350 : i32 to vector<16xi32>
      %add3A_1352 = arith.addi %mul3A_1040, %add3A_1351 : vector<16xi32>
      %gather3A_1353 = tpu.vector_load_idx %arg13[%add3A_1033, %add3A_1352] : memref<128x256xf32, #tpu.memory_space<vmem>>[vector<16xi32>, vector<16xi32>], vector<16xf32>,
      %add3A_1354 = arith.constant 30 : i32
      %add3A_1355 = vector.broadcast %add3A_1354 : i32 to vector<16xi32>
      %add3A_1356 = arith.addi %mul3A_1046, %add3A_1355 : vector<16xi32>
      %gather3A_1357 = tpu.vector_load_idx %arg14[%add3A_1033, %add3A_1356] : memref<128x256xf32, #tpu.memory_space<vmem>>[vector<16xi32>, vector<16xi32>], vector<16xf32>,
      %mul3A_1358 = arith.mulf %gather3A_1353, %gather3A_1357 : vector<16xf32>
      %add3A_1359 = arith.addf %add3A_1349, %mul3A_1358 : vector<16xf32>
      %add3A_1360 = arith.constant 31 : i32
      %add3A_1361 = vector.broadcast %add3A_1360 : i32 to vector<16xi32>
      %add3A_1362 = arith.addi %mul3A_1040, %add3A_1361 : vector<16xi32>
      %gather3A_1363 = tpu.vector_load_idx %arg13[%add3A_1033, %add3A_1362] : memref<128x256xf32, #tpu.memory_space<vmem>>[vector<16xi32>, vector<16xi32>], vector<16xf32>,
      %add3A_1364 = arith.constant 31 : i32
      %add3A_1365 = vector.broadcast %add3A_1364 : i32 to vector<16xi32>
      %add3A_1366 = arith.addi %mul3A_1046, %add3A_1365 : vector<16xi32>
      %gather3A_1367 = tpu.vector_load_idx %arg14[%add3A_1033, %add3A_1366] : memref<128x256xf32, #tpu.memory_space<vmem>>[vector<16xi32>, vector<16xi32>], vector<16xf32>,
      %mul3A_1368 = arith.mulf %gather3A_1363, %gather3A_1367 : vector<16xf32>
      %add3A_1369 = arith.addf %add3A_1359, %mul3A_1368 : vector<16xf32>
      %swap3A_1370 = arith.index_cast %add3A_1029 : i32 to index
      %swap3A_1371 = tpu.vector_load %arg17[%swap3A_1370] {strides = array<i32>} : memref<512xf32, #tpu.memory_space<vmem>>, vector<16xf32>,
      tpu.vector_store %arg17[%swap3A_1370], %add3A_1369 {strides = array<i32>} : memref<512xf32, #tpu.memory_space<vmem>>, vector<16xf32>,
      %scan3A_1372 = arith.constant 0 : i32
      scf.yield %scan3A_1372 : i32
    }
    %scan3A_1023 = arith.constant 8 : i32
    "tpu.region"() ({
      %run_scoped3A_1024 = tpu.sem_alloc : memref<!tpu.dma_semaphore, #tpu.memory_space<semaphore_mem>>
      %dma_start3A_1025 = tpu.memref_slice %arg8[%mul3A_2] : memref<16384xf32, #tpu.memory_space<hbm>> -> memref<512xf32, #tpu.memory_space<hbm>>
      %dma_start3A_1026 = tpu.memref_slice %arg8[%mul3A_2] : memref<16384xf32, #tpu.memory_space<hbm>> -> memref<512xf32, #tpu.memory_space<hbm>>
      tpu.enqueue_dma source(%arg17 : memref<512xf32, #tpu.memory_space<vmem>>) target(%dma_start3A_1026 : memref<512xf32, #tpu.memory_space<hbm>>) target_semaphore(%run_scoped3A_1024 : memref<!tpu.dma_semaphore, #tpu.memory_space<semaphore_mem>>)
      %dma_wait3A_1027 = tpu.memref_slice %arg8[%mul3A_2] : memref<16384xf32, #tpu.memory_space<hbm>> -> memref<512xf32, #tpu.memory_space<hbm>>
      %dma_wait3A_1028 = tpu.memref_slice %arg8[%mul3A_2] : memref<16384xf32, #tpu.memory_space<hbm>> -> memref<512xf32, #tpu.memory_space<hbm>>
      tpu.wait_dma2 semaphore(%run_scoped3A_1024 : memref<!tpu.dma_semaphore, #tpu.memory_space<semaphore_mem>>) src(%arg17 : memref<512xf32, #tpu.memory_space<vmem>>) dst(%dma_wait3A_1028 : memref<512xf32, #tpu.memory_space<hbm>>)
      tpu.yield
    }) : () -> ()
    return
  }
}

</mosaic_0001>

<sc_bundles>
// kernel: kernel.3.cloned.1.call-start
scs
__scs_entry_jumppad:
0x0: {  	(pc) =	sbr.rel $0x88, $3  }
0x1: {  	(tag) =	ssettag $0x0;
	lr =	simm.s32 $0x1  }
0x2: {  	[smem:$0x3F9B] =	sst lr;
	_ =	strace $0xD0000000  }
0x3: {  	_ = 	snop  }
0x4: {  	_ = 	snop  }
0x5: {  	_ = 	snop  }
0x6: {  	_ = 	snop  }
0x7: {  	_ = 	snop  }
__scs_overlays_trampoline_lowered:
0x8: {  	[smem:$0x3FAA] =	sst s0  }
0x9: {  	[smem:$0x3FAB] =	sst s1  }
0xa: {  	[smem:$0x3FAC] =	sst s2  }
0xb: {  	[smem:$0x3FAD] =	sst s3  }
0xc: {  	[smem:$0x3FAE] =	sst s4  }
0xd: {  	[smem:$0x3FAF] =	sst s5  }
0xe: {  	[smem:$0x3FB0] =	sst s6  }
0xf: {  	[smem:$0x3FB1] =	sst s7  }
0x10: {  	[smem:$0x3FB2] =	sst s8  }
0x11: {  	[smem:$0x3FB3] =	sst s9;
	s0 =	simm.s32 @!p0 $0x0  }
0x12: {  	s1 =	sld [smem:$0x3F99];
	s0 =	simm.s32 @p0 $0x1  }
0x13: {  	[smem:$0x3FB4] =	sst s0;
	s0 =	simm.s32 @!p1 $0x0  }
0x14: {  	s2 =	sld [smem:$0x3F98];
	s0 =	simm.s32 @p1 $0x1  }
0x15: {  	[smem:$0x3FB5] =	sst s0;
	s0 =	simm.s32 @!p2 $0x0  }
0x16: {  	s3 =	sld [smem:$0x3FDB];
	s0 =	simm.s32 @p2 $0x1  }
0x17: {  	s4 =	simm.s32 $0x1BF5;
	[smem:$0x3FB7] =	sst s0  }
0x18: {  	s0 =	sld [smem:$0x3F9A];
	_ =	swait.ge [sflag:s4], $0x0  }
0x19: {  	s7 =	sld [smem:$0x3F9B]  }
0x1a: {  	s8 =	sadd.s32 $0xFFFFE003, lr  }
0x1b: {  	s9 =	sadd.s32 $0xFFFFFEF7, lr;
	s5 =	simm.s32 $0xFFFFFFFF;
	p2 =	slt.u32 s8, $0xFFFFF086  }
0x1c: {  	p1 =	slt.u32 s9, $0xF7A;
	s5 =	simm.s32 @!p2 $0x0  }
0x1d: {  	s5 =	simm.s32 @p1 $0x1;
	p0 =	seq.s32 s7, s2  }
0x1e: {  	s7 =	smul.u32 @!p0 $0xF7A, s2;
	p2 =	seq.s32 @!p0 s5, $0x0  }
0x1f: {  	s9 =	smul.u32 $0xF7A, s1;
	s8 =	simm.s32 @!p0 $0x1BF5;
	p2 =	por !p2, p0  }
0x20: {  	[sflag:s8] =	ssyncset.s32 @!p0 $0xFFFFF086;
	s6 =	sadd.s32 @!p0 s3, s7;
	s7 =	simm.s32 @!p0 $0x108  }
0x21: {  	s3 =	sadd.s32 s3, s9;
	s6 =	sadd.s32 @!p0 $0x88, s6;
	s7 =	simm.s32 @p2 $0x1082  }
0x22: {  	[simem:s7], [sflag:s8] =	dma.local @!p0 [hbm:s6], $0xF7A  }
0x23: {  	s9 =	sor.u32 $0xD0000000, s2;
	s6 =	simm.s32 $0x108;
	_ =	swait.ge @!p0 [sflag:s8], $0x0  }
0x24: {  	s3 =	sadd.s32 $0x88, s3;
	s6 =	simm.s32 @!p1 $0x1082;
	[sflag:s4] =	ssyncset.s32 $0xFFFFF086  }
0x25: {  	[simem:s6], [sflag:s4] =	dma.local [hbm:s3], $0xF7A  }
0x26: {  	[smem:$0x3F9B] =	sst s1;
	(tag) =	ssettag s2;
	_ =	strace s9  }
0x27: {  	s1 =	sld [smem:$0x3FAB]  }
0x28: {  	s2 =	sld [smem:$0x3FAC]  }
0x29: {  	s4 =	sld [smem:$0x3FAE]  }
0x2a: {  	p0 =	seq.s32 s5, $0x0;
	s5 =	sld [smem:$0x3FAF]  }
0x2b: {  	s6 =	sld [smem:$0x3FB0]  }
0x2c: {  	s7 =	sld [smem:$0x3FB1]  }
0x2d: {  	s3 =	simm.s32 $0x108;
	s8 =	sld [smem:$0x3FB2]  }
0x2e: {  	s3 =	simm.s32 @!p0 $0x1082;
	s9 =	sld [smem:$0x3FB3]  }
0x2f: {  	lr =	sadd.s32 s0, s3;
	s0 =	sld [smem:$0x3FAA]  }
0x30: {  	s3 =	sld [smem:$0x3FAD]  }
0x31: {  	[smem:$0x3FB6] =	sst s10  }
0x32: {  	s10 =	sld [smem:$0x3FB4];
	_ =	sdelay $0x3  }
0x33: {  	p0 =	seq.s32 s10, $0x1;
	s10 =	sld [smem:$0x3FB6];
	_ =	sdelay $0x3  }
0x34: {  	[smem:$0x3FB6] =	sst s10  }
0x35: {  	s10 =	sld [smem:$0x3FB5];
	_ =	sdelay $0x3  }
0x36: {  	p1 =	seq.s32 s10, $0x1;
	s10 =	sld [smem:$0x3FB6];
	_ =	sdelay $0x3  }
0x37: {  	[smem:$0x3FB6] =	sst s10  }
0x38: {  	s10 =	sld [smem:$0x3FB7]  }
0x39: {  	_ = 	snop;
	(pc) =	sbr.ind lr, $3  }
0x3a: {  	_ = 	snop  }
0x3b: {  	_ = 	snop  }
0x3c: {  	p2 =	seq.s32 s10, $0x1;
	s10 =	sld [smem:$0x3FB6]  }
0x3d: {  	_ =	shalt  }
0x3e: {  	_ =	shalt  }
0x3f: {  	_ =	shalt  }
0x40: {  	_ =	shalt  }
0x41: {  	_ =	shalt  }
0x42: {  	_ =	shalt  }
0x43: {  	_ =	shalt  }
0x44: {  	_ =	shalt  }
0x45: {  	_ =	shalt  }
0x46: {  	_ =	shalt  }
0x47: {  	_ =	shalt  }
0x48: {  	_ =	shalt  }
0x49: {  	_ =	shalt  }
0x4a: {  	_ =	shalt  }
0x4b: {  	_ =	shalt  }
0x4c: {  	_ =	shalt  }
0x4d: {  	_ =	shalt  }
0x4e: {  	_ =	shalt  }
0x4f: {  	_ =	shalt  }
0x50: {  	_ =	shalt  }
0x51: {  	_ =	shalt  }
0x52: {  	_ =	shalt  }
0x53: {  	_ =	shalt  }
0x54: {  	_ =	shalt  }
0x55: {  	_ =	shalt  }
0x56: {  	_ =	shalt  }
0x57: {  	_ =	shalt  }
0x58: {  	_ =	shalt  }
0x59: {  	_ =	shalt  }
0x5a: {  	_ =	shalt  }
0x5b: {  	_ =	shalt  }
0x5c: {  	_ =	shalt  }
0x5d: {  	_ =	shalt  }
0x5e: {  	_ =	shalt  }
0x5f: {  	_ =	shalt  }
0x60: {  	_ =	shalt  }
0x61: {  	_ =	shalt  }
0x62: {  	_ =	shalt  }
0x63: {  	_ =	shalt  }
0x64: {  	_ =	shalt  }
0x65: {  	_ =	shalt  }
0x66: {  	_ =	shalt  }
0x67: {  	_ =	shalt  }
0x68: {  	_ =	shalt  }
0x69: {  	_ =	shalt  }
0x6a: {  	_ =	shalt  }
0x6b: {  	_ =	shalt  }
0x6c: {  	_ =	shalt  }
0x6d: {  	_ =	shalt  }
0x6e: {  	_ =	shalt  }
0x6f: {  	_ =	shalt  }
0x70: {  	_ =	shalt  }
0x71: {  	_ =	shalt  }
0x72: {  	_ =	shalt  }
0x73: {  	_ =	shalt  }
0x74: {  	_ =	shalt  }
0x75: {  	_ =	shalt  }
0x76: {  	_ =	shalt  }
0x77: {  	_ =	shalt  }
0x78: {  	_ =	shalt  }
0x79: {  	_ =	shalt  }
0x7a: {  	_ =	shalt  }
0x7b: {  	_ =	shalt  }
0x7c: {  	_ =	shalt  }
0x7d: {  	_ =	shalt  }
0x7e: {  	_ =	shalt  }
0x7f: {  	_ =	shalt  }
0x80: {  	_ =	shalt  }
0x81: {  	_ =	shalt  }
0x82: {  	_ =	shalt  }
0x83: {  	_ =	shalt  }
0x84: {  	_ =	shalt  }
0x85: {  	_ =	shalt  }
0x86: {  	_ =	shalt  }
0x87: {  	_ =	shalt  }
.Lfunc_end0:
.L_simem_size_0:
called_computation_lowered:
.L_overlay_start_0:
0x88: {  	s2 =	sld [smem:$0x3FD9]  }
0x89: {  	s3 =	sld [smem:$0x3FFE];
	_ =	sdelay $0x1  }
0x8a: {  	s1 =	srdreg.scid  }
0x8b: {  	s0 =	sand.u32 $0x1, s1  }
0x8c: {  	s17 =	sshll.u32 s0, $0xA;
	s2 =	sadd.s32 s3, s2  }
0x8d: {  	s2 =	sadd.s32 s2, s17  }
0x8e: {  	[smem:$0x3FC2] =	sst s2  }
0x8f: {  	_ = 	snop  }
0x90: {  	s2 =	sld [smem:$0x3FC9]  }
0x91: {  	s18 =	sld [smem:$0x3FC8]  }
0x92: {  	s4 =	sld [smem:$0x3FD0];
	(tm) =	ssettm $0x1  }
0x93: {  	s5 =	sld [smem:$0x3FFB];
	_ =	sdelay $0x3  }
0x94: {  	_ =	strace s5  }
0x95: {  	s5 =	sld [smem:$0x3FFC];
	_ =	sdelay $0x3  }
0x96: {  	_ =	strace s5  }
0x97: {  	s5 =	sld [smem:$0x3FFD];
	_ =	sdelay $0x3  }
0x98: {  	_ =	strace s5  }
0x99: {  	_ =	strace $0x8FFFFFFF  }
0x9a: {  	s19 =	sld [smem:$0x3FDB];
	_ =	sdelay $0x1  }
0x9b: {  	s6 =	simm.s32 $_scs_section_size  }
0x9c: {  	s7 =	simm.s32 $_size__tile_overlayer_lowered;
	s8 =	simm.s32 $_tile_overlayer_lowered  }
0x9d: {  	s22 =	simm.s32 $0x1BFF;
	s21 =	sshll.u32 s8, $0x1;
	s5 =	sadd.s32 s6, s19  }
0x9e: {  	s9 =	simm.s32 $0x0;
	s20 =	sshll.u32 s7, $0x1;
	s7 =	sadd.s32 s21, s5  }
0x9f: {  	[timem:s9], [sflag:s22] =	dma.local [hbm:s7], s20  }
0xa0: {  	_ =	swait.ge [sflag:s22], s20  }
0xa1: {  	s6 =	ssub.s32 $0x0, s20;
	[sflag:s22] =	ssyncset.done $0x0  }
0xa2: {  	[sflag:s22] =	ssyncadd.s32 s6;
	_ =	sdelay $0x1  }
0xa3: {  	s23 =	simm.s32 $0x1B8B  }
0xa4: {  	_ =	swait.ge [sflag:s23], $0x1  }
0xa5: {  	[sflag:s23] =	ssyncset.done $0x0  }
0xa6: {  	s25 =	simm.s32 $0x1B8E;
	s24 =	sld [smem:$0x3FFE];
	[sflag:s23] =	ssyncadd.s32 $0xFFFFFFFF  }
0xa7: {  	s26 =	simm.s32 $execute0_lowered;
	[smem:$0x3FD2] =	sst s25  }
0xa8: {  	s7 =	sshll.u32 s26, $0x1;
	_ =	strace $0x80000046;
	[dreg:$0x1] =	wrdreg $0xFFFFFFFF  }
0xa9: {  	s28 =	simm.s32 $_size_execute0_lowered;
	s5 =	sadd.s32 s5, s7;
	[dreg:$0x0] =	wrdreg $0x0  }
0xaa: {  	s7 =	sshll.u32 s28, $0x1;
	[dreg:$0x2] =	wrdreg s5  }
0xab: {  	[dreg:$0x3] =	wrdreg s7  }
0xac: {  	[dreg:$0x4] =	wrdreg $0xC0  }
0xad: {  	_ =	task [dreg:s9], $0x5FFFF  }
0xae: {  	[dreg:$0x1] =	wrdreg $0xFFFFFFFF  }
0xaf: {  	[dreg:$0x0] =	wrdreg $0x60  }
0xb0: {  	[dreg:$0x2] =	wrdreg s2  }
0xb1: {  	[dreg:$0x3] =	wrdreg s18  }
0xb2: {  	[dreg:$0x4] =	wrdreg s24  }
0xb3: {  	[dreg:$0x5] =	wrdreg s4  }
0xb4: {  	[dreg:$0x6] =	wrdreg $0x9  }
0xb5: {  	_ =	task.clear_ibuf [dreg:s9], $0x7FFFF;
	_ =	strace $0x90000046  }
0xb6: {  	s29 =	simm.s32 $0x9;
	_ =	strace $0x80000048  }
0xb7: {  	_ =	swait.ge [sflag:s29], $0x1  }
0xb8: {  	[sflag:s29] =	ssyncadd.s32 $0xFFFFFFFF  }
0xb9: {  	_ =	strace $0x90000048  }
0xba: {  	_ =	sfence  }
0xbb: {  	s30 =	sld [smem:$0x0];
	_ =	sdelay $0x2  }
0xbc: {  	s31 =	sshll.u32 s1, $0xD;
	s1 =	sshrl.u32 s1, $0x2  }
0xbd: {  	s3 =	sand.u32 $0x4000, s31;
	s1 =	sadd.s32 s1, s30  }
0xbe: {  	s0 =	sor.u32 s3, s0;
	s1 =	sshll.u32 s1, $0x11  }
0xbf: {  	s0 =	sor.u32 s1, s0  }
0xc0: {  	s0 =	sadd.s32 $0x8F2B, s0  }
0xc1: {  	[sflag:s0] =	ssyncadd.remote.s32 $0x1  }
0xc2: {  	_ =	sfence.sel $0xFFFF  }
0xc3: {  	[dreg:$0x0] =	wrdreg $0xFFFFFFFF;
	(pc) =	sbr.abs _section_cstart, $3  }
0xc4: {  	[dreg:$0x1] =	wrdreg $0xFFFFFFFF  }
0xc5: {  	_ =	task.clear_ibuf [dreg:s9], $0x2FFFF;
	_ =	strace $0x9FFFFFFF  }
0xc6: {  	(tm) =	ssettm $0x7FFFFFFF  }
0xc7: {  	_ =	shalt  }
tec
execute0_lowered:
.L_overlay_start_1:
0x0: {  	(tag) =	ssettag $0x1  }
0x1: {  	s0 =	rddreg [dreg:$0x0]  }
0x2: {  	s3 =	rddreg [dreg:$0x1]  }
0x3: {  	s1 =	rddreg [dreg:$0x2]  }
0x4: {  	s7 =	rddreg [dreg:$0x3];
	s2 =	simm.s32 $0x0  }
0x5: {  	s5 =	srdreg.scid;
	s6 =	stileid.u32;
	s17 =	simm.s32 $0x2  }
0x6: {  	s18 =	simm.s32 $0x200;
	s19 =	simm.s32 $0x80;
	s28 =	simm.s32 $0x1  }
0x7: {  	s29 =	simm.s32 $0x800;
	s13 =	simm.s32 $0x8800;
	s31 =	simm.s32 $0x10C00  }
0x8: {  	[smem:$0x7FF] =	sst s2;
	s4 =	sadd.s32 $0xF42400, s1;
	s5 =	sand.u32 $0x1, s5  }
0x9: {  	s6 =	sshll.u32 s6, $0x7;
	_ =	strace $0x80000047;
	s8 =	ssub.s32 $0x2, s5  }
0xa: {  	s9 =	sshll.u32 s5, $0x6;
	s5 =	sadd.s32 $0x186A00, s1;
	s10 =	sshrl.u32 s8, $0x1  }
0xb: {  	v0 =	vlaneseq.u32;
	s9 =	sor.u32 s9, s6;
	s6 =	sadd.s32 $0x1EA00, s1;
	s8 =	ssub.s32 s8, s10  }
0xc: {  	v1 =	vand.u32 $0x7, v0;
	s20 =	sor.u32 $0x10, s9;
	s11 =	sadd.s32 s0, s9;
	s21 =	sadd.s32 s3, s9  }
0xd: {  	v3 =	vshrl.u32 v0, $0x3;
	v2 =	vmul.u32 $0x80, v1;
	s23 =	sor.u32 $0x20, s9;
	s24 =	sor.u32 $0x30, s9;
	[dreg:$0x5] =	wrdreg s11  }
0xe: {  	vm0 =	vmmov $0xffff;
	v4 =	vor.u32 $0x8, v0;
	v3 =	vmul.u32 $0x8, v3;
	s26 =	sadd.s32 s7, s9;
	s7 =	simm.s32 $0xF000;
	[dreg:$0x6] =	wrdreg s21  }
0xf: {  	v5 =	vor.u32 $0x1, v2;
	v6 =	vor.u32 $0x2, v2;
	v7 =	vor.u32 $0x3, v2;
	s9 =	simm.s32 $0x10000;
	s22 =	sadd.s32 s0, s20;
	[dreg:$0xd] =	wrdreg s26  }
0x10: {  	v8 =	vor.u32 $0x4, v2;
	v9 =	vor.u32 $0x5, v2;
	v10 =	vor.u32 $0x6, v2;
	s10 =	sadd.s32 s3, s20;
	s12 =	sadd.s32 s0, s23;
	[dreg:$0x7] =	wrdreg s22  }
0x11: {  	v11 =	vor.u32 $0x7, v2;
	v12 =	vor.u32 $0x8, v2;
	v13 =	vor.u32 $0x9, v2;
	s0 =	sadd.s32 s0, s24;
	s25 =	sadd.s32 s3, s24;
	[dreg:$0x8] =	wrdreg s10  }
0x12: {  	v14 =	vor.u32 $0xA, v2;
	v15 =	vor.u32 $0xB, v2;
	v16 =	vor.u32 $0xC, v2;
	s30 =	smax.u32 s8, $0x1;
	s26 =	simm.s32 $0x10A00;
	[dreg:$0x9] =	wrdreg s12  }
0x13: {  	v17 =	vor.u32 $0xD, v2;
	v18 =	vor.u32 $0xE, v2;
	v19 =	vor.u32 $0xF, v2;
	s20 =	simm.s32 $0xC800;
	s21 =	simm.s32 $0xD000;
	[dreg:$0xb] =	wrdreg s0  }
0x14: {  	v20 =	vor.u32 $0x10, v2;
	v21 =	vor.u32 $0x11, v2;
	v22 =	vor.u32 $0x12, v2;
	s24 =	simm.s32 $0xE800;
	s8 =	simm.s32 $0xF800;
	[dreg:$0xc] =	wrdreg s25  }
0x15: {  	v23 =	vor.u32 $0x13, v2;
	v24 =	vor.u32 $0x14, v2;
	v25 =	vor.u32 $0x15, v2;
	s10 =	sadd.s32 s3, s23;
	[dreg:$0xe] =	wrdreg s30;
	s25 =	simm.s32 $0x10800  }
0x16: {  	v26 =	vor.u32 $0x16, v2;
	v27 =	vor.u32 $0x17, v2;
	v28 =	vor.u32 $0x18, v2;
	s0 =	simm.s32 $0xB800;
	s3 =	simm.s32 $0xC000;
	s22 =	simm.s32 $0xD800  }
0x17: {  	v29 =	vor.u32 $0x19, v2;
	v30 =	vor.u32 $0x1A, v2;
	v31 =	vor.u32 $0x1B, v2;
	s23 =	simm.s32 $0xE000;
	[dreg:$0xa] =	wrdreg s10;
	s10 =	simm.s32 $0x0  }
.LBB2_1:
0x18: {  	s11 =	rddreg [dreg:$0x5]  }
0x19: {  	[tilespmem:s2], [sflag:$0x2] =	stream.linear.gather [hbm4b:s11+s2], $0x80, $0x38;
	[tilespmem:$0x10E00] =	vst v63  }
0x1a: {  	_ =	swait.ge [sflag:s17], $0x80  }
0x1b: {  	[sflag:s17] =	ssyncset.done $0x0  }
0x1c: {  	s16 =	rddreg [dreg:$0x6];
	[sflag:s17] =	ssyncadd.s32 $0xFFFFFF80  }
0x1d: {  	[tilespmem:s18], [sflag:$0x2] =	stream.linear.gather [hbm4b:s16+s2], $0x80, $0x38;
	[tilespmem:$0x10E00] =	vst v63  }
0x1e: {  	_ =	swait.ge [sflag:s17], $0x80  }
0x1f: {  	[sflag:s17] =	ssyncset.done $0x0  }
0x20: {  	s12 =	rddreg [dreg:$0x7];
	[sflag:s17] =	ssyncadd.s32 $0xFFFFFF80  }
0x21: {  	[tilespmem:s19], [sflag:$0x2] =	stream.linear.gather [hbm4b:s12+s2], $0x80, $0x38;
	[tilespmem:$0x10E00] =	vst v63  }
0x22: {  	_ =	swait.ge [sflag:s17], $0x80  }
0x23: {  	[sflag:s17] =	ssyncset.done $0x0  }
0x24: {  	s12 =	simm.s32 $0x280;
	s14 =	rddreg [dreg:$0x8];
	[sflag:s17] =	ssyncadd.s32 $0xFFFFFF80  }
0x25: {  	[tilespmem:s12], [sflag:$0x2] =	stream.linear.gather [hbm4b:s14+s2], $0x80, $0x38;
	[tilespmem:$0x10E00] =	vst v63  }
0x26: {  	_ =	swait.ge [sflag:s17], $0x80  }
0x27: {  	[sflag:s17] =	ssyncset.done $0x0  }
0x28: {  	s14 =	simm.s32 $0x100;
	s15 =	rddreg [dreg:$0x9];
	[sflag:s17] =	ssyncadd.s32 $0xFFFFFF80  }
0x29: {  	[tilespmem:s14], [sflag:$0x2] =	stream.linear.gather [hbm4b:s15+s2], $0x80, $0x38;
	[tilespmem:$0x10E00] =	vst v63  }
0x2a: {  	_ =	swait.ge [sflag:s17], $0x80  }
0x2b: {  	[sflag:s17] =	ssyncset.done $0x0  }
0x2c: {  	s15 =	simm.s32 $0x300;
	s16 =	rddreg [dreg:$0xa];
	[sflag:s17] =	ssyncadd.s32 $0xFFFFFF80  }
0x2d: {  	[tilespmem:s15], [sflag:$0x2] =	stream.linear.gather [hbm4b:s16+s2], $0x80, $0x38;
	[tilespmem:$0x10E00] =	vst v63  }
0x2e: {  	_ =	swait.ge [sflag:s17], $0x80  }
0x2f: {  	[sflag:s17] =	ssyncset.done $0x0  }
0x30: {  	s16 =	simm.s32 $0x180;
	s11 =	rddreg [dreg:$0xb];
	[sflag:s17] =	ssyncadd.s32 $0xFFFFFF80  }
0x31: {  	[tilespmem:s16], [sflag:$0x2] =	stream.linear.gather [hbm4b:s11+s2], $0x80, $0x38;
	[tilespmem:$0x10E00] =	vst v63  }
0x32: {  	_ =	swait.ge [sflag:s17], $0x80  }
0x33: {  	[sflag:s17] =	ssyncset.done $0x0  }
0x34: {  	s30 =	simm.s32 $0x380;
	s11 =	rddreg [dreg:$0xc];
	[sflag:s17] =	ssyncadd.s32 $0xFFFFFF80  }
0x35: {  	[tilespmem:s30], [sflag:$0x2] =	stream.linear.gather [hbm4b:s11+s2], $0x80, $0x38;
	[tilespmem:$0x10E00] =	vst v63  }
0x36: {  	_ =	swait.ge [sflag:s17], $0x80  }
0x37: {  	[sflag:s17] =	ssyncset.done $0x0  }
0x38: {  	[sflag:s17] =	ssyncadd.s32 $0xFFFFFF80  }
0x39: {  	v32 =	vld [tilespmem:$0x0]  }
0x3a: {  	v33 =	vld [tilespmem:$0x200]  }
0x3b: {  	v34 =	vld [tilespmem:$0x10]  }
0x3c: {  	v35 =	vld [tilespmem:$0x210]  }
0x3d: {  	v36 =	vld [tilespmem:$0x20]  }
0x3e: {  	v37 =	vld [tilespmem:$0x220];
	v32 =	vshra.s32 v32, $0x3  }
0x3f: {  	v49 =	vld [tilespmem:$0x30];
	v48 =	vshra.s32 v33, $0x3;
	[tilespmem:$0x400] =	vst v32  }
0x40: {  	v51 =	vld [tilespmem:$0x230];
	v50 =	vshra.s32 v34, $0x3;
	[tilespmem:$0x600] =	vst v48  }
0x41: {  	v53 =	vld [tilespmem:$0x40];
	v52 =	vshra.s32 v35, $0x3;
	[tilespmem:$0x410] =	vst v50  }
0x42: {  	v55 =	vld [tilespmem:$0x240];
	v54 =	vshra.s32 v36, $0x3;
	[tilespmem:$0x610] =	vst v52  }
0x43: {  	v57 =	vld [tilespmem:$0x50];
	v56 =	vshra.s32 v37, $0x3;
	[tilespmem:$0x420] =	vst v54  }
0x44: {  	v59 =	vld [tilespmem:$0x250];
	v58 =	vshra.s32 v49, $0x3;
	[tilespmem:$0x620] =	vst v56  }
0x45: {  	v61 =	vld [tilespmem:$0x60];
	v60 =	vshra.s32 v51, $0x3;
	[tilespmem:$0x430] =	vst v58  }
0x46: {  	v63 =	vld [tilespmem:$0x260];
	v62 =	vshra.s32 v53, $0x3;
	[tilespmem:$0x630] =	vst v60  }
0x47: {  	v41 =	vld [tilespmem:$0x70];
	v40 =	vshra.s32 v55, $0x3;
	[tilespmem:$0x440] =	vst v62  }
0x48: {  	v43 =	vld [tilespmem:$0x270];
	v42 =	vshra.s32 v57, $0x3;
	[tilespmem:$0x640] =	vst v40  }
0x49: {  	v45 =	vld [tilespmem:$0x80];
	v44 =	vshra.s32 v59, $0x3;
	[tilespmem:$0x450] =	vst v42  }
0x4a: {  	v47 =	vld [tilespmem:$0x280];
	v46 =	vshra.s32 v61, $0x3;
	[tilespmem:$0x650] =	vst v44  }
0x4b: {  	v49 =	vld [tilespmem:$0x90];
	[tilespmem:$0x460] =	vst v46;
	v48 =	vshra.s32 v63, $0x3  }
0x4c: {  	v51 =	vld [tilespmem:$0x290];
	v50 =	vshra.s32 v41, $0x3;
	[tilespmem:$0x660] =	vst v48  }
0x4d: {  	v53 =	vld [tilespmem:$0xA0];
	v52 =	vshra.s32 v43, $0x3;
	[tilespmem:$0x470] =	vst v50  }
0x4e: {  	v55 =	vld [tilespmem:$0x2A0];
	v54 =	vshra.s32 v45, $0x3;
	[tilespmem:$0x670] =	vst v52  }
0x4f: {  	v57 =	vld [tilespmem:$0xB0];
	v56 =	vshra.s32 v47, $0x3;
	[tilespmem:$0x480] =	vst v54  }
0x50: {  	v59 =	vld [tilespmem:$0x2B0];
	[tilespmem:$0x680] =	vst v56;
	v58 =	vshra.s32 v49, $0x3  }
0x51: {  	v61 =	vld [tilespmem:$0xC0];
	v60 =	vshra.s32 v51, $0x3;
	[tilespmem:$0x490] =	vst v58  }
0x52: {  	v63 =	vld [tilespmem:$0x2C0];
	v62 =	vshra.s32 v53, $0x3;
	[tilespmem:$0x690] =	vst v60  }
0x53: {  	v41 =	vld [tilespmem:$0xD0];
	v40 =	vshra.s32 v55, $0x3;
	[tilespmem:$0x4A0] =	vst v62  }
0x54: {  	v43 =	vld [tilespmem:$0x2D0];
	v42 =	vshra.s32 v57, $0x3;
	[tilespmem:$0x6A0] =	vst v40  }
0x55: {  	v45 =	vld [tilespmem:$0xE0];
	v44 =	vshra.s32 v59, $0x3;
	[tilespmem:$0x4B0] =	vst v42  }
0x56: {  	v47 =	vld [tilespmem:$0x2E0];
	v46 =	vshra.s32 v61, $0x3;
	[tilespmem:$0x6B0] =	vst v44  }
0x57: {  	v49 =	vld [tilespmem:$0xF0];
	[tilespmem:$0x4C0] =	vst v46;
	v48 =	vshra.s32 v63, $0x3  }
0x58: {  	v51 =	vld [tilespmem:$0x2F0];
	v50 =	vshra.s32 v41, $0x3;
	[tilespmem:$0x6C0] =	vst v48  }
0x59: {  	v53 =	vld [tilespmem:$0x100];
	v52 =	vshra.s32 v43, $0x3;
	[tilespmem:$0x4D0] =	vst v50  }
0x5a: {  	v55 =	vld [tilespmem:$0x300];
	v54 =	vshra.s32 v45, $0x3;
	[tilespmem:$0x6D0] =	vst v52  }
0x5b: {  	v57 =	vld [tilespmem:$0x110];
	v56 =	vshra.s32 v47, $0x3;
	[tilespmem:$0x4E0] =	vst v54  }
0x5c: {  	v59 =	vld [tilespmem:$0x310];
	[tilespmem:$0x6E0] =	vst v56;
	v58 =	vshra.s32 v49, $0x3  }
0x5d: {  	v61 =	vld [tilespmem:$0x120];
	v60 =	vshra.s32 v51, $0x3;
	[tilespmem:$0x4F0] =	vst v58  }
0x5e: {  	v63 =	vld [tilespmem:$0x320];
	v62 =	vshra.s32 v53, $0x3;
	[tilespmem:$0x6F0] =	vst v60  }
0x5f: {  	v40 =	vld [tilespmem:$0x130];
	v39 =	vshra.s32 v55, $0x3;
	[tilespmem:$0x500] =	vst v62  }
0x60: {  	v42 =	vld [tilespmem:$0x330];
	v41 =	vshra.s32 v57, $0x3;
	[tilespmem:$0x700] =	vst v39  }
0x61: {  	v44 =	vld [tilespmem:$0x140];
	v43 =	vshra.s32 v59, $0x3;
	[tilespmem:$0x510] =	vst v41  }
0x62: {  	v46 =	vld [tilespmem:$0x340];
	v45 =	vshra.s32 v61, $0x3;
	[tilespmem:$0x710] =	vst v43  }
0x63: {  	v48 =	vld [tilespmem:$0x150];
	[tilespmem:$0x520] =	vst v45;
	v47 =	vshra.s32 v63, $0x3  }
0x64: {  	v50 =	vld [tilespmem:$0x350];
	v49 =	vshra.s32 v40, $0x3;
	[tilespmem:$0x720] =	vst v47  }
0x65: {  	v52 =	vld [tilespmem:$0x160];
	v51 =	vshra.s32 v42, $0x3;
	[tilespmem:$0x530] =	vst v49  }
0x66: {  	v54 =	vld [tilespmem:$0x360];
	v53 =	vshra.s32 v44, $0x3;
	[tilespmem:$0x730] =	vst v51  }
0x67: {  	v56 =	vld [tilespmem:$0x170];
	v55 =	vshra.s32 v46, $0x3;
	[tilespmem:$0x540] =	vst v53  }
0x68: {  	v58 =	vld [tilespmem:$0x370];
	[tilespmem:$0x740] =	vst v55;
	v57 =	vshra.s32 v48, $0x3  }
0x69: {  	v60 =	vld [tilespmem:$0x180];
	v59 =	vshra.s32 v50, $0x3;
	[tilespmem:$0x550] =	vst v57  }
0x6a: {  	v62 =	vld [tilespmem:$0x380];
	v61 =	vshra.s32 v52, $0x3;
	[tilespmem:$0x750] =	vst v59  }
0x6b: {  	v40 =	vld [tilespmem:$0x190];
	v63 =	vshra.s32 v54, $0x3;
	[tilespmem:$0x560] =	vst v61  }
0x6c: {  	v42 =	vld [tilespmem:$0x390];
	v41 =	vshra.s32 v56, $0x3;
	[tilespmem:$0x760] =	vst v63  }
0x6d: {  	v44 =	vld [tilespmem:$0x1A0];
	[tilespmem:$0x570] =	vst v41;
	v43 =	vshra.s32 v58, $0x3  }
0x6e: {  	v46 =	vld [tilespmem:$0x3A0];
	v45 =	vshra.s32 v60, $0x3;
	[tilespmem:$0x770] =	vst v43  }
0x6f: {  	v38 =	vld [tilespmem:$0x1F0];
	v47 =	vshra.s32 v62, $0x3;
	[tilespmem:$0x580] =	vst v45  }
0x70: {  	v48 =	vld [tilespmem:$0x1B0];
	v49 =	vshra.s32 v40, $0x3;
	[tilespmem:$0x780] =	vst v47  }
0x71: {  	v50 =	vld [tilespmem:$0x3B0];
	v51 =	vshra.s32 v42, $0x3;
	[tilespmem:$0x590] =	vst v49  }
0x72: {  	v52 =	vld [tilespmem:$0x1C0];
	v53 =	vshra.s32 v44, $0x3;
	[tilespmem:$0x790] =	vst v51  }
0x73: {  	v54 =	vld [tilespmem:$0x3C0];
	v55 =	vshra.s32 v46, $0x3;
	[tilespmem:$0x5A0] =	vst v53  }
0x74: {  	v56 =	vld [tilespmem:$0x1D0];
	v44 =	vshra.s32 v38, $0x3;
	[tilespmem:$0x7A0] =	vst v55  }
0x75: {  	v58 =	vld [tilespmem:$0x3D0];
	v57 =	vshra.s32 v48, $0x3;
	[tilespmem:$0x5F0] =	vst v44  }
0x76: {  	v60 =	vld [tilespmem:$0x1E0];
	v59 =	vshra.s32 v50, $0x3;
	[tilespmem:$0x5B0] =	vst v57  }
0x77: {  	v62 =	vld [tilespmem:$0x3E0];
	v61 =	vshra.s32 v52, $0x3;
	[tilespmem:$0x7B0] =	vst v59  }
0x78: {  	v40 =	vld [tilespmem:$0x3F0];
	v63 =	vshra.s32 v54, $0x3;
	[tilespmem:$0x5C0] =	vst v61  }
0x79: {  	v39 =	vshra.s32 v56, $0x3;
	[tilespmem:$0x7C0] =	vst v63  }
0x7a: {  	[tilespmem:$0x5D0] =	vst v39;
	v41 =	vshra.s32 v58, $0x3  }
0x7b: {  	v42 =	vshra.s32 v60, $0x3;
	[tilespmem:$0x7D0] =	vst v41  }
0x7c: {  	v43 =	vshra.s32 v62, $0x3;
	[tilespmem:$0x5E0] =	vst v42  }
0x7d: {  	v45 =	vshra.s32 v40, $0x3;
	[tilespmem:$0x7E0] =	vst v43  }
0x7e: {  	[tilespmem:$0x7F0] =	vst v45  }
0x7f: {  	[tilespmem:s25], [sflag:$0x1] =	stream.indirect.gather [hbm4b:s1+s19], $0x1, s2, s19, $0xb8;
	[tilespmem:$0x10E00] =	vst v63  }
0x80: {  	_ = 	snop  }
0x81: {  	[tilespmem:s26], [sflag:$0x1] =	stream.indirect.gather [hbm4b:s6+s19], $0x1, s18, s19, $0xb8;
	[tilespmem:$0x10E00] =	vst v63  }
0x82: {  	s11 =	simm.s32 $0x10880  }
0x83: {  	[tilespmem:s11], [sflag:$0x1] =	stream.indirect.gather [hbm4b:s1+s19], $0x1, s19, s19, $0xb8;
	[tilespmem:$0x10E00] =	vst v63  }
0x84: {  	s11 =	simm.s32 $0x10A80  }
0x85: {  	[tilespmem:s11], [sflag:$0x1] =	stream.indirect.gather [hbm4b:s6+s19], $0x1, s12, s19, $0xb8;
	[tilespmem:$0x10E00] =	vst v63  }
0x86: {  	s12 =	simm.s32 $0x10900  }
0x87: {  	[tilespmem:s12], [sflag:$0x1] =	stream.indirect.gather [hbm4b:s1+s19], $0x1, s14, s19, $0xb8;
	[tilespmem:$0x10E00] =	vst v63  }
0x88: {  	s14 =	simm.s32 $0x10B00  }
0x89: {  	[tilespmem:s14], [sflag:$0x1] =	stream.indirect.gather [hbm4b:s6+s19], $0x1, s15, s19, $0xb8;
	[tilespmem:$0x10E00] =	vst v63  }
0x8a: {  	s15 =	simm.s32 $0x10980  }
0x8b: {  	[tilespmem:s15], [sflag:$0x1] =	stream.indirect.gather [hbm4b:s1+s19], $0x1, s16, s19, $0xb8;
	[tilespmem:$0x10E00] =	vst v63  }
0x8c: {  	s12 =	simm.s32 $0x10B80  }
0x8d: {  	[tilespmem:s12], [sflag:$0x1] =	stream.indirect.gather [hbm4b:s6+s19], $0x1, s30, s19, $0xb8;
	[tilespmem:$0x10E00] =	vst v63  }
0x8e: {  	_ =	swait.ge [sflag:s28], $0x80  }
0x8f: {  	[sflag:s28] =	ssyncset.done $0x0  }
0x90: {  	[sflag:s28] =	ssyncadd.s32 $0xFFFFFF80  }
0x91: {  	_ =	swait.ge [sflag:s28], $0x80  }
0x92: {  	[sflag:s28] =	ssyncset.done $0x0  }
0x93: {  	[sflag:s28] =	ssyncadd.s32 $0xFFFFFF80  }
0x94: {  	_ =	swait.ge [sflag:s28], $0x80  }
0x95: {  	[sflag:s28] =	ssyncset.done $0x0  }
0x96: {  	[sflag:s28] =	ssyncadd.s32 $0xFFFFFF80  }
0x97: {  	_ =	swait.ge [sflag:s28], $0x80  }
0x98: {  	[sflag:s28] =	ssyncset.done $0x0  }
0x99: {  	[sflag:s28] =	ssyncadd.s32 $0xFFFFFF80  }
0x9a: {  	_ =	swait.ge [sflag:s28], $0x80  }
0x9b: {  	[sflag:s28] =	ssyncset.done $0x0  }
0x9c: {  	[sflag:s28] =	ssyncadd.s32 $0xFFFFFF80  }
0x9d: {  	_ =	swait.ge [sflag:s28], $0x80  }
0x9e: {  	[sflag:s28] =	ssyncset.done $0x0  }
0x9f: {  	[sflag:s28] =	ssyncadd.s32 $0xFFFFFF80  }
0xa0: {  	_ =	swait.ge [sflag:s28], $0x80  }
0xa1: {  	[sflag:s28] =	ssyncset.done $0x0  }
0xa2: {  	[sflag:s28] =	ssyncadd.s32 $0xFFFFFF80  }
0xa3: {  	_ =	swait.ge [sflag:s28], $0x80  }
0xa4: {  	[sflag:s28] =	ssyncset.done $0x0  }
0xa5: {  	[sflag:s28] =	ssyncadd.s32 $0xFFFFFF80  }
0xa6: {  	v46 =	vld [tilespmem:$0x400];
	_ =	sdelay $0x4  }
0xa7: {  	v47 =	vshll.u32 v46, $0x1  }
0xa8: {  	v32 =	vand.u32 $0x7, v46;
	v33 =	vand.u32 $0xFFFFFFF0, v47  }
0xa9: {  	v32 =	vor.u32 v32, v33  }
0xaa: {  	v33 =	vperm.xlane v32, v1;
	_ =	sdelay $0x1  }
0xab: {  	v32 =	vperm.xlane v32, v4;
	v33 =	vadd.s32 v3, v33;
	_ =	sdelay $0x1  }
0xac: {  	v32 =	vadd.s32 v3, v32;
	_ =	sdelay $0x2  }
0xad: {  	[tilespmem:s29], [sflag:$0x1] =	stream.indirect_vreg.gather [hbm4b:s4+s2], $0x80, v33, vm0, $0xb8;
	[tilespmem:$0x10E00] =	vst v63  }
0xae: {  	s15 =	simm.s32 $0x1000  }
0xaf: {  	[tilespmem:s15], [sflag:$0x1] =	stream.indirect_vreg.gather [hbm4b:s4+s2], $0x80, v32, vm0, $0xb8;
	[tilespmem:$0x10E00] =	vst v63  }
0xb0: {  	v32 =	vld [tilespmem:$0x410];
	_ =	sdelay $0x4  }
0xb1: {  	v48 =	vshll.u32 v32, $0x1  }
0xb2: {  	v32 =	vand.u32 $0x7, v32;
	v33 =	vand.u32 $0xFFFFFFF0, v48  }
0xb3: {  	v32 =	vor.u32 v32, v33  }
0xb4: {  	v33 =	vperm.xlane v32, v1;
	_ =	sdelay $0x1  }
0xb5: {  	v32 =	vperm.xlane v32, v4;
	v33 =	vadd.s32 v3, v33;
	_ =	sdelay $0x1  }
0xb6: {  	v32 =	vadd.s32 v3, v32;
	_ =	sdelay $0x1  }
0xb7: {  	s16 =	simm.s32 $0x1800  }
0xb8: {  	[tilespmem:s16], [sflag:$0x1] =	stream.indirect_vreg.gather [hbm4b:s4+s2], $0x80, v33, vm0, $0xb8;
	[tilespmem:$0x10E00] =	vst v63  }
0xb9: {  	s30 =	simm.s32 $0x2000  }
0xba: {  	[tilespmem:s30], [sflag:$0x1] =	stream.indirect_vreg.gather [hbm4b:s4+s2], $0x80, v32, vm0, $0xb8;
	[tilespmem:$0x10E00] =	vst v63  }
0xbb: {  	v32 =	vld [tilespmem:$0x420];
	_ =	sdelay $0x4  }
0xbc: {  	v49 =	vshll.u32 v32, $0x1  }
0xbd: {  	v32 =	vand.u32 $0x7, v32;
	v33 =	vand.u32 $0xFFFFFFF0, v49  }
0xbe: {  	v32 =	vor.u32 v32, v33  }
0xbf: {  	v33 =	vperm.xlane v32, v1;
	_ =	sdelay $0x1  }
0xc0: {  	v32 =	vperm.xlane v32, v4;
	v33 =	vadd.s32 v3, v33;
	_ =	sdelay $0x1  }
0xc1: {  	v32 =	vadd.s32 v3, v32;
	_ =	sdelay $0x1  }
0xc2: {  	s14 =	simm.s32 $0x2800  }
0xc3: {  	[tilespmem:s14], [sflag:$0x1] =	stream.indirect_vreg.gather [hbm4b:s4+s2], $0x80, v33, vm0, $0xb8;
	[tilespmem:$0x10E00] =	vst v63  }
0xc4: {  	s12 =	simm.s32 $0x3000  }
0xc5: {  	[tilespmem:s12], [sflag:$0x1] =	stream.indirect_vreg.gather [hbm4b:s4+s2], $0x80, v32, vm0, $0xb8;
	[tilespmem:$0x10E00] =	vst v63  }
0xc6: {  	v32 =	vld [tilespmem:$0x430];
	_ =	sdelay $0x4  }
0xc7: {  	v50 =	vshll.u32 v32, $0x1  }
0xc8: {  	v32 =	vand.u32 $0x7, v32;
	v33 =	vand.u32 $0xFFFFFFF0, v50  }
0xc9: {  	v32 =	vor.u32 v32, v33  }
0xca: {  	v33 =	vperm.xlane v32, v1;
	_ =	sdelay $0x1  }
0xcb: {  	v32 =	vperm.xlane v32, v4;
	v33 =	vadd.s32 v3, v33;
	_ =	sdelay $0x1  }
0xcc: {  	v32 =	vadd.s32 v3, v32;
	_ =	sdelay $0x1  }
0xcd: {  	s14 =	simm.s32 $0x3800  }
0xce: {  	[tilespmem:s14], [sflag:$0x1] =	stream.indirect_vreg.gather [hbm4b:s4+s2], $0x80, v33, vm0, $0xb8;
	[tilespmem:$0x10E00] =	vst v63  }
0xcf: {  	s12 =	simm.s32 $0x4000  }
0xd0: {  	[tilespmem:s12], [sflag:$0x1] =	stream.indirect_vreg.gather [hbm4b:s4+s2], $0x80, v32, vm0, $0xb8;
	[tilespmem:$0x10E00] =	vst v63  }
0xd1: {  	v32 =	vld [tilespmem:$0x440];
	_ =	sdelay $0x4  }
0xd2: {  	v51 =	vshll.u32 v32, $0x1  }
0xd3: {  	v32 =	vand.u32 $0x7, v32;
	v33 =	vand.u32 $0xFFFFFFF0, v51  }
0xd4: {  	v32 =	vor.u32 v32, v33  }
0xd5: {  	v33 =	vperm.xlane v32, v1;
	_ =	sdelay $0x1  }
0xd6: {  	v32 =	vperm.xlane v32, v4;
	v33 =	vadd.s32 v3, v33;
	_ =	sdelay $0x1  }
0xd7: {  	v32 =	vadd.s32 v3, v32;
	_ =	sdelay $0x1  }
0xd8: {  	s14 =	simm.s32 $0x4800  }
0xd9: {  	[tilespmem:s14], [sflag:$0x1] =	stream.indirect_vreg.gather [hbm4b:s4+s2], $0x80, v33, vm0, $0xb8;
	[tilespmem:$0x10E00] =	vst v63  }
0xda: {  	s12 =	simm.s32 $0x5000  }
0xdb: {  	[tilespmem:s12], [sflag:$0x1] =	stream.indirect_vreg.gather [hbm4b:s4+s2], $0x80, v32, vm0, $0xb8;
	[tilespmem:$0x10E00] =	vst v63  }
0xdc: {  	v32 =	vld [tilespmem:$0x450];
	_ =	sdelay $0x4  }
0xdd: {  	v52 =	vshll.u32 v32, $0x1  }
0xde: {  	v32 =	vand.u32 $0x7, v32;
	v33 =	vand.u32 $0xFFFFFFF0, v52  }
0xdf: {  	v32 =	vor.u32 v32, v33  }
0xe0: {  	v33 =	vperm.xlane v32, v1;
	_ =	sdelay $0x1  }
0xe1: {  	v32 =	vperm.xlane v32, v4;
	v33 =	vadd.s32 v3, v33;
	_ =	sdelay $0x1  }
0xe2: {  	v32 =	vadd.s32 v3, v32;
	_ =	sdelay $0x1  }
0xe3: {  	s14 =	simm.s32 $0x5800  }
0xe4: {  	[tilespmem:s14], [sflag:$0x1] =	stream.indirect_vreg.gather [hbm4b:s4+s2], $0x80, v33, vm0, $0xb8;
	[tilespmem:$0x10E00] =	vst v63  }
0xe5: {  	s12 =	simm.s32 $0x6000  }
0xe6: {  	[tilespmem:s12], [sflag:$0x1] =	stream.indirect_vreg.gather [hbm4b:s4+s2], $0x80, v32, vm0, $0xb8;
	[tilespmem:$0x10E00] =	vst v63  }
0xe7: {  	v32 =	vld [tilespmem:$0x460];
	_ =	sdelay $0x4  }
0xe8: {  	v53 =	vshll.u32 v32, $0x1  }
0xe9: {  	v32 =	vand.u32 $0x7, v32;
	v33 =	vand.u32 $0xFFFFFFF0, v53  }
0xea: {  	v32 =	vor.u32 v32, v33  }
0xeb: {  	v33 =	vperm.xlane v32, v1;
	_ =	sdelay $0x1  }
0xec: {  	v32 =	vperm.xlane v32, v4;
	v33 =	vadd.s32 v3, v33;
	_ =	sdelay $0x1  }
0xed: {  	v32 =	vadd.s32 v3, v32;
	_ =	sdelay $0x1  }
0xee: {  	s14 =	simm.s32 $0x6800  }
0xef: {  	[tilespmem:s14], [sflag:$0x1] =	stream.indirect_vreg.gather [hbm4b:s4+s2], $0x80, v33, vm0, $0xb8;
	[tilespmem:$0x10E00] =	vst v63  }
0xf0: {  	s12 =	simm.s32 $0x7000  }
0xf1: {  	[tilespmem:s12], [sflag:$0x1] =	stream.indirect_vreg.gather [hbm4b:s4+s2], $0x80, v32, vm0, $0xb8;
	[tilespmem:$0x10E00] =	vst v63  }
0xf2: {  	v32 =	vld [tilespmem:$0x470];
	_ =	sdelay $0x4  }
0xf3: {  	v54 =	vshll.u32 v32, $0x1  }
0xf4: {  	v32 =	vand.u32 $0x7, v32;
	v33 =	vand.u32 $0xFFFFFFF0, v54  }
0xf5: {  	v32 =	vor.u32 v32, v33  }
0xf6: {  	v33 =	vperm.xlane v32, v1;
	_ =	sdelay $0x1  }
0xf7: {  	v32 =	vperm.xlane v32, v4;
	v33 =	vadd.s32 v3, v33;
	_ =	sdelay $0x1  }
0xf8: {  	v32 =	vadd.s32 v3, v32;
	_ =	sdelay $0x1  }
0xf9: {  	s14 =	simm.s32 $0x7800  }
0xfa: {  	[tilespmem:s14], [sflag:$0x1] =	stream.indirect_vreg.gather [hbm4b:s4+s2], $0x80, v33, vm0, $0xb8;
	[tilespmem:$0x10E00] =	vst v63  }
0xfb: {  	s12 =	simm.s32 $0x8000  }
0xfc: {  	[tilespmem:s12], [sflag:$0x1] =	stream.indirect_vreg.gather [hbm4b:s4+s2], $0x80, v32, vm0, $0xb8;
	[tilespmem:$0x10E00] =	vst v63  }
0xfd: {  	v32 =	vld [tilespmem:$0x600];
	_ =	sdelay $0x4  }
0xfe: {  	v55 =	vshll.u32 v32, $0x1  }
0xff: {  	v32 =	vand.u32 $0x7, v32;
	v33 =	vand.u32 $0xFFFFFFF0, v55  }
0x100: {  	v32 =	vor.u32 v32, v33  }
0x101: {  	v33 =	vperm.xlane v32, v1;
	_ =	sdelay $0x1  }
0x102: {  	v32 =	vperm.xlane v32, v4;
	v33 =	vadd.s32 v3, v33;
	_ =	sdelay $0x1  }
0x103: {  	v32 =	vadd.s32 v3, v32;
	_ =	sdelay $0x2  }
0x104: {  	[tilespmem:s13], [sflag:$0x1] =	stream.indirect_vreg.gather [hbm4b:s5+s2], $0x80, v33, vm0, $0xb8;
	[tilespmem:$0x10E00] =	vst v63  }
0x105: {  	s14 =	simm.s32 $0x9000  }
0x106: {  	[tilespmem:s14], [sflag:$0x1] =	stream.indirect_vreg.gather [hbm4b:s5+s2], $0x80, v32, vm0, $0xb8;
	[tilespmem:$0x10E00] =	vst v63  }
0x107: {  	v32 =	vld [tilespmem:$0x610];
	_ =	sdelay $0x4  }
0x108: {  	v56 =	vshll.u32 v32, $0x1  }
0x109: {  	v32 =	vand.u32 $0x7, v32;
	v33 =	vand.u32 $0xFFFFFFF0, v56  }
0x10a: {  	v32 =	vor.u32 v32, v33  }
0x10b: {  	v33 =	vperm.xlane v32, v1;
	_ =	sdelay $0x1  }
0x10c: {  	v32 =	vperm.xlane v32, v4;
	v33 =	vadd.s32 v3, v33;
	_ =	sdelay $0x1  }
0x10d: {  	v32 =	vadd.s32 v3, v32;
	_ =	sdelay $0x1  }
0x10e: {  	s12 =	simm.s32 $0x9800  }
0x10f: {  	[tilespmem:s12], [sflag:$0x1] =	stream.indirect_vreg.gather [hbm4b:s5+s2], $0x80, v33, vm0, $0xb8;
	[tilespmem:$0x10E00] =	vst v63  }
0x110: {  	s14 =	simm.s32 $0xA000  }
0x111: {  	[tilespmem:s14], [sflag:$0x1] =	stream.indirect_vreg.gather [hbm4b:s5+s2], $0x80, v32, vm0, $0xb8;
	[tilespmem:$0x10E00] =	vst v63  }
0x112: {  	v32 =	vld [tilespmem:$0x620];
	_ =	sdelay $0x4  }
0x113: {  	v57 =	vshll.u32 v32, $0x1  }
0x114: {  	v32 =	vand.u32 $0x7, v32;
	v33 =	vand.u32 $0xFFFFFFF0, v57  }
0x115: {  	v32 =	vor.u32 v32, v33  }
0x116: {  	v33 =	vperm.xlane v32, v1;
	_ =	sdelay $0x1  }
0x117: {  	v32 =	vperm.xlane v32, v4;
	v33 =	vadd.s32 v3, v33;
	_ =	sdelay $0x1  }
0x118: {  	v32 =	vadd.s32 v3, v32;
	_ =	sdelay $0x1  }
0x119: {  	s12 =	simm.s32 $0xA800  }
0x11a: {  	[tilespmem:s12], [sflag:$0x1] =	stream.indirect_vreg.gather [hbm4b:s5+s2], $0x80, v33, vm0, $0xb8;
	[tilespmem:$0x10E00] =	vst v63  }
0x11b: {  	s14 =	simm.s32 $0xB000  }
0x11c: {  	[tilespmem:s14], [sflag:$0x1] =	stream.indirect_vreg.gather [hbm4b:s5+s2], $0x80, v32, vm0, $0xb8;
	[tilespmem:$0x10E00] =	vst v63  }
0x11d: {  	v32 =	vld [tilespmem:$0x630];
	_ =	sdelay $0x4  }
0x11e: {  	v58 =	vshll.u32 v32, $0x1  }
0x11f: {  	v32 =	vand.u32 $0x7, v32;
	v33 =	vand.u32 $0xFFFFFFF0, v58  }
0x120: {  	v32 =	vor.u32 v32, v33  }
0x121: {  	v33 =	vperm.xlane v32, v1;
	_ =	sdelay $0x1  }
0x122: {  	v32 =	vperm.xlane v32, v4;
	v33 =	vadd.s32 v3, v33;
	_ =	sdelay $0x1  }
0x123: {  	v32 =	vadd.s32 v3, v32;
	_ =	sdelay $0x2  }
0x124: {  	[tilespmem:s0], [sflag:$0x1] =	stream.indirect_vreg.gather [hbm4b:s5+s2], $0x80, v33, vm0, $0xb8;
	[tilespmem:$0x10E00] =	vst v63  }
0x125: {  	_ = 	snop  }
0x126: {  	[tilespmem:s3], [sflag:$0x1] =	stream.indirect_vreg.gather [hbm4b:s5+s2], $0x80, v32, vm0, $0xb8;
	[tilespmem:$0x10E00] =	vst v63  }
0x127: {  	v32 =	vld [tilespmem:$0x640];
	_ =	sdelay $0x4  }
0x128: {  	v59 =	vshll.u32 v32, $0x1  }
0x129: {  	v32 =	vand.u32 $0x7, v32;
	v33 =	vand.u32 $0xFFFFFFF0, v59  }
0x12a: {  	v32 =	vor.u32 v32, v33  }
0x12b: {  	v33 =	vperm.xlane v32, v1;
	_ =	sdelay $0x1  }
0x12c: {  	v32 =	vperm.xlane v32, v4;
	v33 =	vadd.s32 v3, v33;
	_ =	sdelay $0x1  }
0x12d: {  	v32 =	vadd.s32 v3, v32;
	_ =	sdelay $0x2  }
0x12e: {  	[tilespmem:s20], [sflag:$0x1] =	stream.indirect_vreg.gather [hbm4b:s5+s2], $0x80, v33, vm0, $0xb8;
	[tilespmem:$0x10E00] =	vst v63  }
0x12f: {  	_ = 	snop  }
0x130: {  	[tilespmem:s21], [sflag:$0x1] =	stream.indirect_vreg.gather [hbm4b:s5+s2], $0x80, v32, vm0, $0xb8;
	[tilespmem:$0x10E00] =	vst v63  }
0x131: {  	v32 =	vld [tilespmem:$0x650];
	_ =	sdelay $0x4  }
0x132: {  	v60 =	vshll.u32 v32, $0x1  }
0x133: {  	v32 =	vand.u32 $0x7, v32;
	v33 =	vand.u32 $0xFFFFFFF0, v60  }
0x134: {  	v32 =	vor.u32 v32, v33  }
0x135: {  	v33 =	vperm.xlane v32, v1;
	_ =	sdelay $0x1  }
0x136: {  	v32 =	vperm.xlane v32, v4;
	v33 =	vadd.s32 v3, v33;
	_ =	sdelay $0x1  }
0x137: {  	v32 =	vadd.s32 v3, v32;
	_ =	sdelay $0x2  }
0x138: {  	[tilespmem:s22], [sflag:$0x1] =	stream.indirect_vreg.gather [hbm4b:s5+s2], $0x80, v33, vm0, $0xb8;
	[tilespmem:$0x10E00] =	vst v63  }
0x139: {  	_ = 	snop  }
0x13a: {  	[tilespmem:s23], [sflag:$0x1] =	stream.indirect_vreg.gather [hbm4b:s5+s2], $0x80, v32, vm0, $0xb8;
	[tilespmem:$0x10E00] =	vst v63  }
0x13b: {  	v32 =	vld [tilespmem:$0x660];
	_ =	sdelay $0x4  }
0x13c: {  	v61 =	vshll.u32 v32, $0x1  }
0x13d: {  	v32 =	vand.u32 $0x7, v32;
	v33 =	vand.u32 $0xFFFFFFF0, v61  }
0x13e: {  	v32 =	vor.u32 v32, v33  }
0x13f: {  	v33 =	vperm.xlane v32, v1;
	_ =	sdelay $0x1  }
0x140: {  	v32 =	vperm.xlane v32, v4;
	v33 =	vadd.s32 v3, v33;
	_ =	sdelay $0x1  }
0x141: {  	v32 =	vadd.s32 v3, v32;
	_ =	sdelay $0x2  }
0x142: {  	[tilespmem:s24], [sflag:$0x1] =	stream.indirect_vreg.gather [hbm4b:s5+s2], $0x80, v33, vm0, $0xb8;
	[tilespmem:$0x10E00] =	vst v63  }
0x143: {  	_ = 	snop  }
0x144: {  	[tilespmem:s7], [sflag:$0x1] =	stream.indirect_vreg.gather [hbm4b:s5+s2], $0x80, v32, vm0, $0xb8;
	[tilespmem:$0x10E00] =	vst v63  }
0x145: {  	v32 =	vld [tilespmem:$0x670];
	_ =	sdelay $0x4  }
0x146: {  	v62 =	vshll.u32 v32, $0x1  }
0x147: {  	v32 =	vand.u32 $0x7, v32;
	v33 =	vand.u32 $0xFFFFFFF0, v62  }
0x148: {  	v32 =	vor.u32 v32, v33  }
0x149: {  	v33 =	vperm.xlane v32, v1;
	_ =	sdelay $0x1  }
0x14a: {  	v32 =	vperm.xlane v32, v4;
	v33 =	vadd.s32 v3, v33;
	_ =	sdelay $0x1  }
0x14b: {  	v32 =	vadd.s32 v3, v32;
	_ =	sdelay $0x2  }
0x14c: {  	[tilespmem:s8], [sflag:$0x1] =	stream.indirect_vreg.gather [hbm4b:s5+s2], $0x80, v33, vm0, $0xb8;
	[tilespmem:$0x10E00] =	vst v63  }
0x14d: {  	_ = 	snop  }
0x14e: {  	[tilespmem:s9], [sflag:$0x1] =	stream.indirect_vreg.gather [hbm4b:s5+s2], $0x80, v32, vm0, $0xb8;
	[tilespmem:$0x10E00] =	vst v63  }
0x14f: {  	_ =	swait.ge [sflag:s28], $0x8000  }
0x150: {  	v63 =	vor.u32 s2, v0;
	[sflag:s28] =	ssyncset.done $0x0  }
0x151: {  	[sflag:s28] =	ssyncadd.s32 $0xFFFF8000  }
0x152: {  	_ =	swait.ge [sflag:s28], $0x8000  }
0x153: {  	[sflag:s28] =	ssyncset.done $0x0  }
0x154: {  	[sflag:s28] =	ssyncadd.s32 $0xFFFF8000  }
0x155: {  	v41 =	vld.idx.msk [tilespmem:v63+s2+$0x0], $0xffff  }
0x156: {  	v42 =	vld.idx.msk [tilespmem:v63+s18+$0x0], $0xffff;
	_ =	sdelay $0x1  }
0x157: {  	v43 =	vshll.u32 v63, $0x8  }
0x158: {  	v35 =	vand.u32 $0x7800, v43  }
0x159: {  	v45 =	vor.u32 v2, v35  }
0x15a: {  	v44 =	vshll.u32 v41, $0x5;
	v33 =	vshll.u32 v41, $0x8;
	v38 =	vshll.u32 v42, $0x8  }
0x15b: {  	v34 =	vshll.u32 v42, $0x5;
	v36 =	vand.u32 $0x60, v44;
	v33 =	vand.u32 $0x400, v33  }
0x15c: {  	v38 =	vand.u32 $0x400, v38;
	v34 =	vand.u32 $0x60, v34;
	v40 =	vor.u32 v33, v45  }
0x15d: {  	v39 =	vor.u32 v35, v36;
	v46 =	vor.u32 v38, v45;
	v40 =	vor.u32 v36, v40  }
0x15e: {  	v47 =	vor.u32 v35, v34;
	v41 =	vor.u32 v34, v46;
	v36 =	vor.u32 v33, v39  }
0x15f: {  	v37 =	vor.u32 v38, v47;
	v48 =	vor.u32 v5, v36  }
0x160: {  	v49 =	vld.idx.msk [tilespmem:v63+s25+$0x0], $0xffff;
	v50 =	vor.u32 v5, v37  }
0x161: {  	v32 =	vld.idx.msk [tilespmem:v63+s26+$0x0], $0xffff;
	v51 =	vor.u32 v6, v36  }
0x162: {  	v53 =	vor.u32 v6, v37;
	v52 =	vld.idx.msk [tilespmem:v40+s29+$0x0], $0xffff  }
0x163: {  	v42 =	vor.u32 v7, v36;
	v41 =	vld.idx.msk [tilespmem:v41+s13+$0x0], $0xffff  }
0x164: {  	v43 =	vor.u32 v7, v37;
	v34 =	vld.idx.msk [tilespmem:v48+s29+$0x0], $0xffff  }
0x165: {  	v44 =	vor.u32 v8, v36;
	v35 =	vld.idx.msk [tilespmem:v50+s13+$0x0], $0xffff  }
0x166: {  	v45 =	vor.u32 v8, v37;
	v38 =	vld.idx.msk [tilespmem:v51+s29+$0x0], $0xffff  }
0x167: {  	v46 =	vor.u32 v9, v36;
	v40 =	vld.idx.msk [tilespmem:v53+s13+$0x0], $0xffff  }
0x168: {  	v47 =	vor.u32 v9, v37;
	v42 =	vld.idx.msk [tilespmem:v42+s29+$0x0], $0xffff  }
0x169: {  	v32 =	vadd.f32 v32, v49;
	v58 =	vor.u32 v10, v37;
	v55 =	vld.idx.msk [tilespmem:v43+s13+$0x0], $0xffff;
	v54 =	vmul.f32 v41, v52  }
0x16a: {  	v56 =	vor.u32 v10, v36;
	v57 =	vld.idx.msk [tilespmem:v44+s29+$0x0], $0xffff  }
0x16b: {  	v61 =	vor.u32 v11, v36;
	v60 =	vld.idx.msk [tilespmem:v45+s13+$0x0], $0xffff;
	v59 =	vmul.f32 v35, v34;
	v32 =	vadd.f32 v54, v32  }
0x16c: {  	v63 =	vor.u32 v11, v37;
	v62 =	vld.idx.msk [tilespmem:v46+s29+$0x0], $0xffff  }
0x16d: {  	v49 =	vld.idx.msk [tilespmem:v47+s13+$0x0], $0xffff;
	v50 =	vor.u32 v12, v36;
	v48 =	vmul.f32 v40, v38;
	v32 =	vadd.f32 v59, v32  }
0x16e: {  	v51 =	vor.u32 v12, v37;
	v53 =	vld.idx.msk [tilespmem:v58+s13+$0x0], $0xffff  }
0x16f: {  	v58 =	vor.u32 v14, v36;
	v41 =	vld.idx.msk [tilespmem:v56+s29+$0x0], $0xffff;
	v52 =	vmul.f32 v55, v42;
	v32 =	vadd.f32 v48, v32  }
0x170: {  	v35 =	vld.idx.msk [tilespmem:v61+s29+$0x0], $0xffff;
	v55 =	vor.u32 v13, v37  }
0x171: {  	v56 =	vmul.f32 v60, v57;
	v57 =	vld.idx.msk [tilespmem:v63+s13+$0x0], $0xffff;
	v54 =	vor.u32 v13, v36;
	v32 =	vadd.f32 v52, v32  }
0x172: {  	v40 =	vld.idx.msk [tilespmem:v50+s29+$0x0], $0xffff;
	v60 =	vmul.f32 v49, v62;
	v62 =	vor.u32 v15, v36  }
0x173: {  	v61 =	vld.idx.msk [tilespmem:v51+s13+$0x0], $0xffff;
	v59 =	vor.u32 v14, v37;
	v32 =	vadd.f32 v56, v32  }
0x174: {  	v50 =	vor.u32 v16, v36;
	v43 =	vld.idx.msk [tilespmem:v58+s29+$0x0], $0xffff  }
0x175: {  	v63 =	vor.u32 v15, v37;
	v48 =	vmul.f32 v53, v41;
	v49 =	vld.idx.msk [tilespmem:v55+s13+$0x0], $0xffff;
	v32 =	vadd.f32 v60, v32  }
0x176: {  	v51 =	vor.u32 v16, v37;
	v42 =	vld.idx.msk [tilespmem:v54+s29+$0x0], $0xffff  }
0x177: {  	v58 =	vor.u32 v18, v36;
	v45 =	vld.idx.msk [tilespmem:v62+s29+$0x0], $0xffff;
	v52 =	vmul.f32 v57, v35;
	v32 =	vadd.f32 v48, v32  }
0x178: {  	v54 =	vor.u32 v17, v36;
	v53 =	vld.idx.msk [tilespmem:v59+s13+$0x0], $0xffff  }
0x179: {  	v55 =	vor.u32 v17, v37;
	v41 =	vld.idx.msk [tilespmem:v50+s29+$0x0], $0xffff;
	v56 =	vmul.f32 v61, v40;
	v32 =	vadd.f32 v52, v32  }
0x17a: {  	v62 =	vor.u32 v19, v36;
	v57 =	vld.idx.msk [tilespmem:v63+s13+$0x0], $0xffff  }
0x17b: {  	v59 =	vor.u32 v18, v37;
	v61 =	vld.idx.msk [tilespmem:v51+s13+$0x0], $0xffff;
	v60 =	vmul.f32 v49, v42;
	v32 =	vadd.f32 v56, v32  }
0x17c: {  	v50 =	vor.u32 v20, v36;
	v40 =	vld.idx.msk [tilespmem:v58+s29+$0x0], $0xffff  }
0x17d: {  	v63 =	vor.u32 v19, v37;
	v35 =	vld.idx.msk [tilespmem:v54+s29+$0x0], $0xffff;
	v48 =	vmul.f32 v53, v43;
	v32 =	vadd.f32 v60, v32  }
0x17e: {  	v49 =	vld.idx.msk [tilespmem:v55+s13+$0x0], $0xffff;
	v54 =	vor.u32 v21, v36  }
0x17f: {  	v51 =	vor.u32 v20, v37;
	v42 =	vld.idx.msk [tilespmem:v62+s29+$0x0], $0xffff;
	v52 =	vmul.f32 v57, v45;
	v32 =	vadd.f32 v48, v32  }
0x180: {  	v58 =	vor.u32 v22, v36;
	v53 =	vld.idx.msk [tilespmem:v59+s13+$0x0], $0xffff  }
0x181: {  	v55 =	vor.u32 v21, v37;
	v43 =	vld.idx.msk [tilespmem:v50+s29+$0x0], $0xffff;
	v56 =	vmul.f32 v61, v41;
	v32 =	vadd.f32 v52, v32  }
0x182: {  	v62 =	vor.u32 v23, v36;
	v57 =	vld.idx.msk [tilespmem:v63+s13+$0x0], $0xffff  }
0x183: {  	v59 =	vor.u32 v22, v37;
	v45 =	vld.idx.msk [tilespmem:v54+s29+$0x0], $0xffff;
	v60 =	vmul.f32 v49, v35;
	v32 =	vadd.f32 v56, v32  }
0x184: {  	v50 =	vor.u32 v24, v36;
	v61 =	vld.idx.msk [tilespmem:v51+s13+$0x0], $0xffff  }
0x185: {  	v63 =	vor.u32 v23, v37;
	v41 =	vld.idx.msk [tilespmem:v58+s29+$0x0], $0xffff;
	v48 =	vmul.f32 v53, v40;
	v32 =	vadd.f32 v60, v32  }
0x186: {  	v54 =	vor.u32 v25, v36;
	v49 =	vld.idx.msk [tilespmem:v55+s13+$0x0], $0xffff  }
0x187: {  	v51 =	vor.u32 v24, v37;
	v35 =	vld.idx.msk [tilespmem:v62+s29+$0x0], $0xffff;
	v52 =	vmul.f32 v57, v42;
	v32 =	vadd.f32 v48, v32  }
0x188: {  	v58 =	vor.u32 v26, v36;
	v53 =	vld.idx.msk [tilespmem:v59+s13+$0x0], $0xffff  }
0x189: {  	v55 =	vor.u32 v25, v37;
	v40 =	vld.idx.msk [tilespmem:v50+s29+$0x0], $0xffff;
	v56 =	vmul.f32 v61, v43;
	v32 =	vadd.f32 v52, v32  }
0x18a: {  	v59 =	vor.u32 v26, v37;
	v57 =	vld.idx.msk [tilespmem:v63+s13+$0x0], $0xffff  }
0x18b: {  	v62 =	vor.u32 v27, v36;
	v42 =	vld.idx.msk [tilespmem:v54+s29+$0x0], $0xffff;
	v60 =	vmul.f32 v49, v45;
	v32 =	vadd.f32 v56, v32  }
0x18c: {  	v63 =	vor.u32 v27, v37;
	v61 =	vld.idx.msk [tilespmem:v51+s13+$0x0], $0xffff  }
0x18d: {  	v50 =	vor.u32 v28, v36;
	v43 =	vld.idx.msk [tilespmem:v58+s29+$0x0], $0xffff;
	v48 =	vmul.f32 v53, v41;
	v32 =	vadd.f32 v60, v32  }
0x18e: {  	v51 =	vor.u32 v28, v37;
	v49 =	vld.idx.msk [tilespmem:v55+s13+$0x0], $0xffff  }
0x18f: {  	v54 =	vor.u32 v29, v36;
	v53 =	vld.idx.msk [tilespmem:v59+s13+$0x0], $0xffff;
	v52 =	vmul.f32 v57, v35;
	v32 =	vadd.f32 v48, v32  }
0x190: {  	v45 =	vld.idx.msk [tilespmem:v62+s29+$0x0], $0xffff;
	v55 =	vor.u32 v29, v37  }
0x191: {  	v57 =	vld.idx.msk [tilespmem:v63+s13+$0x0], $0xffff;
	v56 =	vmul.f32 v61, v40;
	v32 =	vadd.f32 v52, v32  }
0x192: {  	v58 =	vor.u32 v30, v36;
	v41 =	vld.idx.msk [tilespmem:v50+s29+$0x0], $0xffff  }
0x193: {  	v59 =	vor.u32 v30, v37;
	v39 =	vmul.f32 v49, v42;
	v60 =	vld.idx.msk [tilespmem:v51+s13+$0x0], $0xffff;
	v33 =	vadd.f32 v56, v32  }
0x194: {  	v49 =	vld.idx.msk [tilespmem:v54+s29+$0x0], $0xffff;
	v61 =	vor.u32 v31, v36;
	v34 =	vmul.f32 v53, v43  }
0x195: {  	v63 =	vld.idx.msk [tilespmem:v55+s13+$0x0], $0xffff;
	v48 =	vor.u32 v31, v37;
	v32 =	vor.u32 $0x1C, v2;
	v62 =	vadd.f32 v39, v33  }
0x196: {  	v38 =	vmul.f32 v57, v45;
	v54 =	vor.u32 v32, v36  }
0x197: {  	v40 =	vld.idx.msk [tilespmem:v58+s29+$0x0], $0xffff;
	v55 =	vor.u32 v32, v37;
	v33 =	vor.u32 $0x1D, v2;
	v35 =	vadd.f32 v34, v62  }
0x198: {  	v41 =	vmul.f32 v60, v41;
	v56 =	vld.idx.msk [tilespmem:v59+s13+$0x0], $0xffff;
	v57 =	vor.u32 v33, v36  }
0x199: {  	v44 =	vld.idx.msk [tilespmem:v61+s29+$0x0], $0xffff;
	v50 =	vor.u32 v33, v37;
	v34 =	vor.u32 $0x1E, v2;
	v38 =	vadd.f32 v38, v35  }
0x19a: {  	v58 =	vld.idx.msk [tilespmem:v48+s13+$0x0], $0xffff;
	v39 =	vmul.f32 v63, v49;
	v59 =	vor.u32 v34, v36  }
0x19b: {  	v51 =	vor.u32 v34, v37;
	v43 =	vld.idx.msk [tilespmem:v54+s29+$0x0], $0xffff;
	v35 =	vor.u32 $0x1F, v2;
	v38 =	vadd.f32 v41, v38  }
0x19c: {  	v60 =	vld.idx.msk [tilespmem:v55+s13+$0x0], $0xffff;
	v36 =	vor.u32 v35, v36  }
0x19d: {  	v62 =	vmul.f32 v56, v40;
	v37 =	vor.u32 v35, v37;
	v61 =	vld.idx.msk [tilespmem:v57+s29+$0x0], $0xffff;
	v38 =	vadd.f32 v39, v38  }
0x19e: {  	v63 =	vld.idx.msk [tilespmem:v50+s13+$0x0], $0xffff  }
0x19f: {  	v49 =	vmul.f32 v58, v44;
	v48 =	vld.idx.msk [tilespmem:v59+s29+$0x0], $0xffff;
	v38 =	vadd.f32 v62, v38  }
0x1a0: {  	v50 =	vld.idx.msk [tilespmem:v51+s13+$0x0], $0xffff  }
0x1a1: {  	v51 =	vmul.f32 v60, v43;
	v36 =	vld.idx.msk [tilespmem:v36+s29+$0x0], $0xffff;
	v38 =	vadd.f32 v49, v38  }
0x1a2: {  	v37 =	vld.idx.msk [tilespmem:v37+s13+$0x0], $0xffff  }
0x1a3: {  	v52 =	vmul.f32 v63, v61;
	v38 =	vadd.f32 v51, v38;
	_ =	sdelay $0x1  }
0x1a4: {  	v53 =	vmul.f32 v50, v48;
	v38 =	vadd.f32 v52, v38  }
0x1a5: {  	s12 =	simm.s32 $0x10  }
0x1a6: {  	v54 =	vor.u32 s12, v0;
	v36 =	vmul.f32 v37, v36;
	v38 =	vadd.f32 v53, v38;
	_ =	sdelay $0x1  }
0x1a7: {  	v36 =	vadd.f32 v36, v38;
	_ =	sdelay $0x1  }
0x1a8: {  	[tilespmem:s31+$0x0] =	vst v36  }
0x1a9: {  	v36 =	vld.idx.msk [tilespmem:v54+s2+$0x0], $0xffff  }
0x1aa: {  	v55 =	vld.idx.msk [tilespmem:v54+s18+$0x0], $0xffff;
	_ =	sdelay $0x1  }
0x1ab: {  	v56 =	vshll.u32 v54, $0x8  }
0x1ac: {  	v38 =	vand.u32 $0x7800, v56  }
0x1ad: {  	v58 =	vor.u32 v2, v38  }
0x1ae: {  	v57 =	vshll.u32 v36, $0x5;
	v36 =	vshll.u32 v36, $0x8;
	v59 =	vshll.u32 v55, $0x8  }
0x1af: {  	v37 =	vshll.u32 v55, $0x5;
	v39 =	vand.u32 $0x60, v57;
	v36 =	vand.u32 $0x400, v36  }
0x1b0: {  	v42 =	vand.u32 $0x400, v59;
	v37 =	vand.u32 $0x60, v37;
	v61 =	vor.u32 v36, v58  }
0x1b1: {  	v60 =	vor.u32 v38, v39;
	v41 =	vor.u32 v42, v58;
	v39 =	vor.u32 v39, v61  }
0x1b2: {  	v41 =	vor.u32 v37, v41;
	v36 =	vor.u32 v36, v60;
	v37 =	vor.u32 v38, v37  }
0x1b3: {  	v62 =	vor.u32 v5, v36;
	v37 =	vor.u32 v42, v37  }
0x1b4: {  	v63 =	vld.idx.msk [tilespmem:v54+s25+$0x0], $0xffff;
	v52 =	vor.u32 v5, v37  }
0x1b5: {  	v40 =	vld.idx.msk [tilespmem:v54+s26+$0x0], $0xffff;
	v53 =	vor.u32 v6, v36  }
0x1b6: {  	v54 =	vor.u32 v6, v37;
	v39 =	vld.idx.msk [tilespmem:v39+s29+$0x0], $0xffff  }
0x1b7: {  	v55 =	vor.u32 v7, v36;
	v41 =	vld.idx.msk [tilespmem:v41+s13+$0x0], $0xffff  }
0x1b8: {  	v56 =	vor.u32 v7, v37;
	v38 =	vld.idx.msk [tilespmem:v62+s29+$0x0], $0xffff  }
0x1b9: {  	v57 =	vor.u32 v8, v36;
	v43 =	vld.idx.msk [tilespmem:v52+s13+$0x0], $0xffff  }
0x1ba: {  	v58 =	vor.u32 v8, v37;
	v44 =	vld.idx.msk [tilespmem:v53+s29+$0x0], $0xffff  }
0x1bb: {  	v59 =	vor.u32 v9, v36;
	v45 =	vld.idx.msk [tilespmem:v54+s13+$0x0], $0xffff  }
0x1bc: {  	v40 =	vadd.f32 v40, v63;
	v60 =	vor.u32 v9, v37;
	v46 =	vld.idx.msk [tilespmem:v55+s29+$0x0], $0xffff;
	v39 =	vmul.f32 v41, v39  }
0x1bd: {  	v62 =	vor.u32 v10, v36;
	v61 =	vld.idx.msk [tilespmem:v56+s13+$0x0], $0xffff  }
0x1be: {  	v63 =	vor.u32 v10, v37;
	v47 =	vld.idx.msk [tilespmem:v57+s29+$0x0], $0xffff;
	v39 =	vadd.f32 v39, v40;
	v38 =	vmul.f32 v43, v38  }
0x1bf: {  	v54 =	vor.u32 v11, v36;
	v40 =	vld.idx.msk [tilespmem:v58+s13+$0x0], $0xffff  }
0x1c0: {  	v49 =	vld.idx.msk [tilespmem:v59+s29+$0x0], $0xffff;
	v55 =	vor.u32 v11, v37;
	v56 =	vmul.f32 v45, v44;
	v38 =	vadd.f32 v38, v39  }
0x1c1: {  	v59 =	vor.u32 v12, v37;
	v57 =	vld.idx.msk [tilespmem:v60+s13+$0x0], $0xffff  }
0x1c2: {  	v42 =	vld.idx.msk [tilespmem:v62+s29+$0x0], $0xffff;
	v58 =	vor.u32 v12, v36;
	v60 =	vmul.f32 v61, v46;
	v38 =	vadd.f32 v56, v38  }
0x1c3: {  	v62 =	vor.u32 v13, v36;
	v61 =	vld.idx.msk [tilespmem:v63+s13+$0x0], $0xffff  }
0x1c4: {  	v43 =	vld.idx.msk [tilespmem:v54+s29+$0x0], $0xffff;
	v63 =	vor.u32 v13, v37;
	v53 =	vmul.f32 v40, v47;
	v38 =	vadd.f32 v60, v38  }
0x1c5: {  	v54 =	vor.u32 v14, v36;
	v40 =	vld.idx.msk [tilespmem:v55+s13+$0x0], $0xffff  }
0x1c6: {  	v56 =	vmul.f32 v57, v49;
	v57 =	vld.idx.msk [tilespmem:v59+s13+$0x0], $0xffff;
	v55 =	vor.u32 v14, v37;
	v38 =	vadd.f32 v53, v38  }
0x1c7: {  	v45 =	vld.idx.msk [tilespmem:v58+s29+$0x0], $0xffff;
	v58 =	vor.u32 v15, v36  }
0x1c8: {  	v46 =	vld.idx.msk [tilespmem:v62+s29+$0x0], $0xffff;
	v59 =	vor.u32 v15, v37;
	v60 =	vmul.f32 v61, v42;
	v38 =	vadd.f32 v56, v38  }
0x1c9: {  	v62 =	vor.u32 v16, v36;
	v61 =	vld.idx.msk [tilespmem:v63+s13+$0x0], $0xffff  }
0x1ca: {  	v47 =	vld.idx.msk [tilespmem:v54+s29+$0x0], $0xffff;
	v63 =	vor.u32 v16, v37;
	v53 =	vmul.f32 v40, v43;
	v38 =	vadd.f32 v60, v38  }
0x1cb: {  	v54 =	vor.u32 v17, v36;
	v40 =	vld.idx.msk [tilespmem:v55+s13+$0x0], $0xffff  }
0x1cc: {  	v49 =	vld.idx.msk [tilespmem:v58+s29+$0x0], $0xffff;
	v55 =	vor.u32 v17, v37;
	v56 =	vmul.f32 v57, v45;
	v38 =	vadd.f32 v53, v38  }
0x1cd: {  	v57 =	vld.idx.msk [tilespmem:v59+s13+$0x0], $0xffff;
	v58 =	vor.u32 v18, v36  }
0x1ce: {  	v42 =	vld.idx.msk [tilespmem:v62+s29+$0x0], $0xffff;
	v59 =	vor.u32 v18, v37;
	v60 =	vmul.f32 v61, v46;
	v38 =	vadd.f32 v56, v38  }
0x1cf: {  	v62 =	vor.u32 v19, v36;
	v61 =	vld.idx.msk [tilespmem:v63+s13+$0x0], $0xffff  }
0x1d0: {  	v43 =	vld.idx.msk [tilespmem:v54+s29+$0x0], $0xffff;
	v63 =	vor.u32 v19, v37;
	v53 =	vmul.f32 v40, v47;
	v38 =	vadd.f32 v60, v38  }
0x1d1: {  	v54 =	vor.u32 v20, v36;
	v40 =	vld.idx.msk [tilespmem:v55+s13+$0x0], $0xffff  }
0x1d2: {  	v45 =	vld.idx.msk [tilespmem:v58+s29+$0x0], $0xffff;
	v55 =	vor.u32 v20, v37;
	v56 =	vmul.f32 v57, v49;
	v38 =	vadd.f32 v53, v38  }
0x1d3: {  	v58 =	vor.u32 v21, v36;
	v57 =	vld.idx.msk [tilespmem:v59+s13+$0x0], $0xffff  }
0x1d4: {  	v46 =	vld.idx.msk [tilespmem:v62+s29+$0x0], $0xffff;
	v59 =	vor.u32 v21, v37;
	v60 =	vmul.f32 v61, v42;
	v38 =	vadd.f32 v56, v38  }
0x1d5: {  	v62 =	vor.u32 v22, v36;
	v61 =	vld.idx.msk [tilespmem:v63+s13+$0x0], $0xffff  }
0x1d6: {  	v47 =	vld.idx.msk [tilespmem:v54+s29+$0x0], $0xffff;
	v63 =	vor.u32 v22, v37;
	v53 =	vmul.f32 v40, v43;
	v38 =	vadd.f32 v60, v38  }
0x1d7: {  	v54 =	vor.u32 v23, v36;
	v40 =	vld.idx.msk [tilespmem:v55+s13+$0x0], $0xffff  }
0x1d8: {  	v49 =	vld.idx.msk [tilespmem:v58+s29+$0x0], $0xffff;
	v55 =	vor.u32 v23, v37;
	v56 =	vmul.f32 v57, v45;
	v38 =	vadd.f32 v53, v38  }
0x1d9: {  	v58 =	vor.u32 v24, v36;
	v57 =	vld.idx.msk [tilespmem:v59+s13+$0x0], $0xffff  }
0x1da: {  	v42 =	vld.idx.msk [tilespmem:v62+s29+$0x0], $0xffff;
	v59 =	vor.u32 v24, v37;
	v60 =	vmul.f32 v61, v46;
	v38 =	vadd.f32 v56, v38  }
0x1db: {  	v62 =	vor.u32 v25, v36;
	v61 =	vld.idx.msk [tilespmem:v63+s13+$0x0], $0xffff  }
0x1dc: {  	v43 =	vld.idx.msk [tilespmem:v54+s29+$0x0], $0xffff;
	v63 =	vor.u32 v25, v37;
	v53 =	vmul.f32 v40, v47;
	v38 =	vadd.f32 v60, v38  }
0x1dd: {  	v54 =	vor.u32 v26, v36;
	v40 =	vld.idx.msk [tilespmem:v55+s13+$0x0], $0xffff  }
0x1de: {  	v45 =	vld.idx.msk [tilespmem:v58+s29+$0x0], $0xffff;
	v55 =	vor.u32 v26, v37;
	v56 =	vmul.f32 v57, v49;
	v38 =	vadd.f32 v53, v38  }
0x1df: {  	v58 =	vor.u32 v27, v36;
	v57 =	vld.idx.msk [tilespmem:v59+s13+$0x0], $0xffff  }
0x1e0: {  	v46 =	vld.idx.msk [tilespmem:v62+s29+$0x0], $0xffff;
	v59 =	vor.u32 v27, v37;
	v60 =	vmul.f32 v61, v42;
	v38 =	vadd.f32 v56, v38  }
0x1e1: {  	v62 =	vor.u32 v28, v36;
	v61 =	vld.idx.msk [tilespmem:v63+s13+$0x0], $0xffff  }
0x1e2: {  	v47 =	vld.idx.msk [tilespmem:v54+s29+$0x0], $0xffff;
	v63 =	vor.u32 v28, v37;
	v53 =	vmul.f32 v40, v43;
	v38 =	vadd.f32 v60, v38  }
0x1e3: {  	v54 =	vld.idx.msk [tilespmem:v55+s13+$0x0], $0xffff;
	v55 =	vor.u32 v29, v36  }
0x1e4: {  	v49 =	vld.idx.msk [tilespmem:v58+s29+$0x0], $0xffff;
	v57 =	vmul.f32 v57, v45;
	v56 =	vor.u32 v29, v37;
	v38 =	vadd.f32 v53, v38  }
0x1e5: {  	v58 =	vld.idx.msk [tilespmem:v59+s13+$0x0], $0xffff;
	v59 =	vor.u32 v30, v36  }
0x1e6: {  	v42 =	vld.idx.msk [tilespmem:v62+s29+$0x0], $0xffff;
	v61 =	vmul.f32 v61, v46;
	v60 =	vor.u32 v30, v37;
	v38 =	vadd.f32 v57, v38  }
0x1e7: {  	v62 =	vor.u32 v31, v36;
	v41 =	vld.idx.msk [tilespmem:v63+s13+$0x0], $0xffff  }
0x1e8: {  	v63 =	vor.u32 v31, v37;
	v43 =	vld.idx.msk [tilespmem:v55+s29+$0x0], $0xffff;
	v54 =	vmul.f32 v54, v47;
	v38 =	vadd.f32 v61, v38  }
0x1e9: {  	v55 =	vld.idx.msk [tilespmem:v56+s13+$0x0], $0xffff;
	v56 =	vor.u32 v32, v36  }
0x1ea: {  	v45 =	vld.idx.msk [tilespmem:v59+s29+$0x0], $0xffff;
	v58 =	vmul.f32 v58, v49;
	v57 =	vor.u32 v32, v37;
	v38 =	vadd.f32 v54, v38  }
0x1eb: {  	v59 =	vld.idx.msk [tilespmem:v60+s13+$0x0], $0xffff;
	v60 =	vor.u32 v33, v36  }
0x1ec: {  	v46 =	vld.idx.msk [tilespmem:v62+s29+$0x0], $0xffff;
	v62 =	vmul.f32 v41, v42;
	v61 =	vor.u32 v33, v37;
	v38 =	vadd.f32 v58, v38  }
0x1ed: {  	v52 =	vor.u32 v34, v36;
	v63 =	vld.idx.msk [tilespmem:v63+s13+$0x0], $0xffff  }
0x1ee: {  	v53 =	vor.u32 v34, v37;
	v47 =	vld.idx.msk [tilespmem:v56+s29+$0x0], $0xffff;
	v54 =	vmul.f32 v55, v43;
	v38 =	vadd.f32 v62, v38  }
0x1ef: {  	v36 =	vor.u32 v35, v36;
	v55 =	vld.idx.msk [tilespmem:v57+s13+$0x0], $0xffff  }
0x1f0: {  	v37 =	vor.u32 v35, v37;
	v56 =	vld.idx.msk [tilespmem:v60+s29+$0x0], $0xffff;
	v57 =	vmul.f32 v59, v45;
	v38 =	vadd.f32 v54, v38  }
0x1f1: {  	v58 =	vld.idx.msk [tilespmem:v61+s13+$0x0], $0xffff  }
0x1f2: {  	v42 =	vld.idx.msk [tilespmem:v52+s29+$0x0], $0xffff;
	v59 =	vmul.f32 v63, v46;
	v38 =	vadd.f32 v57, v38  }
0x1f3: {  	v60 =	vld.idx.msk [tilespmem:v53+s13+$0x0], $0xffff  }
0x1f4: {  	v36 =	vld.idx.msk [tilespmem:v36+s29+$0x0], $0xffff;
	v61 =	vmul.f32 v55, v47;
	v38 =	vadd.f32 v59, v38  }
0x1f5: {  	v37 =	vld.idx.msk [tilespmem:v37+s13+$0x0], $0xffff  }
0x1f6: {  	v62 =	vmul.f32 v58, v56;
	v38 =	vadd.f32 v61, v38;
	_ =	sdelay $0x1  }
0x1f7: {  	v63 =	vmul.f32 v60, v42;
	v38 =	vadd.f32 v62, v38  }
0x1f8: {  	s14 =	simm.s32 $0x20  }
0x1f9: {  	v36 =	vmul.f32 v37, v36;
	v39 =	vadd.f32 v63, v38;
	v38 =	vor.u32 s14, v0;
	_ =	sdelay $0x1  }
0x1fa: {  	s11 =	simm.s32 $0x30;
	s12 =	simm.s32 $0x10C00;
	v36 =	vadd.f32 v36, v39  }
.LBB2_2:
0x1fb: {  	p0 =	sne.s32 s11, $0x70;
	s12 =	sadd.s32 $0x10, s12  }
0x1fc: {  	[tilespmem:s12+$0x0] =	vst v36  }
0x1fd: {  	v36 =	vld.idx.msk [tilespmem:v38+s2+$0x0], $0xffff;
	_ =	sdelay $0x1  }
0x1fe: {  	v37 =	vld.idx.msk [tilespmem:v38+s18+$0x0], $0xffff;
	_ =	sdelay $0x2  }
0x1ff: {  	v39 =	vshll.u32 v38, $0x8  }
0x200: {  	v39 =	vand.u32 $0x7800, v39;
	v40 =	vshll.u32 v36, $0x5  }
0x201: {  	v41 =	vor.u32 v2, v39;
	v36 =	vshll.u32 v36, $0x8;
	v40 =	vand.u32 $0x60, v40  }
0x202: {  	v36 =	vand.u32 $0x400, v36;
	v42 =	vshll.u32 v37, $0x8;
	v43 =	vor.u32 v39, v40  }
0x203: {  	v37 =	vshll.u32 v37, $0x5;
	v44 =	vor.u32 v36, v41;
	v42 =	vand.u32 $0x400, v42  }
0x204: {  	v40 =	vor.u32 v40, v44;
	v37 =	vand.u32 $0x60, v37;
	v41 =	vor.u32 v42, v41  }
0x205: {  	v36 =	vor.u32 v36, v43;
	v41 =	vor.u32 v37, v41;
	v37 =	vor.u32 v39, v37  }
0x206: {  	v39 =	vor.u32 v5, v36;
	v37 =	vor.u32 v42, v37  }
0x207: {  	v43 =	vor.u32 v5, v37;
	v42 =	vld.idx.msk [tilespmem:v38+s25+$0x0], $0xffff  }
0x208: {  	v44 =	vor.u32 v6, v36;
	v38 =	vld.idx.msk [tilespmem:v38+s26+$0x0], $0xffff  }
0x209: {  	v45 =	vor.u32 v6, v37;
	v40 =	vld.idx.msk [tilespmem:v40+s29+$0x0], $0xffff  }
0x20a: {  	v46 =	vor.u32 v7, v36;
	v41 =	vld.idx.msk [tilespmem:v41+s13+$0x0], $0xffff  }
0x20b: {  	v47 =	vor.u32 v7, v37;
	v39 =	vld.idx.msk [tilespmem:v39+s29+$0x0], $0xffff  }
0x20c: {  	v48 =	vor.u32 v8, v36;
	v43 =	vld.idx.msk [tilespmem:v43+s13+$0x0], $0xffff  }
0x20d: {  	v49 =	vor.u32 v8, v37;
	v44 =	vld.idx.msk [tilespmem:v44+s29+$0x0], $0xffff  }
0x20e: {  	v50 =	vor.u32 v9, v36;
	v45 =	vld.idx.msk [tilespmem:v45+s13+$0x0], $0xffff  }
0x20f: {  	v51 =	vor.u32 v9, v37;
	v46 =	vld.idx.msk [tilespmem:v46+s29+$0x0], $0xffff  }
0x210: {  	v38 =	vadd.f32 v38, v42;
	v42 =	vor.u32 v10, v36;
	v40 =	vmul.f32 v41, v40;
	v41 =	vld.idx.msk [tilespmem:v47+s13+$0x0], $0xffff  }
0x211: {  	v47 =	vld.idx.msk [tilespmem:v48+s29+$0x0], $0xffff;
	v48 =	vor.u32 v10, v37  }
0x212: {  	v38 =	vadd.f32 v40, v38;
	v39 =	vmul.f32 v43, v39;
	v43 =	vor.u32 v11, v36;
	v40 =	vld.idx.msk [tilespmem:v49+s13+$0x0], $0xffff  }
0x213: {  	v49 =	vld.idx.msk [tilespmem:v50+s29+$0x0], $0xffff;
	v50 =	vor.u32 v11, v37  }
0x214: {  	v38 =	vadd.f32 v39, v38;
	v39 =	vmul.f32 v45, v44;
	v45 =	vor.u32 v12, v36;
	v44 =	vld.idx.msk [tilespmem:v51+s13+$0x0], $0xffff  }
0x215: {  	v51 =	vor.u32 v12, v37;
	v42 =	vld.idx.msk [tilespmem:v42+s29+$0x0], $0xffff  }
0x216: {  	v38 =	vadd.f32 v39, v38;
	v39 =	vmul.f32 v41, v46;
	v46 =	vor.u32 v13, v36;
	v41 =	vld.idx.msk [tilespmem:v48+s13+$0x0], $0xffff  }
0x217: {  	v48 =	vor.u32 v13, v37;
	v43 =	vld.idx.msk [tilespmem:v43+s29+$0x0], $0xffff  }
0x218: {  	v38 =	vadd.f32 v39, v38;
	v39 =	vmul.f32 v40, v47;
	v47 =	vor.u32 v14, v36;
	v40 =	vld.idx.msk [tilespmem:v50+s13+$0x0], $0xffff  }
0x219: {  	v50 =	vor.u32 v14, v37;
	v45 =	vld.idx.msk [tilespmem:v45+s29+$0x0], $0xffff  }
0x21a: {  	v38 =	vadd.f32 v39, v38;
	v39 =	vmul.f32 v44, v49;
	v49 =	vor.u32 v15, v36;
	v44 =	vld.idx.msk [tilespmem:v51+s13+$0x0], $0xffff  }
0x21b: {  	v51 =	vor.u32 v15, v37;
	v46 =	vld.idx.msk [tilespmem:v46+s29+$0x0], $0xffff  }
0x21c: {  	v38 =	vadd.f32 v39, v38;
	v39 =	vmul.f32 v41, v42;
	v42 =	vor.u32 v16, v36;
	v41 =	vld.idx.msk [tilespmem:v48+s13+$0x0], $0xffff  }
0x21d: {  	v48 =	vor.u32 v16, v37;
	v47 =	vld.idx.msk [tilespmem:v47+s29+$0x0], $0xffff  }
0x21e: {  	v38 =	vadd.f32 v39, v38;
	v39 =	vmul.f32 v40, v43;
	v43 =	vor.u32 v17, v36;
	v40 =	vld.idx.msk [tilespmem:v50+s13+$0x0], $0xffff  }
0x21f: {  	v50 =	vor.u32 v17, v37;
	v49 =	vld.idx.msk [tilespmem:v49+s29+$0x0], $0xffff  }
0x220: {  	v38 =	vadd.f32 v39, v38;
	v39 =	vmul.f32 v44, v45;
	v45 =	vor.u32 v18, v36;
	v44 =	vld.idx.msk [tilespmem:v51+s13+$0x0], $0xffff  }
0x221: {  	v51 =	vor.u32 v18, v37;
	v42 =	vld.idx.msk [tilespmem:v42+s29+$0x0], $0xffff  }
0x222: {  	v38 =	vadd.f32 v39, v38;
	v39 =	vmul.f32 v41, v46;
	v46 =	vor.u32 v19, v36;
	v41 =	vld.idx.msk [tilespmem:v48+s13+$0x0], $0xffff  }
0x223: {  	v48 =	vor.u32 v19, v37;
	v43 =	vld.idx.msk [tilespmem:v43+s29+$0x0], $0xffff  }
0x224: {  	v38 =	vadd.f32 v39, v38;
	v39 =	vmul.f32 v40, v47;
	v47 =	vor.u32 v20, v36;
	v40 =	vld.idx.msk [tilespmem:v50+s13+$0x0], $0xffff  }
0x225: {  	v50 =	vor.u32 v20, v37;
	v45 =	vld.idx.msk [tilespmem:v45+s29+$0x0], $0xffff  }
0x226: {  	v38 =	vadd.f32 v39, v38;
	v39 =	vmul.f32 v44, v49;
	v49 =	vor.u32 v21, v36;
	v44 =	vld.idx.msk [tilespmem:v51+s13+$0x0], $0xffff  }
0x227: {  	v51 =	vor.u32 v21, v37;
	v46 =	vld.idx.msk [tilespmem:v46+s29+$0x0], $0xffff  }
0x228: {  	v38 =	vadd.f32 v39, v38;
	v39 =	vmul.f32 v41, v42;
	v42 =	vor.u32 v22, v36;
	v41 =	vld.idx.msk [tilespmem:v48+s13+$0x0], $0xffff  }
0x229: {  	v48 =	vor.u32 v22, v37;
	v47 =	vld.idx.msk [tilespmem:v47+s29+$0x0], $0xffff  }
0x22a: {  	v38 =	vadd.f32 v39, v38;
	v39 =	vmul.f32 v40, v43;
	v43 =	vor.u32 v23, v36;
	v40 =	vld.idx.msk [tilespmem:v50+s13+$0x0], $0xffff  }
0x22b: {  	v50 =	vor.u32 v23, v37;
	v49 =	vld.idx.msk [tilespmem:v49+s29+$0x0], $0xffff  }
0x22c: {  	v38 =	vadd.f32 v39, v38;
	v39 =	vmul.f32 v44, v45;
	v45 =	vor.u32 v24, v36;
	v44 =	vld.idx.msk [tilespmem:v51+s13+$0x0], $0xffff  }
0x22d: {  	v51 =	vor.u32 v24, v37;
	v42 =	vld.idx.msk [tilespmem:v42+s29+$0x0], $0xffff  }
0x22e: {  	v38 =	vadd.f32 v39, v38;
	v39 =	vmul.f32 v41, v46;
	v46 =	vor.u32 v25, v36;
	v41 =	vld.idx.msk [tilespmem:v48+s13+$0x0], $0xffff  }
0x22f: {  	v48 =	vor.u32 v25, v37;
	v43 =	vld.idx.msk [tilespmem:v43+s29+$0x0], $0xffff  }
0x230: {  	v38 =	vadd.f32 v39, v38;
	v39 =	vmul.f32 v40, v47;
	v47 =	vor.u32 v26, v36;
	v40 =	vld.idx.msk [tilespmem:v50+s13+$0x0], $0xffff  }
0x231: {  	v50 =	vor.u32 v26, v37;
	v45 =	vld.idx.msk [tilespmem:v45+s29+$0x0], $0xffff  }
0x232: {  	v38 =	vadd.f32 v39, v38;
	v39 =	vmul.f32 v44, v49;
	v49 =	vor.u32 v27, v36;
	v44 =	vld.idx.msk [tilespmem:v51+s13+$0x0], $0xffff  }
0x233: {  	v51 =	vor.u32 v27, v37;
	v46 =	vld.idx.msk [tilespmem:v46+s29+$0x0], $0xffff  }
0x234: {  	v38 =	vadd.f32 v39, v38;
	v39 =	vmul.f32 v41, v42;
	v42 =	vor.u32 v28, v36;
	v41 =	vld.idx.msk [tilespmem:v48+s13+$0x0], $0xffff  }
0x235: {  	v48 =	vor.u32 v28, v37;
	v47 =	vld.idx.msk [tilespmem:v47+s29+$0x0], $0xffff  }
0x236: {  	v38 =	vadd.f32 v39, v38;
	v39 =	vmul.f32 v40, v43;
	v43 =	vor.u32 v29, v36;
	v40 =	vld.idx.msk [tilespmem:v50+s13+$0x0], $0xffff  }
0x237: {  	v50 =	vor.u32 v29, v37;
	v49 =	vld.idx.msk [tilespmem:v49+s29+$0x0], $0xffff  }
0x238: {  	v38 =	vadd.f32 v39, v38;
	v39 =	vmul.f32 v44, v45;
	v45 =	vor.u32 v30, v36;
	v44 =	vld.idx.msk [tilespmem:v51+s13+$0x0], $0xffff  }
0x239: {  	v51 =	vor.u32 v30, v37;
	v42 =	vld.idx.msk [tilespmem:v42+s29+$0x0], $0xffff  }
0x23a: {  	v38 =	vadd.f32 v39, v38;
	v39 =	vmul.f32 v41, v46;
	v46 =	vor.u32 v31, v36;
	v41 =	vld.idx.msk [tilespmem:v48+s13+$0x0], $0xffff  }
0x23b: {  	v48 =	vor.u32 v31, v37;
	v43 =	vld.idx.msk [tilespmem:v43+s29+$0x0], $0xffff  }
0x23c: {  	v38 =	vadd.f32 v39, v38;
	v39 =	vmul.f32 v40, v47;
	v47 =	vor.u32 v32, v36;
	v40 =	vld.idx.msk [tilespmem:v50+s13+$0x0], $0xffff  }
0x23d: {  	v50 =	vor.u32 v32, v37;
	v45 =	vld.idx.msk [tilespmem:v45+s29+$0x0], $0xffff  }
0x23e: {  	v38 =	vadd.f32 v39, v38;
	v39 =	vmul.f32 v44, v49;
	v49 =	vor.u32 v33, v36;
	v44 =	vld.idx.msk [tilespmem:v51+s13+$0x0], $0xffff  }
0x23f: {  	v51 =	vor.u32 v33, v37;
	v46 =	vld.idx.msk [tilespmem:v46+s29+$0x0], $0xffff  }
0x240: {  	v38 =	vadd.f32 v39, v38;
	v39 =	vmul.f32 v41, v42;
	v42 =	vor.u32 v34, v36;
	v41 =	vld.idx.msk [tilespmem:v48+s13+$0x0], $0xffff  }
0x241: {  	v48 =	vor.u32 v34, v37;
	v47 =	vld.idx.msk [tilespmem:v47+s29+$0x0], $0xffff  }
0x242: {  	v36 =	vor.u32 v35, v36;
	v38 =	vadd.f32 v39, v38;
	v39 =	vmul.f32 v40, v43;
	v40 =	vld.idx.msk [tilespmem:v50+s13+$0x0], $0xffff  }
0x243: {  	v37 =	vor.u32 v35, v37;
	v43 =	vld.idx.msk [tilespmem:v49+s29+$0x0], $0xffff  }
0x244: {  	v38 =	vadd.f32 v39, v38;
	v39 =	vmul.f32 v44, v45;
	v44 =	vld.idx.msk [tilespmem:v51+s13+$0x0], $0xffff  }
0x245: {  	v42 =	vld.idx.msk [tilespmem:v42+s29+$0x0], $0xffff  }
0x246: {  	v38 =	vadd.f32 v39, v38;
	v39 =	vmul.f32 v41, v46;
	v41 =	vld.idx.msk [tilespmem:v48+s13+$0x0], $0xffff  }
0x247: {  	v36 =	vld.idx.msk [tilespmem:v36+s29+$0x0], $0xffff  }
0x248: {  	v38 =	vadd.f32 v39, v38;
	v39 =	vmul.f32 v40, v47;
	v37 =	vld.idx.msk [tilespmem:v37+s13+$0x0], $0xffff;
	_ =	sdelay $0x1  }
0x249: {  	v38 =	vadd.f32 v39, v38;
	v39 =	vmul.f32 v44, v43;
	_ =	sdelay $0x1  }
.Ltmp0:
0x24a: {  	v39 =	vadd.f32 v39, v38;
	v40 =	vmul.f32 v41, v42;
	(pc) =	sbr.rel @p0 .LBB2_2-.Ltmp0, $3  }
0x24b: {  	_ = 	snop  }
0x24c: {  	v38 =	vor.u32 s11, v0;
	v39 =	vadd.f32 v40, v39;
	v36 =	vmul.f32 v37, v36;
	_ =	sdelay $0x1  }
0x24d: {  	s11 =	sadd.s32 $0x10, s11;
	v36 =	vadd.f32 v36, v39  }
0x24e: {  	_ =	sdelay $0x1  }
0x24f: {  	s11 =	sadd.s32 $0x10, s12  }
0x250: {  	[tilespmem:s11+$0x0] =	vst v36  }
0x251: {  	v36 =	vld.idx.msk [tilespmem:v38+s2+$0x0], $0xffff  }
0x252: {  	v37 =	vld.idx.msk [tilespmem:v38+s18+$0x0], $0xffff;
	_ =	sdelay $0x1  }
0x253: {  	v39 =	vshll.u32 v38, $0x8  }
0x254: {  	v39 =	vand.u32 $0x7800, v39  }
0x255: {  	v41 =	vor.u32 v2, v39  }
0x256: {  	v40 =	vshll.u32 v36, $0x5;
	v36 =	vshll.u32 v36, $0x8;
	v42 =	vshll.u32 v37, $0x8  }
0x257: {  	v37 =	vshll.u32 v37, $0x5;
	v40 =	vand.u32 $0x60, v40;
	v36 =	vand.u32 $0x400, v36  }
0x258: {  	v42 =	vand.u32 $0x400, v42;
	v37 =	vand.u32 $0x60, v37;
	v44 =	vor.u32 v36, v41  }
0x259: {  	v43 =	vor.u32 v39, v40;
	v41 =	vor.u32 v42, v41;
	v40 =	vor.u32 v40, v44  }
0x25a: {  	v41 =	vor.u32 v37, v41;
	v36 =	vor.u32 v36, v43;
	v37 =	vor.u32 v39, v37  }
0x25b: {  	v60 =	vor.u32 v5, v36;
	v37 =	vor.u32 v42, v37  }
0x25c: {  	v61 =	vld.idx.msk [tilespmem:v38+s25+$0x0], $0xffff;
	v62 =	vor.u32 v5, v37  }
0x25d: {  	v63 =	vld.idx.msk [tilespmem:v38+s26+$0x0], $0xffff;
	v53 =	vor.u32 v6, v36  }
0x25e: {  	v45 =	vor.u32 v6, v37;
	v40 =	vld.idx.msk [tilespmem:v40+s29+$0x0], $0xffff  }
0x25f: {  	v46 =	vor.u32 v7, v36;
	v41 =	vld.idx.msk [tilespmem:v41+s13+$0x0], $0xffff  }
0x260: {  	v47 =	vor.u32 v7, v37;
	v39 =	vld.idx.msk [tilespmem:v60+s29+$0x0], $0xffff  }
0x261: {  	v48 =	vor.u32 v8, v36;
	v43 =	vld.idx.msk [tilespmem:v62+s13+$0x0], $0xffff  }
0x262: {  	v49 =	vor.u32 v8, v37;
	v44 =	vld.idx.msk [tilespmem:v53+s29+$0x0], $0xffff  }
0x263: {  	v50 =	vor.u32 v9, v36;
	v45 =	vld.idx.msk [tilespmem:v45+s13+$0x0], $0xffff  }
0x264: {  	v38 =	vadd.f32 v63, v61;
	v51 =	vor.u32 v9, v37;
	v46 =	vld.idx.msk [tilespmem:v46+s29+$0x0], $0xffff;
	v40 =	vmul.f32 v41, v40  }
0x265: {  	v55 =	vor.u32 v10, v36;
	v54 =	vld.idx.msk [tilespmem:v47+s13+$0x0], $0xffff  }
0x266: {  	v56 =	vor.u32 v10, v37;
	v47 =	vld.idx.msk [tilespmem:v48+s29+$0x0], $0xffff;
	v38 =	vadd.f32 v40, v38;
	v39 =	vmul.f32 v43, v39  }
0x267: {  	v58 =	vor.u32 v11, v36;
	v57 =	vld.idx.msk [tilespmem:v49+s13+$0x0], $0xffff  }
0x268: {  	v59 =	vor.u32 v11, v37;
	v49 =	vld.idx.msk [tilespmem:v50+s29+$0x0], $0xffff;
	v60 =	vmul.f32 v45, v44;
	v38 =	vadd.f32 v39, v38  }
0x269: {  	v61 =	vld.idx.msk [tilespmem:v51+s13+$0x0], $0xffff;
	v62 =	vor.u32 v12, v36  }
0x26a: {  	v63 =	vor.u32 v12, v37;
	v42 =	vld.idx.msk [tilespmem:v55+s29+$0x0], $0xffff;
	v53 =	vmul.f32 v54, v46;
	v38 =	vadd.f32 v60, v38  }
0x26b: {  	v41 =	vld.idx.msk [tilespmem:v56+s13+$0x0], $0xffff;
	v54 =	vor.u32 v13, v36  }
0x26c: {  	v55 =	vor.u32 v13, v37;
	v43 =	vld.idx.msk [tilespmem:v58+s29+$0x0], $0xffff;
	v56 =	vmul.f32 v57, v47;
	v38 =	vadd.f32 v53, v38  }
0x26d: {  	v57 =	vld.idx.msk [tilespmem:v59+s13+$0x0], $0xffff;
	v58 =	vor.u32 v14, v36  }
0x26e: {  	v45 =	vld.idx.msk [tilespmem:v62+s29+$0x0], $0xffff;
	v59 =	vor.u32 v14, v37;
	v60 =	vmul.f32 v61, v49;
	v38 =	vadd.f32 v56, v38  }
0x26f: {  	v62 =	vor.u32 v15, v36;
	v61 =	vld.idx.msk [tilespmem:v63+s13+$0x0], $0xffff  }
0x270: {  	v63 =	vor.u32 v15, v37;
	v46 =	vld.idx.msk [tilespmem:v54+s29+$0x0], $0xffff;
	v53 =	vmul.f32 v41, v42;
	v38 =	vadd.f32 v60, v38  }
0x271: {  	v54 =	vor.u32 v16, v36;
	v41 =	vld.idx.msk [tilespmem:v55+s13+$0x0], $0xffff  }
0x272: {  	v47 =	vld.idx.msk [tilespmem:v58+s29+$0x0], $0xffff;
	v55 =	vor.u32 v16, v37;
	v56 =	vmul.f32 v57, v43;
	v38 =	vadd.f32 v53, v38  }
0x273: {  	v58 =	vor.u32 v17, v36;
	v57 =	vld.idx.msk [tilespmem:v59+s13+$0x0], $0xffff  }
0x274: {  	v49 =	vld.idx.msk [tilespmem:v62+s29+$0x0], $0xffff;
	v59 =	vor.u32 v17, v37;
	v60 =	vmul.f32 v61, v45;
	v38 =	vadd.f32 v56, v38  }
0x275: {  	v62 =	vor.u32 v18, v36;
	v61 =	vld.idx.msk [tilespmem:v63+s13+$0x0], $0xffff  }
0x276: {  	v42 =	vld.idx.msk [tilespmem:v54+s29+$0x0], $0xffff;
	v63 =	vor.u32 v18, v37;
	v53 =	vmul.f32 v41, v46;
	v38 =	vadd.f32 v60, v38  }
0x277: {  	v54 =	vor.u32 v19, v36;
	v41 =	vld.idx.msk [tilespmem:v55+s13+$0x0], $0xffff  }
0x278: {  	v43 =	vld.idx.msk [tilespmem:v58+s29+$0x0], $0xffff;
	v55 =	vor.u32 v19, v37;
	v56 =	vmul.f32 v57, v47;
	v38 =	vadd.f32 v53, v38  }
0x279: {  	v58 =	vor.u32 v20, v36;
	v57 =	vld.idx.msk [tilespmem:v59+s13+$0x0], $0xffff  }
0x27a: {  	v45 =	vld.idx.msk [tilespmem:v62+s29+$0x0], $0xffff;
	v59 =	vor.u32 v20, v37;
	v60 =	vmul.f32 v61, v49;
	v38 =	vadd.f32 v56, v38  }
0x27b: {  	v62 =	vor.u32 v21, v36;
	v61 =	vld.idx.msk [tilespmem:v63+s13+$0x0], $0xffff  }
0x27c: {  	v46 =	vld.idx.msk [tilespmem:v54+s29+$0x0], $0xffff;
	v63 =	vor.u32 v21, v37;
	v53 =	vmul.f32 v41, v42;
	v38 =	vadd.f32 v60, v38  }
0x27d: {  	v54 =	vor.u32 v22, v36;
	v41 =	vld.idx.msk [tilespmem:v55+s13+$0x0], $0xffff  }
0x27e: {  	v47 =	vld.idx.msk [tilespmem:v58+s29+$0x0], $0xffff;
	v55 =	vor.u32 v22, v37;
	v56 =	vmul.f32 v57, v43;
	v38 =	vadd.f32 v53, v38  }
0x27f: {  	v58 =	vor.u32 v23, v36;
	v57 =	vld.idx.msk [tilespmem:v59+s13+$0x0], $0xffff  }
0x280: {  	v49 =	vld.idx.msk [tilespmem:v62+s29+$0x0], $0xffff;
	v59 =	vor.u32 v23, v37;
	v60 =	vmul.f32 v61, v45;
	v38 =	vadd.f32 v56, v38  }
0x281: {  	v62 =	vor.u32 v24, v36;
	v61 =	vld.idx.msk [tilespmem:v63+s13+$0x0], $0xffff  }
0x282: {  	v42 =	vld.idx.msk [tilespmem:v54+s29+$0x0], $0xffff;
	v63 =	vor.u32 v24, v37;
	v53 =	vmul.f32 v41, v46;
	v38 =	vadd.f32 v60, v38  }
0x283: {  	v54 =	vor.u32 v25, v36;
	v41 =	vld.idx.msk [tilespmem:v55+s13+$0x0], $0xffff  }
0x284: {  	v43 =	vld.idx.msk [tilespmem:v58+s29+$0x0], $0xffff;
	v55 =	vor.u32 v25, v37;
	v56 =	vmul.f32 v57, v47;
	v38 =	vadd.f32 v53, v38  }
0x285: {  	v58 =	vor.u32 v26, v36;
	v57 =	vld.idx.msk [tilespmem:v59+s13+$0x0], $0xffff  }
0x286: {  	v45 =	vld.idx.msk [tilespmem:v62+s29+$0x0], $0xffff;
	v59 =	vor.u32 v26, v37;
	v60 =	vmul.f32 v61, v49;
	v38 =	vadd.f32 v56, v38  }
0x287: {  	v62 =	vor.u32 v27, v36;
	v61 =	vld.idx.msk [tilespmem:v63+s13+$0x0], $0xffff  }
0x288: {  	v46 =	vld.idx.msk [tilespmem:v54+s29+$0x0], $0xffff;
	v63 =	vor.u32 v27, v37;
	v53 =	vmul.f32 v41, v42;
	v38 =	vadd.f32 v60, v38  }
0x289: {  	v54 =	vor.u32 v28, v36;
	v41 =	vld.idx.msk [tilespmem:v55+s13+$0x0], $0xffff  }
0x28a: {  	v47 =	vld.idx.msk [tilespmem:v58+s29+$0x0], $0xffff;
	v55 =	vor.u32 v28, v37;
	v56 =	vmul.f32 v57, v43;
	v38 =	vadd.f32 v53, v38  }
0x28b: {  	v58 =	vor.u32 v29, v36;
	v57 =	vld.idx.msk [tilespmem:v59+s13+$0x0], $0xffff  }
0x28c: {  	v49 =	vld.idx.msk [tilespmem:v62+s29+$0x0], $0xffff;
	v59 =	vor.u32 v29, v37;
	v60 =	vmul.f32 v61, v45;
	v38 =	vadd.f32 v56, v38  }
0x28d: {  	v62 =	vor.u32 v30, v36;
	v61 =	vld.idx.msk [tilespmem:v63+s13+$0x0], $0xffff  }
0x28e: {  	v42 =	vld.idx.msk [tilespmem:v54+s29+$0x0], $0xffff;
	v63 =	vor.u32 v30, v37;
	v53 =	vmul.f32 v41, v46;
	v38 =	vadd.f32 v60, v38  }
0x28f: {  	v54 =	vor.u32 v31, v36;
	v41 =	vld.idx.msk [tilespmem:v55+s13+$0x0], $0xffff  }
0x290: {  	v43 =	vld.idx.msk [tilespmem:v58+s29+$0x0], $0xffff;
	v55 =	vor.u32 v31, v37;
	v56 =	vmul.f32 v57, v47;
	v38 =	vadd.f32 v53, v38  }
0x291: {  	v58 =	vor.u32 v32, v36;
	v57 =	vld.idx.msk [tilespmem:v59+s13+$0x0], $0xffff  }
0x292: {  	v45 =	vld.idx.msk [tilespmem:v62+s29+$0x0], $0xffff;
	v59 =	vor.u32 v32, v37;
	v60 =	vmul.f32 v61, v49;
	v38 =	vadd.f32 v56, v38  }
0x293: {  	v62 =	vor.u32 v33, v36;
	v61 =	vld.idx.msk [tilespmem:v63+s13+$0x0], $0xffff  }
0x294: {  	v46 =	vld.idx.msk [tilespmem:v54+s29+$0x0], $0xffff;
	v63 =	vor.u32 v33, v37;
	v52 =	vmul.f32 v41, v42;
	v38 =	vadd.f32 v60, v38  }
0x295: {  	v54 =	vor.u32 v34, v36;
	v53 =	vld.idx.msk [tilespmem:v55+s13+$0x0], $0xffff  }
0x296: {  	v47 =	vld.idx.msk [tilespmem:v58+s29+$0x0], $0xffff;
	v55 =	vor.u32 v34, v37;
	v56 =	vmul.f32 v57, v43;
	v38 =	vadd.f32 v52, v38  }
0x297: {  	v36 =	vor.u32 v35, v36;
	v57 =	vld.idx.msk [tilespmem:v59+s13+$0x0], $0xffff  }
0x298: {  	v58 =	vld.idx.msk [tilespmem:v62+s29+$0x0], $0xffff;
	v37 =	vor.u32 v35, v37;
	v59 =	vmul.f32 v61, v45;
	v38 =	vadd.f32 v56, v38  }
0x299: {  	v60 =	vld.idx.msk [tilespmem:v63+s13+$0x0], $0xffff  }
0x29a: {  	v42 =	vld.idx.msk [tilespmem:v54+s29+$0x0], $0xffff;
	v61 =	vmul.f32 v53, v46;
	v38 =	vadd.f32 v59, v38  }
0x29b: {  	v62 =	vld.idx.msk [tilespmem:v55+s13+$0x0], $0xffff  }
0x29c: {  	v36 =	vld.idx.msk [tilespmem:v36+s29+$0x0], $0xffff;
	v63 =	vmul.f32 v57, v47;
	v38 =	vadd.f32 v61, v38  }
0x29d: {  	v37 =	vld.idx.msk [tilespmem:v37+s13+$0x0], $0xffff  }
0x29e: {  	v45 =	vmul.f32 v60, v58;
	v38 =	vadd.f32 v63, v38;
	_ =	sdelay $0x1  }
0x29f: {  	v46 =	vmul.f32 v62, v42;
	v38 =	vadd.f32 v45, v38;
	_ =	sdelay $0x1  }
0x2a0: {  	v36 =	vmul.f32 v37, v36;
	v38 =	vadd.f32 v46, v38;
	_ =	sdelay $0x1  }
0x2a1: {  	v36 =	vadd.f32 v36, v38  }
0x2a2: {  	s11 =	sadd.s32 $0x10, s11  }
0x2a3: {  	[tilespmem:s11+$0x0] =	vst v36  }
0x2a4: {  	v36 =	vld [tilespmem:$0x480];
	_ =	sdelay $0x4  }
0x2a5: {  	v47 =	vshll.u32 v36, $0x1  }
0x2a6: {  	v36 =	vand.u32 $0x7, v36;
	v37 =	vand.u32 $0xFFFFFFF0, v47  }
0x2a7: {  	v36 =	vor.u32 v36, v37  }
0x2a8: {  	v37 =	vperm.xlane v36, v1;
	_ =	sdelay $0x1  }
0x2a9: {  	v36 =	vperm.xlane v36, v4;
	v37 =	vadd.s32 v3, v37;
	_ =	sdelay $0x1  }
0x2aa: {  	v36 =	vadd.s32 v3, v36;
	_ =	sdelay $0x1  }
0x2ab: {  	s11 =	simm.s32 $0x0  }
0x2ac: {  	[tilespmem:s29], [sflag:$0x1] =	stream.indirect_vreg.gather [hbm4b:s4+s11], $0x80, v37, vm0, $0xb8;
	[tilespmem:$0x10E00] =	vst v63  }
0x2ad: {  	_ = 	snop  }
0x2ae: {  	[tilespmem:s15], [sflag:$0x1] =	stream.indirect_vreg.gather [hbm4b:s4+s11], $0x80, v36, vm0, $0xb8;
	[tilespmem:$0x10E00] =	vst v63  }
0x2af: {  	v36 =	vld [tilespmem:$0x490];
	_ =	sdelay $0x4  }
0x2b0: {  	v48 =	vshll.u32 v36, $0x1  }
0x2b1: {  	v36 =	vand.u32 $0x7, v36;
	v37 =	vand.u32 $0xFFFFFFF0, v48  }
0x2b2: {  	v36 =	vor.u32 v36, v37  }
0x2b3: {  	v37 =	vperm.xlane v36, v1;
	_ =	sdelay $0x1  }
0x2b4: {  	v36 =	vperm.xlane v36, v4;
	v37 =	vadd.s32 v3, v37;
	_ =	sdelay $0x1  }
0x2b5: {  	v36 =	vadd.s32 v3, v36;
	_ =	sdelay $0x2  }
0x2b6: {  	[tilespmem:s16], [sflag:$0x1] =	stream.indirect_vreg.gather [hbm4b:s4+s11], $0x80, v37, vm0, $0xb8;
	[tilespmem:$0x10E00] =	vst v63  }
0x2b7: {  	_ = 	snop  }
0x2b8: {  	[tilespmem:s30], [sflag:$0x1] =	stream.indirect_vreg.gather [hbm4b:s4+s11], $0x80, v36, vm0, $0xb8;
	[tilespmem:$0x10E00] =	vst v63  }
0x2b9: {  	v36 =	vld [tilespmem:$0x4A0];
	_ =	sdelay $0x4  }
0x2ba: {  	v49 =	vshll.u32 v36, $0x1  }
0x2bb: {  	v36 =	vand.u32 $0x7, v36;
	v37 =	vand.u32 $0xFFFFFFF0, v49  }
0x2bc: {  	v36 =	vor.u32 v36, v37  }
0x2bd: {  	v37 =	vperm.xlane v36, v1;
	_ =	sdelay $0x1  }
0x2be: {  	v36 =	vperm.xlane v36, v4;
	v37 =	vadd.s32 v3, v37;
	_ =	sdelay $0x1  }
0x2bf: {  	v36 =	vadd.s32 v3, v36;
	_ =	sdelay $0x1  }
0x2c0: {  	s14 =	simm.s32 $0x2800  }
0x2c1: {  	[tilespmem:s14], [sflag:$0x1] =	stream.indirect_vreg.gather [hbm4b:s4+s11], $0x80, v37, vm0, $0xb8;
	[tilespmem:$0x10E00] =	vst v63  }
0x2c2: {  	s14 =	simm.s32 $0x3000  }
0x2c3: {  	[tilespmem:s14], [sflag:$0x1] =	stream.indirect_vreg.gather [hbm4b:s4+s11], $0x80, v36, vm0, $0xb8;
	[tilespmem:$0x10E00] =	vst v63  }
0x2c4: {  	v36 =	vld [tilespmem:$0x4B0];
	_ =	sdelay $0x4  }
0x2c5: {  	v50 =	vshll.u32 v36, $0x1  }
0x2c6: {  	v36 =	vand.u32 $0x7, v36;
	v37 =	vand.u32 $0xFFFFFFF0, v50  }
0x2c7: {  	v36 =	vor.u32 v36, v37  }
0x2c8: {  	v37 =	vperm.xlane v36, v1;
	_ =	sdelay $0x1  }
0x2c9: {  	v36 =	vperm.xlane v36, v4;
	v37 =	vadd.s32 v3, v37;
	_ =	sdelay $0x1  }
0x2ca: {  	v36 =	vadd.s32 v3, v36;
	_ =	sdelay $0x1  }
0x2cb: {  	s14 =	simm.s32 $0x3800  }
0x2cc: {  	[tilespmem:s14], [sflag:$0x1] =	stream.indirect_vreg.gather [hbm4b:s4+s11], $0x80, v37, vm0, $0xb8;
	[tilespmem:$0x10E00] =	vst v63  }
0x2cd: {  	s14 =	simm.s32 $0x4000  }
0x2ce: {  	[tilespmem:s14], [sflag:$0x1] =	stream.indirect_vreg.gather [hbm4b:s4+s11], $0x80, v36, vm0, $0xb8;
	[tilespmem:$0x10E00] =	vst v63  }
0x2cf: {  	v36 =	vld [tilespmem:$0x4C0];
	_ =	sdelay $0x4  }
0x2d0: {  	v51 =	vshll.u32 v36, $0x1  }
0x2d1: {  	v36 =	vand.u32 $0x7, v36;
	v37 =	vand.u32 $0xFFFFFFF0, v51  }
0x2d2: {  	v36 =	vor.u32 v36, v37  }
0x2d3: {  	v37 =	vperm.xlane v36, v1;
	_ =	sdelay $0x1  }
0x2d4: {  	v36 =	vperm.xlane v36, v4;
	v37 =	vadd.s32 v3, v37;
	_ =	sdelay $0x1  }
0x2d5: {  	v36 =	vadd.s32 v3, v36;
	_ =	sdelay $0x1  }
0x2d6: {  	s14 =	simm.s32 $0x4800  }
0x2d7: {  	[tilespmem:s14], [sflag:$0x1] =	stream.indirect_vreg.gather [hbm4b:s4+s11], $0x80, v37, vm0, $0xb8;
	[tilespmem:$0x10E00] =	vst v63  }
0x2d8: {  	s14 =	simm.s32 $0x5000  }
0x2d9: {  	[tilespmem:s14], [sflag:$0x1] =	stream.indirect_vreg.gather [hbm4b:s4+s11], $0x80, v36, vm0, $0xb8;
	[tilespmem:$0x10E00] =	vst v63  }
0x2da: {  	v36 =	vld [tilespmem:$0x4D0];
	_ =	sdelay $0x4  }
0x2db: {  	v52 =	vshll.u32 v36, $0x1  }
0x2dc: {  	v36 =	vand.u32 $0x7, v36;
	v37 =	vand.u32 $0xFFFFFFF0, v52  }
0x2dd: {  	v36 =	vor.u32 v36, v37  }
0x2de: {  	v37 =	vperm.xlane v36, v1;
	_ =	sdelay $0x1  }
0x2df: {  	v36 =	vperm.xlane v36, v4;
	v37 =	vadd.s32 v3, v37;
	_ =	sdelay $0x1  }
0x2e0: {  	v36 =	vadd.s32 v3, v36;
	_ =	sdelay $0x1  }
0x2e1: {  	s14 =	simm.s32 $0x5800  }
0x2e2: {  	[tilespmem:s14], [sflag:$0x1] =	stream.indirect_vreg.gather [hbm4b:s4+s11], $0x80, v37, vm0, $0xb8;
	[tilespmem:$0x10E00] =	vst v63  }
0x2e3: {  	s14 =	simm.s32 $0x6000  }
0x2e4: {  	[tilespmem:s14], [sflag:$0x1] =	stream.indirect_vreg.gather [hbm4b:s4+s11], $0x80, v36, vm0, $0xb8;
	[tilespmem:$0x10E00] =	vst v63  }
0x2e5: {  	v36 =	vld [tilespmem:$0x4E0];
	_ =	sdelay $0x4  }
0x2e6: {  	v53 =	vshll.u32 v36, $0x1  }
0x2e7: {  	v36 =	vand.u32 $0x7, v36;
	v37 =	vand.u32 $0xFFFFFFF0, v53  }
0x2e8: {  	v36 =	vor.u32 v36, v37  }
0x2e9: {  	v37 =	vperm.xlane v36, v1;
	_ =	sdelay $0x1  }
0x2ea: {  	v36 =	vperm.xlane v36, v4;
	v37 =	vadd.s32 v3, v37;
	_ =	sdelay $0x1  }
0x2eb: {  	v36 =	vadd.s32 v3, v36;
	_ =	sdelay $0x1  }
0x2ec: {  	s14 =	simm.s32 $0x6800  }
0x2ed: {  	[tilespmem:s14], [sflag:$0x1] =	stream.indirect_vreg.gather [hbm4b:s4+s11], $0x80, v37, vm0, $0xb8;
	[tilespmem:$0x10E00] =	vst v63  }
0x2ee: {  	s14 =	simm.s32 $0x7000  }
0x2ef: {  	[tilespmem:s14], [sflag:$0x1] =	stream.indirect_vreg.gather [hbm4b:s4+s11], $0x80, v36, vm0, $0xb8;
	[tilespmem:$0x10E00] =	vst v63  }
0x2f0: {  	v36 =	vld [tilespmem:$0x4F0];
	_ =	sdelay $0x4  }
0x2f1: {  	v54 =	vshll.u32 v36, $0x1  }
0x2f2: {  	v36 =	vand.u32 $0x7, v36;
	v37 =	vand.u32 $0xFFFFFFF0, v54  }
0x2f3: {  	v36 =	vor.u32 v36, v37  }
0x2f4: {  	v37 =	vperm.xlane v36, v1;
	_ =	sdelay $0x1  }
0x2f5: {  	v36 =	vperm.xlane v36, v4;
	v37 =	vadd.s32 v3, v37;
	_ =	sdelay $0x1  }
0x2f6: {  	v36 =	vadd.s32 v3, v36;
	_ =	sdelay $0x1  }
0x2f7: {  	s14 =	simm.s32 $0x7800  }
0x2f8: {  	[tilespmem:s14], [sflag:$0x1] =	stream.indirect_vreg.gather [hbm4b:s4+s11], $0x80, v37, vm0, $0xb8;
	[tilespmem:$0x10E00] =	vst v63  }
0x2f9: {  	s14 =	simm.s32 $0x8000  }
0x2fa: {  	[tilespmem:s14], [sflag:$0x1] =	stream.indirect_vreg.gather [hbm4b:s4+s11], $0x80, v36, vm0, $0xb8;
	[tilespmem:$0x10E00] =	vst v63  }
0x2fb: {  	v36 =	vld [tilespmem:$0x680];
	_ =	sdelay $0x4  }
0x2fc: {  	v55 =	vshll.u32 v36, $0x1  }
0x2fd: {  	v36 =	vand.u32 $0x7, v36;
	v37 =	vand.u32 $0xFFFFFFF0, v55  }
0x2fe: {  	v36 =	vor.u32 v36, v37  }
0x2ff: {  	v37 =	vperm.xlane v36, v1;
	_ =	sdelay $0x1  }
0x300: {  	v36 =	vperm.xlane v36, v4;
	v37 =	vadd.s32 v3, v37;
	_ =	sdelay $0x1  }
0x301: {  	v36 =	vadd.s32 v3, v36;
	_ =	sdelay $0x2  }
0x302: {  	[tilespmem:s13], [sflag:$0x1] =	stream.indirect_vreg.gather [hbm4b:s5+s11], $0x80, v37, vm0, $0xb8;
	[tilespmem:$0x10E00] =	vst v63  }
0x303: {  	s14 =	simm.s32 $0x9000  }
0x304: {  	[tilespmem:s14], [sflag:$0x1] =	stream.indirect_vreg.gather [hbm4b:s5+s11], $0x80, v36, vm0, $0xb8;
	[tilespmem:$0x10E00] =	vst v63  }
0x305: {  	v36 =	vld [tilespmem:$0x690];
	_ =	sdelay $0x4  }
0x306: {  	v56 =	vshll.u32 v36, $0x1  }
0x307: {  	v36 =	vand.u32 $0x7, v36;
	v37 =	vand.u32 $0xFFFFFFF0, v56  }
0x308: {  	v36 =	vor.u32 v36, v37  }
0x309: {  	v37 =	vperm.xlane v36, v1;
	_ =	sdelay $0x1  }
0x30a: {  	v36 =	vperm.xlane v36, v4;
	v37 =	vadd.s32 v3, v37;
	_ =	sdelay $0x1  }
0x30b: {  	v36 =	vadd.s32 v3, v36;
	_ =	sdelay $0x1  }
0x30c: {  	s14 =	simm.s32 $0x9800  }
0x30d: {  	[tilespmem:s14], [sflag:$0x1] =	stream.indirect_vreg.gather [hbm4b:s5+s11], $0x80, v37, vm0, $0xb8;
	[tilespmem:$0x10E00] =	vst v63  }
0x30e: {  	s14 =	simm.s32 $0xA000  }
0x30f: {  	[tilespmem:s14], [sflag:$0x1] =	stream.indirect_vreg.gather [hbm4b:s5+s11], $0x80, v36, vm0, $0xb8;
	[tilespmem:$0x10E00] =	vst v63  }
0x310: {  	v36 =	vld [tilespmem:$0x6A0];
	_ =	sdelay $0x4  }
0x311: {  	v57 =	vshll.u32 v36, $0x1  }
0x312: {  	v36 =	vand.u32 $0x7, v36;
	v37 =	vand.u32 $0xFFFFFFF0, v57  }
0x313: {  	v36 =	vor.u32 v36, v37  }
0x314: {  	v37 =	vperm.xlane v36, v1;
	_ =	sdelay $0x1  }
0x315: {  	v36 =	vperm.xlane v36, v4;
	v37 =	vadd.s32 v3, v37;
	_ =	sdelay $0x1  }
0x316: {  	v36 =	vadd.s32 v3, v36;
	_ =	sdelay $0x1  }
0x317: {  	s14 =	simm.s32 $0xA800  }
0x318: {  	[tilespmem:s14], [sflag:$0x1] =	stream.indirect_vreg.gather [hbm4b:s5+s11], $0x80, v37, vm0, $0xb8;
	[tilespmem:$0x10E00] =	vst v63  }
0x319: {  	s14 =	simm.s32 $0xB000  }
0x31a: {  	[tilespmem:s14], [sflag:$0x1] =	stream.indirect_vreg.gather [hbm4b:s5+s11], $0x80, v36, vm0, $0xb8;
	[tilespmem:$0x10E00] =	vst v63  }
0x31b: {  	v36 =	vld [tilespmem:$0x6B0];
	_ =	sdelay $0x4  }
0x31c: {  	v58 =	vshll.u32 v36, $0x1  }
0x31d: {  	v36 =	vand.u32 $0x7, v36;
	v37 =	vand.u32 $0xFFFFFFF0, v58  }
0x31e: {  	v36 =	vor.u32 v36, v37  }
0x31f: {  	v37 =	vperm.xlane v36, v1;
	_ =	sdelay $0x1  }
0x320: {  	v36 =	vperm.xlane v36, v4;
	v37 =	vadd.s32 v3, v37;
	_ =	sdelay $0x1  }
0x321: {  	v36 =	vadd.s32 v3, v36;
	_ =	sdelay $0x2  }
0x322: {  	[tilespmem:s0], [sflag:$0x1] =	stream.indirect_vreg.gather [hbm4b:s5+s11], $0x80, v37, vm0, $0xb8;
	[tilespmem:$0x10E00] =	vst v63  }
0x323: {  	_ = 	snop  }
0x324: {  	[tilespmem:s3], [sflag:$0x1] =	stream.indirect_vreg.gather [hbm4b:s5+s11], $0x80, v36, vm0, $0xb8;
	[tilespmem:$0x10E00] =	vst v63  }
0x325: {  	v36 =	vld [tilespmem:$0x6C0];
	_ =	sdelay $0x4  }
0x326: {  	v59 =	vshll.u32 v36, $0x1  }
0x327: {  	v36 =	vand.u32 $0x7, v36;
	v37 =	vand.u32 $0xFFFFFFF0, v59  }
0x328: {  	v36 =	vor.u32 v36, v37  }
0x329: {  	v37 =	vperm.xlane v36, v1;
	_ =	sdelay $0x1  }
0x32a: {  	v36 =	vperm.xlane v36, v4;
	v37 =	vadd.s32 v3, v37;
	_ =	sdelay $0x1  }
0x32b: {  	v36 =	vadd.s32 v3, v36;
	_ =	sdelay $0x2  }
0x32c: {  	[tilespmem:s20], [sflag:$0x1] =	stream.indirect_vreg.gather [hbm4b:s5+s11], $0x80, v37, vm0, $0xb8;
	[tilespmem:$0x10E00] =	vst v63  }
0x32d: {  	_ = 	snop  }
0x32e: {  	[tilespmem:s21], [sflag:$0x1] =	stream.indirect_vreg.gather [hbm4b:s5+s11], $0x80, v36, vm0, $0xb8;
	[tilespmem:$0x10E00] =	vst v63  }
0x32f: {  	v36 =	vld [tilespmem:$0x6D0];
	_ =	sdelay $0x4  }
0x330: {  	v60 =	vshll.u32 v36, $0x1  }
0x331: {  	v36 =	vand.u32 $0x7, v36;
	v37 =	vand.u32 $0xFFFFFFF0, v60  }
0x332: {  	v36 =	vor.u32 v36, v37  }
0x333: {  	v37 =	vperm.xlane v36, v1;
	_ =	sdelay $0x1  }
0x334: {  	v36 =	vperm.xlane v36, v4;
	v37 =	vadd.s32 v3, v37;
	_ =	sdelay $0x1  }
0x335: {  	v36 =	vadd.s32 v3, v36;
	_ =	sdelay $0x2  }
0x336: {  	[tilespmem:s22], [sflag:$0x1] =	stream.indirect_vreg.gather [hbm4b:s5+s11], $0x80, v37, vm0, $0xb8;
	[tilespmem:$0x10E00] =	vst v63  }
0x337: {  	_ = 	snop  }
0x338: {  	[tilespmem:s23], [sflag:$0x1] =	stream.indirect_vreg.gather [hbm4b:s5+s11], $0x80, v36, vm0, $0xb8;
	[tilespmem:$0x10E00] =	vst v63  }
0x339: {  	v36 =	vld [tilespmem:$0x6E0];
	_ =	sdelay $0x4  }
0x33a: {  	v61 =	vshll.u32 v36, $0x1  }
0x33b: {  	v36 =	vand.u32 $0x7, v36;
	v37 =	vand.u32 $0xFFFFFFF0, v61  }
0x33c: {  	v36 =	vor.u32 v36, v37  }
0x33d: {  	v37 =	vperm.xlane v36, v1;
	_ =	sdelay $0x1  }
0x33e: {  	v36 =	vperm.xlane v36, v4;
	v37 =	vadd.s32 v3, v37;
	_ =	sdelay $0x1  }
0x33f: {  	v36 =	vadd.s32 v3, v36;
	_ =	sdelay $0x2  }
0x340: {  	[tilespmem:s24], [sflag:$0x1] =	stream.indirect_vreg.gather [hbm4b:s5+s11], $0x80, v37, vm0, $0xb8;
	[tilespmem:$0x10E00] =	vst v63  }
0x341: {  	_ = 	snop  }
0x342: {  	[tilespmem:s7], [sflag:$0x1] =	stream.indirect_vreg.gather [hbm4b:s5+s11], $0x80, v36, vm0, $0xb8;
	[tilespmem:$0x10E00] =	vst v63  }
0x343: {  	v36 =	vld [tilespmem:$0x6F0];
	_ =	sdelay $0x4  }
0x344: {  	v62 =	vshll.u32 v36, $0x1  }
0x345: {  	v36 =	vand.u32 $0x7, v36;
	v37 =	vand.u32 $0xFFFFFFF0, v62  }
0x346: {  	v36 =	vor.u32 v36, v37  }
0x347: {  	v37 =	vperm.xlane v36, v1;
	_ =	sdelay $0x1  }
0x348: {  	v36 =	vperm.xlane v36, v4;
	v37 =	vadd.s32 v3, v37;
	_ =	sdelay $0x1  }
0x349: {  	v36 =	vadd.s32 v3, v36;
	_ =	sdelay $0x2  }
0x34a: {  	[tilespmem:s8], [sflag:$0x1] =	stream.indirect_vreg.gather [hbm4b:s5+s11], $0x80, v37, vm0, $0xb8;
	[tilespmem:$0x10E00] =	vst v63  }
0x34b: {  	_ = 	snop  }
0x34c: {  	[tilespmem:s9], [sflag:$0x1] =	stream.indirect_vreg.gather [hbm4b:s5+s11], $0x80, v36, vm0, $0xb8;
	[tilespmem:$0x10E00] =	vst v63  }
0x34d: {  	v37 =	vor.u32 $0x80, v0;
	_ =	swait.ge [sflag:s28], $0x8000  }
0x34e: {  	v63 =	vor.u32 s11, v37;
	[sflag:s28] =	ssyncset.done $0x0  }
0x34f: {  	[sflag:s28] =	ssyncadd.s32 $0xFFFF8000  }
0x350: {  	_ =	swait.ge [sflag:s28], $0x8000  }
0x351: {  	[sflag:s28] =	ssyncset.done $0x0  }
0x352: {  	[sflag:s28] =	ssyncadd.s32 $0xFFFF8000  }
0x353: {  	v47 =	vld.idx.msk [tilespmem:v63+s2+$0x0], $0xffff  }
0x354: {  	v49 =	vmov s11;
	v36 =	vmul.u32 $0x100, v0;
	v48 =	vld.idx.msk [tilespmem:v63+s18+$0x0], $0xffff  }
0x355: {  	v41 =	vshll.u32 v49, $0x8  }
0x356: {  	v41 =	vor.u32 v36, v41  }
0x357: {  	v41 =	vand.u32 $0x7800, v41  }
0x358: {  	v51 =	vor.u32 v2, v41  }
0x359: {  	v50 =	vshll.u32 v47, $0x5;
	v38 =	vshll.u32 v47, $0x8;
	v52 =	vshll.u32 v48, $0x8  }
0x35a: {  	v39 =	vshll.u32 v48, $0x5;
	v42 =	vand.u32 $0x60, v50;
	v38 =	vand.u32 $0x400, v38  }
0x35b: {  	v44 =	vand.u32 $0x400, v52;
	v39 =	vand.u32 $0x60, v39;
	v54 =	vor.u32 v38, v51  }
0x35c: {  	v53 =	vor.u32 v41, v42;
	v43 =	vor.u32 v44, v51;
	v42 =	vor.u32 v42, v54  }
0x35d: {  	v43 =	vor.u32 v39, v43;
	v38 =	vor.u32 v38, v53;
	v39 =	vor.u32 v41, v39  }
0x35e: {  	v55 =	vor.u32 v5, v38;
	v39 =	vor.u32 v44, v39  }
0x35f: {  	v56 =	vld.idx.msk [tilespmem:v63+s25+$0x0], $0xffff;
	v57 =	vor.u32 v5, v39  }
0x360: {  	v40 =	vld.idx.msk [tilespmem:v63+s26+$0x0], $0xffff;
	v58 =	vor.u32 v6, v38  }
0x361: {  	v59 =	vor.u32 v6, v39;
	v42 =	vld.idx.msk [tilespmem:v42+s29+$0x0], $0xffff  }
0x362: {  	v60 =	vor.u32 v7, v38;
	v43 =	vld.idx.msk [tilespmem:v43+s13+$0x0], $0xffff  }
0x363: {  	v61 =	vor.u32 v7, v39;
	v41 =	vld.idx.msk [tilespmem:v55+s29+$0x0], $0xffff  }
0x364: {  	v62 =	vor.u32 v8, v38;
	v45 =	vld.idx.msk [tilespmem:v57+s13+$0x0], $0xffff  }
0x365: {  	v63 =	vor.u32 v8, v39;
	v46 =	vld.idx.msk [tilespmem:v58+s29+$0x0], $0xffff  }
0x366: {  	v52 =	vor.u32 v9, v38;
	v47 =	vld.idx.msk [tilespmem:v59+s13+$0x0], $0xffff  }
0x367: {  	v40 =	vadd.f32 v40, v56;
	v53 =	vor.u32 v9, v39;
	v48 =	vld.idx.msk [tilespmem:v60+s29+$0x0], $0xffff;
	v42 =	vmul.f32 v43, v42  }
0x368: {  	v56 =	vor.u32 v10, v38;
	v43 =	vld.idx.msk [tilespmem:v61+s13+$0x0], $0xffff  }
0x369: {  	v49 =	vld.idx.msk [tilespmem:v62+s29+$0x0], $0xffff;
	v57 =	vor.u32 v10, v39;
	v40 =	vadd.f32 v42, v40;
	v41 =	vmul.f32 v45, v41  }
0x36a: {  	v58 =	vor.u32 v11, v38;
	v42 =	vld.idx.msk [tilespmem:v63+s13+$0x0], $0xffff  }
0x36b: {  	v51 =	vld.idx.msk [tilespmem:v52+s29+$0x0], $0xffff;
	v59 =	vor.u32 v11, v39;
	v60 =	vmul.f32 v47, v46;
	v40 =	vadd.f32 v41, v40  }
0x36c: {  	v62 =	vor.u32 v12, v38;
	v61 =	vld.idx.msk [tilespmem:v53+s13+$0x0], $0xffff  }
0x36d: {  	v44 =	vld.idx.msk [tilespmem:v56+s29+$0x0], $0xffff;
	v63 =	vor.u32 v12, v39;
	v56 =	vmul.f32 v43, v48;
	v40 =	vadd.f32 v60, v40  }
0x36e: {  	v43 =	vld.idx.msk [tilespmem:v57+s13+$0x0], $0xffff;
	v57 =	vor.u32 v13, v38  }
0x36f: {  	v50 =	vor.u32 v13, v39;
	v45 =	vld.idx.msk [tilespmem:v58+s29+$0x0], $0xffff;
	v58 =	vmul.f32 v42, v49;
	v40 =	vadd.f32 v56, v40  }
0x370: {  	v42 =	vld.idx.msk [tilespmem:v59+s13+$0x0], $0xffff;
	v59 =	vor.u32 v14, v38  }
0x371: {  	v47 =	vld.idx.msk [tilespmem:v62+s29+$0x0], $0xffff;
	v61 =	vmul.f32 v61, v51;
	v60 =	vor.u32 v14, v39;
	v40 =	vadd.f32 v58, v40  }
0x372: {  	v62 =	vld.idx.msk [tilespmem:v63+s13+$0x0], $0xffff;
	v63 =	vor.u32 v15, v38  }
0x373: {  	v56 =	vor.u32 v15, v39;
	v48 =	vld.idx.msk [tilespmem:v57+s29+$0x0], $0xffff;
	v57 =	vmul.f32 v43, v44;
	v40 =	vadd.f32 v61, v40  }
0x374: {  	v43 =	vld.idx.msk [tilespmem:v50+s13+$0x0], $0xffff;
	v58 =	vor.u32 v16, v38  }
0x375: {  	v50 =	vor.u32 v16, v39;
	v49 =	vld.idx.msk [tilespmem:v59+s29+$0x0], $0xffff;
	v59 =	vmul.f32 v42, v45;
	v40 =	vadd.f32 v57, v40  }
0x376: {  	v42 =	vld.idx.msk [tilespmem:v60+s13+$0x0], $0xffff;
	v60 =	vor.u32 v17, v38  }
0x377: {  	v51 =	vld.idx.msk [tilespmem:v63+s29+$0x0], $0xffff;
	v61 =	vor.u32 v17, v39;
	v62 =	vmul.f32 v62, v47;
	v40 =	vadd.f32 v59, v40  }
0x378: {  	v63 =	vld.idx.msk [tilespmem:v56+s13+$0x0], $0xffff;
	v56 =	vor.u32 v18, v38  }
0x379: {  	v57 =	vor.u32 v18, v39;
	v44 =	vld.idx.msk [tilespmem:v58+s29+$0x0], $0xffff;
	v58 =	vmul.f32 v43, v48;
	v40 =	vadd.f32 v62, v40  }
0x37a: {  	v43 =	vld.idx.msk [tilespmem:v50+s13+$0x0], $0xffff;
	v59 =	vor.u32 v19, v38  }
0x37b: {  	v50 =	vor.u32 v19, v39;
	v45 =	vld.idx.msk [tilespmem:v60+s29+$0x0], $0xffff;
	v60 =	vmul.f32 v42, v49;
	v40 =	vadd.f32 v58, v40  }
0x37c: {  	v42 =	vld.idx.msk [tilespmem:v61+s13+$0x0], $0xffff;
	v61 =	vor.u32 v20, v38  }
0x37d: {  	v47 =	vld.idx.msk [tilespmem:v56+s29+$0x0], $0xffff;
	v62 =	vor.u32 v20, v39;
	v63 =	vmul.f32 v63, v51;
	v40 =	vadd.f32 v60, v40  }
0x37e: {  	v56 =	vld.idx.msk [tilespmem:v57+s13+$0x0], $0xffff;
	v57 =	vor.u32 v21, v38  }
0x37f: {  	v58 =	vor.u32 v21, v39;
	v48 =	vld.idx.msk [tilespmem:v59+s29+$0x0], $0xffff;
	v59 =	vmul.f32 v43, v44;
	v40 =	vadd.f32 v63, v40  }
0x380: {  	v43 =	vld.idx.msk [tilespmem:v50+s13+$0x0], $0xffff;
	v60 =	vor.u32 v22, v38  }
0x381: {  	v50 =	vor.u32 v22, v39;
	v49 =	vld.idx.msk [tilespmem:v61+s29+$0x0], $0xffff;
	v61 =	vmul.f32 v42, v45;
	v40 =	vadd.f32 v59, v40  }
0x382: {  	v42 =	vld.idx.msk [tilespmem:v62+s13+$0x0], $0xffff;
	v62 =	vor.u32 v23, v38  }
0x383: {  	v51 =	vld.idx.msk [tilespmem:v57+s29+$0x0], $0xffff;
	v63 =	vor.u32 v23, v39;
	v56 =	vmul.f32 v56, v47;
	v40 =	vadd.f32 v61, v40  }
0x384: {  	v57 =	vld.idx.msk [tilespmem:v58+s13+$0x0], $0xffff;
	v58 =	vor.u32 v24, v38  }
0x385: {  	v59 =	vor.u32 v24, v39;
	v44 =	vld.idx.msk [tilespmem:v60+s29+$0x0], $0xffff;
	v60 =	vmul.f32 v43, v48;
	v40 =	vadd.f32 v56, v40  }
0x386: {  	v43 =	vld.idx.msk [tilespmem:v50+s13+$0x0], $0xffff;
	v61 =	vor.u32 v25, v38  }
0x387: {  	v50 =	vor.u32 v25, v39;
	v45 =	vld.idx.msk [tilespmem:v62+s29+$0x0], $0xffff;
	v62 =	vmul.f32 v42, v49;
	v40 =	vadd.f32 v60, v40  }
0x388: {  	v42 =	vld.idx.msk [tilespmem:v63+s13+$0x0], $0xffff;
	v63 =	vor.u32 v26, v38  }
0x389: {  	v47 =	vld.idx.msk [tilespmem:v58+s29+$0x0], $0xffff;
	v56 =	vor.u32 v26, v39;
	v57 =	vmul.f32 v57, v51;
	v40 =	vadd.f32 v62, v40  }
0x38a: {  	v58 =	vld.idx.msk [tilespmem:v59+s13+$0x0], $0xffff;
	v59 =	vor.u32 v27, v38  }
0x38b: {  	v60 =	vor.u32 v27, v39;
	v48 =	vld.idx.msk [tilespmem:v61+s29+$0x0], $0xffff;
	v61 =	vmul.f32 v43, v44;
	v40 =	vadd.f32 v57, v40  }
0x38c: {  	v43 =	vld.idx.msk [tilespmem:v50+s13+$0x0], $0xffff;
	v62 =	vor.u32 v28, v38  }
0x38d: {  	v50 =	vor.u32 v28, v39;
	v49 =	vld.idx.msk [tilespmem:v63+s29+$0x0], $0xffff;
	v63 =	vmul.f32 v42, v45;
	v40 =	vadd.f32 v61, v40  }
0x38e: {  	v42 =	vld.idx.msk [tilespmem:v56+s13+$0x0], $0xffff;
	v56 =	vor.u32 v29, v38  }
0x38f: {  	v51 =	vld.idx.msk [tilespmem:v59+s29+$0x0], $0xffff;
	v57 =	vor.u32 v29, v39;
	v58 =	vmul.f32 v58, v47;
	v40 =	vadd.f32 v63, v40  }
0x390: {  	v59 =	vld.idx.msk [tilespmem:v60+s13+$0x0], $0xffff;
	v60 =	vor.u32 v30, v38  }
0x391: {  	v61 =	vor.u32 v30, v39;
	v44 =	vld.idx.msk [tilespmem:v62+s29+$0x0], $0xffff;
	v62 =	vmul.f32 v43, v48;
	v40 =	vadd.f32 v58, v40  }
0x392: {  	v43 =	vld.idx.msk [tilespmem:v50+s13+$0x0], $0xffff;
	v63 =	vor.u32 v31, v38  }
0x393: {  	v50 =	vor.u32 v31, v39;
	v45 =	vld.idx.msk [tilespmem:v56+s29+$0x0], $0xffff;
	v56 =	vmul.f32 v42, v49;
	v40 =	vadd.f32 v62, v40  }
0x394: {  	v42 =	vld.idx.msk [tilespmem:v57+s13+$0x0], $0xffff;
	v57 =	vor.u32 v32, v38  }
0x395: {  	v47 =	vld.idx.msk [tilespmem:v60+s29+$0x0], $0xffff;
	v58 =	vor.u32 v32, v39;
	v59 =	vmul.f32 v59, v51;
	v40 =	vadd.f32 v56, v40  }
0x396: {  	v60 =	vld.idx.msk [tilespmem:v61+s13+$0x0], $0xffff;
	v61 =	vor.u32 v33, v38  }
0x397: {  	v62 =	vor.u32 v33, v39;
	v48 =	vld.idx.msk [tilespmem:v63+s29+$0x0], $0xffff;
	v63 =	vmul.f32 v43, v44;
	v40 =	vadd.f32 v59, v40  }
0x398: {  	v55 =	vor.u32 v34, v38;
	v54 =	vld.idx.msk [tilespmem:v50+s13+$0x0], $0xffff  }
0x399: {  	v49 =	vld.idx.msk [tilespmem:v57+s29+$0x0], $0xffff;
	v56 =	vor.u32 v34, v39;
	v57 =	vmul.f32 v42, v45;
	v40 =	vadd.f32 v63, v40  }
0x39a: {  	v38 =	vor.u32 v35, v38;
	v58 =	vld.idx.msk [tilespmem:v58+s13+$0x0], $0xffff  }
0x39b: {  	v39 =	vor.u32 v35, v39;
	v59 =	vld.idx.msk [tilespmem:v61+s29+$0x0], $0xffff;
	v60 =	vmul.f32 v60, v47;
	v40 =	vadd.f32 v57, v40  }
0x39c: {  	v61 =	vld.idx.msk [tilespmem:v62+s13+$0x0], $0xffff  }
0x39d: {  	v44 =	vld.idx.msk [tilespmem:v55+s29+$0x0], $0xffff;
	v62 =	vmul.f32 v54, v48;
	v40 =	vadd.f32 v60, v40  }
0x39e: {  	v63 =	vld.idx.msk [tilespmem:v56+s13+$0x0], $0xffff  }
0x39f: {  	v38 =	vld.idx.msk [tilespmem:v38+s29+$0x0], $0xffff;
	v47 =	vmul.f32 v58, v49;
	v40 =	vadd.f32 v62, v40  }
0x3a0: {  	v39 =	vld.idx.msk [tilespmem:v39+s13+$0x0], $0xffff  }
0x3a1: {  	v48 =	vmul.f32 v61, v59;
	v40 =	vadd.f32 v47, v40;
	_ =	sdelay $0x1  }
0x3a2: {  	v49 =	vmul.f32 v63, v44;
	v40 =	vadd.f32 v48, v40  }
0x3a3: {  	s14 =	simm.s32 $0x10  }
0x3a4: {  	v50 =	vor.u32 s14, v37;
	v38 =	vmul.f32 v39, v38;
	v40 =	vadd.f32 v49, v40;
	_ =	sdelay $0x1  }
0x3a5: {  	v38 =	vadd.f32 v38, v40  }
0x3a6: {  	s11 =	simm.s32 $0x10C80  }
0x3a7: {  	[tilespmem:s11+$0x0] =	vst v38  }
0x3a8: {  	v38 =	vld.idx.msk [tilespmem:v50+s2+$0x0], $0xffff  }
0x3a9: {  	v52 =	vmov s14;
	v51 =	vld.idx.msk [tilespmem:v50+s18+$0x0], $0xffff  }
0x3aa: {  	v40 =	vshll.u32 v52, $0x8  }
0x3ab: {  	v40 =	vor.u32 v36, v40  }
0x3ac: {  	v40 =	vand.u32 $0x7800, v40  }
0x3ad: {  	v54 =	vor.u32 v2, v40  }
0x3ae: {  	v53 =	vshll.u32 v38, $0x5;
	v38 =	vshll.u32 v38, $0x8;
	v55 =	vshll.u32 v51, $0x8  }
0x3af: {  	v39 =	vshll.u32 v51, $0x5;
	v41 =	vand.u32 $0x60, v53;
	v38 =	vand.u32 $0x400, v38  }
0x3b0: {  	v44 =	vand.u32 $0x400, v55;
	v39 =	vand.u32 $0x60, v39;
	v57 =	vor.u32 v38, v54  }
0x3b1: {  	v56 =	vor.u32 v40, v41;
	v43 =	vor.u32 v44, v54;
	v41 =	vor.u32 v41, v57  }
0x3b2: {  	v43 =	vor.u32 v39, v43;
	v38 =	vor.u32 v38, v56;
	v39 =	vor.u32 v40, v39  }
0x3b3: {  	v58 =	vor.u32 v5, v38;
	v39 =	vor.u32 v44, v39  }
0x3b4: {  	v42 =	vld.idx.msk [tilespmem:v50+s26+$0x0], $0xffff;
	v59 =	vor.u32 v5, v39  }
0x3b5: {  	v44 =	vld.idx.msk [tilespmem:v50+s25+$0x0], $0xffff;
	v60 =	vor.u32 v6, v38  }
0x3b6: {  	v61 =	vor.u32 v6, v39;
	v41 =	vld.idx.msk [tilespmem:v41+s29+$0x0], $0xffff  }
0x3b7: {  	v62 =	vor.u32 v7, v38;
	v43 =	vld.idx.msk [tilespmem:v43+s13+$0x0], $0xffff  }
0x3b8: {  	v63 =	vor.u32 v7, v39;
	v40 =	vld.idx.msk [tilespmem:v58+s29+$0x0], $0xffff  }
0x3b9: {  	v56 =	vor.u32 v8, v38;
	v45 =	vld.idx.msk [tilespmem:v59+s13+$0x0], $0xffff  }
0x3ba: {  	v57 =	vor.u32 v8, v39;
	v46 =	vld.idx.msk [tilespmem:v60+s29+$0x0], $0xffff  }
0x3bb: {  	v58 =	vor.u32 v9, v38;
	v47 =	vld.idx.msk [tilespmem:v61+s13+$0x0], $0xffff  }
0x3bc: {  	v48 =	vld.idx.msk [tilespmem:v62+s29+$0x0], $0xffff;
	v42 =	vadd.f32 v42, v44;
	v59 =	vor.u32 v9, v39;
	v41 =	vmul.f32 v43, v41  }
0x3bd: {  	v62 =	vor.u32 v10, v39;
	v60 =	vld.idx.msk [tilespmem:v63+s13+$0x0], $0xffff  }
0x3be: {  	v49 =	vld.idx.msk [tilespmem:v56+s29+$0x0], $0xffff;
	v61 =	vor.u32 v10, v38;
	v41 =	vadd.f32 v41, v42;
	v40 =	vmul.f32 v45, v40  }
0x3bf: {  	v63 =	vor.u32 v11, v38;
	v42 =	vld.idx.msk [tilespmem:v57+s13+$0x0], $0xffff  }
0x3c0: {  	v56 =	vor.u32 v11, v39;
	v51 =	vld.idx.msk [tilespmem:v58+s29+$0x0], $0xffff;
	v57 =	vmul.f32 v47, v46;
	v40 =	vadd.f32 v40, v41  }
0x3c1: {  	v58 =	vor.u32 v12, v38;
	v46 =	vld.idx.msk [tilespmem:v59+s13+$0x0], $0xffff  }
0x3c2: {  	v43 =	vld.idx.msk [tilespmem:v62+s13+$0x0], $0xffff;
	v59 =	vor.u32 v12, v39;
	v60 =	vmul.f32 v60, v48;
	v40 =	vadd.f32 v57, v40  }
0x3c3: {  	v44 =	vld.idx.msk [tilespmem:v61+s29+$0x0], $0xffff;
	v61 =	vor.u32 v13, v38  }
0x3c4: {  	v62 =	vor.u32 v13, v39;
	v45 =	vld.idx.msk [tilespmem:v63+s29+$0x0], $0xffff;
	v63 =	vmul.f32 v42, v49;
	v40 =	vadd.f32 v60, v40  }
0x3c5: {  	v42 =	vld.idx.msk [tilespmem:v56+s13+$0x0], $0xffff;
	v56 =	vor.u32 v14, v38  }
0x3c6: {  	v47 =	vld.idx.msk [tilespmem:v58+s29+$0x0], $0xffff;
	v57 =	vor.u32 v14, v39;
	v58 =	vmul.f32 v46, v51;
	v40 =	vadd.f32 v63, v40  }
0x3c7: {  	v46 =	vld.idx.msk [tilespmem:v59+s13+$0x0], $0xffff;
	v59 =	vor.u32 v15, v38  }
0x3c8: {  	v48 =	vld.idx.msk [tilespmem:v61+s29+$0x0], $0xffff;
	v61 =	vmul.f32 v43, v44;
	v60 =	vor.u32 v15, v39;
	v40 =	vadd.f32 v58, v40  }
0x3c9: {  	v43 =	vld.idx.msk [tilespmem:v62+s13+$0x0], $0xffff;
	v62 =	vor.u32 v16, v38  }
0x3ca: {  	v63 =	vor.u32 v16, v39;
	v49 =	vld.idx.msk [tilespmem:v56+s29+$0x0], $0xffff;
	v56 =	vmul.f32 v42, v45;
	v40 =	vadd.f32 v61, v40  }
0x3cb: {  	v42 =	vld.idx.msk [tilespmem:v57+s13+$0x0], $0xffff;
	v57 =	vor.u32 v17, v38  }
0x3cc: {  	v51 =	vld.idx.msk [tilespmem:v59+s29+$0x0], $0xffff;
	v58 =	vor.u32 v17, v39;
	v59 =	vmul.f32 v46, v47;
	v40 =	vadd.f32 v56, v40  }
0x3cd: {  	v46 =	vld.idx.msk [tilespmem:v60+s13+$0x0], $0xffff;
	v60 =	vor.u32 v18, v38  }
0x3ce: {  	v44 =	vld.idx.msk [tilespmem:v62+s29+$0x0], $0xffff;
	v62 =	vmul.f32 v43, v48;
	v61 =	vor.u32 v18, v39;
	v40 =	vadd.f32 v59, v40  }
0x3cf: {  	v43 =	vld.idx.msk [tilespmem:v63+s13+$0x0], $0xffff;
	v63 =	vor.u32 v19, v38  }
0x3d0: {  	v56 =	vor.u32 v19, v39;
	v45 =	vld.idx.msk [tilespmem:v57+s29+$0x0], $0xffff;
	v57 =	vmul.f32 v42, v49;
	v40 =	vadd.f32 v62, v40  }
0x3d1: {  	v42 =	vld.idx.msk [tilespmem:v58+s13+$0x0], $0xffff;
	v58 =	vor.u32 v20, v38  }
0x3d2: {  	v47 =	vld.idx.msk [tilespmem:v60+s29+$0x0], $0xffff;
	v59 =	vor.u32 v20, v39;
	v60 =	vmul.f32 v46, v51;
	v40 =	vadd.f32 v57, v40  }
0x3d3: {  	v61 =	vld.idx.msk [tilespmem:v61+s13+$0x0], $0xffff;
	v62 =	vor.u32 v21, v38  }
0x3d4: {  	v48 =	vld.idx.msk [tilespmem:v63+s29+$0x0], $0xffff;
	v63 =	vor.u32 v21, v39;
	v55 =	vmul.f32 v43, v44;
	v40 =	vadd.f32 v60, v40  }
0x3d5: {  	v43 =	vld.idx.msk [tilespmem:v56+s13+$0x0], $0xffff;
	v56 =	vor.u32 v22, v38  }
0x3d6: {  	v49 =	vld.idx.msk [tilespmem:v58+s29+$0x0], $0xffff;
	v57 =	vor.u32 v22, v39;
	v58 =	vmul.f32 v42, v45;
	v40 =	vadd.f32 v55, v40  }
0x3d7: {  	v42 =	vld.idx.msk [tilespmem:v59+s13+$0x0], $0xffff;
	v59 =	vor.u32 v23, v38  }
0x3d8: {  	v52 =	vor.u32 v23, v39;
	v60 =	vmul.f32 v61, v47;
	v51 =	vld.idx.msk [tilespmem:v62+s29+$0x0], $0xffff;
	v40 =	vadd.f32 v58, v40  }
0x3d9: {  	v61 =	vld.idx.msk [tilespmem:v63+s13+$0x0], $0xffff;
	v62 =	vor.u32 v24, v38  }
0x3da: {  	v63 =	vor.u32 v24, v39;
	v44 =	vld.idx.msk [tilespmem:v56+s29+$0x0], $0xffff;
	v56 =	vmul.f32 v43, v48;
	v40 =	vadd.f32 v60, v40  }
0x3db: {  	v43 =	vld.idx.msk [tilespmem:v57+s13+$0x0], $0xffff;
	v57 =	vor.u32 v25, v38  }
0x3dc: {  	v45 =	vld.idx.msk [tilespmem:v59+s29+$0x0], $0xffff;
	v58 =	vor.u32 v25, v39;
	v59 =	vmul.f32 v42, v49;
	v40 =	vadd.f32 v56, v40  }
0x3dd: {  	v42 =	vld.idx.msk [tilespmem:v52+s13+$0x0], $0xffff;
	v60 =	vor.u32 v26, v38  }
0x3de: {  	v52 =	vor.u32 v26, v39;
	v47 =	vld.idx.msk [tilespmem:v62+s29+$0x0], $0xffff;
	v61 =	vmul.f32 v61, v51;
	v40 =	vadd.f32 v59, v40  }
0x3df: {  	v62 =	vld.idx.msk [tilespmem:v63+s13+$0x0], $0xffff;
	v63 =	vor.u32 v27, v38  }
0x3e0: {  	v48 =	vld.idx.msk [tilespmem:v57+s29+$0x0], $0xffff;
	v56 =	vor.u32 v27, v39;
	v57 =	vmul.f32 v43, v44;
	v40 =	vadd.f32 v61, v40  }
0x3e1: {  	v43 =	vld.idx.msk [tilespmem:v58+s13+$0x0], $0xffff;
	v58 =	vor.u32 v28, v38  }
0x3e2: {  	v59 =	vor.u32 v28, v39;
	v49 =	vld.idx.msk [tilespmem:v60+s29+$0x0], $0xffff;
	v60 =	vmul.f32 v42, v45;
	v40 =	vadd.f32 v57, v40  }
0x3e3: {  	v42 =	vld.idx.msk [tilespmem:v52+s13+$0x0], $0xffff;
	v61 =	vor.u32 v29, v38  }
0x3e4: {  	v51 =	vld.idx.msk [tilespmem:v63+s29+$0x0], $0xffff;
	v52 =	vor.u32 v29, v39;
	v62 =	vmul.f32 v62, v47;
	v40 =	vadd.f32 v60, v40  }
0x3e5: {  	v63 =	vld.idx.msk [tilespmem:v56+s13+$0x0], $0xffff;
	v56 =	vor.u32 v30, v38  }
0x3e6: {  	v44 =	vld.idx.msk [tilespmem:v58+s29+$0x0], $0xffff;
	v57 =	vor.u32 v30, v39;
	v58 =	vmul.f32 v43, v48;
	v40 =	vadd.f32 v62, v40  }
0x3e7: {  	v43 =	vld.idx.msk [tilespmem:v59+s13+$0x0], $0xffff;
	v59 =	vor.u32 v31, v38  }
0x3e8: {  	v60 =	vor.u32 v31, v39;
	v45 =	vld.idx.msk [tilespmem:v61+s29+$0x0], $0xffff;
	v61 =	vmul.f32 v42, v49;
	v40 =	vadd.f32 v58, v40  }
0x3e9: {  	v42 =	vld.idx.msk [tilespmem:v52+s13+$0x0], $0xffff;
	v62 =	vor.u32 v32, v38  }
0x3ea: {  	v52 =	vor.u32 v32, v39;
	v47 =	vld.idx.msk [tilespmem:v56+s29+$0x0], $0xffff;
	v63 =	vmul.f32 v63, v51;
	v40 =	vadd.f32 v61, v40  }
0x3eb: {  	v56 =	vld.idx.msk [tilespmem:v57+s13+$0x0], $0xffff;
	v57 =	vor.u32 v33, v38  }
0x3ec: {  	v48 =	vld.idx.msk [tilespmem:v59+s29+$0x0], $0xffff;
	v58 =	vor.u32 v33, v39;
	v59 =	vmul.f32 v43, v44;
	v40 =	vadd.f32 v63, v40  }
0x3ed: {  	v60 =	vld.idx.msk [tilespmem:v60+s13+$0x0], $0xffff;
	v61 =	vor.u32 v34, v38  }
0x3ee: {  	v49 =	vld.idx.msk [tilespmem:v62+s29+$0x0], $0xffff;
	v62 =	vor.u32 v34, v39;
	v63 =	vmul.f32 v42, v45;
	v40 =	vadd.f32 v59, v40  }
0x3ef: {  	v52 =	vld.idx.msk [tilespmem:v52+s13+$0x0], $0xffff;
	v38 =	vor.u32 v35, v38  }
0x3f0: {  	v39 =	vor.u32 v35, v39;
	v54 =	vld.idx.msk [tilespmem:v57+s29+$0x0], $0xffff;
	v55 =	vmul.f32 v56, v47;
	v40 =	vadd.f32 v63, v40  }
0x3f1: {  	v56 =	vld.idx.msk [tilespmem:v58+s13+$0x0], $0xffff  }
0x3f2: {  	v57 =	vmul.f32 v60, v48;
	v44 =	vld.idx.msk [tilespmem:v61+s29+$0x0], $0xffff;
	v40 =	vadd.f32 v55, v40  }
0x3f3: {  	v58 =	vld.idx.msk [tilespmem:v62+s13+$0x0], $0xffff  }
0x3f4: {  	v59 =	vld.idx.msk [tilespmem:v38+s29+$0x0], $0xffff;
	v61 =	vmul.f32 v52, v49;
	v60 =	vadd.f32 v57, v40  }
0x3f5: {  	v39 =	vld.idx.msk [tilespmem:v39+s13+$0x0], $0xffff  }
0x3f6: {  	v62 =	vmul.f32 v56, v54;
	v38 =	vadd.f32 v61, v60;
	_ =	sdelay $0x1  }
0x3f7: {  	v63 =	vmul.f32 v58, v44;
	v38 =	vadd.f32 v62, v38  }
0x3f8: {  	s12 =	simm.s32 $0x20  }
0x3f9: {  	v40 =	vor.u32 s12, v37;
	v39 =	vmul.f32 v39, v59;
	v38 =	vadd.f32 v63, v38  }
0x3fa: {  	s14 =	simm.s32 $0x30  }
.LBB2_4:
0x3fb: {  	p0 =	sne.s32 s14, $0x70;
	v38 =	vadd.f32 v39, v38  }
0x3fc: {  	s11 =	sadd.s32 $0x10, s11  }
0x3fd: {  	[tilespmem:s11+$0x0] =	vst v38  }
0x3fe: {  	v38 =	vld.idx.msk [tilespmem:v40+s2+$0x0], $0xffff;
	_ =	sdelay $0x1  }
0x3ff: {  	v39 =	vld.idx.msk [tilespmem:v40+s18+$0x0], $0xffff  }
0x400: {  	v41 =	vmov s12;
	s12 =	smov.u32 s14  }
0x401: {  	v41 =	vshll.u32 v41, $0x8  }
0x402: {  	v41 =	vor.u32 v36, v41  }
0x403: {  	v41 =	vand.u32 $0x7800, v41;
	v42 =	vshll.u32 v38, $0x5  }
0x404: {  	v43 =	vor.u32 v2, v41;
	v38 =	vshll.u32 v38, $0x8;
	v42 =	vand.u32 $0x60, v42  }
0x405: {  	v38 =	vand.u32 $0x400, v38;
	v44 =	vshll.u32 v39, $0x8;
	v45 =	vor.u32 v41, v42  }
0x406: {  	v39 =	vshll.u32 v39, $0x5;
	v46 =	vor.u32 v38, v43;
	v44 =	vand.u32 $0x400, v44  }
0x407: {  	v42 =	vor.u32 v42, v46;
	v39 =	vand.u32 $0x60, v39;
	v43 =	vor.u32 v44, v43  }
0x408: {  	v38 =	vor.u32 v38, v45;
	v43 =	vor.u32 v39, v43;
	v39 =	vor.u32 v41, v39  }
0x409: {  	v41 =	vor.u32 v5, v38;
	v39 =	vor.u32 v44, v39  }
0x40a: {  	v45 =	vor.u32 v5, v39;
	v44 =	vld.idx.msk [tilespmem:v40+s25+$0x0], $0xffff  }
0x40b: {  	v46 =	vor.u32 v6, v38;
	v40 =	vld.idx.msk [tilespmem:v40+s26+$0x0], $0xffff  }
0x40c: {  	v47 =	vor.u32 v6, v39;
	v42 =	vld.idx.msk [tilespmem:v42+s29+$0x0], $0xffff  }
0x40d: {  	v48 =	vor.u32 v7, v38;
	v43 =	vld.idx.msk [tilespmem:v43+s13+$0x0], $0xffff  }
0x40e: {  	v49 =	vor.u32 v7, v39;
	v41 =	vld.idx.msk [tilespmem:v41+s29+$0x0], $0xffff  }
0x40f: {  	v50 =	vor.u32 v8, v38;
	v45 =	vld.idx.msk [tilespmem:v45+s13+$0x0], $0xffff  }
0x410: {  	v51 =	vor.u32 v8, v39;
	v46 =	vld.idx.msk [tilespmem:v46+s29+$0x0], $0xffff  }
0x411: {  	v52 =	vor.u32 v9, v38;
	v47 =	vld.idx.msk [tilespmem:v47+s13+$0x0], $0xffff  }
0x412: {  	v53 =	vor.u32 v9, v39;
	v48 =	vld.idx.msk [tilespmem:v48+s29+$0x0], $0xffff  }
0x413: {  	v40 =	vadd.f32 v40, v44;
	v44 =	vor.u32 v10, v38;
	v42 =	vmul.f32 v43, v42;
	v43 =	vld.idx.msk [tilespmem:v49+s13+$0x0], $0xffff  }
0x414: {  	v49 =	vld.idx.msk [tilespmem:v50+s29+$0x0], $0xffff;
	v50 =	vor.u32 v10, v39  }
0x415: {  	v40 =	vadd.f32 v42, v40;
	v41 =	vmul.f32 v45, v41;
	v45 =	vor.u32 v11, v38;
	v42 =	vld.idx.msk [tilespmem:v51+s13+$0x0], $0xffff  }
0x416: {  	v51 =	vld.idx.msk [tilespmem:v52+s29+$0x0], $0xffff;
	v52 =	vor.u32 v11, v39  }
0x417: {  	v40 =	vadd.f32 v41, v40;
	v41 =	vmul.f32 v47, v46;
	v47 =	vor.u32 v12, v38;
	v46 =	vld.idx.msk [tilespmem:v53+s13+$0x0], $0xffff  }
0x418: {  	v53 =	vor.u32 v12, v39;
	v44 =	vld.idx.msk [tilespmem:v44+s29+$0x0], $0xffff  }
0x419: {  	v40 =	vadd.f32 v41, v40;
	v41 =	vmul.f32 v43, v48;
	v48 =	vor.u32 v13, v38;
	v43 =	vld.idx.msk [tilespmem:v50+s13+$0x0], $0xffff  }
0x41a: {  	v50 =	vor.u32 v13, v39;
	v45 =	vld.idx.msk [tilespmem:v45+s29+$0x0], $0xffff  }
0x41b: {  	v40 =	vadd.f32 v41, v40;
	v41 =	vmul.f32 v42, v49;
	v49 =	vor.u32 v14, v38;
	v42 =	vld.idx.msk [tilespmem:v52+s13+$0x0], $0xffff  }
0x41c: {  	v52 =	vor.u32 v14, v39;
	v47 =	vld.idx.msk [tilespmem:v47+s29+$0x0], $0xffff  }
0x41d: {  	v40 =	vadd.f32 v41, v40;
	v41 =	vmul.f32 v46, v51;
	v51 =	vor.u32 v15, v38;
	v46 =	vld.idx.msk [tilespmem:v53+s13+$0x0], $0xffff  }
0x41e: {  	v53 =	vor.u32 v15, v39;
	v48 =	vld.idx.msk [tilespmem:v48+s29+$0x0], $0xffff  }
0x41f: {  	v40 =	vadd.f32 v41, v40;
	v41 =	vmul.f32 v43, v44;
	v44 =	vor.u32 v16, v38;
	v43 =	vld.idx.msk [tilespmem:v50+s13+$0x0], $0xffff  }
0x420: {  	v50 =	vor.u32 v16, v39;
	v49 =	vld.idx.msk [tilespmem:v49+s29+$0x0], $0xffff  }
0x421: {  	v40 =	vadd.f32 v41, v40;
	v41 =	vmul.f32 v42, v45;
	v45 =	vor.u32 v17, v38;
	v42 =	vld.idx.msk [tilespmem:v52+s13+$0x0], $0xffff  }
0x422: {  	v52 =	vor.u32 v17, v39;
	v51 =	vld.idx.msk [tilespmem:v51+s29+$0x0], $0xffff  }
0x423: {  	v40 =	vadd.f32 v41, v40;
	v41 =	vmul.f32 v46, v47;
	v47 =	vor.u32 v18, v38;
	v46 =	vld.idx.msk [tilespmem:v53+s13+$0x0], $0xffff  }
0x424: {  	v53 =	vor.u32 v18, v39;
	v44 =	vld.idx.msk [tilespmem:v44+s29+$0x0], $0xffff  }
0x425: {  	v40 =	vadd.f32 v41, v40;
	v41 =	vmul.f32 v43, v48;
	v48 =	vor.u32 v19, v38;
	v43 =	vld.idx.msk [tilespmem:v50+s13+$0x0], $0xffff  }
0x426: {  	v50 =	vor.u32 v19, v39;
	v45 =	vld.idx.msk [tilespmem:v45+s29+$0x0], $0xffff  }
0x427: {  	v40 =	vadd.f32 v41, v40;
	v41 =	vmul.f32 v42, v49;
	v49 =	vor.u32 v20, v38;
	v42 =	vld.idx.msk [tilespmem:v52+s13+$0x0], $0xffff  }
0x428: {  	v52 =	vor.u32 v20, v39;
	v47 =	vld.idx.msk [tilespmem:v47+s29+$0x0], $0xffff  }
0x429: {  	v40 =	vadd.f32 v41, v40;
	v41 =	vmul.f32 v46, v51;
	v51 =	vor.u32 v21, v38;
	v46 =	vld.idx.msk [tilespmem:v53+s13+$0x0], $0xffff  }
0x42a: {  	v53 =	vor.u32 v21, v39;
	v48 =	vld.idx.msk [tilespmem:v48+s29+$0x0], $0xffff  }
0x42b: {  	v40 =	vadd.f32 v41, v40;
	v41 =	vmul.f32 v43, v44;
	v44 =	vor.u32 v22, v38;
	v43 =	vld.idx.msk [tilespmem:v50+s13+$0x0], $0xffff  }
0x42c: {  	v50 =	vor.u32 v22, v39;
	v49 =	vld.idx.msk [tilespmem:v49+s29+$0x0], $0xffff  }
0x42d: {  	v40 =	vadd.f32 v41, v40;
	v41 =	vmul.f32 v42, v45;
	v45 =	vor.u32 v23, v38;
	v42 =	vld.idx.msk [tilespmem:v52+s13+$0x0], $0xffff  }
0x42e: {  	v52 =	vor.u32 v23, v39;
	v51 =	vld.idx.msk [tilespmem:v51+s29+$0x0], $0xffff  }
0x42f: {  	v40 =	vadd.f32 v41, v40;
	v41 =	vmul.f32 v46, v47;
	v47 =	vor.u32 v24, v38;
	v46 =	vld.idx.msk [tilespmem:v53+s13+$0x0], $0xffff  }
0x430: {  	v53 =	vor.u32 v24, v39;
	v44 =	vld.idx.msk [tilespmem:v44+s29+$0x0], $0xffff  }
0x431: {  	v40 =	vadd.f32 v41, v40;
	v41 =	vmul.f32 v43, v48;
	v48 =	vor.u32 v25, v38;
	v43 =	vld.idx.msk [tilespmem:v50+s13+$0x0], $0xffff  }
0x432: {  	v50 =	vor.u32 v25, v39;
	v45 =	vld.idx.msk [tilespmem:v45+s29+$0x0], $0xffff  }
0x433: {  	v40 =	vadd.f32 v41, v40;
	v41 =	vmul.f32 v42, v49;
	v49 =	vor.u32 v26, v38;
	v42 =	vld.idx.msk [tilespmem:v52+s13+$0x0], $0xffff  }
0x434: {  	v52 =	vor.u32 v26, v39;
	v47 =	vld.idx.msk [tilespmem:v47+s29+$0x0], $0xffff  }
0x435: {  	v40 =	vadd.f32 v41, v40;
	v41 =	vmul.f32 v46, v51;
	v51 =	vor.u32 v27, v38;
	v46 =	vld.idx.msk [tilespmem:v53+s13+$0x0], $0xffff  }
0x436: {  	v53 =	vor.u32 v27, v39;
	v48 =	vld.idx.msk [tilespmem:v48+s29+$0x0], $0xffff  }
0x437: {  	v40 =	vadd.f32 v41, v40;
	v41 =	vmul.f32 v43, v44;
	v44 =	vor.u32 v28, v38;
	v43 =	vld.idx.msk [tilespmem:v50+s13+$0x0], $0xffff  }
0x438: {  	v50 =	vor.u32 v28, v39;
	v49 =	vld.idx.msk [tilespmem:v49+s29+$0x0], $0xffff  }
0x439: {  	v40 =	vadd.f32 v41, v40;
	v41 =	vmul.f32 v42, v45;
	v45 =	vor.u32 v29, v38;
	v42 =	vld.idx.msk [tilespmem:v52+s13+$0x0], $0xffff  }
0x43a: {  	v52 =	vor.u32 v29, v39;
	v51 =	vld.idx.msk [tilespmem:v51+s29+$0x0], $0xffff  }
0x43b: {  	v40 =	vadd.f32 v41, v40;
	v41 =	vmul.f32 v46, v47;
	v47 =	vor.u32 v30, v38;
	v46 =	vld.idx.msk [tilespmem:v53+s13+$0x0], $0xffff  }
0x43c: {  	v53 =	vor.u32 v30, v39;
	v44 =	vld.idx.msk [tilespmem:v44+s29+$0x0], $0xffff  }
0x43d: {  	v40 =	vadd.f32 v41, v40;
	v41 =	vmul.f32 v43, v48;
	v48 =	vor.u32 v31, v38;
	v43 =	vld.idx.msk [tilespmem:v50+s13+$0x0], $0xffff  }
0x43e: {  	v50 =	vor.u32 v31, v39;
	v45 =	vld.idx.msk [tilespmem:v45+s29+$0x0], $0xffff  }
0x43f: {  	v40 =	vadd.f32 v41, v40;
	v41 =	vmul.f32 v42, v49;
	v49 =	vor.u32 v32, v38;
	v42 =	vld.idx.msk [tilespmem:v52+s13+$0x0], $0xffff  }
0x440: {  	v52 =	vor.u32 v32, v39;
	v47 =	vld.idx.msk [tilespmem:v47+s29+$0x0], $0xffff  }
0x441: {  	v40 =	vadd.f32 v41, v40;
	v41 =	vmul.f32 v46, v51;
	v51 =	vor.u32 v33, v38;
	v46 =	vld.idx.msk [tilespmem:v53+s13+$0x0], $0xffff  }
0x442: {  	v53 =	vor.u32 v33, v39;
	v48 =	vld.idx.msk [tilespmem:v48+s29+$0x0], $0xffff  }
0x443: {  	v40 =	vadd.f32 v41, v40;
	v41 =	vmul.f32 v43, v44;
	v44 =	vor.u32 v34, v38;
	v43 =	vld.idx.msk [tilespmem:v50+s13+$0x0], $0xffff  }
0x444: {  	v50 =	vor.u32 v34, v39;
	v49 =	vld.idx.msk [tilespmem:v49+s29+$0x0], $0xffff  }
0x445: {  	v38 =	vor.u32 v35, v38;
	v40 =	vadd.f32 v41, v40;
	v41 =	vmul.f32 v42, v45;
	v42 =	vld.idx.msk [tilespmem:v52+s13+$0x0], $0xffff  }
0x446: {  	v39 =	vor.u32 v35, v39;
	v45 =	vld.idx.msk [tilespmem:v51+s29+$0x0], $0xffff  }
0x447: {  	v40 =	vadd.f32 v41, v40;
	v41 =	vmul.f32 v46, v47;
	v46 =	vld.idx.msk [tilespmem:v53+s13+$0x0], $0xffff  }
0x448: {  	v44 =	vld.idx.msk [tilespmem:v44+s29+$0x0], $0xffff  }
0x449: {  	v40 =	vadd.f32 v41, v40;
	v41 =	vmul.f32 v43, v48;
	v43 =	vld.idx.msk [tilespmem:v50+s13+$0x0], $0xffff  }
0x44a: {  	v47 =	vld.idx.msk [tilespmem:v38+s29+$0x0], $0xffff  }
0x44b: {  	v38 =	vadd.f32 v41, v40;
	v40 =	vmul.f32 v42, v49;
	v39 =	vld.idx.msk [tilespmem:v39+s13+$0x0], $0xffff;
	_ =	sdelay $0x1  }
0x44c: {  	v38 =	vadd.f32 v40, v38;
	v40 =	vmul.f32 v46, v45  }
.Ltmp1:
0x44d: {  	(pc) =	sbr.rel @p0 .LBB2_4-.Ltmp1, $3  }
0x44e: {  	v38 =	vadd.f32 v40, v38;
	v41 =	vmul.f32 v43, v44;
	_ =	sdelay $0x1  }
0x44f: {  	v40 =	vor.u32 s14, v37;
	v38 =	vadd.f32 v41, v38;
	v39 =	vmul.f32 v39, v47  }
0x450: {  	s14 =	sadd.s32 $0x10, s14  }
0x451: {  	_ = 	snop  }
0x452: {  	v37 =	vadd.f32 v39, v38  }
0x453: {  	s11 =	sadd.s32 $0x10, s11  }
0x454: {  	[tilespmem:s11+$0x0] =	vst v37  }
0x455: {  	v37 =	vld.idx.msk [tilespmem:v40+s2+$0x0], $0xffff  }
0x456: {  	v59 =	vmov s12;
	v58 =	vld.idx.msk [tilespmem:v40+s18+$0x0], $0xffff  }
0x457: {  	v39 =	vshll.u32 v59, $0x8  }
0x458: {  	v39 =	vor.u32 v36, v39  }
0x459: {  	v39 =	vand.u32 $0x7800, v39  }
0x45a: {  	v42 =	vor.u32 v2, v39  }
0x45b: {  	v41 =	vshll.u32 v37, $0x5;
	v37 =	vshll.u32 v37, $0x8;
	v43 =	vshll.u32 v58, $0x8  }
0x45c: {  	v38 =	vshll.u32 v58, $0x5;
	v41 =	vand.u32 $0x60, v41;
	v37 =	vand.u32 $0x400, v37  }
0x45d: {  	v43 =	vand.u32 $0x400, v43;
	v38 =	vand.u32 $0x60, v38;
	v45 =	vor.u32 v37, v42  }
0x45e: {  	v44 =	vor.u32 v39, v41;
	v42 =	vor.u32 v43, v42;
	v41 =	vor.u32 v41, v45  }
0x45f: {  	v42 =	vor.u32 v38, v42;
	v37 =	vor.u32 v37, v44;
	v38 =	vor.u32 v39, v38  }
0x460: {  	v60 =	vor.u32 v5, v37;
	v38 =	vor.u32 v43, v38  }
0x461: {  	v61 =	vld.idx.msk [tilespmem:v40+s25+$0x0], $0xffff;
	v62 =	vor.u32 v5, v38  }
0x462: {  	v63 =	vld.idx.msk [tilespmem:v40+s26+$0x0], $0xffff;
	v55 =	vor.u32 v6, v37  }
0x463: {  	v46 =	vor.u32 v6, v38;
	v41 =	vld.idx.msk [tilespmem:v41+s29+$0x0], $0xffff  }
0x464: {  	v47 =	vor.u32 v7, v37;
	v42 =	vld.idx.msk [tilespmem:v42+s13+$0x0], $0xffff  }
0x465: {  	v48 =	vor.u32 v7, v38;
	v39 =	vld.idx.msk [tilespmem:v60+s29+$0x0], $0xffff  }
0x466: {  	v49 =	vor.u32 v8, v37;
	v44 =	vld.idx.msk [tilespmem:v62+s13+$0x0], $0xffff  }
0x467: {  	v50 =	vor.u32 v8, v38;
	v45 =	vld.idx.msk [tilespmem:v55+s29+$0x0], $0xffff  }
0x468: {  	v52 =	vor.u32 v9, v38;
	v46 =	vld.idx.msk [tilespmem:v46+s13+$0x0], $0xffff  }
0x469: {  	v40 =	vadd.f32 v63, v61;
	v51 =	vor.u32 v9, v37;
	v47 =	vld.idx.msk [tilespmem:v47+s29+$0x0], $0xffff;
	v41 =	vmul.f32 v42, v41  }
0x46a: {  	v56 =	vor.u32 v10, v37;
	v42 =	vld.idx.msk [tilespmem:v48+s13+$0x0], $0xffff  }
0x46b: {  	v57 =	vor.u32 v10, v38;
	v48 =	vld.idx.msk [tilespmem:v49+s29+$0x0], $0xffff;
	v40 =	vadd.f32 v41, v40;
	v39 =	vmul.f32 v44, v39  }
0x46c: {  	v58 =	vor.u32 v11, v37;
	v41 =	vld.idx.msk [tilespmem:v50+s13+$0x0], $0xffff  }
0x46d: {  	v59 =	vor.u32 v11, v38;
	v61 =	vld.idx.msk [tilespmem:v52+s13+$0x0], $0xffff;
	v60 =	vmul.f32 v46, v45;
	v39 =	vadd.f32 v39, v40  }
0x46e: {  	v62 =	vor.u32 v12, v37;
	v50 =	vld.idx.msk [tilespmem:v51+s29+$0x0], $0xffff  }
0x46f: {  	v63 =	vor.u32 v12, v38;
	v43 =	vld.idx.msk [tilespmem:v56+s29+$0x0], $0xffff;
	v56 =	vmul.f32 v42, v47;
	v39 =	vadd.f32 v60, v39  }
0x470: {  	v42 =	vld.idx.msk [tilespmem:v57+s13+$0x0], $0xffff;
	v57 =	vor.u32 v13, v37  }
0x471: {  	v49 =	vor.u32 v13, v38;
	v44 =	vld.idx.msk [tilespmem:v58+s29+$0x0], $0xffff;
	v58 =	vmul.f32 v41, v48;
	v39 =	vadd.f32 v56, v39  }
0x472: {  	v41 =	vld.idx.msk [tilespmem:v59+s13+$0x0], $0xffff;
	v59 =	vor.u32 v14, v37  }
0x473: {  	v46 =	vld.idx.msk [tilespmem:v62+s29+$0x0], $0xffff;
	v60 =	vor.u32 v14, v38;
	v61 =	vmul.f32 v61, v50;
	v39 =	vadd.f32 v58, v39  }
0x474: {  	v62 =	vld.idx.msk [tilespmem:v63+s13+$0x0], $0xffff;
	v63 =	vor.u32 v15, v37  }
0x475: {  	v56 =	vor.u32 v15, v38;
	v47 =	vld.idx.msk [tilespmem:v57+s29+$0x0], $0xffff;
	v57 =	vmul.f32 v42, v43;
	v39 =	vadd.f32 v61, v39  }
0x476: {  	v42 =	vld.idx.msk [tilespmem:v49+s13+$0x0], $0xffff;
	v58 =	vor.u32 v16, v37  }
0x477: {  	v49 =	vor.u32 v16, v38;
	v48 =	vld.idx.msk [tilespmem:v59+s29+$0x0], $0xffff;
	v59 =	vmul.f32 v41, v44;
	v39 =	vadd.f32 v57, v39  }
0x478: {  	v41 =	vld.idx.msk [tilespmem:v60+s13+$0x0], $0xffff;
	v60 =	vor.u32 v17, v37  }
0x479: {  	v50 =	vld.idx.msk [tilespmem:v63+s29+$0x0], $0xffff;
	v62 =	vmul.f32 v62, v46;
	v61 =	vor.u32 v17, v38;
	v39 =	vadd.f32 v59, v39  }
0x47a: {  	v63 =	vld.idx.msk [tilespmem:v56+s13+$0x0], $0xffff;
	v56 =	vor.u32 v18, v37  }
0x47b: {  	v57 =	vor.u32 v18, v38;
	v43 =	vld.idx.msk [tilespmem:v58+s29+$0x0], $0xffff;
	v58 =	vmul.f32 v42, v47;
	v39 =	vadd.f32 v62, v39  }
0x47c: {  	v42 =	vld.idx.msk [tilespmem:v49+s13+$0x0], $0xffff;
	v59 =	vor.u32 v19, v37  }
0x47d: {  	v49 =	vor.u32 v19, v38;
	v44 =	vld.idx.msk [tilespmem:v60+s29+$0x0], $0xffff;
	v60 =	vmul.f32 v41, v48;
	v39 =	vadd.f32 v58, v39  }
0x47e: {  	v41 =	vld.idx.msk [tilespmem:v61+s13+$0x0], $0xffff;
	v61 =	vor.u32 v20, v37  }
0x47f: {  	v46 =	vld.idx.msk [tilespmem:v56+s29+$0x0], $0xffff;
	v62 =	vor.u32 v20, v38;
	v63 =	vmul.f32 v63, v50;
	v39 =	vadd.f32 v60, v39  }
0x480: {  	v56 =	vld.idx.msk [tilespmem:v57+s13+$0x0], $0xffff;
	v57 =	vor.u32 v21, v37  }
0x481: {  	v58 =	vor.u32 v21, v38;
	v47 =	vld.idx.msk [tilespmem:v59+s29+$0x0], $0xffff;
	v59 =	vmul.f32 v42, v43;
	v39 =	vadd.f32 v63, v39  }
0x482: {  	v42 =	vld.idx.msk [tilespmem:v49+s13+$0x0], $0xffff;
	v60 =	vor.u32 v22, v37  }
0x483: {  	v49 =	vor.u32 v22, v38;
	v48 =	vld.idx.msk [tilespmem:v61+s29+$0x0], $0xffff;
	v61 =	vmul.f32 v41, v44;
	v39 =	vadd.f32 v59, v39  }
0x484: {  	v41 =	vld.idx.msk [tilespmem:v62+s13+$0x0], $0xffff;
	v62 =	vor.u32 v23, v37  }
0x485: {  	v50 =	vld.idx.msk [tilespmem:v57+s29+$0x0], $0xffff;
	v63 =	vor.u32 v23, v38;
	v56 =	vmul.f32 v56, v46;
	v39 =	vadd.f32 v61, v39  }
0x486: {  	v57 =	vld.idx.msk [tilespmem:v58+s13+$0x0], $0xffff;
	v58 =	vor.u32 v24, v37  }
0x487: {  	v59 =	vor.u32 v24, v38;
	v43 =	vld.idx.msk [tilespmem:v60+s29+$0x0], $0xffff;
	v60 =	vmul.f32 v42, v47;
	v39 =	vadd.f32 v56, v39  }
0x488: {  	v42 =	vld.idx.msk [tilespmem:v49+s13+$0x0], $0xffff;
	v61 =	vor.u32 v25, v37  }
0x489: {  	v49 =	vor.u32 v25, v38;
	v44 =	vld.idx.msk [tilespmem:v62+s29+$0x0], $0xffff;
	v62 =	vmul.f32 v41, v48;
	v39 =	vadd.f32 v60, v39  }
0x48a: {  	v41 =	vld.idx.msk [tilespmem:v63+s13+$0x0], $0xffff;
	v63 =	vor.u32 v26, v37  }
0x48b: {  	v46 =	vld.idx.msk [tilespmem:v58+s29+$0x0], $0xffff;
	v56 =	vor.u32 v26, v38;
	v57 =	vmul.f32 v57, v50;
	v39 =	vadd.f32 v62, v39  }
0x48c: {  	v58 =	vld.idx.msk [tilespmem:v59+s13+$0x0], $0xffff;
	v59 =	vor.u32 v27, v37  }
0x48d: {  	v60 =	vor.u32 v27, v38;
	v47 =	vld.idx.msk [tilespmem:v61+s29+$0x0], $0xffff;
	v61 =	vmul.f32 v42, v43;
	v39 =	vadd.f32 v57, v39  }
0x48e: {  	v42 =	vld.idx.msk [tilespmem:v49+s13+$0x0], $0xffff;
	v62 =	vor.u32 v28, v37  }
0x48f: {  	v48 =	vld.idx.msk [tilespmem:v63+s29+$0x0], $0xffff;
	v63 =	vor.u32 v28, v38;
	v55 =	vmul.f32 v41, v44;
	v39 =	vadd.f32 v61, v39  }
0x490: {  	v41 =	vld.idx.msk [tilespmem:v56+s13+$0x0], $0xffff;
	v56 =	vor.u32 v29, v37  }
0x491: {  	v50 =	vld.idx.msk [tilespmem:v59+s29+$0x0], $0xffff;
	v57 =	vor.u32 v29, v38;
	v58 =	vmul.f32 v58, v46;
	v39 =	vadd.f32 v55, v39  }
0x492: {  	v59 =	vld.idx.msk [tilespmem:v60+s13+$0x0], $0xffff;
	v60 =	vor.u32 v30, v37  }
0x493: {  	v61 =	vor.u32 v30, v38;
	v43 =	vld.idx.msk [tilespmem:v62+s29+$0x0], $0xffff;
	v62 =	vmul.f32 v42, v47;
	v39 =	vadd.f32 v58, v39  }
0x494: {  	v49 =	vor.u32 v31, v38;
	v63 =	vld.idx.msk [tilespmem:v63+s13+$0x0], $0xffff  }
0x495: {  	v54 =	vor.u32 v31, v37;
	v44 =	vld.idx.msk [tilespmem:v56+s29+$0x0], $0xffff;
	v55 =	vmul.f32 v41, v48;
	v39 =	vadd.f32 v62, v39  }
0x496: {  	v56 =	vld.idx.msk [tilespmem:v57+s13+$0x0], $0xffff;
	v57 =	vor.u32 v32, v37  }
0x497: {  	v46 =	vld.idx.msk [tilespmem:v60+s29+$0x0], $0xffff;
	v58 =	vor.u32 v32, v38;
	v59 =	vmul.f32 v59, v50;
	v39 =	vadd.f32 v55, v39  }
0x498: {  	v60 =	vld.idx.msk [tilespmem:v61+s13+$0x0], $0xffff;
	v61 =	vor.u32 v33, v37  }
0x499: {  	v53 =	vld.idx.msk [tilespmem:v49+s13+$0x0], $0xffff;
	v62 =	vor.u32 v33, v38;
	v63 =	vmul.f32 v63, v43;
	v39 =	vadd.f32 v59, v39  }
0x49a: {  	v47 =	vld.idx.msk [tilespmem:v54+s29+$0x0], $0xffff;
	v54 =	vor.u32 v34, v37  }
0x49b: {  	v48 =	vld.idx.msk [tilespmem:v57+s29+$0x0], $0xffff;
	v55 =	vor.u32 v34, v38;
	v56 =	vmul.f32 v56, v44;
	v39 =	vadd.f32 v63, v39  }
0x49c: {  	v37 =	vor.u32 v35, v37;
	v57 =	vld.idx.msk [tilespmem:v58+s13+$0x0], $0xffff  }
0x49d: {  	v38 =	vor.u32 v35, v38;
	v58 =	vld.idx.msk [tilespmem:v61+s29+$0x0], $0xffff;
	v59 =	vmul.f32 v60, v46;
	v39 =	vadd.f32 v56, v39  }
0x49e: {  	v60 =	vld.idx.msk [tilespmem:v62+s13+$0x0], $0xffff  }
0x49f: {  	v43 =	vld.idx.msk [tilespmem:v54+s29+$0x0], $0xffff;
	v61 =	vmul.f32 v53, v47;
	v39 =	vadd.f32 v59, v39  }
0x4a0: {  	v62 =	vld.idx.msk [tilespmem:v55+s13+$0x0], $0xffff  }
0x4a1: {  	v37 =	vld.idx.msk [tilespmem:v37+s29+$0x0], $0xffff;
	v63 =	vmul.f32 v57, v48;
	v39 =	vadd.f32 v61, v39  }
0x4a2: {  	v38 =	vld.idx.msk [tilespmem:v38+s13+$0x0], $0xffff  }
0x4a3: {  	v45 =	vmul.f32 v60, v58;
	v39 =	vadd.f32 v63, v39;
	_ =	sdelay $0x1  }
0x4a4: {  	v46 =	vmul.f32 v62, v43;
	v39 =	vadd.f32 v45, v39;
	_ =	sdelay $0x1  }
0x4a5: {  	v37 =	vmul.f32 v38, v37;
	v39 =	vadd.f32 v46, v39;
	_ =	sdelay $0x1  }
0x4a6: {  	v37 =	vadd.f32 v37, v39  }
0x4a7: {  	s11 =	sadd.s32 $0x10, s11  }
0x4a8: {  	[tilespmem:s11+$0x0] =	vst v37  }
0x4a9: {  	v37 =	vld [tilespmem:$0x500];
	_ =	sdelay $0x4  }
0x4aa: {  	v47 =	vshll.u32 v37, $0x1  }
0x4ab: {  	v37 =	vand.u32 $0x7, v37;
	v38 =	vand.u32 $0xFFFFFFF0, v47  }
0x4ac: {  	v37 =	vor.u32 v37, v38  }
0x4ad: {  	v38 =	vperm.xlane v37, v1;
	_ =	sdelay $0x1  }
0x4ae: {  	v37 =	vperm.xlane v37, v4;
	v38 =	vadd.s32 v3, v38;
	_ =	sdelay $0x1  }
0x4af: {  	v37 =	vadd.s32 v3, v37;
	_ =	sdelay $0x1  }
0x4b0: {  	s11 =	simm.s32 $0x0  }
0x4b1: {  	[tilespmem:s29], [sflag:$0x1] =	stream.indirect_vreg.gather [hbm4b:s4+s11], $0x80, v38, vm0, $0xb8;
	[tilespmem:$0x10E00] =	vst v63  }
0x4b2: {  	_ = 	snop  }
0x4b3: {  	[tilespmem:s15], [sflag:$0x1] =	stream.indirect_vreg.gather [hbm4b:s4+s11], $0x80, v37, vm0, $0xb8;
	[tilespmem:$0x10E00] =	vst v63  }
0x4b4: {  	v37 =	vld [tilespmem:$0x510];
	_ =	sdelay $0x4  }
0x4b5: {  	v48 =	vshll.u32 v37, $0x1  }
0x4b6: {  	v37 =	vand.u32 $0x7, v37;
	v38 =	vand.u32 $0xFFFFFFF0, v48  }
0x4b7: {  	v37 =	vor.u32 v37, v38  }
0x4b8: {  	v38 =	vperm.xlane v37, v1;
	_ =	sdelay $0x1  }
0x4b9: {  	v37 =	vperm.xlane v37, v4;
	v38 =	vadd.s32 v3, v38;
	_ =	sdelay $0x1  }
0x4ba: {  	v37 =	vadd.s32 v3, v37;
	_ =	sdelay $0x2  }
0x4bb: {  	[tilespmem:s16], [sflag:$0x1] =	stream.indirect_vreg.gather [hbm4b:s4+s11], $0x80, v38, vm0, $0xb8;
	[tilespmem:$0x10E00] =	vst v63  }
0x4bc: {  	_ = 	snop  }
0x4bd: {  	[tilespmem:s30], [sflag:$0x1] =	stream.indirect_vreg.gather [hbm4b:s4+s11], $0x80, v37, vm0, $0xb8;
	[tilespmem:$0x10E00] =	vst v63  }
0x4be: {  	v37 =	vld [tilespmem:$0x520];
	_ =	sdelay $0x4  }
0x4bf: {  	v49 =	vshll.u32 v37, $0x1  }
0x4c0: {  	v37 =	vand.u32 $0x7, v37;
	v38 =	vand.u32 $0xFFFFFFF0, v49  }
0x4c1: {  	v37 =	vor.u32 v37, v38  }
0x4c2: {  	v38 =	vperm.xlane v37, v1;
	_ =	sdelay $0x1  }
0x4c3: {  	v37 =	vperm.xlane v37, v4;
	v38 =	vadd.s32 v3, v38;
	_ =	sdelay $0x1  }
0x4c4: {  	v37 =	vadd.s32 v3, v37;
	_ =	sdelay $0x1  }
0x4c5: {  	s14 =	simm.s32 $0x2800  }
0x4c6: {  	[tilespmem:s14], [sflag:$0x1] =	stream.indirect_vreg.gather [hbm4b:s4+s11], $0x80, v38, vm0, $0xb8;
	[tilespmem:$0x10E00] =	vst v63  }
0x4c7: {  	s14 =	simm.s32 $0x3000  }
0x4c8: {  	[tilespmem:s14], [sflag:$0x1] =	stream.indirect_vreg.gather [hbm4b:s4+s11], $0x80, v37, vm0, $0xb8;
	[tilespmem:$0x10E00] =	vst v63  }
0x4c9: {  	v37 =	vld [tilespmem:$0x530];
	_ =	sdelay $0x4  }
0x4ca: {  	v50 =	vshll.u32 v37, $0x1  }
0x4cb: {  	v37 =	vand.u32 $0x7, v37;
	v38 =	vand.u32 $0xFFFFFFF0, v50  }
0x4cc: {  	v37 =	vor.u32 v37, v38  }
0x4cd: {  	v38 =	vperm.xlane v37, v1;
	_ =	sdelay $0x1  }
0x4ce: {  	v37 =	vperm.xlane v37, v4;
	v38 =	vadd.s32 v3, v38;
	_ =	sdelay $0x1  }
0x4cf: {  	v37 =	vadd.s32 v3, v37;
	_ =	sdelay $0x1  }
0x4d0: {  	s14 =	simm.s32 $0x3800  }
0x4d1: {  	[tilespmem:s14], [sflag:$0x1] =	stream.indirect_vreg.gather [hbm4b:s4+s11], $0x80, v38, vm0, $0xb8;
	[tilespmem:$0x10E00] =	vst v63  }
0x4d2: {  	s14 =	simm.s32 $0x4000  }
0x4d3: {  	[tilespmem:s14], [sflag:$0x1] =	stream.indirect_vreg.gather [hbm4b:s4+s11], $0x80, v37, vm0, $0xb8;
	[tilespmem:$0x10E00] =	vst v63  }
0x4d4: {  	v37 =	vld [tilespmem:$0x540];
	_ =	sdelay $0x4  }
0x4d5: {  	v51 =	vshll.u32 v37, $0x1  }
0x4d6: {  	v37 =	vand.u32 $0x7, v37;
	v38 =	vand.u32 $0xFFFFFFF0, v51  }
0x4d7: {  	v37 =	vor.u32 v37, v38  }
0x4d8: {  	v38 =	vperm.xlane v37, v1;
	_ =	sdelay $0x1  }
0x4d9: {  	v37 =	vperm.xlane v37, v4;
	v38 =	vadd.s32 v3, v38;
	_ =	sdelay $0x1  }
0x4da: {  	v37 =	vadd.s32 v3, v37;
	_ =	sdelay $0x1  }
0x4db: {  	s14 =	simm.s32 $0x4800  }
0x4dc: {  	[tilespmem:s14], [sflag:$0x1] =	stream.indirect_vreg.gather [hbm4b:s4+s11], $0x80, v38, vm0, $0xb8;
	[tilespmem:$0x10E00] =	vst v63  }
0x4dd: {  	s14 =	simm.s32 $0x5000  }
0x4de: {  	[tilespmem:s14], [sflag:$0x1] =	stream.indirect_vreg.gather [hbm4b:s4+s11], $0x80, v37, vm0, $0xb8;
	[tilespmem:$0x10E00] =	vst v63  }
0x4df: {  	v37 =	vld [tilespmem:$0x550];
	_ =	sdelay $0x4  }
0x4e0: {  	v52 =	vshll.u32 v37, $0x1  }
0x4e1: {  	v37 =	vand.u32 $0x7, v37;
	v38 =	vand.u32 $0xFFFFFFF0, v52  }
0x4e2: {  	v37 =	vor.u32 v37, v38  }
0x4e3: {  	v38 =	vperm.xlane v37, v1;
	_ =	sdelay $0x1  }
0x4e4: {  	v37 =	vperm.xlane v37, v4;
	v38 =	vadd.s32 v3, v38;
	_ =	sdelay $0x1  }
0x4e5: {  	v37 =	vadd.s32 v3, v37;
	_ =	sdelay $0x1  }
0x4e6: {  	s14 =	simm.s32 $0x5800  }
0x4e7: {  	[tilespmem:s14], [sflag:$0x1] =	stream.indirect_vreg.gather [hbm4b:s4+s11], $0x80, v38, vm0, $0xb8;
	[tilespmem:$0x10E00] =	vst v63  }
0x4e8: {  	s14 =	simm.s32 $0x6000  }
0x4e9: {  	[tilespmem:s14], [sflag:$0x1] =	stream.indirect_vreg.gather [hbm4b:s4+s11], $0x80, v37, vm0, $0xb8;
	[tilespmem:$0x10E00] =	vst v63  }
0x4ea: {  	v37 =	vld [tilespmem:$0x560];
	_ =	sdelay $0x4  }
0x4eb: {  	v53 =	vshll.u32 v37, $0x1  }
0x4ec: {  	v37 =	vand.u32 $0x7, v37;
	v38 =	vand.u32 $0xFFFFFFF0, v53  }
0x4ed: {  	v37 =	vor.u32 v37, v38  }
0x4ee: {  	v38 =	vperm.xlane v37, v1;
	_ =	sdelay $0x1  }
0x4ef: {  	v37 =	vperm.xlane v37, v4;
	v38 =	vadd.s32 v3, v38;
	_ =	sdelay $0x1  }
0x4f0: {  	v37 =	vadd.s32 v3, v37;
	_ =	sdelay $0x1  }
0x4f1: {  	s14 =	simm.s32 $0x6800  }
0x4f2: {  	[tilespmem:s14], [sflag:$0x1] =	stream.indirect_vreg.gather [hbm4b:s4+s11], $0x80, v38, vm0, $0xb8;
	[tilespmem:$0x10E00] =	vst v63  }
0x4f3: {  	s14 =	simm.s32 $0x7000  }
0x4f4: {  	[tilespmem:s14], [sflag:$0x1] =	stream.indirect_vreg.gather [hbm4b:s4+s11], $0x80, v37, vm0, $0xb8;
	[tilespmem:$0x10E00] =	vst v63  }
0x4f5: {  	v37 =	vld [tilespmem:$0x570];
	_ =	sdelay $0x4  }
0x4f6: {  	v54 =	vshll.u32 v37, $0x1  }
0x4f7: {  	v37 =	vand.u32 $0x7, v37;
	v38 =	vand.u32 $0xFFFFFFF0, v54  }
0x4f8: {  	v37 =	vor.u32 v37, v38  }
0x4f9: {  	v38 =	vperm.xlane v37, v1;
	_ =	sdelay $0x1  }
0x4fa: {  	v37 =	vperm.xlane v37, v4;
	v38 =	vadd.s32 v3, v38;
	_ =	sdelay $0x1  }
0x4fb: {  	v37 =	vadd.s32 v3, v37;
	_ =	sdelay $0x1  }
0x4fc: {  	s14 =	simm.s32 $0x7800  }
0x4fd: {  	[tilespmem:s14], [sflag:$0x1] =	stream.indirect_vreg.gather [hbm4b:s4+s11], $0x80, v38, vm0, $0xb8;
	[tilespmem:$0x10E00] =	vst v63  }
0x4fe: {  	s14 =	simm.s32 $0x8000  }
0x4ff: {  	[tilespmem:s14], [sflag:$0x1] =	stream.indirect_vreg.gather [hbm4b:s4+s11], $0x80, v37, vm0, $0xb8;
	[tilespmem:$0x10E00] =	vst v63  }
0x500: {  	v37 =	vld [tilespmem:$0x700];
	_ =	sdelay $0x4  }
0x501: {  	v55 =	vshll.u32 v37, $0x1  }
0x502: {  	v37 =	vand.u32 $0x7, v37;
	v38 =	vand.u32 $0xFFFFFFF0, v55  }
0x503: {  	v37 =	vor.u32 v37, v38  }
0x504: {  	v38 =	vperm.xlane v37, v1;
	_ =	sdelay $0x1  }
0x505: {  	v37 =	vperm.xlane v37, v4;
	v38 =	vadd.s32 v3, v38;
	_ =	sdelay $0x1  }
0x506: {  	v37 =	vadd.s32 v3, v37;
	_ =	sdelay $0x2  }
0x507: {  	[tilespmem:s13], [sflag:$0x1] =	stream.indirect_vreg.gather [hbm4b:s5+s11], $0x80, v38, vm0, $0xb8;
	[tilespmem:$0x10E00] =	vst v63  }
0x508: {  	s14 =	simm.s32 $0x9000  }
0x509: {  	[tilespmem:s14], [sflag:$0x1] =	stream.indirect_vreg.gather [hbm4b:s5+s11], $0x80, v37, vm0, $0xb8;
	[tilespmem:$0x10E00] =	vst v63  }
0x50a: {  	v37 =	vld [tilespmem:$0x710];
	_ =	sdelay $0x4  }
0x50b: {  	v56 =	vshll.u32 v37, $0x1  }
0x50c: {  	v37 =	vand.u32 $0x7, v37;
	v38 =	vand.u32 $0xFFFFFFF0, v56  }
0x50d: {  	v37 =	vor.u32 v37, v38  }
0x50e: {  	v38 =	vperm.xlane v37, v1;
	_ =	sdelay $0x1  }
0x50f: {  	v37 =	vperm.xlane v37, v4;
	v38 =	vadd.s32 v3, v38;
	_ =	sdelay $0x1  }
0x510: {  	v37 =	vadd.s32 v3, v37;
	_ =	sdelay $0x1  }
0x511: {  	s14 =	simm.s32 $0x9800  }
0x512: {  	[tilespmem:s14], [sflag:$0x1] =	stream.indirect_vreg.gather [hbm4b:s5+s11], $0x80, v38, vm0, $0xb8;
	[tilespmem:$0x10E00] =	vst v63  }
0x513: {  	s14 =	simm.s32 $0xA000  }
0x514: {  	[tilespmem:s14], [sflag:$0x1] =	stream.indirect_vreg.gather [hbm4b:s5+s11], $0x80, v37, vm0, $0xb8;
	[tilespmem:$0x10E00] =	vst v63  }
0x515: {  	v37 =	vld [tilespmem:$0x720];
	_ =	sdelay $0x4  }
0x516: {  	v57 =	vshll.u32 v37, $0x1  }
0x517: {  	v37 =	vand.u32 $0x7, v37;
	v38 =	vand.u32 $0xFFFFFFF0, v57  }
0x518: {  	v37 =	vor.u32 v37, v38  }
0x519: {  	v38 =	vperm.xlane v37, v1;
	_ =	sdelay $0x1  }
0x51a: {  	v37 =	vperm.xlane v37, v4;
	v38 =	vadd.s32 v3, v38;
	_ =	sdelay $0x1  }
0x51b: {  	v37 =	vadd.s32 v3, v37;
	_ =	sdelay $0x1  }
0x51c: {  	s14 =	simm.s32 $0xA800  }
0x51d: {  	[tilespmem:s14], [sflag:$0x1] =	stream.indirect_vreg.gather [hbm4b:s5+s11], $0x80, v38, vm0, $0xb8;
	[tilespmem:$0x10E00] =	vst v63  }
0x51e: {  	s14 =	simm.s32 $0xB000  }
0x51f: {  	[tilespmem:s14], [sflag:$0x1] =	stream.indirect_vreg.gather [hbm4b:s5+s11], $0x80, v37, vm0, $0xb8;
	[tilespmem:$0x10E00] =	vst v63  }
0x520: {  	v37 =	vld [tilespmem:$0x730];
	_ =	sdelay $0x4  }
0x521: {  	v58 =	vshll.u32 v37, $0x1  }
0x522: {  	v37 =	vand.u32 $0x7, v37;
	v38 =	vand.u32 $0xFFFFFFF0, v58  }
0x523: {  	v37 =	vor.u32 v37, v38  }
0x524: {  	v38 =	vperm.xlane v37, v1;
	_ =	sdelay $0x1  }
0x525: {  	v37 =	vperm.xlane v37, v4;
	v38 =	vadd.s32 v3, v38;
	_ =	sdelay $0x1  }
0x526: {  	v37 =	vadd.s32 v3, v37;
	_ =	sdelay $0x2  }
0x527: {  	[tilespmem:s0], [sflag:$0x1] =	stream.indirect_vreg.gather [hbm4b:s5+s11], $0x80, v38, vm0, $0xb8;
	[tilespmem:$0x10E00] =	vst v63  }
0x528: {  	_ = 	snop  }
0x529: {  	[tilespmem:s3], [sflag:$0x1] =	stream.indirect_vreg.gather [hbm4b:s5+s11], $0x80, v37, vm0, $0xb8;
	[tilespmem:$0x10E00] =	vst v63  }
0x52a: {  	v37 =	vld [tilespmem:$0x740];
	_ =	sdelay $0x4  }
0x52b: {  	v59 =	vshll.u32 v37, $0x1  }
0x52c: {  	v37 =	vand.u32 $0x7, v37;
	v38 =	vand.u32 $0xFFFFFFF0, v59  }
0x52d: {  	v37 =	vor.u32 v37, v38  }
0x52e: {  	v38 =	vperm.xlane v37, v1;
	_ =	sdelay $0x1  }
0x52f: {  	v37 =	vperm.xlane v37, v4;
	v38 =	vadd.s32 v3, v38;
	_ =	sdelay $0x1  }
0x530: {  	v37 =	vadd.s32 v3, v37;
	_ =	sdelay $0x2  }
0x531: {  	[tilespmem:s20], [sflag:$0x1] =	stream.indirect_vreg.gather [hbm4b:s5+s11], $0x80, v38, vm0, $0xb8;
	[tilespmem:$0x10E00] =	vst v63  }
0x532: {  	_ = 	snop  }
0x533: {  	[tilespmem:s21], [sflag:$0x1] =	stream.indirect_vreg.gather [hbm4b:s5+s11], $0x80, v37, vm0, $0xb8;
	[tilespmem:$0x10E00] =	vst v63  }
0x534: {  	v37 =	vld [tilespmem:$0x750];
	_ =	sdelay $0x4  }
0x535: {  	v60 =	vshll.u32 v37, $0x1  }
0x536: {  	v37 =	vand.u32 $0x7, v37;
	v38 =	vand.u32 $0xFFFFFFF0, v60  }
0x537: {  	v37 =	vor.u32 v37, v38  }
0x538: {  	v38 =	vperm.xlane v37, v1;
	_ =	sdelay $0x1  }
0x539: {  	v37 =	vperm.xlane v37, v4;
	v38 =	vadd.s32 v3, v38;
	_ =	sdelay $0x1  }
0x53a: {  	v37 =	vadd.s32 v3, v37;
	_ =	sdelay $0x2  }
0x53b: {  	[tilespmem:s22], [sflag:$0x1] =	stream.indirect_vreg.gather [hbm4b:s5+s11], $0x80, v38, vm0, $0xb8;
	[tilespmem:$0x10E00] =	vst v63  }
0x53c: {  	_ = 	snop  }
0x53d: {  	[tilespmem:s23], [sflag:$0x1] =	stream.indirect_vreg.gather [hbm4b:s5+s11], $0x80, v37, vm0, $0xb8;
	[tilespmem:$0x10E00] =	vst v63  }
0x53e: {  	v37 =	vld [tilespmem:$0x760];
	_ =	sdelay $0x4  }
0x53f: {  	v61 =	vshll.u32 v37, $0x1  }
0x540: {  	v37 =	vand.u32 $0x7, v37;
	v38 =	vand.u32 $0xFFFFFFF0, v61  }
0x541: {  	v37 =	vor.u32 v37, v38  }
0x542: {  	v38 =	vperm.xlane v37, v1;
	_ =	sdelay $0x1  }
0x543: {  	v37 =	vperm.xlane v37, v4;
	v38 =	vadd.s32 v3, v38;
	_ =	sdelay $0x1  }
0x544: {  	v37 =	vadd.s32 v3, v37;
	_ =	sdelay $0x2  }
0x545: {  	[tilespmem:s24], [sflag:$0x1] =	stream.indirect_vreg.gather [hbm4b:s5+s11], $0x80, v38, vm0, $0xb8;
	[tilespmem:$0x10E00] =	vst v63  }
0x546: {  	_ = 	snop  }
0x547: {  	[tilespmem:s7], [sflag:$0x1] =	stream.indirect_vreg.gather [hbm4b:s5+s11], $0x80, v37, vm0, $0xb8;
	[tilespmem:$0x10E00] =	vst v63  }
0x548: {  	v37 =	vld [tilespmem:$0x770];
	_ =	sdelay $0x4  }
0x549: {  	v62 =	vshll.u32 v37, $0x1  }
0x54a: {  	v37 =	vand.u32 $0x7, v37;
	v38 =	vand.u32 $0xFFFFFFF0, v62  }
0x54b: {  	v37 =	vor.u32 v37, v38  }
0x54c: {  	v38 =	vperm.xlane v37, v1;
	_ =	sdelay $0x1  }
0x54d: {  	v37 =	vperm.xlane v37, v4;
	v38 =	vadd.s32 v3, v38;
	_ =	sdelay $0x1  }
0x54e: {  	v37 =	vadd.s32 v3, v37;
	_ =	sdelay $0x2  }
0x54f: {  	[tilespmem:s8], [sflag:$0x1] =	stream.indirect_vreg.gather [hbm4b:s5+s11], $0x80, v38, vm0, $0xb8;
	[tilespmem:$0x10E00] =	vst v63  }
0x550: {  	_ = 	snop  }
0x551: {  	[tilespmem:s9], [sflag:$0x1] =	stream.indirect_vreg.gather [hbm4b:s5+s11], $0x80, v37, vm0, $0xb8;
	[tilespmem:$0x10E00] =	vst v63  }
0x552: {  	v37 =	vor.u32 $0x100, v0;
	_ =	swait.ge [sflag:s28], $0x8000  }
0x553: {  	v63 =	vor.u32 s11, v37;
	[sflag:s28] =	ssyncset.done $0x0  }
0x554: {  	[sflag:s28] =	ssyncadd.s32 $0xFFFF8000  }
0x555: {  	_ =	swait.ge [sflag:s28], $0x8000  }
0x556: {  	[sflag:s28] =	ssyncset.done $0x0  }
0x557: {  	[sflag:s28] =	ssyncadd.s32 $0xFFFF8000  }
0x558: {  	v47 =	vld.idx.msk [tilespmem:v63+s2+$0x0], $0xffff  }
0x559: {  	v49 =	vmov s11;
	v48 =	vld.idx.msk [tilespmem:v63+s18+$0x0], $0xffff  }
0x55a: {  	v41 =	vshll.u32 v49, $0x8  }
0x55b: {  	v41 =	vor.u32 v36, v41  }
0x55c: {  	v41 =	vand.u32 $0x7800, v41  }
0x55d: {  	v51 =	vor.u32 v2, v41  }
0x55e: {  	v50 =	vshll.u32 v47, $0x5;
	v38 =	vshll.u32 v47, $0x8;
	v52 =	vshll.u32 v48, $0x8  }
0x55f: {  	v39 =	vshll.u32 v48, $0x5;
	v42 =	vand.u32 $0x60, v50;
	v38 =	vand.u32 $0x400, v38  }
0x560: {  	v44 =	vand.u32 $0x400, v52;
	v39 =	vand.u32 $0x60, v39;
	v54 =	vor.u32 v38, v51  }
0x561: {  	v53 =	vor.u32 v41, v42;
	v43 =	vor.u32 v44, v51;
	v42 =	vor.u32 v42, v54  }
0x562: {  	v43 =	vor.u32 v39, v43;
	v38 =	vor.u32 v38, v53;
	v39 =	vor.u32 v41, v39  }
0x563: {  	v55 =	vor.u32 v5, v38;
	v39 =	vor.u32 v44, v39  }
0x564: {  	v40 =	vld.idx.msk [tilespmem:v63+s26+$0x0], $0xffff;
	v56 =	vor.u32 v5, v39  }
0x565: {  	v44 =	vld.idx.msk [tilespmem:v63+s25+$0x0], $0xffff;
	v57 =	vor.u32 v6, v38  }
0x566: {  	v58 =	vor.u32 v6, v39;
	v42 =	vld.idx.msk [tilespmem:v42+s29+$0x0], $0xffff  }
0x567: {  	v59 =	vor.u32 v7, v38;
	v43 =	vld.idx.msk [tilespmem:v43+s13+$0x0], $0xffff  }
0x568: {  	v60 =	vor.u32 v7, v39;
	v41 =	vld.idx.msk [tilespmem:v55+s29+$0x0], $0xffff  }
0x569: {  	v61 =	vor.u32 v8, v38;
	v45 =	vld.idx.msk [tilespmem:v56+s13+$0x0], $0xffff  }
0x56a: {  	v62 =	vor.u32 v8, v39;
	v46 =	vld.idx.msk [tilespmem:v57+s29+$0x0], $0xffff  }
0x56b: {  	v63 =	vor.u32 v9, v38;
	v47 =	vld.idx.msk [tilespmem:v58+s13+$0x0], $0xffff  }
0x56c: {  	v53 =	vor.u32 v9, v39;
	v48 =	vld.idx.msk [tilespmem:v59+s29+$0x0], $0xffff;
	v40 =	vadd.f32 v40, v44;
	v42 =	vmul.f32 v43, v42  }
0x56d: {  	v56 =	vor.u32 v10, v38;
	v43 =	vld.idx.msk [tilespmem:v60+s13+$0x0], $0xffff  }
0x56e: {  	v49 =	vld.idx.msk [tilespmem:v61+s29+$0x0], $0xffff;
	v57 =	vor.u32 v10, v39;
	v40 =	vadd.f32 v42, v40;
	v41 =	vmul.f32 v45, v41  }
0x56f: {  	v58 =	vor.u32 v11, v38;
	v42 =	vld.idx.msk [tilespmem:v62+s13+$0x0], $0xffff  }
0x570: {  	v51 =	vld.idx.msk [tilespmem:v63+s29+$0x0], $0xffff;
	v59 =	vor.u32 v11, v39;
	v60 =	vmul.f32 v47, v46;
	v40 =	vadd.f32 v41, v40  }
0x571: {  	v61 =	vld.idx.msk [tilespmem:v53+s13+$0x0], $0xffff;
	v62 =	vor.u32 v12, v38  }
0x572: {  	v63 =	vor.u32 v12, v39;
	v44 =	vld.idx.msk [tilespmem:v56+s29+$0x0], $0xffff;
	v56 =	vmul.f32 v43, v48;
	v40 =	vadd.f32 v60, v40  }
0x573: {  	v43 =	vld.idx.msk [tilespmem:v57+s13+$0x0], $0xffff;
	v57 =	vor.u32 v13, v38  }
0x574: {  	v50 =	vor.u32 v13, v39;
	v45 =	vld.idx.msk [tilespmem:v58+s29+$0x0], $0xffff;
	v58 =	vmul.f32 v42, v49;
	v40 =	vadd.f32 v56, v40  }
0x575: {  	v42 =	vld.idx.msk [tilespmem:v59+s13+$0x0], $0xffff;
	v59 =	vor.u32 v14, v38  }
0x576: {  	v61 =	vmul.f32 v61, v51;
	v60 =	vor.u32 v14, v39;
	v47 =	vld.idx.msk [tilespmem:v62+s29+$0x0], $0xffff;
	v40 =	vadd.f32 v58, v40  }
0x577: {  	v62 =	vld.idx.msk [tilespmem:v63+s13+$0x0], $0xffff;
	v63 =	vor.u32 v15, v38  }
0x578: {  	v56 =	vor.u32 v15, v39;
	v48 =	vld.idx.msk [tilespmem:v57+s29+$0x0], $0xffff;
	v57 =	vmul.f32 v43, v44;
	v40 =	vadd.f32 v61, v40  }
0x579: {  	v43 =	vld.idx.msk [tilespmem:v50+s13+$0x0], $0xffff;
	v58 =	vor.u32 v16, v38  }
0x57a: {  	v50 =	vor.u32 v16, v39;
	v49 =	vld.idx.msk [tilespmem:v59+s29+$0x0], $0xffff;
	v59 =	vmul.f32 v42, v45;
	v40 =	vadd.f32 v57, v40  }
0x57b: {  	v42 =	vld.idx.msk [tilespmem:v60+s13+$0x0], $0xffff;
	v60 =	vor.u32 v17, v38  }
0x57c: {  	v51 =	vld.idx.msk [tilespmem:v63+s29+$0x0], $0xffff;
	v61 =	vor.u32 v17, v39;
	v62 =	vmul.f32 v62, v47;
	v40 =	vadd.f32 v59, v40  }
0x57d: {  	v63 =	vld.idx.msk [tilespmem:v56+s13+$0x0], $0xffff;
	v56 =	vor.u32 v18, v38  }
0x57e: {  	v57 =	vor.u32 v18, v39;
	v44 =	vld.idx.msk [tilespmem:v58+s29+$0x0], $0xffff;
	v58 =	vmul.f32 v43, v48;
	v40 =	vadd.f32 v62, v40  }
0x57f: {  	v43 =	vld.idx.msk [tilespmem:v50+s13+$0x0], $0xffff;
	v59 =	vor.u32 v19, v38  }
0x580: {  	v50 =	vor.u32 v19, v39;
	v45 =	vld.idx.msk [tilespmem:v60+s29+$0x0], $0xffff;
	v60 =	vmul.f32 v42, v49;
	v40 =	vadd.f32 v58, v40  }
0x581: {  	v42 =	vld.idx.msk [tilespmem:v61+s13+$0x0], $0xffff;
	v61 =	vor.u32 v20, v38  }
0x582: {  	v47 =	vld.idx.msk [tilespmem:v56+s29+$0x0], $0xffff;
	v62 =	vor.u32 v20, v39;
	v63 =	vmul.f32 v63, v51;
	v40 =	vadd.f32 v60, v40  }
0x583: {  	v56 =	vld.idx.msk [tilespmem:v57+s13+$0x0], $0xffff;
	v57 =	vor.u32 v21, v38  }
0x584: {  	v58 =	vor.u32 v21, v39;
	v48 =	vld.idx.msk [tilespmem:v59+s29+$0x0], $0xffff;
	v59 =	vmul.f32 v43, v44;
	v40 =	vadd.f32 v63, v40  }
0x585: {  	v43 =	vld.idx.msk [tilespmem:v50+s13+$0x0], $0xffff;
	v60 =	vor.u32 v22, v38  }
0x586: {  	v50 =	vor.u32 v22, v39;
	v49 =	vld.idx.msk [tilespmem:v61+s29+$0x0], $0xffff;
	v61 =	vmul.f32 v42, v45;
	v40 =	vadd.f32 v59, v40  }
0x587: {  	v42 =	vld.idx.msk [tilespmem:v62+s13+$0x0], $0xffff;
	v62 =	vor.u32 v23, v38  }
0x588: {  	v51 =	vld.idx.msk [tilespmem:v57+s29+$0x0], $0xffff;
	v63 =	vor.u32 v23, v39;
	v56 =	vmul.f32 v56, v47;
	v40 =	vadd.f32 v61, v40  }
0x589: {  	v57 =	vld.idx.msk [tilespmem:v58+s13+$0x0], $0xffff;
	v58 =	vor.u32 v24, v38  }
0x58a: {  	v59 =	vor.u32 v24, v39;
	v44 =	vld.idx.msk [tilespmem:v60+s29+$0x0], $0xffff;
	v60 =	vmul.f32 v43, v48;
	v40 =	vadd.f32 v56, v40  }
0x58b: {  	v43 =	vld.idx.msk [tilespmem:v50+s13+$0x0], $0xffff;
	v61 =	vor.u32 v25, v38  }
0x58c: {  	v50 =	vor.u32 v25, v39;
	v45 =	vld.idx.msk [tilespmem:v62+s29+$0x0], $0xffff;
	v62 =	vmul.f32 v42, v49;
	v40 =	vadd.f32 v60, v40  }
0x58d: {  	v42 =	vld.idx.msk [tilespmem:v63+s13+$0x0], $0xffff;
	v63 =	vor.u32 v26, v38  }
0x58e: {  	v47 =	vld.idx.msk [tilespmem:v58+s29+$0x0], $0xffff;
	v56 =	vor.u32 v26, v39;
	v57 =	vmul.f32 v57, v51;
	v40 =	vadd.f32 v62, v40  }
0x58f: {  	v58 =	vld.idx.msk [tilespmem:v59+s13+$0x0], $0xffff;
	v59 =	vor.u32 v27, v38  }
0x590: {  	v60 =	vor.u32 v27, v39;
	v48 =	vld.idx.msk [tilespmem:v61+s29+$0x0], $0xffff;
	v61 =	vmul.f32 v43, v44;
	v40 =	vadd.f32 v57, v40  }
0x591: {  	v43 =	vld.idx.msk [tilespmem:v50+s13+$0x0], $0xffff;
	v62 =	vor.u32 v28, v38  }
0x592: {  	v50 =	vor.u32 v28, v39;
	v49 =	vld.idx.msk [tilespmem:v63+s29+$0x0], $0xffff;
	v63 =	vmul.f32 v42, v45;
	v40 =	vadd.f32 v61, v40  }
0x593: {  	v42 =	vld.idx.msk [tilespmem:v56+s13+$0x0], $0xffff;
	v56 =	vor.u32 v29, v38  }
0x594: {  	v51 =	vld.idx.msk [tilespmem:v59+s29+$0x0], $0xffff;
	v57 =	vor.u32 v29, v39;
	v58 =	vmul.f32 v58, v47;
	v40 =	vadd.f32 v63, v40  }
0x595: {  	v59 =	vld.idx.msk [tilespmem:v60+s13+$0x0], $0xffff;
	v60 =	vor.u32 v30, v38  }
0x596: {  	v61 =	vor.u32 v30, v39;
	v44 =	vld.idx.msk [tilespmem:v62+s29+$0x0], $0xffff;
	v62 =	vmul.f32 v43, v48;
	v40 =	vadd.f32 v58, v40  }
0x597: {  	v43 =	vld.idx.msk [tilespmem:v50+s13+$0x0], $0xffff;
	v63 =	vor.u32 v31, v38  }
0x598: {  	v50 =	vor.u32 v31, v39;
	v45 =	vld.idx.msk [tilespmem:v56+s29+$0x0], $0xffff;
	v56 =	vmul.f32 v42, v49;
	v40 =	vadd.f32 v62, v40  }
0x599: {  	v42 =	vld.idx.msk [tilespmem:v57+s13+$0x0], $0xffff;
	v57 =	vor.u32 v32, v38  }
0x59a: {  	v47 =	vld.idx.msk [tilespmem:v60+s29+$0x0], $0xffff;
	v58 =	vor.u32 v32, v39;
	v59 =	vmul.f32 v59, v51;
	v40 =	vadd.f32 v56, v40  }
0x59b: {  	v60 =	vld.idx.msk [tilespmem:v61+s13+$0x0], $0xffff;
	v61 =	vor.u32 v33, v38  }
0x59c: {  	v62 =	vor.u32 v33, v39;
	v48 =	vld.idx.msk [tilespmem:v63+s29+$0x0], $0xffff;
	v63 =	vmul.f32 v43, v44;
	v40 =	vadd.f32 v59, v40  }
0x59d: {  	v55 =	vor.u32 v34, v38;
	v54 =	vld.idx.msk [tilespmem:v50+s13+$0x0], $0xffff  }
0x59e: {  	v49 =	vld.idx.msk [tilespmem:v57+s29+$0x0], $0xffff;
	v56 =	vor.u32 v34, v39;
	v57 =	vmul.f32 v42, v45;
	v40 =	vadd.f32 v63, v40  }
0x59f: {  	v38 =	vor.u32 v35, v38;
	v58 =	vld.idx.msk [tilespmem:v58+s13+$0x0], $0xffff  }
0x5a0: {  	v39 =	vor.u32 v35, v39;
	v59 =	vld.idx.msk [tilespmem:v61+s29+$0x0], $0xffff;
	v60 =	vmul.f32 v60, v47;
	v40 =	vadd.f32 v57, v40  }
0x5a1: {  	v61 =	vld.idx.msk [tilespmem:v62+s13+$0x0], $0xffff  }
0x5a2: {  	v44 =	vld.idx.msk [tilespmem:v55+s29+$0x0], $0xffff;
	v62 =	vmul.f32 v54, v48;
	v40 =	vadd.f32 v60, v40  }
0x5a3: {  	v63 =	vld.idx.msk [tilespmem:v56+s13+$0x0], $0xffff  }
0x5a4: {  	v38 =	vld.idx.msk [tilespmem:v38+s29+$0x0], $0xffff;
	v47 =	vmul.f32 v58, v49;
	v40 =	vadd.f32 v62, v40  }
0x5a5: {  	v39 =	vld.idx.msk [tilespmem:v39+s13+$0x0], $0xffff  }
0x5a6: {  	v48 =	vmul.f32 v61, v59;
	v40 =	vadd.f32 v47, v40;
	_ =	sdelay $0x1  }
0x5a7: {  	v49 =	vmul.f32 v63, v44;
	v40 =	vadd.f32 v48, v40  }
0x5a8: {  	s14 =	simm.s32 $0x10  }
0x5a9: {  	v50 =	vor.u32 s14, v37;
	v38 =	vmul.f32 v39, v38;
	v40 =	vadd.f32 v49, v40;
	_ =	sdelay $0x1  }
0x5aa: {  	v38 =	vadd.f32 v38, v40  }
0x5ab: {  	s11 =	simm.s32 $0x10D00  }
0x5ac: {  	[tilespmem:s11+$0x0] =	vst v38  }
0x5ad: {  	v38 =	vld.idx.msk [tilespmem:v50+s2+$0x0], $0xffff  }
0x5ae: {  	v52 =	vmov s14;
	v51 =	vld.idx.msk [tilespmem:v50+s18+$0x0], $0xffff  }
0x5af: {  	v40 =	vshll.u32 v52, $0x8  }
0x5b0: {  	v40 =	vor.u32 v36, v40  }
0x5b1: {  	v40 =	vand.u32 $0x7800, v40  }
0x5b2: {  	v54 =	vor.u32 v2, v40  }
0x5b3: {  	v53 =	vshll.u32 v38, $0x5;
	v38 =	vshll.u32 v38, $0x8;
	v55 =	vshll.u32 v51, $0x8  }
0x5b4: {  	v39 =	vshll.u32 v51, $0x5;
	v41 =	vand.u32 $0x60, v53;
	v38 =	vand.u32 $0x400, v38  }
0x5b5: {  	v44 =	vand.u32 $0x400, v55;
	v39 =	vand.u32 $0x60, v39;
	v57 =	vor.u32 v38, v54  }
0x5b6: {  	v56 =	vor.u32 v40, v41;
	v43 =	vor.u32 v44, v54;
	v41 =	vor.u32 v41, v57  }
0x5b7: {  	v43 =	vor.u32 v39, v43;
	v38 =	vor.u32 v38, v56;
	v39 =	vor.u32 v40, v39  }
0x5b8: {  	v58 =	vor.u32 v5, v38;
	v39 =	vor.u32 v44, v39  }
0x5b9: {  	v42 =	vld.idx.msk [tilespmem:v50+s26+$0x0], $0xffff;
	v59 =	vor.u32 v5, v39  }
0x5ba: {  	v44 =	vld.idx.msk [tilespmem:v50+s25+$0x0], $0xffff;
	v60 =	vor.u32 v6, v38  }
0x5bb: {  	v61 =	vor.u32 v6, v39;
	v41 =	vld.idx.msk [tilespmem:v41+s29+$0x0], $0xffff  }
0x5bc: {  	v62 =	vor.u32 v7, v38;
	v43 =	vld.idx.msk [tilespmem:v43+s13+$0x0], $0xffff  }
0x5bd: {  	v63 =	vor.u32 v7, v39;
	v40 =	vld.idx.msk [tilespmem:v58+s29+$0x0], $0xffff  }
0x5be: {  	v56 =	vor.u32 v8, v38;
	v45 =	vld.idx.msk [tilespmem:v59+s13+$0x0], $0xffff  }
0x5bf: {  	v57 =	vor.u32 v8, v39;
	v46 =	vld.idx.msk [tilespmem:v60+s29+$0x0], $0xffff  }
0x5c0: {  	v58 =	vor.u32 v9, v38;
	v47 =	vld.idx.msk [tilespmem:v61+s13+$0x0], $0xffff  }
0x5c1: {  	v48 =	vld.idx.msk [tilespmem:v62+s29+$0x0], $0xffff;
	v42 =	vadd.f32 v42, v44;
	v59 =	vor.u32 v9, v39;
	v41 =	vmul.f32 v43, v41  }
0x5c2: {  	v62 =	vor.u32 v10, v39;
	v60 =	vld.idx.msk [tilespmem:v63+s13+$0x0], $0xffff  }
0x5c3: {  	v49 =	vld.idx.msk [tilespmem:v56+s29+$0x0], $0xffff;
	v61 =	vor.u32 v10, v38;
	v41 =	vadd.f32 v41, v42;
	v40 =	vmul.f32 v45, v40  }
0x5c4: {  	v63 =	vor.u32 v11, v38;
	v42 =	vld.idx.msk [tilespmem:v57+s13+$0x0], $0xffff  }
0x5c5: {  	v56 =	vor.u32 v11, v39;
	v51 =	vld.idx.msk [tilespmem:v58+s29+$0x0], $0xffff;
	v57 =	vmul.f32 v47, v46;
	v40 =	vadd.f32 v40, v41  }
0x5c6: {  	v58 =	vor.u32 v12, v38;
	v46 =	vld.idx.msk [tilespmem:v59+s13+$0x0], $0xffff  }
0x5c7: {  	v43 =	vld.idx.msk [tilespmem:v62+s13+$0x0], $0xffff;
	v59 =	vor.u32 v12, v39;
	v60 =	vmul.f32 v60, v48;
	v40 =	vadd.f32 v57, v40  }
0x5c8: {  	v44 =	vld.idx.msk [tilespmem:v61+s29+$0x0], $0xffff;
	v61 =	vor.u32 v13, v38  }
0x5c9: {  	v62 =	vor.u32 v13, v39;
	v45 =	vld.idx.msk [tilespmem:v63+s29+$0x0], $0xffff;
	v63 =	vmul.f32 v42, v49;
	v40 =	vadd.f32 v60, v40  }
0x5ca: {  	v42 =	vld.idx.msk [tilespmem:v56+s13+$0x0], $0xffff;
	v56 =	vor.u32 v14, v38  }
0x5cb: {  	v47 =	vld.idx.msk [tilespmem:v58+s29+$0x0], $0xffff;
	v57 =	vor.u32 v14, v39;
	v58 =	vmul.f32 v46, v51;
	v40 =	vadd.f32 v63, v40  }
0x5cc: {  	v46 =	vld.idx.msk [tilespmem:v59+s13+$0x0], $0xffff;
	v59 =	vor.u32 v15, v38  }
0x5cd: {  	v48 =	vld.idx.msk [tilespmem:v61+s29+$0x0], $0xffff;
	v61 =	vmul.f32 v43, v44;
	v60 =	vor.u32 v15, v39;
	v40 =	vadd.f32 v58, v40  }
0x5ce: {  	v43 =	vld.idx.msk [tilespmem:v62+s13+$0x0], $0xffff;
	v62 =	vor.u32 v16, v38  }
0x5cf: {  	v63 =	vor.u32 v16, v39;
	v49 =	vld.idx.msk [tilespmem:v56+s29+$0x0], $0xffff;
	v56 =	vmul.f32 v42, v45;
	v40 =	vadd.f32 v61, v40  }
0x5d0: {  	v42 =	vld.idx.msk [tilespmem:v57+s13+$0x0], $0xffff;
	v57 =	vor.u32 v17, v38  }
0x5d1: {  	v51 =	vld.idx.msk [tilespmem:v59+s29+$0x0], $0xffff;
	v58 =	vor.u32 v17, v39;
	v59 =	vmul.f32 v46, v47;
	v40 =	vadd.f32 v56, v40  }
0x5d2: {  	v46 =	vld.idx.msk [tilespmem:v60+s13+$0x0], $0xffff;
	v60 =	vor.u32 v18, v38  }
0x5d3: {  	v44 =	vld.idx.msk [tilespmem:v62+s29+$0x0], $0xffff;
	v62 =	vmul.f32 v43, v48;
	v61 =	vor.u32 v18, v39;
	v40 =	vadd.f32 v59, v40  }
0x5d4: {  	v43 =	vld.idx.msk [tilespmem:v63+s13+$0x0], $0xffff;
	v63 =	vor.u32 v19, v38  }
0x5d5: {  	v56 =	vor.u32 v19, v39;
	v45 =	vld.idx.msk [tilespmem:v57+s29+$0x0], $0xffff;
	v57 =	vmul.f32 v42, v49;
	v40 =	vadd.f32 v62, v40  }
0x5d6: {  	v42 =	vld.idx.msk [tilespmem:v58+s13+$0x0], $0xffff;
	v58 =	vor.u32 v20, v38  }
0x5d7: {  	v47 =	vld.idx.msk [tilespmem:v60+s29+$0x0], $0xffff;
	v59 =	vor.u32 v20, v39;
	v60 =	vmul.f32 v46, v51;
	v40 =	vadd.f32 v57, v40  }
0x5d8: {  	v61 =	vld.idx.msk [tilespmem:v61+s13+$0x0], $0xffff;
	v62 =	vor.u32 v21, v38  }
0x5d9: {  	v48 =	vld.idx.msk [tilespmem:v63+s29+$0x0], $0xffff;
	v63 =	vor.u32 v21, v39;
	v55 =	vmul.f32 v43, v44;
	v40 =	vadd.f32 v60, v40  }
0x5da: {  	v43 =	vld.idx.msk [tilespmem:v56+s13+$0x0], $0xffff;
	v56 =	vor.u32 v22, v38  }
0x5db: {  	v49 =	vld.idx.msk [tilespmem:v58+s29+$0x0], $0xffff;
	v57 =	vor.u32 v22, v39;
	v58 =	vmul.f32 v42, v45;
	v40 =	vadd.f32 v55, v40  }
0x5dc: {  	v42 =	vld.idx.msk [tilespmem:v59+s13+$0x0], $0xffff;
	v59 =	vor.u32 v23, v38  }
0x5dd: {  	v52 =	vor.u32 v23, v39;
	v60 =	vmul.f32 v61, v47;
	v51 =	vld.idx.msk [tilespmem:v62+s29+$0x0], $0xffff;
	v40 =	vadd.f32 v58, v40  }
0x5de: {  	v61 =	vld.idx.msk [tilespmem:v63+s13+$0x0], $0xffff;
	v62 =	vor.u32 v24, v38  }
0x5df: {  	v63 =	vor.u32 v24, v39;
	v44 =	vld.idx.msk [tilespmem:v56+s29+$0x0], $0xffff;
	v56 =	vmul.f32 v43, v48;
	v40 =	vadd.f32 v60, v40  }
0x5e0: {  	v43 =	vld.idx.msk [tilespmem:v57+s13+$0x0], $0xffff;
	v57 =	vor.u32 v25, v38  }
0x5e1: {  	v45 =	vld.idx.msk [tilespmem:v59+s29+$0x0], $0xffff;
	v58 =	vor.u32 v25, v39;
	v59 =	vmul.f32 v42, v49;
	v40 =	vadd.f32 v56, v40  }
0x5e2: {  	v42 =	vld.idx.msk [tilespmem:v52+s13+$0x0], $0xffff;
	v60 =	vor.u32 v26, v38  }
0x5e3: {  	v52 =	vor.u32 v26, v39;
	v47 =	vld.idx.msk [tilespmem:v62+s29+$0x0], $0xffff;
	v61 =	vmul.f32 v61, v51;
	v40 =	vadd.f32 v59, v40  }
0x5e4: {  	v62 =	vld.idx.msk [tilespmem:v63+s13+$0x0], $0xffff;
	v63 =	vor.u32 v27, v38  }
0x5e5: {  	v48 =	vld.idx.msk [tilespmem:v57+s29+$0x0], $0xffff;
	v56 =	vor.u32 v27, v39;
	v57 =	vmul.f32 v43, v44;
	v40 =	vadd.f32 v61, v40  }
0x5e6: {  	v43 =	vld.idx.msk [tilespmem:v58+s13+$0x0], $0xffff;
	v58 =	vor.u32 v28, v38  }
0x5e7: {  	v59 =	vor.u32 v28, v39;
	v49 =	vld.idx.msk [tilespmem:v60+s29+$0x0], $0xffff;
	v60 =	vmul.f32 v42, v45;
	v40 =	vadd.f32 v57, v40  }
0x5e8: {  	v42 =	vld.idx.msk [tilespmem:v52+s13+$0x0], $0xffff;
	v61 =	vor.u32 v29, v38  }
0x5e9: {  	v51 =	vld.idx.msk [tilespmem:v63+s29+$0x0], $0xffff;
	v52 =	vor.u32 v29, v39;
	v62 =	vmul.f32 v62, v47;
	v40 =	vadd.f32 v60, v40  }
0x5ea: {  	v63 =	vld.idx.msk [tilespmem:v56+s13+$0x0], $0xffff;
	v56 =	vor.u32 v30, v38  }
0x5eb: {  	v44 =	vld.idx.msk [tilespmem:v58+s29+$0x0], $0xffff;
	v57 =	vor.u32 v30, v39;
	v58 =	vmul.f32 v43, v48;
	v40 =	vadd.f32 v62, v40  }
0x5ec: {  	v43 =	vld.idx.msk [tilespmem:v59+s13+$0x0], $0xffff;
	v59 =	vor.u32 v31, v38  }
0x5ed: {  	v60 =	vor.u32 v31, v39;
	v45 =	vld.idx.msk [tilespmem:v61+s29+$0x0], $0xffff;
	v61 =	vmul.f32 v42, v49;
	v40 =	vadd.f32 v58, v40  }
0x5ee: {  	v42 =	vld.idx.msk [tilespmem:v52+s13+$0x0], $0xffff;
	v62 =	vor.u32 v32, v38  }
0x5ef: {  	v52 =	vor.u32 v32, v39;
	v47 =	vld.idx.msk [tilespmem:v56+s29+$0x0], $0xffff;
	v63 =	vmul.f32 v63, v51;
	v40 =	vadd.f32 v61, v40  }
0x5f0: {  	v56 =	vld.idx.msk [tilespmem:v57+s13+$0x0], $0xffff;
	v57 =	vor.u32 v33, v38  }
0x5f1: {  	v48 =	vld.idx.msk [tilespmem:v59+s29+$0x0], $0xffff;
	v58 =	vor.u32 v33, v39;
	v59 =	vmul.f32 v43, v44;
	v40 =	vadd.f32 v63, v40  }
0x5f2: {  	v60 =	vld.idx.msk [tilespmem:v60+s13+$0x0], $0xffff;
	v61 =	vor.u32 v34, v38  }
0x5f3: {  	v49 =	vld.idx.msk [tilespmem:v62+s29+$0x0], $0xffff;
	v62 =	vor.u32 v34, v39;
	v63 =	vmul.f32 v42, v45;
	v40 =	vadd.f32 v59, v40  }
0x5f4: {  	v52 =	vld.idx.msk [tilespmem:v52+s13+$0x0], $0xffff;
	v38 =	vor.u32 v35, v38  }
0x5f5: {  	v39 =	vor.u32 v35, v39;
	v54 =	vld.idx.msk [tilespmem:v57+s29+$0x0], $0xffff;
	v55 =	vmul.f32 v56, v47;
	v40 =	vadd.f32 v63, v40  }
0x5f6: {  	v56 =	vld.idx.msk [tilespmem:v58+s13+$0x0], $0xffff  }
0x5f7: {  	v57 =	vmul.f32 v60, v48;
	v44 =	vld.idx.msk [tilespmem:v61+s29+$0x0], $0xffff;
	v40 =	vadd.f32 v55, v40  }
0x5f8: {  	v58 =	vld.idx.msk [tilespmem:v62+s13+$0x0], $0xffff  }
0x5f9: {  	v59 =	vld.idx.msk [tilespmem:v38+s29+$0x0], $0xffff;
	v61 =	vmul.f32 v52, v49;
	v60 =	vadd.f32 v57, v40  }
0x5fa: {  	v39 =	vld.idx.msk [tilespmem:v39+s13+$0x0], $0xffff  }
0x5fb: {  	v62 =	vmul.f32 v56, v54;
	v38 =	vadd.f32 v61, v60;
	_ =	sdelay $0x1  }
0x5fc: {  	v63 =	vmul.f32 v58, v44;
	v38 =	vadd.f32 v62, v38  }
0x5fd: {  	s12 =	simm.s32 $0x20  }
0x5fe: {  	v40 =	vor.u32 s12, v37;
	v39 =	vmul.f32 v39, v59;
	v38 =	vadd.f32 v63, v38  }
0x5ff: {  	s14 =	simm.s32 $0x30  }
.LBB2_6:
0x600: {  	p0 =	sne.s32 s14, $0x70;
	v38 =	vadd.f32 v39, v38  }
0x601: {  	s11 =	sadd.s32 $0x10, s11  }
0x602: {  	[tilespmem:s11+$0x0] =	vst v38  }
0x603: {  	v38 =	vld.idx.msk [tilespmem:v40+s2+$0x0], $0xffff;
	_ =	sdelay $0x1  }
0x604: {  	v39 =	vld.idx.msk [tilespmem:v40+s18+$0x0], $0xffff  }
0x605: {  	v41 =	vmov s12;
	s12 =	smov.u32 s14  }
0x606: {  	v41 =	vshll.u32 v41, $0x8  }
0x607: {  	v41 =	vor.u32 v36, v41  }
0x608: {  	v41 =	vand.u32 $0x7800, v41;
	v42 =	vshll.u32 v38, $0x5  }
0x609: {  	v43 =	vor.u32 v2, v41;
	v38 =	vshll.u32 v38, $0x8;
	v42 =	vand.u32 $0x60, v42  }
0x60a: {  	v38 =	vand.u32 $0x400, v38;
	v44 =	vshll.u32 v39, $0x8;
	v45 =	vor.u32 v41, v42  }
0x60b: {  	v39 =	vshll.u32 v39, $0x5;
	v46 =	vor.u32 v38, v43;
	v44 =	vand.u32 $0x400, v44  }
0x60c: {  	v42 =	vor.u32 v42, v46;
	v39 =	vand.u32 $0x60, v39;
	v43 =	vor.u32 v44, v43  }
0x60d: {  	v38 =	vor.u32 v38, v45;
	v43 =	vor.u32 v39, v43;
	v39 =	vor.u32 v41, v39  }
0x60e: {  	v41 =	vor.u32 v5, v38;
	v39 =	vor.u32 v44, v39  }
0x60f: {  	v45 =	vor.u32 v5, v39;
	v44 =	vld.idx.msk [tilespmem:v40+s25+$0x0], $0xffff  }
0x610: {  	v46 =	vor.u32 v6, v38;
	v40 =	vld.idx.msk [tilespmem:v40+s26+$0x0], $0xffff  }
0x611: {  	v47 =	vor.u32 v6, v39;
	v42 =	vld.idx.msk [tilespmem:v42+s29+$0x0], $0xffff  }
0x612: {  	v48 =	vor.u32 v7, v38;
	v43 =	vld.idx.msk [tilespmem:v43+s13+$0x0], $0xffff  }
0x613: {  	v49 =	vor.u32 v7, v39;
	v41 =	vld.idx.msk [tilespmem:v41+s29+$0x0], $0xffff  }
0x614: {  	v50 =	vor.u32 v8, v38;
	v45 =	vld.idx.msk [tilespmem:v45+s13+$0x0], $0xffff  }
0x615: {  	v51 =	vor.u32 v8, v39;
	v46 =	vld.idx.msk [tilespmem:v46+s29+$0x0], $0xffff  }
0x616: {  	v52 =	vor.u32 v9, v38;
	v47 =	vld.idx.msk [tilespmem:v47+s13+$0x0], $0xffff  }
0x617: {  	v53 =	vor.u32 v9, v39;
	v48 =	vld.idx.msk [tilespmem:v48+s29+$0x0], $0xffff  }
0x618: {  	v40 =	vadd.f32 v40, v44;
	v44 =	vor.u32 v10, v38;
	v42 =	vmul.f32 v43, v42;
	v43 =	vld.idx.msk [tilespmem:v49+s13+$0x0], $0xffff  }
0x619: {  	v49 =	vld.idx.msk [tilespmem:v50+s29+$0x0], $0xffff;
	v50 =	vor.u32 v10, v39  }
0x61a: {  	v40 =	vadd.f32 v42, v40;
	v41 =	vmul.f32 v45, v41;
	v45 =	vor.u32 v11, v38;
	v42 =	vld.idx.msk [tilespmem:v51+s13+$0x0], $0xffff  }
0x61b: {  	v51 =	vld.idx.msk [tilespmem:v52+s29+$0x0], $0xffff;
	v52 =	vor.u32 v11, v39  }
0x61c: {  	v40 =	vadd.f32 v41, v40;
	v41 =	vmul.f32 v47, v46;
	v47 =	vor.u32 v12, v38;
	v46 =	vld.idx.msk [tilespmem:v53+s13+$0x0], $0xffff  }
0x61d: {  	v53 =	vor.u32 v12, v39;
	v44 =	vld.idx.msk [tilespmem:v44+s29+$0x0], $0xffff  }
0x61e: {  	v40 =	vadd.f32 v41, v40;
	v41 =	vmul.f32 v43, v48;
	v48 =	vor.u32 v13, v38;
	v43 =	vld.idx.msk [tilespmem:v50+s13+$0x0], $0xffff  }
0x61f: {  	v50 =	vor.u32 v13, v39;
	v45 =	vld.idx.msk [tilespmem:v45+s29+$0x0], $0xffff  }
0x620: {  	v40 =	vadd.f32 v41, v40;
	v41 =	vmul.f32 v42, v49;
	v49 =	vor.u32 v14, v38;
	v42 =	vld.idx.msk [tilespmem:v52+s13+$0x0], $0xffff  }
0x621: {  	v52 =	vor.u32 v14, v39;
	v47 =	vld.idx.msk [tilespmem:v47+s29+$0x0], $0xffff  }
0x622: {  	v40 =	vadd.f32 v41, v40;
	v41 =	vmul.f32 v46, v51;
	v51 =	vor.u32 v15, v38;
	v46 =	vld.idx.msk [tilespmem:v53+s13+$0x0], $0xffff  }
0x623: {  	v53 =	vor.u32 v15, v39;
	v48 =	vld.idx.msk [tilespmem:v48+s29+$0x0], $0xffff  }
0x624: {  	v40 =	vadd.f32 v41, v40;
	v41 =	vmul.f32 v43, v44;
	v44 =	vor.u32 v16, v38;
	v43 =	vld.idx.msk [tilespmem:v50+s13+$0x0], $0xffff  }
0x625: {  	v50 =	vor.u32 v16, v39;
	v49 =	vld.idx.msk [tilespmem:v49+s29+$0x0], $0xffff  }
0x626: {  	v40 =	vadd.f32 v41, v40;
	v41 =	vmul.f32 v42, v45;
	v45 =	vor.u32 v17, v38;
	v42 =	vld.idx.msk [tilespmem:v52+s13+$0x0], $0xffff  }
0x627: {  	v52 =	vor.u32 v17, v39;
	v51 =	vld.idx.msk [tilespmem:v51+s29+$0x0], $0xffff  }
0x628: {  	v40 =	vadd.f32 v41, v40;
	v41 =	vmul.f32 v46, v47;
	v47 =	vor.u32 v18, v38;
	v46 =	vld.idx.msk [tilespmem:v53+s13+$0x0], $0xffff  }
0x629: {  	v53 =	vor.u32 v18, v39;
	v44 =	vld.idx.msk [tilespmem:v44+s29+$0x0], $0xffff  }
0x62a: {  	v40 =	vadd.f32 v41, v40;
	v41 =	vmul.f32 v43, v48;
	v48 =	vor.u32 v19, v38;
	v43 =	vld.idx.msk [tilespmem:v50+s13+$0x0], $0xffff  }
0x62b: {  	v50 =	vor.u32 v19, v39;
	v45 =	vld.idx.msk [tilespmem:v45+s29+$0x0], $0xffff  }
0x62c: {  	v40 =	vadd.f32 v41, v40;
	v41 =	vmul.f32 v42, v49;
	v49 =	vor.u32 v20, v38;
	v42 =	vld.idx.msk [tilespmem:v52+s13+$0x0], $0xffff  }
0x62d: {  	v52 =	vor.u32 v20, v39;
	v47 =	vld.idx.msk [tilespmem:v47+s29+$0x0], $0xffff  }
0x62e: {  	v40 =	vadd.f32 v41, v40;
	v41 =	vmul.f32 v46, v51;
	v51 =	vor.u32 v21, v38;
	v46 =	vld.idx.msk [tilespmem:v53+s13+$0x0], $0xffff  }
0x62f: {  	v53 =	vor.u32 v21, v39;
	v48 =	vld.idx.msk [tilespmem:v48+s29+$0x0], $0xffff  }
0x630: {  	v40 =	vadd.f32 v41, v40;
	v41 =	vmul.f32 v43, v44;
	v44 =	vor.u32 v22, v38;
	v43 =	vld.idx.msk [tilespmem:v50+s13+$0x0], $0xffff  }
0x631: {  	v50 =	vor.u32 v22, v39;
	v49 =	vld.idx.msk [tilespmem:v49+s29+$0x0], $0xffff  }
0x632: {  	v40 =	vadd.f32 v41, v40;
	v41 =	vmul.f32 v42, v45;
	v45 =	vor.u32 v23, v38;
	v42 =	vld.idx.msk [tilespmem:v52+s13+$0x0], $0xffff  }
0x633: {  	v52 =	vor.u32 v23, v39;
	v51 =	vld.idx.msk [tilespmem:v51+s29+$0x0], $0xffff  }
0x634: {  	v40 =	vadd.f32 v41, v40;
	v41 =	vmul.f32 v46, v47;
	v47 =	vor.u32 v24, v38;
	v46 =	vld.idx.msk [tilespmem:v53+s13+$0x0], $0xffff  }
0x635: {  	v53 =	vor.u32 v24, v39;
	v44 =	vld.idx.msk [tilespmem:v44+s29+$0x0], $0xffff  }
0x636: {  	v40 =	vadd.f32 v41, v40;
	v41 =	vmul.f32 v43, v48;
	v48 =	vor.u32 v25, v38;
	v43 =	vld.idx.msk [tilespmem:v50+s13+$0x0], $0xffff  }
0x637: {  	v50 =	vor.u32 v25, v39;
	v45 =	vld.idx.msk [tilespmem:v45+s29+$0x0], $0xffff  }
0x638: {  	v40 =	vadd.f32 v41, v40;
	v41 =	vmul.f32 v42, v49;
	v49 =	vor.u32 v26, v38;
	v42 =	vld.idx.msk [tilespmem:v52+s13+$0x0], $0xffff  }
0x639: {  	v52 =	vor.u32 v26, v39;
	v47 =	vld.idx.msk [tilespmem:v47+s29+$0x0], $0xffff  }
0x63a: {  	v40 =	vadd.f32 v41, v40;
	v41 =	vmul.f32 v46, v51;
	v51 =	vor.u32 v27, v38;
	v46 =	vld.idx.msk [tilespmem:v53+s13+$0x0], $0xffff  }
0x63b: {  	v53 =	vor.u32 v27, v39;
	v48 =	vld.idx.msk [tilespmem:v48+s29+$0x0], $0xffff  }
0x63c: {  	v40 =	vadd.f32 v41, v40;
	v41 =	vmul.f32 v43, v44;
	v44 =	vor.u32 v28, v38;
	v43 =	vld.idx.msk [tilespmem:v50+s13+$0x0], $0xffff  }
0x63d: {  	v50 =	vor.u32 v28, v39;
	v49 =	vld.idx.msk [tilespmem:v49+s29+$0x0], $0xffff  }
0x63e: {  	v40 =	vadd.f32 v41, v40;
	v41 =	vmul.f32 v42, v45;
	v45 =	vor.u32 v29, v38;
	v42 =	vld.idx.msk [tilespmem:v52+s13+$0x0], $0xffff  }
0x63f: {  	v52 =	vor.u32 v29, v39;
	v51 =	vld.idx.msk [tilespmem:v51+s29+$0x0], $0xffff  }
0x640: {  	v40 =	vadd.f32 v41, v40;
	v41 =	vmul.f32 v46, v47;
	v47 =	vor.u32 v30, v38;
	v46 =	vld.idx.msk [tilespmem:v53+s13+$0x0], $0xffff  }
0x641: {  	v53 =	vor.u32 v30, v39;
	v44 =	vld.idx.msk [tilespmem:v44+s29+$0x0], $0xffff  }
0x642: {  	v40 =	vadd.f32 v41, v40;
	v41 =	vmul.f32 v43, v48;
	v48 =	vor.u32 v31, v38;
	v43 =	vld.idx.msk [tilespmem:v50+s13+$0x0], $0xffff  }
0x643: {  	v50 =	vor.u32 v31, v39;
	v45 =	vld.idx.msk [tilespmem:v45+s29+$0x0], $0xffff  }
0x644: {  	v40 =	vadd.f32 v41, v40;
	v41 =	vmul.f32 v42, v49;
	v49 =	vor.u32 v32, v38;
	v42 =	vld.idx.msk [tilespmem:v52+s13+$0x0], $0xffff  }
0x645: {  	v52 =	vor.u32 v32, v39;
	v47 =	vld.idx.msk [tilespmem:v47+s29+$0x0], $0xffff  }
0x646: {  	v40 =	vadd.f32 v41, v40;
	v41 =	vmul.f32 v46, v51;
	v51 =	vor.u32 v33, v38;
	v46 =	vld.idx.msk [tilespmem:v53+s13+$0x0], $0xffff  }
0x647: {  	v53 =	vor.u32 v33, v39;
	v48 =	vld.idx.msk [tilespmem:v48+s29+$0x0], $0xffff  }
0x648: {  	v40 =	vadd.f32 v41, v40;
	v41 =	vmul.f32 v43, v44;
	v44 =	vor.u32 v34, v38;
	v43 =	vld.idx.msk [tilespmem:v50+s13+$0x0], $0xffff  }
0x649: {  	v50 =	vor.u32 v34, v39;
	v49 =	vld.idx.msk [tilespmem:v49+s29+$0x0], $0xffff  }
0x64a: {  	v38 =	vor.u32 v35, v38;
	v40 =	vadd.f32 v41, v40;
	v41 =	vmul.f32 v42, v45;
	v42 =	vld.idx.msk [tilespmem:v52+s13+$0x0], $0xffff  }
0x64b: {  	v39 =	vor.u32 v35, v39;
	v45 =	vld.idx.msk [tilespmem:v51+s29+$0x0], $0xffff  }
0x64c: {  	v40 =	vadd.f32 v41, v40;
	v41 =	vmul.f32 v46, v47;
	v46 =	vld.idx.msk [tilespmem:v53+s13+$0x0], $0xffff  }
0x64d: {  	v44 =	vld.idx.msk [tilespmem:v44+s29+$0x0], $0xffff  }
0x64e: {  	v40 =	vadd.f32 v41, v40;
	v41 =	vmul.f32 v43, v48;
	v43 =	vld.idx.msk [tilespmem:v50+s13+$0x0], $0xffff  }
0x64f: {  	v47 =	vld.idx.msk [tilespmem:v38+s29+$0x0], $0xffff  }
0x650: {  	v38 =	vadd.f32 v41, v40;
	v40 =	vmul.f32 v42, v49;
	v39 =	vld.idx.msk [tilespmem:v39+s13+$0x0], $0xffff;
	_ =	sdelay $0x1  }
0x651: {  	v38 =	vadd.f32 v40, v38;
	v40 =	vmul.f32 v46, v45  }
.Ltmp2:
0x652: {  	(pc) =	sbr.rel @p0 .LBB2_6-.Ltmp2, $3  }
0x653: {  	v38 =	vadd.f32 v40, v38;
	v41 =	vmul.f32 v43, v44;
	_ =	sdelay $0x1  }
0x654: {  	v40 =	vor.u32 s14, v37;
	v38 =	vadd.f32 v41, v38;
	v39 =	vmul.f32 v39, v47  }
0x655: {  	s14 =	sadd.s32 $0x10, s14  }
0x656: {  	_ = 	snop  }
0x657: {  	v37 =	vadd.f32 v39, v38  }
0x658: {  	s11 =	sadd.s32 $0x10, s11  }
0x659: {  	[tilespmem:s11+$0x0] =	vst v37  }
0x65a: {  	v37 =	vld.idx.msk [tilespmem:v40+s2+$0x0], $0xffff  }
0x65b: {  	v59 =	vmov s12;
	v58 =	vld.idx.msk [tilespmem:v40+s18+$0x0], $0xffff  }
0x65c: {  	v39 =	vshll.u32 v59, $0x8  }
0x65d: {  	v39 =	vor.u32 v36, v39  }
0x65e: {  	v39 =	vand.u32 $0x7800, v39  }
0x65f: {  	v42 =	vor.u32 v2, v39  }
0x660: {  	v41 =	vshll.u32 v37, $0x5;
	v37 =	vshll.u32 v37, $0x8;
	v43 =	vshll.u32 v58, $0x8  }
0x661: {  	v38 =	vshll.u32 v58, $0x5;
	v41 =	vand.u32 $0x60, v41;
	v37 =	vand.u32 $0x400, v37  }
0x662: {  	v43 =	vand.u32 $0x400, v43;
	v38 =	vand.u32 $0x60, v38;
	v45 =	vor.u32 v37, v42  }
0x663: {  	v44 =	vor.u32 v39, v41;
	v42 =	vor.u32 v43, v42;
	v41 =	vor.u32 v41, v45  }
0x664: {  	v42 =	vor.u32 v38, v42;
	v37 =	vor.u32 v37, v44;
	v38 =	vor.u32 v39, v38  }
0x665: {  	v60 =	vor.u32 v5, v37;
	v38 =	vor.u32 v43, v38  }
0x666: {  	v61 =	vld.idx.msk [tilespmem:v40+s25+$0x0], $0xffff;
	v62 =	vor.u32 v5, v38  }
0x667: {  	v63 =	vld.idx.msk [tilespmem:v40+s26+$0x0], $0xffff;
	v55 =	vor.u32 v6, v37  }
0x668: {  	v46 =	vor.u32 v6, v38;
	v41 =	vld.idx.msk [tilespmem:v41+s29+$0x0], $0xffff  }
0x669: {  	v47 =	vor.u32 v7, v37;
	v42 =	vld.idx.msk [tilespmem:v42+s13+$0x0], $0xffff  }
0x66a: {  	v48 =	vor.u32 v7, v38;
	v39 =	vld.idx.msk [tilespmem:v60+s29+$0x0], $0xffff  }
0x66b: {  	v49 =	vor.u32 v8, v37;
	v44 =	vld.idx.msk [tilespmem:v62+s13+$0x0], $0xffff  }
0x66c: {  	v50 =	vor.u32 v8, v38;
	v45 =	vld.idx.msk [tilespmem:v55+s29+$0x0], $0xffff  }
0x66d: {  	v52 =	vor.u32 v9, v38;
	v46 =	vld.idx.msk [tilespmem:v46+s13+$0x0], $0xffff  }
0x66e: {  	v40 =	vadd.f32 v63, v61;
	v51 =	vor.u32 v9, v37;
	v47 =	vld.idx.msk [tilespmem:v47+s29+$0x0], $0xffff;
	v41 =	vmul.f32 v42, v41  }
0x66f: {  	v56 =	vor.u32 v10, v37;
	v42 =	vld.idx.msk [tilespmem:v48+s13+$0x0], $0xffff  }
0x670: {  	v57 =	vor.u32 v10, v38;
	v48 =	vld.idx.msk [tilespmem:v49+s29+$0x0], $0xffff;
	v40 =	vadd.f32 v41, v40;
	v39 =	vmul.f32 v44, v39  }
0x671: {  	v58 =	vor.u32 v11, v37;
	v41 =	vld.idx.msk [tilespmem:v50+s13+$0x0], $0xffff  }
0x672: {  	v59 =	vor.u32 v11, v38;
	v61 =	vld.idx.msk [tilespmem:v52+s13+$0x0], $0xffff;
	v60 =	vmul.f32 v46, v45;
	v39 =	vadd.f32 v39, v40  }
0x673: {  	v62 =	vor.u32 v12, v37;
	v50 =	vld.idx.msk [tilespmem:v51+s29+$0x0], $0xffff  }
0x674: {  	v63 =	vor.u32 v12, v38;
	v43 =	vld.idx.msk [tilespmem:v56+s29+$0x0], $0xffff;
	v56 =	vmul.f32 v42, v47;
	v39 =	vadd.f32 v60, v39  }
0x675: {  	v42 =	vld.idx.msk [tilespmem:v57+s13+$0x0], $0xffff;
	v57 =	vor.u32 v13, v37  }
0x676: {  	v49 =	vor.u32 v13, v38;
	v44 =	vld.idx.msk [tilespmem:v58+s29+$0x0], $0xffff;
	v58 =	vmul.f32 v41, v48;
	v39 =	vadd.f32 v56, v39  }
0x677: {  	v41 =	vld.idx.msk [tilespmem:v59+s13+$0x0], $0xffff;
	v59 =	vor.u32 v14, v37  }
0x678: {  	v46 =	vld.idx.msk [tilespmem:v62+s29+$0x0], $0xffff;
	v60 =	vor.u32 v14, v38;
	v61 =	vmul.f32 v61, v50;
	v39 =	vadd.f32 v58, v39  }
0x679: {  	v62 =	vld.idx.msk [tilespmem:v63+s13+$0x0], $0xffff;
	v63 =	vor.u32 v15, v37  }
0x67a: {  	v56 =	vor.u32 v15, v38;
	v47 =	vld.idx.msk [tilespmem:v57+s29+$0x0], $0xffff;
	v57 =	vmul.f32 v42, v43;
	v39 =	vadd.f32 v61, v39  }
0x67b: {  	v42 =	vld.idx.msk [tilespmem:v49+s13+$0x0], $0xffff;
	v58 =	vor.u32 v16, v37  }
0x67c: {  	v49 =	vor.u32 v16, v38;
	v48 =	vld.idx.msk [tilespmem:v59+s29+$0x0], $0xffff;
	v59 =	vmul.f32 v41, v44;
	v39 =	vadd.f32 v57, v39  }
0x67d: {  	v41 =	vld.idx.msk [tilespmem:v60+s13+$0x0], $0xffff;
	v60 =	vor.u32 v17, v37  }
0x67e: {  	v50 =	vld.idx.msk [tilespmem:v63+s29+$0x0], $0xffff;
	v62 =	vmul.f32 v62, v46;
	v61 =	vor.u32 v17, v38;
	v39 =	vadd.f32 v59, v39  }
0x67f: {  	v63 =	vld.idx.msk [tilespmem:v56+s13+$0x0], $0xffff;
	v56 =	vor.u32 v18, v37  }
0x680: {  	v57 =	vor.u32 v18, v38;
	v43 =	vld.idx.msk [tilespmem:v58+s29+$0x0], $0xffff;
	v58 =	vmul.f32 v42, v47;
	v39 =	vadd.f32 v62, v39  }
0x681: {  	v42 =	vld.idx.msk [tilespmem:v49+s13+$0x0], $0xffff;
	v59 =	vor.u32 v19, v37  }
0x682: {  	v49 =	vor.u32 v19, v38;
	v44 =	vld.idx.msk [tilespmem:v60+s29+$0x0], $0xffff;
	v60 =	vmul.f32 v41, v48;
	v39 =	vadd.f32 v58, v39  }
0x683: {  	v41 =	vld.idx.msk [tilespmem:v61+s13+$0x0], $0xffff;
	v61 =	vor.u32 v20, v37  }
0x684: {  	v46 =	vld.idx.msk [tilespmem:v56+s29+$0x0], $0xffff;
	v62 =	vor.u32 v20, v38;
	v63 =	vmul.f32 v63, v50;
	v39 =	vadd.f32 v60, v39  }
0x685: {  	v56 =	vld.idx.msk [tilespmem:v57+s13+$0x0], $0xffff;
	v57 =	vor.u32 v21, v37  }
0x686: {  	v58 =	vor.u32 v21, v38;
	v47 =	vld.idx.msk [tilespmem:v59+s29+$0x0], $0xffff;
	v59 =	vmul.f32 v42, v43;
	v39 =	vadd.f32 v63, v39  }
0x687: {  	v42 =	vld.idx.msk [tilespmem:v49+s13+$0x0], $0xffff;
	v60 =	vor.u32 v22, v37  }
0x688: {  	v49 =	vor.u32 v22, v38;
	v48 =	vld.idx.msk [tilespmem:v61+s29+$0x0], $0xffff;
	v61 =	vmul.f32 v41, v44;
	v39 =	vadd.f32 v59, v39  }
0x689: {  	v41 =	vld.idx.msk [tilespmem:v62+s13+$0x0], $0xffff;
	v62 =	vor.u32 v23, v37  }
0x68a: {  	v50 =	vld.idx.msk [tilespmem:v57+s29+$0x0], $0xffff;
	v63 =	vor.u32 v23, v38;
	v56 =	vmul.f32 v56, v46;
	v39 =	vadd.f32 v61, v39  }
0x68b: {  	v57 =	vld.idx.msk [tilespmem:v58+s13+$0x0], $0xffff;
	v58 =	vor.u32 v24, v37  }
0x68c: {  	v59 =	vor.u32 v24, v38;
	v43 =	vld.idx.msk [tilespmem:v60+s29+$0x0], $0xffff;
	v60 =	vmul.f32 v42, v47;
	v39 =	vadd.f32 v56, v39  }
0x68d: {  	v42 =	vld.idx.msk [tilespmem:v49+s13+$0x0], $0xffff;
	v61 =	vor.u32 v25, v37  }
0x68e: {  	v49 =	vor.u32 v25, v38;
	v44 =	vld.idx.msk [tilespmem:v62+s29+$0x0], $0xffff;
	v62 =	vmul.f32 v41, v48;
	v39 =	vadd.f32 v60, v39  }
0x68f: {  	v41 =	vld.idx.msk [tilespmem:v63+s13+$0x0], $0xffff;
	v63 =	vor.u32 v26, v37  }
0x690: {  	v46 =	vld.idx.msk [tilespmem:v58+s29+$0x0], $0xffff;
	v56 =	vor.u32 v26, v38;
	v57 =	vmul.f32 v57, v50;
	v39 =	vadd.f32 v62, v39  }
0x691: {  	v58 =	vld.idx.msk [tilespmem:v59+s13+$0x0], $0xffff;
	v59 =	vor.u32 v27, v37  }
0x692: {  	v60 =	vor.u32 v27, v38;
	v47 =	vld.idx.msk [tilespmem:v61+s29+$0x0], $0xffff;
	v61 =	vmul.f32 v42, v43;
	v39 =	vadd.f32 v57, v39  }
0x693: {  	v42 =	vld.idx.msk [tilespmem:v49+s13+$0x0], $0xffff;
	v62 =	vor.u32 v28, v37  }
0x694: {  	v48 =	vld.idx.msk [tilespmem:v63+s29+$0x0], $0xffff;
	v63 =	vor.u32 v28, v38;
	v55 =	vmul.f32 v41, v44;
	v39 =	vadd.f32 v61, v39  }
0x695: {  	v41 =	vld.idx.msk [tilespmem:v56+s13+$0x0], $0xffff;
	v56 =	vor.u32 v29, v37  }
0x696: {  	v50 =	vld.idx.msk [tilespmem:v59+s29+$0x0], $0xffff;
	v57 =	vor.u32 v29, v38;
	v58 =	vmul.f32 v58, v46;
	v39 =	vadd.f32 v55, v39  }
0x697: {  	v59 =	vld.idx.msk [tilespmem:v60+s13+$0x0], $0xffff;
	v60 =	vor.u32 v30, v37  }
0x698: {  	v61 =	vor.u32 v30, v38;
	v43 =	vld.idx.msk [tilespmem:v62+s29+$0x0], $0xffff;
	v62 =	vmul.f32 v42, v47;
	v39 =	vadd.f32 v58, v39  }
0x699: {  	v49 =	vor.u32 v31, v38;
	v63 =	vld.idx.msk [tilespmem:v63+s13+$0x0], $0xffff  }
0x69a: {  	v54 =	vor.u32 v31, v37;
	v44 =	vld.idx.msk [tilespmem:v56+s29+$0x0], $0xffff;
	v55 =	vmul.f32 v41, v48;
	v39 =	vadd.f32 v62, v39  }
0x69b: {  	v56 =	vld.idx.msk [tilespmem:v57+s13+$0x0], $0xffff;
	v57 =	vor.u32 v32, v37  }
0x69c: {  	v46 =	vld.idx.msk [tilespmem:v60+s29+$0x0], $0xffff;
	v58 =	vor.u32 v32, v38;
	v59 =	vmul.f32 v59, v50;
	v39 =	vadd.f32 v55, v39  }
0x69d: {  	v60 =	vld.idx.msk [tilespmem:v61+s13+$0x0], $0xffff;
	v61 =	vor.u32 v33, v37  }
0x69e: {  	v53 =	vld.idx.msk [tilespmem:v49+s13+$0x0], $0xffff;
	v62 =	vor.u32 v33, v38;
	v63 =	vmul.f32 v63, v43;
	v39 =	vadd.f32 v59, v39  }
0x69f: {  	v47 =	vld.idx.msk [tilespmem:v54+s29+$0x0], $0xffff;
	v54 =	vor.u32 v34, v37  }
0x6a0: {  	v48 =	vld.idx.msk [tilespmem:v57+s29+$0x0], $0xffff;
	v55 =	vor.u32 v34, v38;
	v56 =	vmul.f32 v56, v44;
	v39 =	vadd.f32 v63, v39  }
0x6a1: {  	v37 =	vor.u32 v35, v37;
	v57 =	vld.idx.msk [tilespmem:v58+s13+$0x0], $0xffff  }
0x6a2: {  	v38 =	vor.u32 v35, v38;
	v58 =	vld.idx.msk [tilespmem:v61+s29+$0x0], $0xffff;
	v59 =	vmul.f32 v60, v46;
	v39 =	vadd.f32 v56, v39  }
0x6a3: {  	v60 =	vld.idx.msk [tilespmem:v62+s13+$0x0], $0xffff  }
0x6a4: {  	v43 =	vld.idx.msk [tilespmem:v54+s29+$0x0], $0xffff;
	v61 =	vmul.f32 v53, v47;
	v39 =	vadd.f32 v59, v39  }
0x6a5: {  	v62 =	vld.idx.msk [tilespmem:v55+s13+$0x0], $0xffff  }
0x6a6: {  	v37 =	vld.idx.msk [tilespmem:v37+s29+$0x0], $0xffff;
	v63 =	vmul.f32 v57, v48;
	v39 =	vadd.f32 v61, v39  }
0x6a7: {  	v38 =	vld.idx.msk [tilespmem:v38+s13+$0x0], $0xffff  }
0x6a8: {  	v45 =	vmul.f32 v60, v58;
	v39 =	vadd.f32 v63, v39;
	_ =	sdelay $0x1  }
0x6a9: {  	v46 =	vmul.f32 v62, v43;
	v39 =	vadd.f32 v45, v39;
	_ =	sdelay $0x1  }
0x6aa: {  	v37 =	vmul.f32 v38, v37;
	v39 =	vadd.f32 v46, v39;
	_ =	sdelay $0x1  }
0x6ab: {  	v37 =	vadd.f32 v37, v39  }
0x6ac: {  	s11 =	sadd.s32 $0x10, s11  }
0x6ad: {  	[tilespmem:s11+$0x0] =	vst v37  }
0x6ae: {  	v37 =	vld [tilespmem:$0x580];
	_ =	sdelay $0x4  }
0x6af: {  	v47 =	vshll.u32 v37, $0x1  }
0x6b0: {  	v37 =	vand.u32 $0x7, v37;
	v38 =	vand.u32 $0xFFFFFFF0, v47  }
0x6b1: {  	v37 =	vor.u32 v37, v38  }
0x6b2: {  	v38 =	vperm.xlane v37, v1;
	_ =	sdelay $0x1  }
0x6b3: {  	v37 =	vperm.xlane v37, v4;
	v38 =	vadd.s32 v3, v38;
	_ =	sdelay $0x1  }
0x6b4: {  	v37 =	vadd.s32 v3, v37;
	_ =	sdelay $0x1  }
0x6b5: {  	s11 =	simm.s32 $0x0  }
0x6b6: {  	[tilespmem:s29], [sflag:$0x1] =	stream.indirect_vreg.gather [hbm4b:s4+s11], $0x80, v38, vm0, $0xb8;
	[tilespmem:$0x10E00] =	vst v63  }
0x6b7: {  	_ = 	snop  }
0x6b8: {  	[tilespmem:s15], [sflag:$0x1] =	stream.indirect_vreg.gather [hbm4b:s4+s11], $0x80, v37, vm0, $0xb8;
	[tilespmem:$0x10E00] =	vst v63  }
0x6b9: {  	v37 =	vld [tilespmem:$0x590];
	_ =	sdelay $0x4  }
0x6ba: {  	v48 =	vshll.u32 v37, $0x1  }
0x6bb: {  	v37 =	vand.u32 $0x7, v37;
	v38 =	vand.u32 $0xFFFFFFF0, v48  }
0x6bc: {  	v37 =	vor.u32 v37, v38  }
0x6bd: {  	v38 =	vperm.xlane v37, v1;
	_ =	sdelay $0x1  }
0x6be: {  	v37 =	vperm.xlane v37, v4;
	v38 =	vadd.s32 v3, v38;
	_ =	sdelay $0x1  }
0x6bf: {  	v37 =	vadd.s32 v3, v37;
	_ =	sdelay $0x2  }
0x6c0: {  	[tilespmem:s16], [sflag:$0x1] =	stream.indirect_vreg.gather [hbm4b:s4+s11], $0x80, v38, vm0, $0xb8;
	[tilespmem:$0x10E00] =	vst v63  }
0x6c1: {  	_ = 	snop  }
0x6c2: {  	[tilespmem:s30], [sflag:$0x1] =	stream.indirect_vreg.gather [hbm4b:s4+s11], $0x80, v37, vm0, $0xb8;
	[tilespmem:$0x10E00] =	vst v63  }
0x6c3: {  	v37 =	vld [tilespmem:$0x5A0];
	_ =	sdelay $0x4  }
0x6c4: {  	v49 =	vshll.u32 v37, $0x1  }
0x6c5: {  	v37 =	vand.u32 $0x7, v37;
	v38 =	vand.u32 $0xFFFFFFF0, v49  }
0x6c6: {  	v37 =	vor.u32 v37, v38  }
0x6c7: {  	v38 =	vperm.xlane v37, v1;
	_ =	sdelay $0x1  }
0x6c8: {  	v37 =	vperm.xlane v37, v4;
	v38 =	vadd.s32 v3, v38;
	_ =	sdelay $0x1  }
0x6c9: {  	v37 =	vadd.s32 v3, v37;
	_ =	sdelay $0x1  }
0x6ca: {  	s16 =	simm.s32 $0x2800  }
0x6cb: {  	[tilespmem:s16], [sflag:$0x1] =	stream.indirect_vreg.gather [hbm4b:s4+s11], $0x80, v38, vm0, $0xb8;
	[tilespmem:$0x10E00] =	vst v63  }
0x6cc: {  	s30 =	simm.s32 $0x3000  }
0x6cd: {  	[tilespmem:s30], [sflag:$0x1] =	stream.indirect_vreg.gather [hbm4b:s4+s11], $0x80, v37, vm0, $0xb8;
	[tilespmem:$0x10E00] =	vst v63  }
0x6ce: {  	v37 =	vld [tilespmem:$0x5B0];
	_ =	sdelay $0x4  }
0x6cf: {  	v50 =	vshll.u32 v37, $0x1  }
0x6d0: {  	v37 =	vand.u32 $0x7, v37;
	v38 =	vand.u32 $0xFFFFFFF0, v50  }
0x6d1: {  	v37 =	vor.u32 v37, v38  }
0x6d2: {  	v38 =	vperm.xlane v37, v1;
	_ =	sdelay $0x1  }
0x6d3: {  	v37 =	vperm.xlane v37, v4;
	v38 =	vadd.s32 v3, v38;
	_ =	sdelay $0x1  }
0x6d4: {  	v37 =	vadd.s32 v3, v37;
	_ =	sdelay $0x1  }
0x6d5: {  	s14 =	simm.s32 $0x3800  }
0x6d6: {  	[tilespmem:s14], [sflag:$0x1] =	stream.indirect_vreg.gather [hbm4b:s4+s11], $0x80, v38, vm0, $0xb8;
	[tilespmem:$0x10E00] =	vst v63  }
0x6d7: {  	s15 =	simm.s32 $0x4000  }
0x6d8: {  	[tilespmem:s15], [sflag:$0x1] =	stream.indirect_vreg.gather [hbm4b:s4+s11], $0x80, v37, vm0, $0xb8;
	[tilespmem:$0x10E00] =	vst v63  }
0x6d9: {  	v37 =	vld [tilespmem:$0x5C0];
	_ =	sdelay $0x4  }
0x6da: {  	v51 =	vshll.u32 v37, $0x1  }
0x6db: {  	v37 =	vand.u32 $0x7, v37;
	v38 =	vand.u32 $0xFFFFFFF0, v51  }
0x6dc: {  	v37 =	vor.u32 v37, v38  }
0x6dd: {  	v38 =	vperm.xlane v37, v1;
	_ =	sdelay $0x1  }
0x6de: {  	v37 =	vperm.xlane v37, v4;
	v38 =	vadd.s32 v3, v38;
	_ =	sdelay $0x1  }
0x6df: {  	v37 =	vadd.s32 v3, v37;
	_ =	sdelay $0x1  }
0x6e0: {  	s16 =	simm.s32 $0x4800  }
0x6e1: {  	[tilespmem:s16], [sflag:$0x1] =	stream.indirect_vreg.gather [hbm4b:s4+s11], $0x80, v38, vm0, $0xb8;
	[tilespmem:$0x10E00] =	vst v63  }
0x6e2: {  	s30 =	simm.s32 $0x5000  }
0x6e3: {  	[tilespmem:s30], [sflag:$0x1] =	stream.indirect_vreg.gather [hbm4b:s4+s11], $0x80, v37, vm0, $0xb8;
	[tilespmem:$0x10E00] =	vst v63  }
0x6e4: {  	v37 =	vld [tilespmem:$0x5D0];
	_ =	sdelay $0x4  }
0x6e5: {  	v52 =	vshll.u32 v37, $0x1  }
0x6e6: {  	v37 =	vand.u32 $0x7, v37;
	v38 =	vand.u32 $0xFFFFFFF0, v52  }
0x6e7: {  	v37 =	vor.u32 v37, v38  }
0x6e8: {  	v38 =	vperm.xlane v37, v1;
	_ =	sdelay $0x1  }
0x6e9: {  	v37 =	vperm.xlane v37, v4;
	v38 =	vadd.s32 v3, v38;
	_ =	sdelay $0x1  }
0x6ea: {  	v37 =	vadd.s32 v3, v37;
	_ =	sdelay $0x1  }
0x6eb: {  	s14 =	simm.s32 $0x5800  }
0x6ec: {  	[tilespmem:s14], [sflag:$0x1] =	stream.indirect_vreg.gather [hbm4b:s4+s11], $0x80, v38, vm0, $0xb8;
	[tilespmem:$0x10E00] =	vst v63  }
0x6ed: {  	s15 =	simm.s32 $0x6000  }
0x6ee: {  	[tilespmem:s15], [sflag:$0x1] =	stream.indirect_vreg.gather [hbm4b:s4+s11], $0x80, v37, vm0, $0xb8;
	[tilespmem:$0x10E00] =	vst v63  }
0x6ef: {  	v37 =	vld [tilespmem:$0x5E0];
	_ =	sdelay $0x4  }
0x6f0: {  	v53 =	vshll.u32 v37, $0x1  }
0x6f1: {  	v37 =	vand.u32 $0x7, v37;
	v38 =	vand.u32 $0xFFFFFFF0, v53  }
0x6f2: {  	v37 =	vor.u32 v37, v38  }
0x6f3: {  	v38 =	vperm.xlane v37, v1;
	_ =	sdelay $0x1  }
0x6f4: {  	v37 =	vperm.xlane v37, v4;
	v38 =	vadd.s32 v3, v38;
	_ =	sdelay $0x1  }
0x6f5: {  	v37 =	vadd.s32 v3, v37;
	_ =	sdelay $0x1  }
0x6f6: {  	s16 =	simm.s32 $0x6800  }
0x6f7: {  	[tilespmem:s16], [sflag:$0x1] =	stream.indirect_vreg.gather [hbm4b:s4+s11], $0x80, v38, vm0, $0xb8;
	[tilespmem:$0x10E00] =	vst v63  }
0x6f8: {  	s30 =	simm.s32 $0x7000  }
0x6f9: {  	[tilespmem:s30], [sflag:$0x1] =	stream.indirect_vreg.gather [hbm4b:s4+s11], $0x80, v37, vm0, $0xb8;
	[tilespmem:$0x10E00] =	vst v63  }
0x6fa: {  	v37 =	vld [tilespmem:$0x5F0];
	_ =	sdelay $0x4  }
0x6fb: {  	v54 =	vshll.u32 v37, $0x1  }
0x6fc: {  	v37 =	vand.u32 $0x7, v37;
	v38 =	vand.u32 $0xFFFFFFF0, v54  }
0x6fd: {  	v37 =	vor.u32 v37, v38  }
0x6fe: {  	v38 =	vperm.xlane v37, v1;
	_ =	sdelay $0x1  }
0x6ff: {  	v37 =	vperm.xlane v37, v4;
	v38 =	vadd.s32 v3, v38;
	_ =	sdelay $0x1  }
0x700: {  	v37 =	vadd.s32 v3, v37;
	_ =	sdelay $0x1  }
0x701: {  	s14 =	simm.s32 $0x7800  }
0x702: {  	[tilespmem:s14], [sflag:$0x1] =	stream.indirect_vreg.gather [hbm4b:s4+s11], $0x80, v38, vm0, $0xb8;
	[tilespmem:$0x10E00] =	vst v63  }
0x703: {  	s15 =	simm.s32 $0x8000  }
0x704: {  	[tilespmem:s15], [sflag:$0x1] =	stream.indirect_vreg.gather [hbm4b:s4+s11], $0x80, v37, vm0, $0xb8;
	[tilespmem:$0x10E00] =	vst v63  }
0x705: {  	v37 =	vld [tilespmem:$0x780];
	_ =	sdelay $0x4  }
0x706: {  	v55 =	vshll.u32 v37, $0x1  }
0x707: {  	v37 =	vand.u32 $0x7, v37;
	v38 =	vand.u32 $0xFFFFFFF0, v55  }
0x708: {  	v37 =	vor.u32 v37, v38  }
0x709: {  	v38 =	vperm.xlane v37, v1;
	_ =	sdelay $0x1  }
0x70a: {  	v37 =	vperm.xlane v37, v4;
	v38 =	vadd.s32 v3, v38;
	_ =	sdelay $0x1  }
0x70b: {  	v37 =	vadd.s32 v3, v37;
	_ =	sdelay $0x2  }
0x70c: {  	[tilespmem:s13], [sflag:$0x1] =	stream.indirect_vreg.gather [hbm4b:s5+s11], $0x80, v38, vm0, $0xb8;
	[tilespmem:$0x10E00] =	vst v63  }
0x70d: {  	s16 =	simm.s32 $0x9000  }
0x70e: {  	[tilespmem:s16], [sflag:$0x1] =	stream.indirect_vreg.gather [hbm4b:s5+s11], $0x80, v37, vm0, $0xb8;
	[tilespmem:$0x10E00] =	vst v63  }
0x70f: {  	v37 =	vld [tilespmem:$0x790];
	_ =	sdelay $0x4  }
0x710: {  	v56 =	vshll.u32 v37, $0x1  }
0x711: {  	v37 =	vand.u32 $0x7, v37;
	v38 =	vand.u32 $0xFFFFFFF0, v56  }
0x712: {  	v37 =	vor.u32 v37, v38  }
0x713: {  	v38 =	vperm.xlane v37, v1;
	_ =	sdelay $0x1  }
0x714: {  	v37 =	vperm.xlane v37, v4;
	v38 =	vadd.s32 v3, v38;
	_ =	sdelay $0x1  }
0x715: {  	v37 =	vadd.s32 v3, v37;
	_ =	sdelay $0x1  }
0x716: {  	s30 =	simm.s32 $0x9800  }
0x717: {  	[tilespmem:s30], [sflag:$0x1] =	stream.indirect_vreg.gather [hbm4b:s5+s11], $0x80, v38, vm0, $0xb8;
	[tilespmem:$0x10E00] =	vst v63  }
0x718: {  	s14 =	simm.s32 $0xA000  }
0x719: {  	[tilespmem:s14], [sflag:$0x1] =	stream.indirect_vreg.gather [hbm4b:s5+s11], $0x80, v37, vm0, $0xb8;
	[tilespmem:$0x10E00] =	vst v63  }
0x71a: {  	v37 =	vld [tilespmem:$0x7A0];
	_ =	sdelay $0x4  }
0x71b: {  	v57 =	vshll.u32 v37, $0x1  }
0x71c: {  	v37 =	vand.u32 $0x7, v37;
	v38 =	vand.u32 $0xFFFFFFF0, v57  }
0x71d: {  	v37 =	vor.u32 v37, v38  }
0x71e: {  	v38 =	vperm.xlane v37, v1;
	_ =	sdelay $0x1  }
0x71f: {  	v37 =	vperm.xlane v37, v4;
	v38 =	vadd.s32 v3, v38;
	_ =	sdelay $0x1  }
0x720: {  	v37 =	vadd.s32 v3, v37;
	_ =	sdelay $0x1  }
0x721: {  	s15 =	simm.s32 $0xA800  }
0x722: {  	[tilespmem:s15], [sflag:$0x1] =	stream.indirect_vreg.gather [hbm4b:s5+s11], $0x80, v38, vm0, $0xb8;
	[tilespmem:$0x10E00] =	vst v63  }
0x723: {  	s16 =	simm.s32 $0xB000  }
0x724: {  	[tilespmem:s16], [sflag:$0x1] =	stream.indirect_vreg.gather [hbm4b:s5+s11], $0x80, v37, vm0, $0xb8;
	[tilespmem:$0x10E00] =	vst v63  }
0x725: {  	v37 =	vld [tilespmem:$0x7B0];
	_ =	sdelay $0x4  }
0x726: {  	v58 =	vshll.u32 v37, $0x1  }
0x727: {  	v37 =	vand.u32 $0x7, v37;
	v38 =	vand.u32 $0xFFFFFFF0, v58  }
0x728: {  	v37 =	vor.u32 v37, v38  }
0x729: {  	v38 =	vperm.xlane v37, v1;
	_ =	sdelay $0x1  }
0x72a: {  	v37 =	vperm.xlane v37, v4;
	v38 =	vadd.s32 v3, v38;
	_ =	sdelay $0x1  }
0x72b: {  	v37 =	vadd.s32 v3, v37;
	_ =	sdelay $0x2  }
0x72c: {  	[tilespmem:s0], [sflag:$0x1] =	stream.indirect_vreg.gather [hbm4b:s5+s11], $0x80, v38, vm0, $0xb8;
	[tilespmem:$0x10E00] =	vst v63  }
0x72d: {  	_ = 	snop  }
0x72e: {  	[tilespmem:s3], [sflag:$0x1] =	stream.indirect_vreg.gather [hbm4b:s5+s11], $0x80, v37, vm0, $0xb8;
	[tilespmem:$0x10E00] =	vst v63  }
0x72f: {  	v37 =	vld [tilespmem:$0x7C0];
	_ =	sdelay $0x4  }
0x730: {  	v59 =	vshll.u32 v37, $0x1  }
0x731: {  	v37 =	vand.u32 $0x7, v37;
	v38 =	vand.u32 $0xFFFFFFF0, v59  }
0x732: {  	v37 =	vor.u32 v37, v38  }
0x733: {  	v38 =	vperm.xlane v37, v1;
	_ =	sdelay $0x1  }
0x734: {  	v37 =	vperm.xlane v37, v4;
	v38 =	vadd.s32 v3, v38;
	_ =	sdelay $0x1  }
0x735: {  	v37 =	vadd.s32 v3, v37;
	_ =	sdelay $0x2  }
0x736: {  	[tilespmem:s20], [sflag:$0x1] =	stream.indirect_vreg.gather [hbm4b:s5+s11], $0x80, v38, vm0, $0xb8;
	[tilespmem:$0x10E00] =	vst v63  }
0x737: {  	_ = 	snop  }
0x738: {  	[tilespmem:s21], [sflag:$0x1] =	stream.indirect_vreg.gather [hbm4b:s5+s11], $0x80, v37, vm0, $0xb8;
	[tilespmem:$0x10E00] =	vst v63  }
0x739: {  	v37 =	vld [tilespmem:$0x7D0];
	_ =	sdelay $0x4  }
0x73a: {  	v60 =	vshll.u32 v37, $0x1  }
0x73b: {  	v37 =	vand.u32 $0x7, v37;
	v38 =	vand.u32 $0xFFFFFFF0, v60  }
0x73c: {  	v37 =	vor.u32 v37, v38  }
0x73d: {  	v38 =	vperm.xlane v37, v1;
	_ =	sdelay $0x1  }
0x73e: {  	v37 =	vperm.xlane v37, v4;
	v38 =	vadd.s32 v3, v38;
	_ =	sdelay $0x1  }
0x73f: {  	v37 =	vadd.s32 v3, v37;
	_ =	sdelay $0x2  }
0x740: {  	[tilespmem:s22], [sflag:$0x1] =	stream.indirect_vreg.gather [hbm4b:s5+s11], $0x80, v38, vm0, $0xb8;
	[tilespmem:$0x10E00] =	vst v63  }
0x741: {  	_ = 	snop  }
0x742: {  	[tilespmem:s23], [sflag:$0x1] =	stream.indirect_vreg.gather [hbm4b:s5+s11], $0x80, v37, vm0, $0xb8;
	[tilespmem:$0x10E00] =	vst v63  }
0x743: {  	v37 =	vld [tilespmem:$0x7E0];
	_ =	sdelay $0x4  }
0x744: {  	v61 =	vshll.u32 v37, $0x1  }
0x745: {  	v37 =	vand.u32 $0x7, v37;
	v38 =	vand.u32 $0xFFFFFFF0, v61  }
0x746: {  	v37 =	vor.u32 v37, v38  }
0x747: {  	v38 =	vperm.xlane v37, v1;
	_ =	sdelay $0x1  }
0x748: {  	v37 =	vperm.xlane v37, v4;
	v38 =	vadd.s32 v3, v38;
	_ =	sdelay $0x1  }
0x749: {  	v37 =	vadd.s32 v3, v37;
	_ =	sdelay $0x2  }
0x74a: {  	[tilespmem:s24], [sflag:$0x1] =	stream.indirect_vreg.gather [hbm4b:s5+s11], $0x80, v38, vm0, $0xb8;
	[tilespmem:$0x10E00] =	vst v63  }
0x74b: {  	_ = 	snop  }
0x74c: {  	[tilespmem:s7], [sflag:$0x1] =	stream.indirect_vreg.gather [hbm4b:s5+s11], $0x80, v37, vm0, $0xb8;
	[tilespmem:$0x10E00] =	vst v63  }
0x74d: {  	v37 =	vld [tilespmem:$0x7F0];
	_ =	sdelay $0x4  }
0x74e: {  	v62 =	vshll.u32 v37, $0x1  }
0x74f: {  	v37 =	vand.u32 $0x7, v37;
	v38 =	vand.u32 $0xFFFFFFF0, v62  }
0x750: {  	v37 =	vor.u32 v37, v38  }
0x751: {  	v38 =	vperm.xlane v37, v1;
	_ =	sdelay $0x1  }
0x752: {  	v37 =	vperm.xlane v37, v4;
	v38 =	vadd.s32 v3, v38;
	_ =	sdelay $0x1  }
0x753: {  	v37 =	vadd.s32 v3, v37;
	_ =	sdelay $0x2  }
0x754: {  	[tilespmem:s8], [sflag:$0x1] =	stream.indirect_vreg.gather [hbm4b:s5+s11], $0x80, v38, vm0, $0xb8;
	[tilespmem:$0x10E00] =	vst v63  }
0x755: {  	_ = 	snop  }
0x756: {  	[tilespmem:s9], [sflag:$0x1] =	stream.indirect_vreg.gather [hbm4b:s5+s11], $0x80, v37, vm0, $0xb8;
	[tilespmem:$0x10E00] =	vst v63  }
0x757: {  	v37 =	vor.u32 $0x180, v0;
	_ =	swait.ge [sflag:s28], $0x8000  }
0x758: {  	v63 =	vor.u32 s11, v37;
	[sflag:s28] =	ssyncset.done $0x0  }
0x759: {  	[sflag:s28] =	ssyncadd.s32 $0xFFFF8000  }
0x75a: {  	_ =	swait.ge [sflag:s28], $0x8000  }
0x75b: {  	[sflag:s28] =	ssyncset.done $0x0  }
0x75c: {  	[sflag:s28] =	ssyncadd.s32 $0xFFFF8000  }
0x75d: {  	v47 =	vld.idx.msk [tilespmem:v63+s2+$0x0], $0xffff  }
0x75e: {  	v49 =	vmov s11;
	v48 =	vld.idx.msk [tilespmem:v63+s18+$0x0], $0xffff  }
0x75f: {  	v41 =	vshll.u32 v49, $0x8  }
0x760: {  	v41 =	vor.u32 v36, v41  }
0x761: {  	v41 =	vand.u32 $0x7800, v41  }
0x762: {  	v51 =	vor.u32 v2, v41  }
0x763: {  	v50 =	vshll.u32 v47, $0x5;
	v38 =	vshll.u32 v47, $0x8;
	v52 =	vshll.u32 v48, $0x8  }
0x764: {  	v39 =	vshll.u32 v48, $0x5;
	v42 =	vand.u32 $0x60, v50;
	v38 =	vand.u32 $0x400, v38  }
0x765: {  	v44 =	vand.u32 $0x400, v52;
	v39 =	vand.u32 $0x60, v39;
	v54 =	vor.u32 v38, v51  }
0x766: {  	v53 =	vor.u32 v41, v42;
	v43 =	vor.u32 v44, v51;
	v42 =	vor.u32 v42, v54  }
0x767: {  	v43 =	vor.u32 v39, v43;
	v38 =	vor.u32 v38, v53;
	v39 =	vor.u32 v41, v39  }
0x768: {  	v55 =	vor.u32 v5, v38;
	v39 =	vor.u32 v44, v39  }
0x769: {  	v40 =	vld.idx.msk [tilespmem:v63+s26+$0x0], $0xffff;
	v56 =	vor.u32 v5, v39  }
0x76a: {  	v44 =	vld.idx.msk [tilespmem:v63+s25+$0x0], $0xffff;
	v57 =	vor.u32 v6, v38  }
0x76b: {  	v58 =	vor.u32 v6, v39;
	v42 =	vld.idx.msk [tilespmem:v42+s29+$0x0], $0xffff  }
0x76c: {  	v59 =	vor.u32 v7, v38;
	v43 =	vld.idx.msk [tilespmem:v43+s13+$0x0], $0xffff  }
0x76d: {  	v60 =	vor.u32 v7, v39;
	v41 =	vld.idx.msk [tilespmem:v55+s29+$0x0], $0xffff  }
0x76e: {  	v61 =	vor.u32 v8, v38;
	v45 =	vld.idx.msk [tilespmem:v56+s13+$0x0], $0xffff  }
0x76f: {  	v62 =	vor.u32 v8, v39;
	v46 =	vld.idx.msk [tilespmem:v57+s29+$0x0], $0xffff  }
0x770: {  	v63 =	vor.u32 v9, v38;
	v47 =	vld.idx.msk [tilespmem:v58+s13+$0x0], $0xffff  }
0x771: {  	v53 =	vor.u32 v9, v39;
	v48 =	vld.idx.msk [tilespmem:v59+s29+$0x0], $0xffff;
	v40 =	vadd.f32 v40, v44;
	v42 =	vmul.f32 v43, v42  }
0x772: {  	v56 =	vor.u32 v10, v38;
	v43 =	vld.idx.msk [tilespmem:v60+s13+$0x0], $0xffff  }
0x773: {  	v49 =	vld.idx.msk [tilespmem:v61+s29+$0x0], $0xffff;
	v57 =	vor.u32 v10, v39;
	v40 =	vadd.f32 v42, v40;
	v41 =	vmul.f32 v45, v41  }
0x774: {  	v58 =	vor.u32 v11, v38;
	v42 =	vld.idx.msk [tilespmem:v62+s13+$0x0], $0xffff  }
0x775: {  	v51 =	vld.idx.msk [tilespmem:v63+s29+$0x0], $0xffff;
	v59 =	vor.u32 v11, v39;
	v60 =	vmul.f32 v47, v46;
	v40 =	vadd.f32 v41, v40  }
0x776: {  	v61 =	vld.idx.msk [tilespmem:v53+s13+$0x0], $0xffff;
	v62 =	vor.u32 v12, v38  }
0x777: {  	v63 =	vor.u32 v12, v39;
	v44 =	vld.idx.msk [tilespmem:v56+s29+$0x0], $0xffff;
	v56 =	vmul.f32 v43, v48;
	v40 =	vadd.f32 v60, v40  }
0x778: {  	v43 =	vld.idx.msk [tilespmem:v57+s13+$0x0], $0xffff;
	v57 =	vor.u32 v13, v38  }
0x779: {  	v50 =	vor.u32 v13, v39;
	v45 =	vld.idx.msk [tilespmem:v58+s29+$0x0], $0xffff;
	v58 =	vmul.f32 v42, v49;
	v40 =	vadd.f32 v56, v40  }
0x77a: {  	v42 =	vld.idx.msk [tilespmem:v59+s13+$0x0], $0xffff;
	v59 =	vor.u32 v14, v38  }
0x77b: {  	v61 =	vmul.f32 v61, v51;
	v60 =	vor.u32 v14, v39;
	v47 =	vld.idx.msk [tilespmem:v62+s29+$0x0], $0xffff;
	v40 =	vadd.f32 v58, v40  }
0x77c: {  	v62 =	vld.idx.msk [tilespmem:v63+s13+$0x0], $0xffff;
	v63 =	vor.u32 v15, v38  }
0x77d: {  	v56 =	vor.u32 v15, v39;
	v48 =	vld.idx.msk [tilespmem:v57+s29+$0x0], $0xffff;
	v57 =	vmul.f32 v43, v44;
	v40 =	vadd.f32 v61, v40  }
0x77e: {  	v43 =	vld.idx.msk [tilespmem:v50+s13+$0x0], $0xffff;
	v58 =	vor.u32 v16, v38  }
0x77f: {  	v50 =	vor.u32 v16, v39;
	v49 =	vld.idx.msk [tilespmem:v59+s29+$0x0], $0xffff;
	v59 =	vmul.f32 v42, v45;
	v40 =	vadd.f32 v57, v40  }
0x780: {  	v42 =	vld.idx.msk [tilespmem:v60+s13+$0x0], $0xffff;
	v60 =	vor.u32 v17, v38  }
0x781: {  	v51 =	vld.idx.msk [tilespmem:v63+s29+$0x0], $0xffff;
	v61 =	vor.u32 v17, v39;
	v62 =	vmul.f32 v62, v47;
	v40 =	vadd.f32 v59, v40  }
0x782: {  	v63 =	vld.idx.msk [tilespmem:v56+s13+$0x0], $0xffff;
	v56 =	vor.u32 v18, v38  }
0x783: {  	v57 =	vor.u32 v18, v39;
	v44 =	vld.idx.msk [tilespmem:v58+s29+$0x0], $0xffff;
	v58 =	vmul.f32 v43, v48;
	v40 =	vadd.f32 v62, v40  }
0x784: {  	v43 =	vld.idx.msk [tilespmem:v50+s13+$0x0], $0xffff;
	v59 =	vor.u32 v19, v38  }
0x785: {  	v50 =	vor.u32 v19, v39;
	v45 =	vld.idx.msk [tilespmem:v60+s29+$0x0], $0xffff;
	v60 =	vmul.f32 v42, v49;
	v40 =	vadd.f32 v58, v40  }
0x786: {  	v42 =	vld.idx.msk [tilespmem:v61+s13+$0x0], $0xffff;
	v61 =	vor.u32 v20, v38  }
0x787: {  	v47 =	vld.idx.msk [tilespmem:v56+s29+$0x0], $0xffff;
	v62 =	vor.u32 v20, v39;
	v63 =	vmul.f32 v63, v51;
	v40 =	vadd.f32 v60, v40  }
0x788: {  	v56 =	vld.idx.msk [tilespmem:v57+s13+$0x0], $0xffff;
	v57 =	vor.u32 v21, v38  }
0x789: {  	v58 =	vor.u32 v21, v39;
	v48 =	vld.idx.msk [tilespmem:v59+s29+$0x0], $0xffff;
	v59 =	vmul.f32 v43, v44;
	v40 =	vadd.f32 v63, v40  }
0x78a: {  	v43 =	vld.idx.msk [tilespmem:v50+s13+$0x0], $0xffff;
	v60 =	vor.u32 v22, v38  }
0x78b: {  	v50 =	vor.u32 v22, v39;
	v49 =	vld.idx.msk [tilespmem:v61+s29+$0x0], $0xffff;
	v61 =	vmul.f32 v42, v45;
	v40 =	vadd.f32 v59, v40  }
0x78c: {  	v42 =	vld.idx.msk [tilespmem:v62+s13+$0x0], $0xffff;
	v62 =	vor.u32 v23, v38  }
0x78d: {  	v51 =	vld.idx.msk [tilespmem:v57+s29+$0x0], $0xffff;
	v63 =	vor.u32 v23, v39;
	v56 =	vmul.f32 v56, v47;
	v40 =	vadd.f32 v61, v40  }
0x78e: {  	v57 =	vld.idx.msk [tilespmem:v58+s13+$0x0], $0xffff;
	v58 =	vor.u32 v24, v38  }
0x78f: {  	v59 =	vor.u32 v24, v39;
	v44 =	vld.idx.msk [tilespmem:v60+s29+$0x0], $0xffff;
	v60 =	vmul.f32 v43, v48;
	v40 =	vadd.f32 v56, v40  }
0x790: {  	v43 =	vld.idx.msk [tilespmem:v50+s13+$0x0], $0xffff;
	v61 =	vor.u32 v25, v38  }
0x791: {  	v50 =	vor.u32 v25, v39;
	v45 =	vld.idx.msk [tilespmem:v62+s29+$0x0], $0xffff;
	v62 =	vmul.f32 v42, v49;
	v40 =	vadd.f32 v60, v40  }
0x792: {  	v42 =	vld.idx.msk [tilespmem:v63+s13+$0x0], $0xffff;
	v63 =	vor.u32 v26, v38  }
0x793: {  	v47 =	vld.idx.msk [tilespmem:v58+s29+$0x0], $0xffff;
	v56 =	vor.u32 v26, v39;
	v57 =	vmul.f32 v57, v51;
	v40 =	vadd.f32 v62, v40  }
0x794: {  	v58 =	vld.idx.msk [tilespmem:v59+s13+$0x0], $0xffff;
	v59 =	vor.u32 v27, v38  }
0x795: {  	v60 =	vor.u32 v27, v39;
	v48 =	vld.idx.msk [tilespmem:v61+s29+$0x0], $0xffff;
	v61 =	vmul.f32 v43, v44;
	v40 =	vadd.f32 v57, v40  }
0x796: {  	v43 =	vld.idx.msk [tilespmem:v50+s13+$0x0], $0xffff;
	v62 =	vor.u32 v28, v38  }
0x797: {  	v50 =	vor.u32 v28, v39;
	v49 =	vld.idx.msk [tilespmem:v63+s29+$0x0], $0xffff;
	v63 =	vmul.f32 v42, v45;
	v40 =	vadd.f32 v61, v40  }
0x798: {  	v42 =	vld.idx.msk [tilespmem:v56+s13+$0x0], $0xffff;
	v56 =	vor.u32 v29, v38  }
0x799: {  	v51 =	vld.idx.msk [tilespmem:v59+s29+$0x0], $0xffff;
	v57 =	vor.u32 v29, v39;
	v58 =	vmul.f32 v58, v47;
	v40 =	vadd.f32 v63, v40  }
0x79a: {  	v59 =	vld.idx.msk [tilespmem:v60+s13+$0x0], $0xffff;
	v60 =	vor.u32 v30, v38  }
0x79b: {  	v61 =	vor.u32 v30, v39;
	v44 =	vld.idx.msk [tilespmem:v62+s29+$0x0], $0xffff;
	v62 =	vmul.f32 v43, v48;
	v40 =	vadd.f32 v58, v40  }
0x79c: {  	v43 =	vld.idx.msk [tilespmem:v50+s13+$0x0], $0xffff;
	v63 =	vor.u32 v31, v38  }
0x79d: {  	v50 =	vor.u32 v31, v39;
	v45 =	vld.idx.msk [tilespmem:v56+s29+$0x0], $0xffff;
	v56 =	vmul.f32 v42, v49;
	v40 =	vadd.f32 v62, v40  }
0x79e: {  	v42 =	vld.idx.msk [tilespmem:v57+s13+$0x0], $0xffff;
	v57 =	vor.u32 v32, v38  }
0x79f: {  	v47 =	vld.idx.msk [tilespmem:v60+s29+$0x0], $0xffff;
	v58 =	vor.u32 v32, v39;
	v59 =	vmul.f32 v59, v51;
	v40 =	vadd.f32 v56, v40  }
0x7a0: {  	v60 =	vld.idx.msk [tilespmem:v61+s13+$0x0], $0xffff;
	v61 =	vor.u32 v33, v38  }
0x7a1: {  	v62 =	vor.u32 v33, v39;
	v48 =	vld.idx.msk [tilespmem:v63+s29+$0x0], $0xffff;
	v63 =	vmul.f32 v43, v44;
	v40 =	vadd.f32 v59, v40  }
0x7a2: {  	v55 =	vor.u32 v34, v38;
	v54 =	vld.idx.msk [tilespmem:v50+s13+$0x0], $0xffff  }
0x7a3: {  	v49 =	vld.idx.msk [tilespmem:v57+s29+$0x0], $0xffff;
	v56 =	vor.u32 v34, v39;
	v57 =	vmul.f32 v42, v45;
	v40 =	vadd.f32 v63, v40  }
0x7a4: {  	v38 =	vor.u32 v35, v38;
	v58 =	vld.idx.msk [tilespmem:v58+s13+$0x0], $0xffff  }
0x7a5: {  	v39 =	vor.u32 v35, v39;
	v59 =	vld.idx.msk [tilespmem:v61+s29+$0x0], $0xffff;
	v60 =	vmul.f32 v60, v47;
	v40 =	vadd.f32 v57, v40  }
0x7a6: {  	v61 =	vld.idx.msk [tilespmem:v62+s13+$0x0], $0xffff  }
0x7a7: {  	v44 =	vld.idx.msk [tilespmem:v55+s29+$0x0], $0xffff;
	v62 =	vmul.f32 v54, v48;
	v40 =	vadd.f32 v60, v40  }
0x7a8: {  	v63 =	vld.idx.msk [tilespmem:v56+s13+$0x0], $0xffff  }
0x7a9: {  	v38 =	vld.idx.msk [tilespmem:v38+s29+$0x0], $0xffff;
	v47 =	vmul.f32 v58, v49;
	v40 =	vadd.f32 v62, v40  }
0x7aa: {  	v39 =	vld.idx.msk [tilespmem:v39+s13+$0x0], $0xffff  }
0x7ab: {  	v48 =	vmul.f32 v61, v59;
	v40 =	vadd.f32 v47, v40;
	_ =	sdelay $0x1  }
0x7ac: {  	v49 =	vmul.f32 v63, v44;
	v40 =	vadd.f32 v48, v40  }
0x7ad: {  	s30 =	simm.s32 $0x10  }
0x7ae: {  	v50 =	vor.u32 s30, v37;
	v38 =	vmul.f32 v39, v38;
	v40 =	vadd.f32 v49, v40;
	_ =	sdelay $0x1  }
0x7af: {  	v38 =	vadd.f32 v38, v40  }
0x7b0: {  	s11 =	simm.s32 $0x10D80  }
0x7b1: {  	[tilespmem:s11+$0x0] =	vst v38  }
0x7b2: {  	v38 =	vld.idx.msk [tilespmem:v50+s2+$0x0], $0xffff  }
0x7b3: {  	v52 =	vmov s30;
	v51 =	vld.idx.msk [tilespmem:v50+s18+$0x0], $0xffff  }
0x7b4: {  	v40 =	vshll.u32 v52, $0x8  }
0x7b5: {  	v40 =	vor.u32 v36, v40  }
0x7b6: {  	v40 =	vand.u32 $0x7800, v40  }
0x7b7: {  	v54 =	vor.u32 v2, v40  }
0x7b8: {  	v53 =	vshll.u32 v38, $0x5;
	v38 =	vshll.u32 v38, $0x8;
	v55 =	vshll.u32 v51, $0x8  }
0x7b9: {  	v39 =	vshll.u32 v51, $0x5;
	v41 =	vand.u32 $0x60, v53;
	v38 =	vand.u32 $0x400, v38  }
0x7ba: {  	v44 =	vand.u32 $0x400, v55;
	v39 =	vand.u32 $0x60, v39;
	v57 =	vor.u32 v38, v54  }
0x7bb: {  	v56 =	vor.u32 v40, v41;
	v43 =	vor.u32 v44, v54;
	v41 =	vor.u32 v41, v57  }
0x7bc: {  	v43 =	vor.u32 v39, v43;
	v38 =	vor.u32 v38, v56;
	v39 =	vor.u32 v40, v39  }
0x7bd: {  	v58 =	vor.u32 v5, v38;
	v39 =	vor.u32 v44, v39  }
0x7be: {  	v42 =	vld.idx.msk [tilespmem:v50+s26+$0x0], $0xffff;
	v59 =	vor.u32 v5, v39  }
0x7bf: {  	v44 =	vld.idx.msk [tilespmem:v50+s25+$0x0], $0xffff;
	v60 =	vor.u32 v6, v38  }
0x7c0: {  	v61 =	vor.u32 v6, v39;
	v41 =	vld.idx.msk [tilespmem:v41+s29+$0x0], $0xffff  }
0x7c1: {  	v62 =	vor.u32 v7, v38;
	v43 =	vld.idx.msk [tilespmem:v43+s13+$0x0], $0xffff  }
0x7c2: {  	v63 =	vor.u32 v7, v39;
	v40 =	vld.idx.msk [tilespmem:v58+s29+$0x0], $0xffff  }
0x7c3: {  	v56 =	vor.u32 v8, v38;
	v45 =	vld.idx.msk [tilespmem:v59+s13+$0x0], $0xffff  }
0x7c4: {  	v57 =	vor.u32 v8, v39;
	v46 =	vld.idx.msk [tilespmem:v60+s29+$0x0], $0xffff  }
0x7c5: {  	v58 =	vor.u32 v9, v38;
	v47 =	vld.idx.msk [tilespmem:v61+s13+$0x0], $0xffff  }
0x7c6: {  	v48 =	vld.idx.msk [tilespmem:v62+s29+$0x0], $0xffff;
	v42 =	vadd.f32 v42, v44;
	v59 =	vor.u32 v9, v39;
	v41 =	vmul.f32 v43, v41  }
0x7c7: {  	v62 =	vor.u32 v10, v39;
	v60 =	vld.idx.msk [tilespmem:v63+s13+$0x0], $0xffff  }
0x7c8: {  	v49 =	vld.idx.msk [tilespmem:v56+s29+$0x0], $0xffff;
	v61 =	vor.u32 v10, v38;
	v41 =	vadd.f32 v41, v42;
	v40 =	vmul.f32 v45, v40  }
0x7c9: {  	v63 =	vor.u32 v11, v38;
	v42 =	vld.idx.msk [tilespmem:v57+s13+$0x0], $0xffff  }
0x7ca: {  	v56 =	vor.u32 v11, v39;
	v51 =	vld.idx.msk [tilespmem:v58+s29+$0x0], $0xffff;
	v57 =	vmul.f32 v47, v46;
	v40 =	vadd.f32 v40, v41  }
0x7cb: {  	v58 =	vor.u32 v12, v38;
	v46 =	vld.idx.msk [tilespmem:v59+s13+$0x0], $0xffff  }
0x7cc: {  	v43 =	vld.idx.msk [tilespmem:v62+s13+$0x0], $0xffff;
	v59 =	vor.u32 v12, v39;
	v60 =	vmul.f32 v60, v48;
	v40 =	vadd.f32 v57, v40  }
0x7cd: {  	v44 =	vld.idx.msk [tilespmem:v61+s29+$0x0], $0xffff;
	v61 =	vor.u32 v13, v38  }
0x7ce: {  	v62 =	vor.u32 v13, v39;
	v45 =	vld.idx.msk [tilespmem:v63+s29+$0x0], $0xffff;
	v63 =	vmul.f32 v42, v49;
	v40 =	vadd.f32 v60, v40  }
0x7cf: {  	v42 =	vld.idx.msk [tilespmem:v56+s13+$0x0], $0xffff;
	v56 =	vor.u32 v14, v38  }
0x7d0: {  	v47 =	vld.idx.msk [tilespmem:v58+s29+$0x0], $0xffff;
	v57 =	vor.u32 v14, v39;
	v58 =	vmul.f32 v46, v51;
	v40 =	vadd.f32 v63, v40  }
0x7d1: {  	v46 =	vld.idx.msk [tilespmem:v59+s13+$0x0], $0xffff;
	v59 =	vor.u32 v15, v38  }
0x7d2: {  	v48 =	vld.idx.msk [tilespmem:v61+s29+$0x0], $0xffff;
	v61 =	vmul.f32 v43, v44;
	v60 =	vor.u32 v15, v39;
	v40 =	vadd.f32 v58, v40  }
0x7d3: {  	v43 =	vld.idx.msk [tilespmem:v62+s13+$0x0], $0xffff;
	v62 =	vor.u32 v16, v38  }
0x7d4: {  	v63 =	vor.u32 v16, v39;
	v49 =	vld.idx.msk [tilespmem:v56+s29+$0x0], $0xffff;
	v56 =	vmul.f32 v42, v45;
	v40 =	vadd.f32 v61, v40  }
0x7d5: {  	v42 =	vld.idx.msk [tilespmem:v57+s13+$0x0], $0xffff;
	v57 =	vor.u32 v17, v38  }
0x7d6: {  	v51 =	vld.idx.msk [tilespmem:v59+s29+$0x0], $0xffff;
	v58 =	vor.u32 v17, v39;
	v59 =	vmul.f32 v46, v47;
	v40 =	vadd.f32 v56, v40  }
0x7d7: {  	v46 =	vld.idx.msk [tilespmem:v60+s13+$0x0], $0xffff;
	v60 =	vor.u32 v18, v38  }
0x7d8: {  	v44 =	vld.idx.msk [tilespmem:v62+s29+$0x0], $0xffff;
	v62 =	vmul.f32 v43, v48;
	v61 =	vor.u32 v18, v39;
	v40 =	vadd.f32 v59, v40  }
0x7d9: {  	v43 =	vld.idx.msk [tilespmem:v63+s13+$0x0], $0xffff;
	v63 =	vor.u32 v19, v38  }
0x7da: {  	v56 =	vor.u32 v19, v39;
	v45 =	vld.idx.msk [tilespmem:v57+s29+$0x0], $0xffff;
	v57 =	vmul.f32 v42, v49;
	v40 =	vadd.f32 v62, v40  }
0x7db: {  	v42 =	vld.idx.msk [tilespmem:v58+s13+$0x0], $0xffff;
	v58 =	vor.u32 v20, v38  }
0x7dc: {  	v47 =	vld.idx.msk [tilespmem:v60+s29+$0x0], $0xffff;
	v59 =	vor.u32 v20, v39;
	v60 =	vmul.f32 v46, v51;
	v40 =	vadd.f32 v57, v40  }
0x7dd: {  	v61 =	vld.idx.msk [tilespmem:v61+s13+$0x0], $0xffff;
	v62 =	vor.u32 v21, v38  }
0x7de: {  	v48 =	vld.idx.msk [tilespmem:v63+s29+$0x0], $0xffff;
	v63 =	vor.u32 v21, v39;
	v55 =	vmul.f32 v43, v44;
	v40 =	vadd.f32 v60, v40  }
0x7df: {  	v43 =	vld.idx.msk [tilespmem:v56+s13+$0x0], $0xffff;
	v56 =	vor.u32 v22, v38  }
0x7e0: {  	v49 =	vld.idx.msk [tilespmem:v58+s29+$0x0], $0xffff;
	v57 =	vor.u32 v22, v39;
	v58 =	vmul.f32 v42, v45;
	v40 =	vadd.f32 v55, v40  }
0x7e1: {  	v42 =	vld.idx.msk [tilespmem:v59+s13+$0x0], $0xffff;
	v59 =	vor.u32 v23, v38  }
0x7e2: {  	v52 =	vor.u32 v23, v39;
	v60 =	vmul.f32 v61, v47;
	v51 =	vld.idx.msk [tilespmem:v62+s29+$0x0], $0xffff;
	v40 =	vadd.f32 v58, v40  }
0x7e3: {  	v61 =	vld.idx.msk [tilespmem:v63+s13+$0x0], $0xffff;
	v62 =	vor.u32 v24, v38  }
0x7e4: {  	v63 =	vor.u32 v24, v39;
	v44 =	vld.idx.msk [tilespmem:v56+s29+$0x0], $0xffff;
	v56 =	vmul.f32 v43, v48;
	v40 =	vadd.f32 v60, v40  }
0x7e5: {  	v43 =	vld.idx.msk [tilespmem:v57+s13+$0x0], $0xffff;
	v57 =	vor.u32 v25, v38  }
0x7e6: {  	v45 =	vld.idx.msk [tilespmem:v59+s29+$0x0], $0xffff;
	v58 =	vor.u32 v25, v39;
	v59 =	vmul.f32 v42, v49;
	v40 =	vadd.f32 v56, v40  }
0x7e7: {  	v42 =	vld.idx.msk [tilespmem:v52+s13+$0x0], $0xffff;
	v60 =	vor.u32 v26, v38  }
0x7e8: {  	v52 =	vor.u32 v26, v39;
	v47 =	vld.idx.msk [tilespmem:v62+s29+$0x0], $0xffff;
	v61 =	vmul.f32 v61, v51;
	v40 =	vadd.f32 v59, v40  }
0x7e9: {  	v62 =	vld.idx.msk [tilespmem:v63+s13+$0x0], $0xffff;
	v63 =	vor.u32 v27, v38  }
0x7ea: {  	v48 =	vld.idx.msk [tilespmem:v57+s29+$0x0], $0xffff;
	v56 =	vor.u32 v27, v39;
	v57 =	vmul.f32 v43, v44;
	v40 =	vadd.f32 v61, v40  }
0x7eb: {  	v43 =	vld.idx.msk [tilespmem:v58+s13+$0x0], $0xffff;
	v58 =	vor.u32 v28, v38  }
0x7ec: {  	v59 =	vor.u32 v28, v39;
	v49 =	vld.idx.msk [tilespmem:v60+s29+$0x0], $0xffff;
	v60 =	vmul.f32 v42, v45;
	v40 =	vadd.f32 v57, v40  }
0x7ed: {  	v42 =	vld.idx.msk [tilespmem:v52+s13+$0x0], $0xffff;
	v61 =	vor.u32 v29, v38  }
0x7ee: {  	v51 =	vld.idx.msk [tilespmem:v63+s29+$0x0], $0xffff;
	v52 =	vor.u32 v29, v39;
	v62 =	vmul.f32 v62, v47;
	v40 =	vadd.f32 v60, v40  }
0x7ef: {  	v63 =	vld.idx.msk [tilespmem:v56+s13+$0x0], $0xffff;
	v56 =	vor.u32 v30, v38  }
0x7f0: {  	v44 =	vld.idx.msk [tilespmem:v58+s29+$0x0], $0xffff;
	v57 =	vor.u32 v30, v39;
	v58 =	vmul.f32 v43, v48;
	v40 =	vadd.f32 v62, v40  }
0x7f1: {  	v43 =	vld.idx.msk [tilespmem:v59+s13+$0x0], $0xffff;
	v59 =	vor.u32 v31, v38  }
0x7f2: {  	v60 =	vor.u32 v31, v39;
	v45 =	vld.idx.msk [tilespmem:v61+s29+$0x0], $0xffff;
	v61 =	vmul.f32 v42, v49;
	v40 =	vadd.f32 v58, v40  }
0x7f3: {  	v42 =	vld.idx.msk [tilespmem:v52+s13+$0x0], $0xffff;
	v62 =	vor.u32 v32, v38  }
0x7f4: {  	v52 =	vor.u32 v32, v39;
	v47 =	vld.idx.msk [tilespmem:v56+s29+$0x0], $0xffff;
	v63 =	vmul.f32 v63, v51;
	v40 =	vadd.f32 v61, v40  }
0x7f5: {  	v56 =	vld.idx.msk [tilespmem:v57+s13+$0x0], $0xffff;
	v57 =	vor.u32 v33, v38  }
0x7f6: {  	v48 =	vld.idx.msk [tilespmem:v59+s29+$0x0], $0xffff;
	v58 =	vor.u32 v33, v39;
	v59 =	vmul.f32 v43, v44;
	v40 =	vadd.f32 v63, v40  }
0x7f7: {  	v60 =	vld.idx.msk [tilespmem:v60+s13+$0x0], $0xffff;
	v61 =	vor.u32 v34, v38  }
0x7f8: {  	v49 =	vld.idx.msk [tilespmem:v62+s29+$0x0], $0xffff;
	v62 =	vor.u32 v34, v39;
	v63 =	vmul.f32 v42, v45;
	v40 =	vadd.f32 v59, v40  }
0x7f9: {  	v52 =	vld.idx.msk [tilespmem:v52+s13+$0x0], $0xffff;
	v38 =	vor.u32 v35, v38  }
0x7fa: {  	v39 =	vor.u32 v35, v39;
	v54 =	vld.idx.msk [tilespmem:v57+s29+$0x0], $0xffff;
	v55 =	vmul.f32 v56, v47;
	v40 =	vadd.f32 v63, v40  }
0x7fb: {  	v56 =	vld.idx.msk [tilespmem:v58+s13+$0x0], $0xffff  }
0x7fc: {  	v57 =	vmul.f32 v60, v48;
	v44 =	vld.idx.msk [tilespmem:v61+s29+$0x0], $0xffff;
	v40 =	vadd.f32 v55, v40  }
0x7fd: {  	v58 =	vld.idx.msk [tilespmem:v62+s13+$0x0], $0xffff  }
0x7fe: {  	v59 =	vld.idx.msk [tilespmem:v38+s29+$0x0], $0xffff;
	v61 =	vmul.f32 v52, v49;
	v60 =	vadd.f32 v57, v40  }
0x7ff: {  	v39 =	vld.idx.msk [tilespmem:v39+s13+$0x0], $0xffff  }
0x800: {  	v62 =	vmul.f32 v56, v54;
	v38 =	vadd.f32 v61, v60;
	_ =	sdelay $0x1  }
0x801: {  	v63 =	vmul.f32 v58, v44;
	v38 =	vadd.f32 v62, v38  }
0x802: {  	s12 =	simm.s32 $0x20  }
0x803: {  	v40 =	vor.u32 s12, v37;
	v39 =	vmul.f32 v39, v59;
	v38 =	vadd.f32 v63, v38  }
0x804: {  	s14 =	simm.s32 $0x30  }
.LBB2_8:
0x805: {  	p0 =	sne.s32 s14, $0x70;
	v38 =	vadd.f32 v39, v38  }
0x806: {  	s11 =	sadd.s32 $0x10, s11  }
0x807: {  	[tilespmem:s11+$0x0] =	vst v38  }
0x808: {  	v38 =	vld.idx.msk [tilespmem:v40+s2+$0x0], $0xffff;
	_ =	sdelay $0x1  }
0x809: {  	v39 =	vld.idx.msk [tilespmem:v40+s18+$0x0], $0xffff  }
0x80a: {  	v41 =	vmov s12;
	s12 =	smov.u32 s14  }
0x80b: {  	v41 =	vshll.u32 v41, $0x8  }
0x80c: {  	v41 =	vor.u32 v36, v41  }
0x80d: {  	v41 =	vand.u32 $0x7800, v41;
	v42 =	vshll.u32 v38, $0x5  }
0x80e: {  	v43 =	vor.u32 v2, v41;
	v38 =	vshll.u32 v38, $0x8;
	v42 =	vand.u32 $0x60, v42  }
0x80f: {  	v38 =	vand.u32 $0x400, v38;
	v44 =	vshll.u32 v39, $0x8;
	v45 =	vor.u32 v41, v42  }
0x810: {  	v39 =	vshll.u32 v39, $0x5;
	v46 =	vor.u32 v38, v43;
	v44 =	vand.u32 $0x400, v44  }
0x811: {  	v42 =	vor.u32 v42, v46;
	v39 =	vand.u32 $0x60, v39;
	v43 =	vor.u32 v44, v43  }
0x812: {  	v38 =	vor.u32 v38, v45;
	v43 =	vor.u32 v39, v43;
	v39 =	vor.u32 v41, v39  }
0x813: {  	v41 =	vor.u32 v5, v38;
	v39 =	vor.u32 v44, v39  }
0x814: {  	v45 =	vor.u32 v5, v39;
	v44 =	vld.idx.msk [tilespmem:v40+s25+$0x0], $0xffff  }
0x815: {  	v46 =	vor.u32 v6, v38;
	v40 =	vld.idx.msk [tilespmem:v40+s26+$0x0], $0xffff  }
0x816: {  	v47 =	vor.u32 v6, v39;
	v42 =	vld.idx.msk [tilespmem:v42+s29+$0x0], $0xffff  }
0x817: {  	v48 =	vor.u32 v7, v38;
	v43 =	vld.idx.msk [tilespmem:v43+s13+$0x0], $0xffff  }
0x818: {  	v49 =	vor.u32 v7, v39;
	v41 =	vld.idx.msk [tilespmem:v41+s29+$0x0], $0xffff  }
0x819: {  	v50 =	vor.u32 v8, v38;
	v45 =	vld.idx.msk [tilespmem:v45+s13+$0x0], $0xffff  }
0x81a: {  	v51 =	vor.u32 v8, v39;
	v46 =	vld.idx.msk [tilespmem:v46+s29+$0x0], $0xffff  }
0x81b: {  	v52 =	vor.u32 v9, v38;
	v47 =	vld.idx.msk [tilespmem:v47+s13+$0x0], $0xffff  }
0x81c: {  	v53 =	vor.u32 v9, v39;
	v48 =	vld.idx.msk [tilespmem:v48+s29+$0x0], $0xffff  }
0x81d: {  	v40 =	vadd.f32 v40, v44;
	v44 =	vor.u32 v10, v38;
	v42 =	vmul.f32 v43, v42;
	v43 =	vld.idx.msk [tilespmem:v49+s13+$0x0], $0xffff  }
0x81e: {  	v49 =	vld.idx.msk [tilespmem:v50+s29+$0x0], $0xffff;
	v50 =	vor.u32 v10, v39  }
0x81f: {  	v40 =	vadd.f32 v42, v40;
	v41 =	vmul.f32 v45, v41;
	v45 =	vor.u32 v11, v38;
	v42 =	vld.idx.msk [tilespmem:v51+s13+$0x0], $0xffff  }
0x820: {  	v51 =	vld.idx.msk [tilespmem:v52+s29+$0x0], $0xffff;
	v52 =	vor.u32 v11, v39  }
0x821: {  	v40 =	vadd.f32 v41, v40;
	v41 =	vmul.f32 v47, v46;
	v47 =	vor.u32 v12, v38;
	v46 =	vld.idx.msk [tilespmem:v53+s13+$0x0], $0xffff  }
0x822: {  	v53 =	vor.u32 v12, v39;
	v44 =	vld.idx.msk [tilespmem:v44+s29+$0x0], $0xffff  }
0x823: {  	v40 =	vadd.f32 v41, v40;
	v41 =	vmul.f32 v43, v48;
	v48 =	vor.u32 v13, v38;
	v43 =	vld.idx.msk [tilespmem:v50+s13+$0x0], $0xffff  }
0x824: {  	v50 =	vor.u32 v13, v39;
	v45 =	vld.idx.msk [tilespmem:v45+s29+$0x0], $0xffff  }
0x825: {  	v40 =	vadd.f32 v41, v40;
	v41 =	vmul.f32 v42, v49;
	v49 =	vor.u32 v14, v38;
	v42 =	vld.idx.msk [tilespmem:v52+s13+$0x0], $0xffff  }
0x826: {  	v52 =	vor.u32 v14, v39;
	v47 =	vld.idx.msk [tilespmem:v47+s29+$0x0], $0xffff  }
0x827: {  	v40 =	vadd.f32 v41, v40;
	v41 =	vmul.f32 v46, v51;
	v51 =	vor.u32 v15, v38;
	v46 =	vld.idx.msk [tilespmem:v53+s13+$0x0], $0xffff  }
0x828: {  	v53 =	vor.u32 v15, v39;
	v48 =	vld.idx.msk [tilespmem:v48+s29+$0x0], $0xffff  }
0x829: {  	v40 =	vadd.f32 v41, v40;
	v41 =	vmul.f32 v43, v44;
	v44 =	vor.u32 v16, v38;
	v43 =	vld.idx.msk [tilespmem:v50+s13+$0x0], $0xffff  }
0x82a: {  	v50 =	vor.u32 v16, v39;
	v49 =	vld.idx.msk [tilespmem:v49+s29+$0x0], $0xffff  }
0x82b: {  	v40 =	vadd.f32 v41, v40;
	v41 =	vmul.f32 v42, v45;
	v45 =	vor.u32 v17, v38;
	v42 =	vld.idx.msk [tilespmem:v52+s13+$0x0], $0xffff  }
0x82c: {  	v52 =	vor.u32 v17, v39;
	v51 =	vld.idx.msk [tilespmem:v51+s29+$0x0], $0xffff  }
0x82d: {  	v40 =	vadd.f32 v41, v40;
	v41 =	vmul.f32 v46, v47;
	v47 =	vor.u32 v18, v38;
	v46 =	vld.idx.msk [tilespmem:v53+s13+$0x0], $0xffff  }
0x82e: {  	v53 =	vor.u32 v18, v39;
	v44 =	vld.idx.msk [tilespmem:v44+s29+$0x0], $0xffff  }
0x82f: {  	v40 =	vadd.f32 v41, v40;
	v41 =	vmul.f32 v43, v48;
	v48 =	vor.u32 v19, v38;
	v43 =	vld.idx.msk [tilespmem:v50+s13+$0x0], $0xffff  }
0x830: {  	v50 =	vor.u32 v19, v39;
	v45 =	vld.idx.msk [tilespmem:v45+s29+$0x0], $0xffff  }
0x831: {  	v40 =	vadd.f32 v41, v40;
	v41 =	vmul.f32 v42, v49;
	v49 =	vor.u32 v20, v38;
	v42 =	vld.idx.msk [tilespmem:v52+s13+$0x0], $0xffff  }
0x832: {  	v52 =	vor.u32 v20, v39;
	v47 =	vld.idx.msk [tilespmem:v47+s29+$0x0], $0xffff  }
0x833: {  	v40 =	vadd.f32 v41, v40;
	v41 =	vmul.f32 v46, v51;
	v51 =	vor.u32 v21, v38;
	v46 =	vld.idx.msk [tilespmem:v53+s13+$0x0], $0xffff  }
0x834: {  	v53 =	vor.u32 v21, v39;
	v48 =	vld.idx.msk [tilespmem:v48+s29+$0x0], $0xffff  }
0x835: {  	v40 =	vadd.f32 v41, v40;
	v41 =	vmul.f32 v43, v44;
	v44 =	vor.u32 v22, v38;
	v43 =	vld.idx.msk [tilespmem:v50+s13+$0x0], $0xffff  }
0x836: {  	v50 =	vor.u32 v22, v39;
	v49 =	vld.idx.msk [tilespmem:v49+s29+$0x0], $0xffff  }
0x837: {  	v40 =	vadd.f32 v41, v40;
	v41 =	vmul.f32 v42, v45;
	v45 =	vor.u32 v23, v38;
	v42 =	vld.idx.msk [tilespmem:v52+s13+$0x0], $0xffff  }
0x838: {  	v52 =	vor.u32 v23, v39;
	v51 =	vld.idx.msk [tilespmem:v51+s29+$0x0], $0xffff  }
0x839: {  	v40 =	vadd.f32 v41, v40;
	v41 =	vmul.f32 v46, v47;
	v47 =	vor.u32 v24, v38;
	v46 =	vld.idx.msk [tilespmem:v53+s13+$0x0], $0xffff  }
0x83a: {  	v53 =	vor.u32 v24, v39;
	v44 =	vld.idx.msk [tilespmem:v44+s29+$0x0], $0xffff  }
0x83b: {  	v40 =	vadd.f32 v41, v40;
	v41 =	vmul.f32 v43, v48;
	v48 =	vor.u32 v25, v38;
	v43 =	vld.idx.msk [tilespmem:v50+s13+$0x0], $0xffff  }
0x83c: {  	v50 =	vor.u32 v25, v39;
	v45 =	vld.idx.msk [tilespmem:v45+s29+$0x0], $0xffff  }
0x83d: {  	v40 =	vadd.f32 v41, v40;
	v41 =	vmul.f32 v42, v49;
	v49 =	vor.u32 v26, v38;
	v42 =	vld.idx.msk [tilespmem:v52+s13+$0x0], $0xffff  }
0x83e: {  	v52 =	vor.u32 v26, v39;
	v47 =	vld.idx.msk [tilespmem:v47+s29+$0x0], $0xffff  }
0x83f: {  	v40 =	vadd.f32 v41, v40;
	v41 =	vmul.f32 v46, v51;
	v51 =	vor.u32 v27, v38;
	v46 =	vld.idx.msk [tilespmem:v53+s13+$0x0], $0xffff  }
0x840: {  	v53 =	vor.u32 v27, v39;
	v48 =	vld.idx.msk [tilespmem:v48+s29+$0x0], $0xffff  }
0x841: {  	v40 =	vadd.f32 v41, v40;
	v41 =	vmul.f32 v43, v44;
	v44 =	vor.u32 v28, v38;
	v43 =	vld.idx.msk [tilespmem:v50+s13+$0x0], $0xffff  }
0x842: {  	v50 =	vor.u32 v28, v39;
	v49 =	vld.idx.msk [tilespmem:v49+s29+$0x0], $0xffff  }
0x843: {  	v40 =	vadd.f32 v41, v40;
	v41 =	vmul.f32 v42, v45;
	v45 =	vor.u32 v29, v38;
	v42 =	vld.idx.msk [tilespmem:v52+s13+$0x0], $0xffff  }
0x844: {  	v52 =	vor.u32 v29, v39;
	v51 =	vld.idx.msk [tilespmem:v51+s29+$0x0], $0xffff  }
0x845: {  	v40 =	vadd.f32 v41, v40;
	v41 =	vmul.f32 v46, v47;
	v47 =	vor.u32 v30, v38;
	v46 =	vld.idx.msk [tilespmem:v53+s13+$0x0], $0xffff  }
0x846: {  	v53 =	vor.u32 v30, v39;
	v44 =	vld.idx.msk [tilespmem:v44+s29+$0x0], $0xffff  }
0x847: {  	v40 =	vadd.f32 v41, v40;
	v41 =	vmul.f32 v43, v48;
	v48 =	vor.u32 v31, v38;
	v43 =	vld.idx.msk [tilespmem:v50+s13+$0x0], $0xffff  }
0x848: {  	v50 =	vor.u32 v31, v39;
	v45 =	vld.idx.msk [tilespmem:v45+s29+$0x0], $0xffff  }
0x849: {  	v40 =	vadd.f32 v41, v40;
	v41 =	vmul.f32 v42, v49;
	v49 =	vor.u32 v32, v38;
	v42 =	vld.idx.msk [tilespmem:v52+s13+$0x0], $0xffff  }
0x84a: {  	v52 =	vor.u32 v32, v39;
	v47 =	vld.idx.msk [tilespmem:v47+s29+$0x0], $0xffff  }
0x84b: {  	v40 =	vadd.f32 v41, v40;
	v41 =	vmul.f32 v46, v51;
	v51 =	vor.u32 v33, v38;
	v46 =	vld.idx.msk [tilespmem:v53+s13+$0x0], $0xffff  }
0x84c: {  	v53 =	vor.u32 v33, v39;
	v48 =	vld.idx.msk [tilespmem:v48+s29+$0x0], $0xffff  }
0x84d: {  	v40 =	vadd.f32 v41, v40;
	v41 =	vmul.f32 v43, v44;
	v44 =	vor.u32 v34, v38;
	v43 =	vld.idx.msk [tilespmem:v50+s13+$0x0], $0xffff  }
0x84e: {  	v50 =	vor.u32 v34, v39;
	v49 =	vld.idx.msk [tilespmem:v49+s29+$0x0], $0xffff  }
0x84f: {  	v38 =	vor.u32 v35, v38;
	v40 =	vadd.f32 v41, v40;
	v41 =	vmul.f32 v42, v45;
	v42 =	vld.idx.msk [tilespmem:v52+s13+$0x0], $0xffff  }
0x850: {  	v39 =	vor.u32 v35, v39;
	v45 =	vld.idx.msk [tilespmem:v51+s29+$0x0], $0xffff  }
0x851: {  	v40 =	vadd.f32 v41, v40;
	v41 =	vmul.f32 v46, v47;
	v46 =	vld.idx.msk [tilespmem:v53+s13+$0x0], $0xffff  }
0x852: {  	v44 =	vld.idx.msk [tilespmem:v44+s29+$0x0], $0xffff  }
0x853: {  	v40 =	vadd.f32 v41, v40;
	v41 =	vmul.f32 v43, v48;
	v43 =	vld.idx.msk [tilespmem:v50+s13+$0x0], $0xffff  }
0x854: {  	v47 =	vld.idx.msk [tilespmem:v38+s29+$0x0], $0xffff  }
0x855: {  	v38 =	vadd.f32 v41, v40;
	v40 =	vmul.f32 v42, v49;
	v39 =	vld.idx.msk [tilespmem:v39+s13+$0x0], $0xffff;
	_ =	sdelay $0x1  }
0x856: {  	v38 =	vadd.f32 v40, v38;
	v40 =	vmul.f32 v46, v45  }
.Ltmp3:
0x857: {  	(pc) =	sbr.rel @p0 .LBB2_8-.Ltmp3, $3  }
0x858: {  	v38 =	vadd.f32 v40, v38;
	v41 =	vmul.f32 v43, v44;
	_ =	sdelay $0x1  }
0x859: {  	v40 =	vor.u32 s14, v37;
	v38 =	vadd.f32 v41, v38;
	v39 =	vmul.f32 v39, v47  }
0x85a: {  	s14 =	sadd.s32 $0x10, s14  }
0x85b: {  	_ = 	snop  }
0x85c: {  	v37 =	vadd.f32 v39, v38  }
0x85d: {  	s11 =	sadd.s32 $0x10, s11  }
0x85e: {  	[tilespmem:s11+$0x0] =	vst v37  }
0x85f: {  	v37 =	vld.idx.msk [tilespmem:v40+s2+$0x0], $0xffff  }
0x860: {  	v55 =	vmov s12;
	v54 =	vld.idx.msk [tilespmem:v40+s18+$0x0], $0xffff  }
0x861: {  	v39 =	vshll.u32 v55, $0x8  }
0x862: {  	v36 =	vor.u32 v36, v39  }
0x863: {  	v41 =	vand.u32 $0x7800, v36  }
0x864: {  	v58 =	vor.u32 v2, v41  }
0x865: {  	v56 =	vshll.u32 v37, $0x5;
	v37 =	vshll.u32 v37, $0x8;
	v42 =	vshll.u32 v54, $0x8  }
0x866: {  	v38 =	vshll.u32 v54, $0x5;
	v57 =	vand.u32 $0x60, v56;
	v37 =	vand.u32 $0x400, v37  }
0x867: {  	v42 =	vand.u32 $0x400, v42;
	v38 =	vand.u32 $0x60, v38;
	v44 =	vor.u32 v37, v58  }
0x868: {  	v43 =	vor.u32 v41, v57;
	v59 =	vor.u32 v42, v58;
	v44 =	vor.u32 v57, v44  }
0x869: {  	v60 =	vor.u32 v41, v38;
	v39 =	vor.u32 v38, v59;
	v36 =	vor.u32 v37, v43  }
0x86a: {  	v37 =	vor.u32 v42, v60;
	v61 =	vor.u32 v5, v36  }
0x86b: {  	v62 =	vld.idx.msk [tilespmem:v40+s25+$0x0], $0xffff;
	v42 =	vor.u32 v5, v37  }
0x86c: {  	v63 =	vld.idx.msk [tilespmem:v40+s26+$0x0], $0xffff;
	v43 =	vor.u32 v6, v36  }
0x86d: {  	v45 =	vor.u32 v6, v37;
	v44 =	vld.idx.msk [tilespmem:v44+s29+$0x0], $0xffff  }
0x86e: {  	v46 =	vor.u32 v7, v36;
	v39 =	vld.idx.msk [tilespmem:v39+s13+$0x0], $0xffff  }
0x86f: {  	v47 =	vor.u32 v7, v37;
	v38 =	vld.idx.msk [tilespmem:v61+s29+$0x0], $0xffff  }
0x870: {  	v48 =	vor.u32 v8, v36;
	v42 =	vld.idx.msk [tilespmem:v42+s13+$0x0], $0xffff  }
0x871: {  	v49 =	vor.u32 v8, v37;
	v43 =	vld.idx.msk [tilespmem:v43+s29+$0x0], $0xffff  }
0x872: {  	v50 =	vor.u32 v9, v36;
	v45 =	vld.idx.msk [tilespmem:v45+s13+$0x0], $0xffff  }
0x873: {  	v40 =	vadd.f32 v63, v62;
	v51 =	vor.u32 v9, v37;
	v46 =	vld.idx.msk [tilespmem:v46+s29+$0x0], $0xffff;
	v39 =	vmul.f32 v39, v44  }
0x874: {  	v56 =	vor.u32 v10, v37;
	v54 =	vld.idx.msk [tilespmem:v47+s13+$0x0], $0xffff  }
0x875: {  	v55 =	vor.u32 v10, v36;
	v47 =	vld.idx.msk [tilespmem:v48+s29+$0x0], $0xffff;
	v38 =	vmul.f32 v42, v38;
	v39 =	vadd.f32 v39, v40  }
0x876: {  	v58 =	vor.u32 v11, v36;
	v57 =	vld.idx.msk [tilespmem:v49+s13+$0x0], $0xffff  }
0x877: {  	v59 =	vor.u32 v11, v37;
	v49 =	vld.idx.msk [tilespmem:v50+s29+$0x0], $0xffff;
	v60 =	vmul.f32 v45, v43;
	v38 =	vadd.f32 v38, v39  }
0x878: {  	v62 =	vor.u32 v12, v36;
	v61 =	vld.idx.msk [tilespmem:v51+s13+$0x0], $0xffff  }
0x879: {  	v63 =	vor.u32 v12, v37;
	v41 =	vld.idx.msk [tilespmem:v56+s13+$0x0], $0xffff;
	v53 =	vmul.f32 v54, v46;
	v38 =	vadd.f32 v60, v38  }
0x87a: {  	v44 =	vld.idx.msk [tilespmem:v55+s29+$0x0], $0xffff;
	v54 =	vor.u32 v13, v36  }
0x87b: {  	v55 =	vor.u32 v13, v37;
	v42 =	vld.idx.msk [tilespmem:v58+s29+$0x0], $0xffff;
	v56 =	vmul.f32 v57, v47;
	v38 =	vadd.f32 v53, v38  }
0x87c: {  	v57 =	vld.idx.msk [tilespmem:v59+s13+$0x0], $0xffff;
	v58 =	vor.u32 v14, v36  }
0x87d: {  	v45 =	vld.idx.msk [tilespmem:v62+s29+$0x0], $0xffff;
	v59 =	vor.u32 v14, v37;
	v60 =	vmul.f32 v61, v49;
	v38 =	vadd.f32 v56, v38  }
0x87e: {  	v62 =	vor.u32 v15, v36;
	v61 =	vld.idx.msk [tilespmem:v63+s13+$0x0], $0xffff  }
0x87f: {  	v46 =	vld.idx.msk [tilespmem:v54+s29+$0x0], $0xffff;
	v63 =	vor.u32 v15, v37;
	v53 =	vmul.f32 v41, v44;
	v38 =	vadd.f32 v60, v38  }
0x880: {  	v54 =	vor.u32 v16, v36;
	v41 =	vld.idx.msk [tilespmem:v55+s13+$0x0], $0xffff  }
0x881: {  	v47 =	vld.idx.msk [tilespmem:v58+s29+$0x0], $0xffff;
	v55 =	vor.u32 v16, v37;
	v56 =	vmul.f32 v57, v42;
	v38 =	vadd.f32 v53, v38  }
0x882: {  	v58 =	vor.u32 v17, v36;
	v57 =	vld.idx.msk [tilespmem:v59+s13+$0x0], $0xffff  }
0x883: {  	v49 =	vld.idx.msk [tilespmem:v62+s29+$0x0], $0xffff;
	v59 =	vor.u32 v17, v37;
	v60 =	vmul.f32 v61, v45;
	v38 =	vadd.f32 v56, v38  }
0x884: {  	v62 =	vor.u32 v18, v36;
	v61 =	vld.idx.msk [tilespmem:v63+s13+$0x0], $0xffff  }
0x885: {  	v44 =	vld.idx.msk [tilespmem:v54+s29+$0x0], $0xffff;
	v63 =	vor.u32 v18, v37;
	v53 =	vmul.f32 v41, v46;
	v38 =	vadd.f32 v60, v38  }
0x886: {  	v54 =	vor.u32 v19, v36;
	v41 =	vld.idx.msk [tilespmem:v55+s13+$0x0], $0xffff  }
0x887: {  	v42 =	vld.idx.msk [tilespmem:v58+s29+$0x0], $0xffff;
	v55 =	vor.u32 v19, v37;
	v56 =	vmul.f32 v57, v47;
	v38 =	vadd.f32 v53, v38  }
0x888: {  	v58 =	vor.u32 v20, v36;
	v57 =	vld.idx.msk [tilespmem:v59+s13+$0x0], $0xffff  }
0x889: {  	v45 =	vld.idx.msk [tilespmem:v62+s29+$0x0], $0xffff;
	v59 =	vor.u32 v20, v37;
	v60 =	vmul.f32 v61, v49;
	v38 =	vadd.f32 v56, v38  }
0x88a: {  	v62 =	vor.u32 v21, v36;
	v61 =	vld.idx.msk [tilespmem:v63+s13+$0x0], $0xffff  }
0x88b: {  	v46 =	vld.idx.msk [tilespmem:v54+s29+$0x0], $0xffff;
	v63 =	vor.u32 v21, v37;
	v53 =	vmul.f32 v41, v44;
	v38 =	vadd.f32 v60, v38  }
0x88c: {  	v54 =	vor.u32 v22, v36;
	v41 =	vld.idx.msk [tilespmem:v55+s13+$0x0], $0xffff  }
0x88d: {  	v47 =	vld.idx.msk [tilespmem:v58+s29+$0x0], $0xffff;
	v55 =	vor.u32 v22, v37;
	v56 =	vmul.f32 v57, v42;
	v38 =	vadd.f32 v53, v38  }
0x88e: {  	v58 =	vor.u32 v23, v36;
	v57 =	vld.idx.msk [tilespmem:v59+s13+$0x0], $0xffff  }
0x88f: {  	v49 =	vld.idx.msk [tilespmem:v62+s29+$0x0], $0xffff;
	v59 =	vor.u32 v23, v37;
	v60 =	vmul.f32 v61, v45;
	v38 =	vadd.f32 v56, v38  }
0x890: {  	v62 =	vor.u32 v24, v36;
	v61 =	vld.idx.msk [tilespmem:v63+s13+$0x0], $0xffff  }
0x891: {  	v44 =	vld.idx.msk [tilespmem:v54+s29+$0x0], $0xffff;
	v63 =	vor.u32 v24, v37;
	v53 =	vmul.f32 v41, v46;
	v38 =	vadd.f32 v60, v38  }
0x892: {  	v54 =	vor.u32 v25, v36;
	v41 =	vld.idx.msk [tilespmem:v55+s13+$0x0], $0xffff  }
0x893: {  	v42 =	vld.idx.msk [tilespmem:v58+s29+$0x0], $0xffff;
	v55 =	vor.u32 v25, v37;
	v56 =	vmul.f32 v57, v47;
	v38 =	vadd.f32 v53, v38  }
0x894: {  	v58 =	vor.u32 v26, v36;
	v57 =	vld.idx.msk [tilespmem:v59+s13+$0x0], $0xffff  }
0x895: {  	v45 =	vld.idx.msk [tilespmem:v62+s29+$0x0], $0xffff;
	v59 =	vor.u32 v26, v37;
	v60 =	vmul.f32 v61, v49;
	v38 =	vadd.f32 v56, v38  }
0x896: {  	v62 =	vor.u32 v27, v36;
	v61 =	vld.idx.msk [tilespmem:v63+s13+$0x0], $0xffff  }
0x897: {  	v46 =	vld.idx.msk [tilespmem:v54+s29+$0x0], $0xffff;
	v63 =	vor.u32 v27, v37;
	v53 =	vmul.f32 v41, v44;
	v38 =	vadd.f32 v60, v38  }
0x898: {  	v54 =	vor.u32 v28, v36;
	v41 =	vld.idx.msk [tilespmem:v55+s13+$0x0], $0xffff  }
0x899: {  	v47 =	vld.idx.msk [tilespmem:v58+s29+$0x0], $0xffff;
	v55 =	vor.u32 v28, v37;
	v56 =	vmul.f32 v57, v42;
	v38 =	vadd.f32 v53, v38  }
0x89a: {  	v58 =	vor.u32 v29, v36;
	v57 =	vld.idx.msk [tilespmem:v59+s13+$0x0], $0xffff  }
0x89b: {  	v49 =	vld.idx.msk [tilespmem:v62+s29+$0x0], $0xffff;
	v59 =	vor.u32 v29, v37;
	v60 =	vmul.f32 v61, v45;
	v38 =	vadd.f32 v56, v38  }
0x89c: {  	v62 =	vor.u32 v30, v36;
	v61 =	vld.idx.msk [tilespmem:v63+s13+$0x0], $0xffff  }
0x89d: {  	v44 =	vld.idx.msk [tilespmem:v54+s29+$0x0], $0xffff;
	v63 =	vor.u32 v30, v37;
	v53 =	vmul.f32 v41, v46;
	v38 =	vadd.f32 v60, v38  }
0x89e: {  	v54 =	vld.idx.msk [tilespmem:v55+s13+$0x0], $0xffff;
	v55 =	vor.u32 v31, v36  }
0x89f: {  	v42 =	vld.idx.msk [tilespmem:v58+s29+$0x0], $0xffff;
	v57 =	vmul.f32 v57, v47;
	v56 =	vor.u32 v31, v37;
	v38 =	vadd.f32 v53, v38  }
0x8a0: {  	v58 =	vld.idx.msk [tilespmem:v59+s13+$0x0], $0xffff;
	v59 =	vor.u32 v32, v36  }
0x8a1: {  	v45 =	vld.idx.msk [tilespmem:v62+s29+$0x0], $0xffff;
	v61 =	vmul.f32 v61, v49;
	v60 =	vor.u32 v32, v37;
	v38 =	vadd.f32 v57, v38  }
0x8a2: {  	v50 =	vor.u32 v33, v37;
	v62 =	vld.idx.msk [tilespmem:v63+s13+$0x0], $0xffff  }
0x8a3: {  	v63 =	vor.u32 v33, v36;
	v46 =	vld.idx.msk [tilespmem:v55+s29+$0x0], $0xffff;
	v51 =	vmul.f32 v54, v44;
	v38 =	vadd.f32 v61, v38  }
0x8a4: {  	v54 =	vor.u32 v34, v37;
	v52 =	vld.idx.msk [tilespmem:v56+s13+$0x0], $0xffff  }
0x8a5: {  	v53 =	vor.u32 v34, v36;
	v47 =	vld.idx.msk [tilespmem:v59+s29+$0x0], $0xffff;
	v55 =	vmul.f32 v58, v42;
	v38 =	vadd.f32 v51, v38  }
0x8a6: {  	v36 =	vor.u32 v35, v36;
	v32 =	vld.idx.msk [tilespmem:v60+s13+$0x0], $0xffff  }
0x8a7: {  	v33 =	vld.idx.msk [tilespmem:v50+s13+$0x0], $0xffff;
	v57 =	vor.u32 v35, v37;
	v59 =	vmul.f32 v62, v45;
	v58 =	vadd.f32 v55, v38  }
0x8a8: {  	v56 =	vld.idx.msk [tilespmem:v63+s29+$0x0], $0xffff  }
0x8a9: {  	v34 =	vld.idx.msk [tilespmem:v54+s13+$0x0], $0xffff;
	v61 =	vmul.f32 v52, v46;
	v37 =	vadd.f32 v59, v58  }
0x8aa: {  	v60 =	vld.idx.msk [tilespmem:v53+s29+$0x0], $0xffff  }
0x8ab: {  	v36 =	vld.idx.msk [tilespmem:v36+s29+$0x0], $0xffff;
	v32 =	vmul.f32 v32, v47;
	v37 =	vadd.f32 v61, v37  }
0x8ac: {  	v35 =	vld.idx.msk [tilespmem:v57+s13+$0x0], $0xffff  }
0x8ad: {  	v33 =	vmul.f32 v33, v56;
	v32 =	vadd.f32 v32, v37;
	_ =	sdelay $0x1  }
0x8ae: {  	v62 =	vmul.f32 v34, v60;
	v32 =	vadd.f32 v33, v32;
	_ =	sdelay $0x1  }
0x8af: {  	v63 =	vmul.f32 v35, v36;
	v32 =	vadd.f32 v62, v32;
	_ =	sdelay $0x1  }
0x8b0: {  	v32 =	vadd.f32 v63, v32  }
0x8b1: {  	s11 =	sadd.s32 $0x10, s11  }
0x8b2: {  	s15 =	rddreg [dreg:$0xd];
	s16 =	simm.s32 $0x10C00;
	[tilespmem:s11+$0x0] =	vst v32  }
0x8b3: {  	[hbm4b:s15+s2] =	stream.linear.scatter [tilespmem:s16], [sflag:$0x2], $0x200, $0x38;
	[tilespmem:$0x10E00] =	vst v63  }
0x8b4: {  	_ =	swait.ge [sflag:s17], $0x200  }
0x8b5: {  	s10 =	sadd.s32 $0x1, s10;
	s30 =	rddreg [dreg:$0xe]  }
0x8b6: {  	p0 =	sne.s32 s10, s30  }
.Ltmp4:
0x8b7: {  	_ = 	snop;
	(pc) =	sbr.rel @p0 .LBB2_1-.Ltmp4, $3  }
0x8b8: {  	_ =	sdelay $0x1  }
0x8b9: {  	[sflag:s17] =	ssyncset.done $0x0  }
0x8ba: {  	[sflag:s17] =	ssyncadd.s32 $0xFFFFFE00  }
0x8bb: {  	_ =	sfence.sel $0x180000  }
0x8bc: {  	[bflag:$0x0] =	sbarrier.arrive $0xFFFF  }
0x8bd: {  	_ =	strace $0x90000047  }
0x8be: {  	s0 =	stileid.u32;
	[bflag:$0x2] =	sbarrier.arrive $0xFFFF  }
0x8bf: {  	p0 =	sne.s32 s0, $0x0;
	s0 =	rddreg [dreg:$0x4]  }
0x8c0: {  	s0 =	sadd.s32 @!p0 $0x100000, s0  }
0x8c1: {  	[sflag:s0] =	ssyncadd.tile.s32 @!p0 $0x1;
	_ =	shalt  }
.Lfunc_end2:
_tile_overlayer_lowered:
.L_overlay_start_2:
0x8c2: {  	(tag) =	ssettag $0x2  }
0x8c3: {  	s0 =	rddreg [dreg:$0x0];
	s2 =	stileid.u32  }
0x8c4: {  	s1 =	rddreg [dreg:$0x1];
	p0 =	sne.s32 s2, $0x0  }
0x8c5: {  	s3 =	rddreg [dreg:$0x2];
	[bflag:$0x3] =	sbarrier.arrive $0xFFFF;
	s2 =	simm.s32 @!p0 $0x1C02  }
0x8c6: {  	[timem:s3], [sflag:s2] =	dma.local @!p0 [hbm:s0], s1  }
0x8c7: {  	s0 =	simm.s32 @!p0 $0x2  }
0x8c8: {  	_ =	swait.ge @!p0 [sflag:s0], s1  }
0x8c9: {  	s1 =	ssub.s32 @!p0 $0x0, s1;
	[sflag:s0] =	ssyncset.done @!p0 $0x0  }
0x8ca: {  	[sflag:s0] =	ssyncadd.s32 @!p0 s1  }
0x8cb: {  	[bflag:$0x3] =	sbarrier.arrive $0xFFFF  }
0x8cc: {  	_ =	shalt  }

</sc_bundles>
